<compile_context>
chip_gen: v7x
topology: tpu7x:2x2x1
jax: 0.10.2.dev20260603
libtpu: 0.0.44.dev20260713+nightly
codegen_flags: <defaults>
</compile_context>

<pallas_src>
import dataclasses
import functools

import jax
import jax.numpy as jnp
from jax import lax
from jax.experimental import pallas as pl
from jax.experimental.pallas import tpu as pltpu
from jax.experimental.pallas import tpu_sc as plsc

B = 16384
C = 1000
NTILE = 32
PER_TILE = B // NTILE
NBUCKET = 8
VECS = PER_TILE // 16
NCHUNK = PER_TILE // 128

_LN2 = 0.6931471805599453
_SQRT2 = 1.4142135


def _log16(x):
    bits = lax.bitcast_convert_type(x, jnp.int32)
    e = ((bits >> 23) & 0xFF) - 127
    m = lax.bitcast_convert_type((bits & 0x007FFFFF) | 0x3F800000, jnp.float32)
    big = m > _SQRT2
    m = jnp.where(big, m * 0.5, m)
    ef = (e + jnp.where(big, 1, 0)).astype(jnp.float32)
    s = (m - 1.0) / (m + 1.0)
    z = s * s
    p = 1.0 + z * (1 / 3 + z * (1 / 5 + z * (1 / 7 + z * (1 / 9))))
    return ef * _LN2 + 2.0 * s * p


def _sc_body(yp_hbm, yt_hbm, out_hbm, yt_v, rowbuf, lanebuf, ring0, ring1,
             b7buf, stage_v, sem0, sem1, sem7):
    wid = lax.axis_index("c") * 16 + lax.axis_index("s")
    base_row = wid * PER_TILE
    iota = lax.iota(jnp.int32, 16)
    dyn = wid >> 31

    pltpu.sync_copy(yt_hbm.at[pl.ds(base_row, PER_TILE)], yt_v)

    zeros16 = jnp.zeros((16,), jnp.int32)

    def mset(k, _):
        rowbuf[pl.ds(k * 16, 16)] = zeros16
        lanebuf[pl.ds(k * 16, 16)] = zeros16
        return 0

    lax.fori_loop(0, NBUCKET * PER_TILE // 16 + dyn, mset, 0)

    def build(v, bases):
        c = yt_v[pl.ds(v * 16, 16)]
        rows = base_row + v * 16 + iota
        b = c >> 7
        lane = c & 127
        new_bases = []
        for t in range(NBUCKET):
            m = b == t
            m_i = jnp.where(m, 1, 0)
            rank = plsc.cumsum(m_i) - 1
            pos = bases[t] + rank
            plsc.store_scatter(rowbuf, [pos], rows, mask=m)
            plsc.store_scatter(lanebuf, [pos], lane, mask=m)
            cnt = plsc.all_reduce_population_count(m)
            new_bases.append(bases[t] + cnt)
        return tuple(new_bases)

    bases0 = tuple(jnp.full((16,), t * PER_TILE, jnp.int32)
                   for t in range(NBUCKET))
    bases = lax.fori_loop(0, VECS + dyn, build, bases0)
    counts = [jnp.max(bases[t]) - t * PER_TILE for t in range(NBUCKET)]

    n7 = counts[7]

    def fire7(i, _):
        v = rowbuf[pl.ds(7 * PER_TILE + (i >> 4) * 16, 16)]
        row = jnp.sum(jnp.where(iota == (i & 15), v, 0))
        pltpu.async_copy(yp_hbm.at[row, pl.ds(896, 104)], b7buf.at[i], sem7)
        return 0

    lax.fori_loop(0, n7, fire7, 0)

    rings = (ring0, ring1)
    sems = (sem0, sem1)
    counts_vec = jnp.zeros((16,), jnp.int32)
    for t in range(NBUCKET - 1):
        counts_vec = jnp.where(iota == t, counts[t], counts_vec)

    def site_nt(t):
        return jnp.sum(jnp.where(iota == t, counts_vec, 0))

    def fire(k, p):
        t = k >> 2
        j = k & 3
        off = pl.multiple_of(t * PER_TILE + j * 128, 128)
        cb = pl.multiple_of(t * 128, 128)
        idx = rowbuf.at[pl.ds(off, 128)]
        pltpu.async_copy(yp_hbm.at[idx, pl.ds(cb, 128)], rings[p], sems[p])

    def drain_extract(k, p, acc):
        t = k >> 2
        j = k & 3
        off = pl.multiple_of(t * PER_TILE + j * 128, 128)
        cb = pl.multiple_of(t * 128, 128)
        idx = rowbuf.at[pl.ds(off, 128)]
        pltpu.make_async_copy(yp_hbm.at[idx, pl.ds(cb, 128)],
                              rings[p], sems[p]).wait()
        n_t = site_nt(t)
        dest = rings[p]

        def ext(h, a):
            lane16 = lanebuf[pl.ds(off + h * 16, 16)]
            slot16 = h * 16 + iota
            vals = plsc.load_gather(dest, [slot16, lane16])
            valid = (j * 128 + slot16) < n_t
            contrib = jnp.where(valid, _log16(vals + 1e-7), 0.0)
            return a + contrib

        hi = (jnp.minimum(128, n_t - j * 128) + 15) >> 4
        return lax.fori_loop(0, hi, ext, acc)

    def cond_k(k):
        t = k >> 2
        j = k & 3
        return site_nt(t) > j * 128

    nsites = (NBUCKET - 1) * NCHUNK

    def pair(i, a):
        k0 = 2 * i
        k1 = 2 * i + 1
        c0 = cond_k(k0)
        c1 = cond_k(k1)
        jax.lax.cond(c0, lambda: fire(k0, 0), lambda: None)
        jax.lax.cond(c1, lambda: fire(k1, 1), lambda: None)
        a = jax.lax.cond(c0, lambda a: drain_extract(k0, 0, a),
                         lambda a: a, a)
        a = jax.lax.cond(c1, lambda a: drain_extract(k1, 1, a),
                         lambda a: a, a)
        return a

    a = lax.fori_loop(0, nsites // 2 + dyn, pair, jnp.zeros((16,), jnp.float32))

    def drain7(i, _):
        pltpu.make_async_copy(yp_hbm.at[0, pl.ds(896, 104)], b7buf.at[i],
                              sem7).wait()
        return 0

    lax.fori_loop(0, n7, drain7, 0)

    def ext7(h, a):
        lane16 = lanebuf[pl.ds(7 * PER_TILE + h * 16, 16)]
        slot16 = h * 16 + iota
        vals = plsc.load_gather(b7buf, [slot16, lane16])
        valid = slot16 < n7
        return a + jnp.where(valid, _log16(vals + 1e-7), 0.0)

    a = lax.fori_loop(0, (n7 + 15) >> 4, ext7, a)

    stage_v[...] = a
    pltpu.sync_copy(stage_v, out_hbm.at[wid])


def _tc_finish_body(part_ref, out_ref):
    out_ref[0, 0] = jnp.sum(part_ref[...]) * (-1.0 / B)


@jax.jit
def kernel(y_pred, y_true):
    yt = y_true.astype(jnp.int32)
    mesh = plsc.VectorSubcoreMesh(
        core_axis_name="c", subcore_axis_name="s", num_cores=2)
    cp = pltpu.CompilerParams()
    if "needs_layout_passes" in pltpu.CompilerParams.__dataclass_fields__:
        cp = dataclasses.replace(cp, needs_layout_passes=False)
    run = pl.kernel(
        _sc_body,
        out_type=jax.ShapeDtypeStruct((NTILE, 16), jnp.float32),
        mesh=mesh,
        scratch_types=[
            pltpu.VMEM((PER_TILE,), jnp.int32),
            pltpu.VMEM((NBUCKET * PER_TILE,), jnp.int32),
            pltpu.VMEM((NBUCKET * PER_TILE,), jnp.int32),
            pltpu.VMEM((128, 128), jnp.float32),
            pltpu.VMEM((128, 128), jnp.float32),
            pltpu.VMEM((PER_TILE, 104), jnp.float32),
            pltpu.VMEM((16,), jnp.float32),
            pltpu.SemaphoreType.DMA,
            pltpu.SemaphoreType.DMA,
            pltpu.SemaphoreType.DMA,
        ],
        compiler_params=cp,
    )
    part = run(y_pred, yt)
    loss = pl.pallas_call(
        _tc_finish_body,
        out_shape=jax.ShapeDtypeStruct((1, 1), jnp.float32),
        out_specs=pl.BlockSpec(memory_space=pltpu.SMEM),
    )(part)
    return loss[0, 0]

# --- scband reference (transcript-rebuilt; emitter-appended) ---
"""Pipeline reference for scband-sparse-categorical-crossentropy-29042568855919 (READ-ONLY COPY).

The authoritative reference and input builder live on the scoring server;
editing this copy changes nothing except your own understanding.
"""

import jax, jax.numpy as jnp
import numpy as np


def setup_inputs(seed: int = 0) -> dict:
    key = jax.random.key(seed)
    k1, k2 = jax.random.split(key)
    # y_pred must be positive probabilities-like values so log() is well-defined
    y_pred = jax.random.uniform(k1, (16384, 1000), dtype=jnp.float32)
    y_true = jax.random.randint(k2, (16384,), 0, 1000, dtype=jnp.int64)
    return {"y_pred": y_pred, "y_true": y_true}


def reference(y_pred, y_true):
    batch_size = y_pred.shape[0]
    gathered = y_pred[jnp.arange(batch_size), y_true]
    return -jnp.sum(jnp.log(gathered + 1e-07)) / batch_size

if __name__ == "__main__":
    import jax
    _d = setup_inputs()
    print(jax.jit(kernel)(*tuple(_d.values())))

</pallas_src>

<mosaic_0001>
#map = affine_map<(d0, d1) -> (0, 0)>
#map1 = affine_map<(d0, d1) -> (0)>
module attributes {stable_mosaic.version = 14 : i64} {
  func.func @_sc_body(%arg0: i32, %arg1: i32, %arg2: memref<16384x1000xf32, #tpu.memory_space<hbm>>, %arg3: memref<16384xi32, #tpu.memory_space<hbm>>, %arg4: memref<32x16xf32, #tpu.memory_space<hbm>>, %arg5: memref<512xi32, #tpu.memory_space<vmem>>, %arg6: memref<4096xi32, #tpu.memory_space<vmem>>, %arg7: memref<4096xi32, #tpu.memory_space<vmem>>, %arg8: memref<128x128xf32, #tpu.memory_space<vmem>>, %arg9: memref<128x128xf32, #tpu.memory_space<vmem>>, %arg10: memref<512x104xf32, #tpu.memory_space<vmem>>, %arg11: memref<16xf32, #tpu.memory_space<vmem>>, %arg12: memref<!tpu.dma_semaphore, #tpu.memory_space<semaphore_mem>>, %arg13: memref<!tpu.dma_semaphore, #tpu.memory_space<semaphore_mem>>, %arg14: memref<!tpu.dma_semaphore, #tpu.memory_space<semaphore_mem>>) attributes {dimension_semantics = [#tpu.dimension_semantics<core_parallel>, #tpu.dimension_semantics<subcore_parallel>], iteration_bounds = array<i64: 2, 16>, scalar_prefetch = 0 : i64, scratch_operands = 10 : i64, tpu.core_type = #tpu.core_type<sc_vector_subcore>, window_params = [{transform_indices = #map}, {transform_indices = #map1}, {transform_indices = #map}]} {
    %mul3A = arith.constant 16 : i32
    %mul3A_0 = arith.muli %arg0, %mul3A : i32
    %add3A = arith.addi %mul3A_0, %arg1 : i32
    %mul3A_1 = arith.constant 512 : i32
    %mul3A_2 = arith.muli %add3A, %mul3A_1 : i32
    %iota3A = tpu.iota {dimensions = array<i32: 0>} : vector<16xi32>
    %shift_right_arithmetic3A = arith.constant 31 : i32
    %shift_right_arithmetic3A_3 = arith.shrsi %add3A, %shift_right_arithmetic3A : i32
    "tpu.region"() ({
      %run_scoped3A = tpu.sem_alloc : memref<!tpu.dma_semaphore, #tpu.memory_space<semaphore_mem>>
      %dma_start3A = tpu.memref_slice %arg3[%mul3A_2] : memref<16384xi32, #tpu.memory_space<hbm>> -> memref<512xi32, #tpu.memory_space<hbm>>
      %dma_start3A_215 = tpu.memref_slice %arg3[%mul3A_2] : memref<16384xi32, #tpu.memory_space<hbm>> -> memref<512xi32, #tpu.memory_space<hbm>>
      tpu.enqueue_dma source(%dma_start3A_215 : memref<512xi32, #tpu.memory_space<hbm>>) target(%arg5 : memref<512xi32, #tpu.memory_space<vmem>>) target_semaphore(%run_scoped3A : memref<!tpu.dma_semaphore, #tpu.memory_space<semaphore_mem>>)
      %dma_wait3A = tpu.memref_slice %arg3[%mul3A_2] : memref<16384xi32, #tpu.memory_space<hbm>> -> memref<512xi32, #tpu.memory_space<hbm>>
      %dma_wait3A_216 = tpu.memref_slice %arg3[%mul3A_2] : memref<16384xi32, #tpu.memory_space<hbm>> -> memref<512xi32, #tpu.memory_space<hbm>>
      tpu.wait_dma2 semaphore(%run_scoped3A : memref<!tpu.dma_semaphore, #tpu.memory_space<semaphore_mem>>) src(%dma_wait3A_216 : memref<512xi32, #tpu.memory_space<hbm>>) dst(%arg5 : memref<512xi32, #tpu.memory_space<vmem>>)
      tpu.yield
    }) : () -> ()
    %broadcast_in_dim3A = arith.constant 0 : i32
    %broadcast_in_dim3A_4 = vector.broadcast %broadcast_in_dim3A : i32 to vector<16xi32>
    %add3A_5 = arith.constant 256 : i32
    %add3A_6 = arith.addi %add3A_5, %shift_right_arithmetic3A_3 : i32
    %while3A = arith.constant 0 : i32
    %while3A_7 = arith.constant 0 : i32
    %while3A_8 = arith.subi %add3A_6, %while3A : i32
    %while3A_9 = arith.addi %while3A, %while3A_8 : i32
    %while3A_10 = arith.constant 1 : i32
    %while3A_11 = arith.divsi %while3A_8, %while3A_10 : i32
    %while3A_12 = arith.muli %while3A_11, %while3A_10 : i32
    %while3A_13 = arith.addi %while3A, %while3A_12 : i32
    %while3A_14 = arith.constant 1 : i32
    %while3A_15 = scf.for %while3A_215 = %while3A to %while3A_13 step %while3A_14 iter_args(%while3A_216 = %while3A_7) -> (i32)  : i32 {
      %mul3A_217 = arith.constant 16 : i32
      %mul3A_218 = arith.muli %while3A_215, %mul3A_217 : i32
      %swap3A_219 = arith.index_cast %mul3A_218 : i32 to index
      %swap3A_220 = tpu.vector_load %arg6[%swap3A_219] {strides = array<i32>} : memref<4096xi32, #tpu.memory_space<vmem>>, vector<16xi32>,
      tpu.vector_store %arg6[%swap3A_219], %broadcast_in_dim3A_4 {strides = array<i32>} : memref<4096xi32, #tpu.memory_space<vmem>>, vector<16xi32>,
      %mul3A_221 = arith.constant 16 : i32
      %mul3A_222 = arith.muli %while3A_215, %mul3A_221 : i32
      %swap3A_223 = arith.index_cast %mul3A_222 : i32 to index
      %swap3A_224 = tpu.vector_load %arg7[%swap3A_223] {strides = array<i32>} : memref<4096xi32, #tpu.memory_space<vmem>>, vector<16xi32>,
      tpu.vector_store %arg7[%swap3A_223], %broadcast_in_dim3A_4 {strides = array<i32>} : memref<4096xi32, #tpu.memory_space<vmem>>, vector<16xi32>,
      %while3A_225 = arith.constant 0 : i32
      scf.yield %while3A_225 : i32
    }
    %while3A_16 = arith.constant 1 : i32
    %while3A_17 = scf.for %while3A_215 = %while3A_13 to %while3A_9 step %while3A_16 iter_args(%while3A_216 = %while3A_15) -> (i32)  : i32 {
      %mul3A_217 = arith.constant 16 : i32
      %mul3A_218 = arith.muli %while3A_215, %mul3A_217 : i32
      %swap3A_219 = arith.index_cast %mul3A_218 : i32 to index
      %swap3A_220 = tpu.vector_load %arg6[%swap3A_219] {strides = array<i32>} : memref<4096xi32, #tpu.memory_space<vmem>>, vector<16xi32>,
      tpu.vector_store %arg6[%swap3A_219], %broadcast_in_dim3A_4 {strides = array<i32>} : memref<4096xi32, #tpu.memory_space<vmem>>, vector<16xi32>,
      %mul3A_221 = arith.constant 16 : i32
      %mul3A_222 = arith.muli %while3A_215, %mul3A_221 : i32
      %swap3A_223 = arith.index_cast %mul3A_222 : i32 to index
      %swap3A_224 = tpu.vector_load %arg7[%swap3A_223] {strides = array<i32>} : memref<4096xi32, #tpu.memory_space<vmem>>, vector<16xi32>,
      tpu.vector_store %arg7[%swap3A_223], %broadcast_in_dim3A_4 {strides = array<i32>} : memref<4096xi32, #tpu.memory_space<vmem>>, vector<16xi32>,
      %while3A_225 = arith.constant 0 : i32
      scf.yield %while3A_225 : i32
    }
    %broadcast_in_dim3A_18 = arith.constant 0 : i32
    %broadcast_in_dim3A_19 = vector.broadcast %broadcast_in_dim3A_18 : i32 to vector<16xi32>
    %broadcast_in_dim3A_20 = arith.constant 512 : i32
    %broadcast_in_dim3A_21 = vector.broadcast %broadcast_in_dim3A_20 : i32 to vector<16xi32>
    %broadcast_in_dim3A_22 = arith.constant 1024 : i32
    %broadcast_in_dim3A_23 = vector.broadcast %broadcast_in_dim3A_22 : i32 to vector<16xi32>
    %broadcast_in_dim3A_24 = arith.constant 1536 : i32
    %broadcast_in_dim3A_25 = vector.broadcast %broadcast_in_dim3A_24 : i32 to vector<16xi32>
    %broadcast_in_dim3A_26 = arith.constant 2048 : i32
    %broadcast_in_dim3A_27 = vector.broadcast %broadcast_in_dim3A_26 : i32 to vector<16xi32>
    %broadcast_in_dim3A_28 = arith.constant 2560 : i32
    %broadcast_in_dim3A_29 = vector.broadcast %broadcast_in_dim3A_28 : i32 to vector<16xi32>
    %broadcast_in_dim3A_30 = arith.constant 3072 : i32
    %broadcast_in_dim3A_31 = vector.broadcast %broadcast_in_dim3A_30 : i32 to vector<16xi32>
    %broadcast_in_dim3A_32 = arith.constant 3584 : i32
    %broadcast_in_dim3A_33 = vector.broadcast %broadcast_in_dim3A_32 : i32 to vector<16xi32>
    %add3A_34 = arith.constant 32 : i32
    %add3A_35 = arith.addi %add3A_34, %shift_right_arithmetic3A_3 : i32
    %while3A_36 = arith.constant 0 : i32
    %while3A_37 = arith.subi %add3A_35, %while3A_36 : i32
    %while3A_38 = arith.addi %while3A_36, %while3A_37 : i32
    %while3A_39 = arith.constant 1 : i32
    %while3A_40 = arith.divsi %while3A_37, %while3A_39 : i32
    %while3A_41 = arith.muli %while3A_40, %while3A_39 : i32
    %while3A_42 = arith.addi %while3A_36, %while3A_41 : i32
    %while3A_43 = arith.constant 1 : i32
    %while3A_44:8 = scf.for %while3A_215 = %while3A_36 to %while3A_42 step %while3A_43 iter_args(%while3A_216 = %broadcast_in_dim3A_19, %while3A_217 = %broadcast_in_dim3A_21, %while3A_218 = %broadcast_in_dim3A_23, %while3A_219 = %broadcast_in_dim3A_25, %while3A_220 = %broadcast_in_dim3A_27, %while3A_221 = %broadcast_in_dim3A_29, %while3A_222 = %broadcast_in_dim3A_31, %while3A_223 = %broadcast_in_dim3A_33) -> (vector<16xi32>, vector<16xi32>, vector<16xi32>, vector<16xi32>, vector<16xi32>, vector<16xi32>, vector<16xi32>, vector<16xi32>)  : i32 {
      %mul3A_224 = arith.constant 16 : i32
      %mul3A_225 = arith.muli %while3A_215, %mul3A_224 : i32
      %get3A = arith.index_cast %mul3A_225 : i32 to index
      %get3A_226 = tpu.vector_load %arg5[%get3A] {strides = array<i32>} : memref<512xi32, #tpu.memory_space<vmem>>, vector<16xi32>,
      %mul3A_227 = arith.constant 16 : i32
      %mul3A_228 = arith.muli %while3A_215, %mul3A_227 : i32
      %add3A_229 = arith.addi %mul3A_2, %mul3A_228 : i32
      %add3A_230 = vector.broadcast %add3A_229 : i32 to vector<16xi32>
      %add3A_231 = arith.addi %add3A_230, %iota3A : vector<16xi32>
      %shift_right_arithmetic3A_232 = arith.constant 7 : i32
      %shift_right_arithmetic3A_233 = vector.broadcast %shift_right_arithmetic3A_232 : i32 to vector<16xi32>
      %shift_right_arithmetic3A_234 = arith.shrsi %get3A_226, %shift_right_arithmetic3A_233 : vector<16xi32>
      %and3A = arith.constant 127 : i32
      %and3A_235 = vector.broadcast %and3A : i32 to vector<16xi32>
      %and3A_236 = arith.andi %get3A_226, %and3A_235 : vector<16xi32>
      %eq3A_237 = arith.constant 0 : i32
      %eq3A_238 = vector.broadcast %eq3A_237 : i32 to vector<16xi32>
      %eq3A_239 = arith.cmpi eq, %shift_right_arithmetic3A_234, %eq3A_238 : vector<16xi32>
      %jit3A = arith.constant 1 : i32
      %jit3A_240 = arith.constant 0 : i32
      %broadcast_in_dim3A_241 = vector.broadcast %jit3A : i32 to vector<16xi32>
      %broadcast_in_dim3A_242 = vector.broadcast %jit3A_240 : i32 to vector<16xi32>
      %select_n3A_243 = arith.select %eq3A_239, %broadcast_in_dim3A_241, %broadcast_in_dim3A_242 : vector<16xi1>, vector<16xi32>
      %broadcast_in_dim3A_244 = arith.constant true
      %broadcast_in_dim3A_245 = vector.broadcast %broadcast_in_dim3A_244 : i1 to vector<16xi1>
      %masked_cumsum3A = tpu.scan <sum>, %select_n3A_243 masked %broadcast_in_dim3A_245 : vector<16xi32>, vector<16xi1> -> vector<16xi32>
      %sub3A_246 = arith.constant 1 : i32
      %sub3A_247 = vector.broadcast %sub3A_246 : i32 to vector<16xi32>
      %sub3A_248 = arith.subi %masked_cumsum3A, %sub3A_247 : vector<16xi32>
      %add3A_249 = arith.addi %while3A_216, %sub3A_248 : vector<16xi32>
      tpu.vector_store_idx %arg6[%add3A_249], %add3A_231 masked %eq3A_239 : memref<4096xi32, #tpu.memory_space<vmem>>[vector<16xi32>], vector<16xi32>, vector<16xi1>
      tpu.vector_store_idx %arg7[%add3A_249], %and3A_236 masked %eq3A_239 : memref<4096xi32, #tpu.memory_space<vmem>>[vector<16xi32>], vector<16xi32>, vector<16xi1>
      %all_reduce_population_count3A = tpu.all_reduce %eq3A_239 {dim = 0 : i64, kind = #tpu.reduction_kind<sum>} : vector<16xi1> -> vector<16xi32>
      %add3A_250 = arith.addi %while3A_216, %all_reduce_population_count3A : vector<16xi32>
      %eq3A_251 = arith.constant 1 : i32
      %eq3A_252 = vector.broadcast %eq3A_251 : i32 to vector<16xi32>
      %eq3A_253 = arith.cmpi eq, %shift_right_arithmetic3A_234, %eq3A_252 : vector<16xi32>
      %jit3A_254 = arith.constant 1 : i32
      %jit3A_255 = arith.constant 0 : i32
      %broadcast_in_dim3A_256 = vector.broadcast %jit3A_254 : i32 to vector<16xi32>
      %broadcast_in_dim3A_257 = vector.broadcast %jit3A_255 : i32 to vector<16xi32>
      %select_n3A_258 = arith.select %eq3A_253, %broadcast_in_dim3A_256, %broadcast_in_dim3A_257 : vector<16xi1>, vector<16xi32>
      %broadcast_in_dim3A_259 = arith.constant true
      %broadcast_in_dim3A_260 = vector.broadcast %broadcast_in_dim3A_259 : i1 to vector<16xi1>
      %masked_cumsum3A_261 = tpu.scan <sum>, %select_n3A_258 masked %broadcast_in_dim3A_260 : vector<16xi32>, vector<16xi1> -> vector<16xi32>
      %sub3A_262 = arith.constant 1 : i32
      %sub3A_263 = vector.broadcast %sub3A_262 : i32 to vector<16xi32>
      %sub3A_264 = arith.subi %masked_cumsum3A_261, %sub3A_263 : vector<16xi32>
      %add3A_265 = arith.addi %while3A_217, %sub3A_264 : vector<16xi32>
      tpu.vector_store_idx %arg6[%add3A_265], %add3A_231 masked %eq3A_253 : memref<4096xi32, #tpu.memory_space<vmem>>[vector<16xi32>], vector<16xi32>, vector<16xi1>
      tpu.vector_store_idx %arg7[%add3A_265], %and3A_236 masked %eq3A_253 : memref<4096xi32, #tpu.memory_space<vmem>>[vector<16xi32>], vector<16xi32>, vector<16xi1>
      %all_reduce_population_count3A_266 = tpu.all_reduce %eq3A_253 {dim = 0 : i64, kind = #tpu.reduction_kind<sum>} : vector<16xi1> -> vector<16xi32>
      %add3A_267 = arith.addi %while3A_217, %all_reduce_population_count3A_266 : vector<16xi32>
      %eq3A_268 = arith.constant 2 : i32
      %eq3A_269 = vector.broadcast %eq3A_268 : i32 to vector<16xi32>
      %eq3A_270 = arith.cmpi eq, %shift_right_arithmetic3A_234, %eq3A_269 : vector<16xi32>
      %jit3A_271 = arith.constant 1 : i32
      %jit3A_272 = arith.constant 0 : i32
      %broadcast_in_dim3A_273 = vector.broadcast %jit3A_271 : i32 to vector<16xi32>
      %broadcast_in_dim3A_274 = vector.broadcast %jit3A_272 : i32 to vector<16xi32>
      %select_n3A_275 = arith.select %eq3A_270, %broadcast_in_dim3A_273, %broadcast_in_dim3A_274 : vector<16xi1>, vector<16xi32>
      %broadcast_in_dim3A_276 = arith.constant true
      %broadcast_in_dim3A_277 = vector.broadcast %broadcast_in_dim3A_276 : i1 to vector<16xi1>
      %masked_cumsum3A_278 = tpu.scan <sum>, %select_n3A_275 masked %broadcast_in_dim3A_277 : vector<16xi32>, vector<16xi1> -> vector<16xi32>
      %sub3A_279 = arith.constant 1 : i32
      %sub3A_280 = vector.broadcast %sub3A_279 : i32 to vector<16xi32>
      %sub3A_281 = arith.subi %masked_cumsum3A_278, %sub3A_280 : vector<16xi32>
      %add3A_282 = arith.addi %while3A_218, %sub3A_281 : vector<16xi32>
      tpu.vector_store_idx %arg6[%add3A_282], %add3A_231 masked %eq3A_270 : memref<4096xi32, #tpu.memory_space<vmem>>[vector<16xi32>], vector<16xi32>, vector<16xi1>
      tpu.vector_store_idx %arg7[%add3A_282], %and3A_236 masked %eq3A_270 : memref<4096xi32, #tpu.memory_space<vmem>>[vector<16xi32>], vector<16xi32>, vector<16xi1>
      %all_reduce_population_count3A_283 = tpu.all_reduce %eq3A_270 {dim = 0 : i64, kind = #tpu.reduction_kind<sum>} : vector<16xi1> -> vector<16xi32>
      %add3A_284 = arith.addi %while3A_218, %all_reduce_population_count3A_283 : vector<16xi32>
      %eq3A_285 = arith.constant 3 : i32
      %eq3A_286 = vector.broadcast %eq3A_285 : i32 to vector<16xi32>
      %eq3A_287 = arith.cmpi eq, %shift_right_arithmetic3A_234, %eq3A_286 : vector<16xi32>
      %jit3A_288 = arith.constant 1 : i32
      %jit3A_289 = arith.constant 0 : i32
      %broadcast_in_dim3A_290 = vector.broadcast %jit3A_288 : i32 to vector<16xi32>
      %broadcast_in_dim3A_291 = vector.broadcast %jit3A_289 : i32 to vector<16xi32>
      %select_n3A_292 = arith.select %eq3A_287, %broadcast_in_dim3A_290, %broadcast_in_dim3A_291 : vector<16xi1>, vector<16xi32>
      %broadcast_in_dim3A_293 = arith.constant true
      %broadcast_in_dim3A_294 = vector.broadcast %broadcast_in_dim3A_293 : i1 to vector<16xi1>
      %masked_cumsum3A_295 = tpu.scan <sum>, %select_n3A_292 masked %broadcast_in_dim3A_294 : vector<16xi32>, vector<16xi1> -> vector<16xi32>
      %sub3A_296 = arith.constant 1 : i32
      %sub3A_297 = vector.broadcast %sub3A_296 : i32 to vector<16xi32>
      %sub3A_298 = arith.subi %masked_cumsum3A_295, %sub3A_297 : vector<16xi32>
      %add3A_299 = arith.addi %while3A_219, %sub3A_298 : vector<16xi32>
      tpu.vector_store_idx %arg6[%add3A_299], %add3A_231 masked %eq3A_287 : memref<4096xi32, #tpu.memory_space<vmem>>[vector<16xi32>], vector<16xi32>, vector<16xi1>
      tpu.vector_store_idx %arg7[%add3A_299], %and3A_236 masked %eq3A_287 : memref<4096xi32, #tpu.memory_space<vmem>>[vector<16xi32>], vector<16xi32>, vector<16xi1>
      %all_reduce_population_count3A_300 = tpu.all_reduce %eq3A_287 {dim = 0 : i64, kind = #tpu.reduction_kind<sum>} : vector<16xi1> -> vector<16xi32>
      %add3A_301 = arith.addi %while3A_219, %all_reduce_population_count3A_300 : vector<16xi32>
      %eq3A_302 = arith.constant 4 : i32
      %eq3A_303 = vector.broadcast %eq3A_302 : i32 to vector<16xi32>
      %eq3A_304 = arith.cmpi eq, %shift_right_arithmetic3A_234, %eq3A_303 : vector<16xi32>
      %jit3A_305 = arith.constant 1 : i32
      %jit3A_306 = arith.constant 0 : i32
      %broadcast_in_dim3A_307 = vector.broadcast %jit3A_305 : i32 to vector<16xi32>
      %broadcast_in_dim3A_308 = vector.broadcast %jit3A_306 : i32 to vector<16xi32>
      %select_n3A_309 = arith.select %eq3A_304, %broadcast_in_dim3A_307, %broadcast_in_dim3A_308 : vector<16xi1>, vector<16xi32>
      %broadcast_in_dim3A_310 = arith.constant true
      %broadcast_in_dim3A_311 = vector.broadcast %broadcast_in_dim3A_310 : i1 to vector<16xi1>
      %masked_cumsum3A_312 = tpu.scan <sum>, %select_n3A_309 masked %broadcast_in_dim3A_311 : vector<16xi32>, vector<16xi1> -> vector<16xi32>
      %sub3A_313 = arith.constant 1 : i32
      %sub3A_314 = vector.broadcast %sub3A_313 : i32 to vector<16xi32>
      %sub3A_315 = arith.subi %masked_cumsum3A_312, %sub3A_314 : vector<16xi32>
      %add3A_316 = arith.addi %while3A_220, %sub3A_315 : vector<16xi32>
      tpu.vector_store_idx %arg6[%add3A_316], %add3A_231 masked %eq3A_304 : memref<4096xi32, #tpu.memory_space<vmem>>[vector<16xi32>], vector<16xi32>, vector<16xi1>
      tpu.vector_store_idx %arg7[%add3A_316], %and3A_236 masked %eq3A_304 : memref<4096xi32, #tpu.memory_space<vmem>>[vector<16xi32>], vector<16xi32>, vector<16xi1>
      %all_reduce_population_count3A_317 = tpu.all_reduce %eq3A_304 {dim = 0 : i64, kind = #tpu.reduction_kind<sum>} : vector<16xi1> -> vector<16xi32>
      %add3A_318 = arith.addi %while3A_220, %all_reduce_population_count3A_317 : vector<16xi32>
      %eq3A_319 = arith.constant 5 : i32
      %eq3A_320 = vector.broadcast %eq3A_319 : i32 to vector<16xi32>
      %eq3A_321 = arith.cmpi eq, %shift_right_arithmetic3A_234, %eq3A_320 : vector<16xi32>
      %jit3A_322 = arith.constant 1 : i32
      %jit3A_323 = arith.constant 0 : i32
      %broadcast_in_dim3A_324 = vector.broadcast %jit3A_322 : i32 to vector<16xi32>
      %broadcast_in_dim3A_325 = vector.broadcast %jit3A_323 : i32 to vector<16xi32>
      %select_n3A_326 = arith.select %eq3A_321, %broadcast_in_dim3A_324, %broadcast_in_dim3A_325 : vector<16xi1>, vector<16xi32>
      %broadcast_in_dim3A_327 = arith.constant true
      %broadcast_in_dim3A_328 = vector.broadcast %broadcast_in_dim3A_327 : i1 to vector<16xi1>
      %masked_cumsum3A_329 = tpu.scan <sum>, %select_n3A_326 masked %broadcast_in_dim3A_328 : vector<16xi32>, vector<16xi1> -> vector<16xi32>
      %sub3A_330 = arith.constant 1 : i32
      %sub3A_331 = vector.broadcast %sub3A_330 : i32 to vector<16xi32>
      %sub3A_332 = arith.subi %masked_cumsum3A_329, %sub3A_331 : vector<16xi32>
      %add3A_333 = arith.addi %while3A_221, %sub3A_332 : vector<16xi32>
      tpu.vector_store_idx %arg6[%add3A_333], %add3A_231 masked %eq3A_321 : memref<4096xi32, #tpu.memory_space<vmem>>[vector<16xi32>], vector<16xi32>, vector<16xi1>
      tpu.vector_store_idx %arg7[%add3A_333], %and3A_236 masked %eq3A_321 : memref<4096xi32, #tpu.memory_space<vmem>>[vector<16xi32>], vector<16xi32>, vector<16xi1>
      %all_reduce_population_count3A_334 = tpu.all_reduce %eq3A_321 {dim = 0 : i64, kind = #tpu.reduction_kind<sum>} : vector<16xi1> -> vector<16xi32>
      %add3A_335 = arith.addi %while3A_221, %all_reduce_population_count3A_334 : vector<16xi32>
      %eq3A_336 = arith.constant 6 : i32
      %eq3A_337 = vector.broadcast %eq3A_336 : i32 to vector<16xi32>
      %eq3A_338 = arith.cmpi eq, %shift_right_arithmetic3A_234, %eq3A_337 : vector<16xi32>
      %jit3A_339 = arith.constant 1 : i32
      %jit3A_340 = arith.constant 0 : i32
      %broadcast_in_dim3A_341 = vector.broadcast %jit3A_339 : i32 to vector<16xi32>
      %broadcast_in_dim3A_342 = vector.broadcast %jit3A_340 : i32 to vector<16xi32>
      %select_n3A_343 = arith.select %eq3A_338, %broadcast_in_dim3A_341, %broadcast_in_dim3A_342 : vector<16xi1>, vector<16xi32>
      %broadcast_in_dim3A_344 = arith.constant true
      %broadcast_in_dim3A_345 = vector.broadcast %broadcast_in_dim3A_344 : i1 to vector<16xi1>
      %masked_cumsum3A_346 = tpu.scan <sum>, %select_n3A_343 masked %broadcast_in_dim3A_345 : vector<16xi32>, vector<16xi1> -> vector<16xi32>
      %sub3A_347 = arith.constant 1 : i32
      %sub3A_348 = vector.broadcast %sub3A_347 : i32 to vector<16xi32>
      %sub3A_349 = arith.subi %masked_cumsum3A_346, %sub3A_348 : vector<16xi32>
      %add3A_350 = arith.addi %while3A_222, %sub3A_349 : vector<16xi32>
      tpu.vector_store_idx %arg6[%add3A_350], %add3A_231 masked %eq3A_338 : memref<4096xi32, #tpu.memory_space<vmem>>[vector<16xi32>], vector<16xi32>, vector<16xi1>
      tpu.vector_store_idx %arg7[%add3A_350], %and3A_236 masked %eq3A_338 : memref<4096xi32, #tpu.memory_space<vmem>>[vector<16xi32>], vector<16xi32>, vector<16xi1>
      %all_reduce_population_count3A_351 = tpu.all_reduce %eq3A_338 {dim = 0 : i64, kind = #tpu.reduction_kind<sum>} : vector<16xi1> -> vector<16xi32>
      %add3A_352 = arith.addi %while3A_222, %all_reduce_population_count3A_351 : vector<16xi32>
      %eq3A_353 = arith.constant 7 : i32
      %eq3A_354 = vector.broadcast %eq3A_353 : i32 to vector<16xi32>
      %eq3A_355 = arith.cmpi eq, %shift_right_arithmetic3A_234, %eq3A_354 : vector<16xi32>
      %jit3A_356 = arith.constant 1 : i32
      %jit3A_357 = arith.constant 0 : i32
      %broadcast_in_dim3A_358 = vector.broadcast %jit3A_356 : i32 to vector<16xi32>
      %broadcast_in_dim3A_359 = vector.broadcast %jit3A_357 : i32 to vector<16xi32>
      %select_n3A_360 = arith.select %eq3A_355, %broadcast_in_dim3A_358, %broadcast_in_dim3A_359 : vector<16xi1>, vector<16xi32>
      %broadcast_in_dim3A_361 = arith.constant true
      %broadcast_in_dim3A_362 = vector.broadcast %broadcast_in_dim3A_361 : i1 to vector<16xi1>
      %masked_cumsum3A_363 = tpu.scan <sum>, %select_n3A_360 masked %broadcast_in_dim3A_362 : vector<16xi32>, vector<16xi1> -> vector<16xi32>
      %sub3A_364 = arith.constant 1 : i32
      %sub3A_365 = vector.broadcast %sub3A_364 : i32 to vector<16xi32>
      %sub3A_366 = arith.subi %masked_cumsum3A_363, %sub3A_365 : vector<16xi32>
      %add3A_367 = arith.addi %while3A_223, %sub3A_366 : vector<16xi32>
      tpu.vector_store_idx %arg6[%add3A_367], %add3A_231 masked %eq3A_355 : memref<4096xi32, #tpu.memory_space<vmem>>[vector<16xi32>], vector<16xi32>, vector<16xi1>
      tpu.vector_store_idx %arg7[%add3A_367], %and3A_236 masked %eq3A_355 : memref<4096xi32, #tpu.memory_space<vmem>>[vector<16xi32>], vector<16xi32>, vector<16xi1>
      %all_reduce_population_count3A_368 = tpu.all_reduce %eq3A_355 {dim = 0 : i64, kind = #tpu.reduction_kind<sum>} : vector<16xi1> -> vector<16xi32>
      %add3A_369 = arith.addi %while3A_223, %all_reduce_population_count3A_368 : vector<16xi32>
      scf.yield %add3A_250, %add3A_267, %add3A_284, %add3A_301, %add3A_318, %add3A_335, %add3A_352, %add3A_369 : vector<16xi32>, vector<16xi32>, vector<16xi32>, vector<16xi32>, vector<16xi32>, vector<16xi32>, vector<16xi32>, vector<16xi32>
    }
    %while3A_45 = arith.constant 1 : i32
    %while3A_46:8 = scf.for %while3A_215 = %while3A_42 to %while3A_38 step %while3A_45 iter_args(%while3A_216 = %while3A_44#0, %while3A_217 = %while3A_44#1, %while3A_218 = %while3A_44#2, %while3A_219 = %while3A_44#3, %while3A_220 = %while3A_44#4, %while3A_221 = %while3A_44#5, %while3A_222 = %while3A_44#6, %while3A_223 = %while3A_44#7) -> (vector<16xi32>, vector<16xi32>, vector<16xi32>, vector<16xi32>, vector<16xi32>, vector<16xi32>, vector<16xi32>, vector<16xi32>)  : i32 {
      %mul3A_224 = arith.constant 16 : i32
      %mul3A_225 = arith.muli %while3A_215, %mul3A_224 : i32
      %get3A = arith.index_cast %mul3A_225 : i32 to index
      %get3A_226 = tpu.vector_load %arg5[%get3A] {strides = array<i32>} : memref<512xi32, #tpu.memory_space<vmem>>, vector<16xi32>,
      %mul3A_227 = arith.constant 16 : i32
      %mul3A_228 = arith.muli %while3A_215, %mul3A_227 : i32
      %add3A_229 = arith.addi %mul3A_2, %mul3A_228 : i32
      %add3A_230 = vector.broadcast %add3A_229 : i32 to vector<16xi32>
      %add3A_231 = arith.addi %add3A_230, %iota3A : vector<16xi32>
      %shift_right_arithmetic3A_232 = arith.constant 7 : i32
      %shift_right_arithmetic3A_233 = vector.broadcast %shift_right_arithmetic3A_232 : i32 to vector<16xi32>
      %shift_right_arithmetic3A_234 = arith.shrsi %get3A_226, %shift_right_arithmetic3A_233 : vector<16xi32>
      %and3A = arith.constant 127 : i32
      %and3A_235 = vector.broadcast %and3A : i32 to vector<16xi32>
      %and3A_236 = arith.andi %get3A_226, %and3A_235 : vector<16xi32>
      %eq3A_237 = arith.constant 0 : i32
      %eq3A_238 = vector.broadcast %eq3A_237 : i32 to vector<16xi32>
      %eq3A_239 = arith.cmpi eq, %shift_right_arithmetic3A_234, %eq3A_238 : vector<16xi32>
      %jit3A = arith.constant 1 : i32
      %jit3A_240 = arith.constant 0 : i32
      %broadcast_in_dim3A_241 = vector.broadcast %jit3A : i32 to vector<16xi32>
      %broadcast_in_dim3A_242 = vector.broadcast %jit3A_240 : i32 to vector<16xi32>
      %select_n3A_243 = arith.select %eq3A_239, %broadcast_in_dim3A_241, %broadcast_in_dim3A_242 : vector<16xi1>, vector<16xi32>
      %broadcast_in_dim3A_244 = arith.constant true
      %broadcast_in_dim3A_245 = vector.broadcast %broadcast_in_dim3A_244 : i1 to vector<16xi1>
      %masked_cumsum3A = tpu.scan <sum>, %select_n3A_243 masked %broadcast_in_dim3A_245 : vector<16xi32>, vector<16xi1> -> vector<16xi32>
      %sub3A_246 = arith.constant 1 : i32
      %sub3A_247 = vector.broadcast %sub3A_246 : i32 to vector<16xi32>
      %sub3A_248 = arith.subi %masked_cumsum3A, %sub3A_247 : vector<16xi32>
      %add3A_249 = arith.addi %while3A_216, %sub3A_248 : vector<16xi32>
      tpu.vector_store_idx %arg6[%add3A_249], %add3A_231 masked %eq3A_239 : memref<4096xi32, #tpu.memory_space<vmem>>[vector<16xi32>], vector<16xi32>, vector<16xi1>
      tpu.vector_store_idx %arg7[%add3A_249], %and3A_236 masked %eq3A_239 : memref<4096xi32, #tpu.memory_space<vmem>>[vector<16xi32>], vector<16xi32>, vector<16xi1>
      %all_reduce_population_count3A = tpu.all_reduce %eq3A_239 {dim = 0 : i64, kind = #tpu.reduction_kind<sum>} : vector<16xi1> -> vector<16xi32>
      %add3A_250 = arith.addi %while3A_216, %all_reduce_population_count3A : vector<16xi32>
      %eq3A_251 = arith.constant 1 : i32
      %eq3A_252 = vector.broadcast %eq3A_251 : i32 to vector<16xi32>
      %eq3A_253 = arith.cmpi eq, %shift_right_arithmetic3A_234, %eq3A_252 : vector<16xi32>
      %jit3A_254 = arith.constant 1 : i32
      %jit3A_255 = arith.constant 0 : i32
      %broadcast_in_dim3A_256 = vector.broadcast %jit3A_254 : i32 to vector<16xi32>
      %broadcast_in_dim3A_257 = vector.broadcast %jit3A_255 : i32 to vector<16xi32>
      %select_n3A_258 = arith.select %eq3A_253, %broadcast_in_dim3A_256, %broadcast_in_dim3A_257 : vector<16xi1>, vector<16xi32>
      %broadcast_in_dim3A_259 = arith.constant true
      %broadcast_in_dim3A_260 = vector.broadcast %broadcast_in_dim3A_259 : i1 to vector<16xi1>
      %masked_cumsum3A_261 = tpu.scan <sum>, %select_n3A_258 masked %broadcast_in_dim3A_260 : vector<16xi32>, vector<16xi1> -> vector<16xi32>
      %sub3A_262 = arith.constant 1 : i32
      %sub3A_263 = vector.broadcast %sub3A_262 : i32 to vector<16xi32>
      %sub3A_264 = arith.subi %masked_cumsum3A_261, %sub3A_263 : vector<16xi32>
      %add3A_265 = arith.addi %while3A_217, %sub3A_264 : vector<16xi32>
      tpu.vector_store_idx %arg6[%add3A_265], %add3A_231 masked %eq3A_253 : memref<4096xi32, #tpu.memory_space<vmem>>[vector<16xi32>], vector<16xi32>, vector<16xi1>
      tpu.vector_store_idx %arg7[%add3A_265], %and3A_236 masked %eq3A_253 : memref<4096xi32, #tpu.memory_space<vmem>>[vector<16xi32>], vector<16xi32>, vector<16xi1>
      %all_reduce_population_count3A_266 = tpu.all_reduce %eq3A_253 {dim = 0 : i64, kind = #tpu.reduction_kind<sum>} : vector<16xi1> -> vector<16xi32>
      %add3A_267 = arith.addi %while3A_217, %all_reduce_population_count3A_266 : vector<16xi32>
      %eq3A_268 = arith.constant 2 : i32
      %eq3A_269 = vector.broadcast %eq3A_268 : i32 to vector<16xi32>
      %eq3A_270 = arith.cmpi eq, %shift_right_arithmetic3A_234, %eq3A_269 : vector<16xi32>
      %jit3A_271 = arith.constant 1 : i32
      %jit3A_272 = arith.constant 0 : i32
      %broadcast_in_dim3A_273 = vector.broadcast %jit3A_271 : i32 to vector<16xi32>
      %broadcast_in_dim3A_274 = vector.broadcast %jit3A_272 : i32 to vector<16xi32>
      %select_n3A_275 = arith.select %eq3A_270, %broadcast_in_dim3A_273, %broadcast_in_dim3A_274 : vector<16xi1>, vector<16xi32>
      %broadcast_in_dim3A_276 = arith.constant true
      %broadcast_in_dim3A_277 = vector.broadcast %broadcast_in_dim3A_276 : i1 to vector<16xi1>
      %masked_cumsum3A_278 = tpu.scan <sum>, %select_n3A_275 masked %broadcast_in_dim3A_277 : vector<16xi32>, vector<16xi1> -> vector<16xi32>
      %sub3A_279 = arith.constant 1 : i32
      %sub3A_280 = vector.broadcast %sub3A_279 : i32 to vector<16xi32>
      %sub3A_281 = arith.subi %masked_cumsum3A_278, %sub3A_280 : vector<16xi32>
      %add3A_282 = arith.addi %while3A_218, %sub3A_281 : vector<16xi32>
      tpu.vector_store_idx %arg6[%add3A_282], %add3A_231 masked %eq3A_270 : memref<4096xi32, #tpu.memory_space<vmem>>[vector<16xi32>], vector<16xi32>, vector<16xi1>
      tpu.vector_store_idx %arg7[%add3A_282], %and3A_236 masked %eq3A_270 : memref<4096xi32, #tpu.memory_space<vmem>>[vector<16xi32>], vector<16xi32>, vector<16xi1>
      %all_reduce_population_count3A_283 = tpu.all_reduce %eq3A_270 {dim = 0 : i64, kind = #tpu.reduction_kind<sum>} : vector<16xi1> -> vector<16xi32>
      %add3A_284 = arith.addi %while3A_218, %all_reduce_population_count3A_283 : vector<16xi32>
      %eq3A_285 = arith.constant 3 : i32
      %eq3A_286 = vector.broadcast %eq3A_285 : i32 to vector<16xi32>
      %eq3A_287 = arith.cmpi eq, %shift_right_arithmetic3A_234, %eq3A_286 : vector<16xi32>
      %jit3A_288 = arith.constant 1 : i32
      %jit3A_289 = arith.constant 0 : i32
      %broadcast_in_dim3A_290 = vector.broadcast %jit3A_288 : i32 to vector<16xi32>
      %broadcast_in_dim3A_291 = vector.broadcast %jit3A_289 : i32 to vector<16xi32>
      %select_n3A_292 = arith.select %eq3A_287, %broadcast_in_dim3A_290, %broadcast_in_dim3A_291 : vector<16xi1>, vector<16xi32>
      %broadcast_in_dim3A_293 = arith.constant true
      %broadcast_in_dim3A_294 = vector.broadcast %broadcast_in_dim3A_293 : i1 to vector<16xi1>
      %masked_cumsum3A_295 = tpu.scan <sum>, %select_n3A_292 masked %broadcast_in_dim3A_294 : vector<16xi32>, vector<16xi1> -> vector<16xi32>
      %sub3A_296 = arith.constant 1 : i32
      %sub3A_297 = vector.broadcast %sub3A_296 : i32 to vector<16xi32>
      %sub3A_298 = arith.subi %masked_cumsum3A_295, %sub3A_297 : vector<16xi32>
      %add3A_299 = arith.addi %while3A_219, %sub3A_298 : vector<16xi32>
      tpu.vector_store_idx %arg6[%add3A_299], %add3A_231 masked %eq3A_287 : memref<4096xi32, #tpu.memory_space<vmem>>[vector<16xi32>], vector<16xi32>, vector<16xi1>
      tpu.vector_store_idx %arg7[%add3A_299], %and3A_236 masked %eq3A_287 : memref<4096xi32, #tpu.memory_space<vmem>>[vector<16xi32>], vector<16xi32>, vector<16xi1>
      %all_reduce_population_count3A_300 = tpu.all_reduce %eq3A_287 {dim = 0 : i64, kind = #tpu.reduction_kind<sum>} : vector<16xi1> -> vector<16xi32>
      %add3A_301 = arith.addi %while3A_219, %all_reduce_population_count3A_300 : vector<16xi32>
      %eq3A_302 = arith.constant 4 : i32
      %eq3A_303 = vector.broadcast %eq3A_302 : i32 to vector<16xi32>
      %eq3A_304 = arith.cmpi eq, %shift_right_arithmetic3A_234, %eq3A_303 : vector<16xi32>
      %jit3A_305 = arith.constant 1 : i32
      %jit3A_306 = arith.constant 0 : i32
      %broadcast_in_dim3A_307 = vector.broadcast %jit3A_305 : i32 to vector<16xi32>
      %broadcast_in_dim3A_308 = vector.broadcast %jit3A_306 : i32 to vector<16xi32>
      %select_n3A_309 = arith.select %eq3A_304, %broadcast_in_dim3A_307, %broadcast_in_dim3A_308 : vector<16xi1>, vector<16xi32>
      %broadcast_in_dim3A_310 = arith.constant true
      %broadcast_in_dim3A_311 = vector.broadcast %broadcast_in_dim3A_310 : i1 to vector<16xi1>
      %masked_cumsum3A_312 = tpu.scan <sum>, %select_n3A_309 masked %broadcast_in_dim3A_311 : vector<16xi32>, vector<16xi1> -> vector<16xi32>
      %sub3A_313 = arith.constant 1 : i32
      %sub3A_314 = vector.broadcast %sub3A_313 : i32 to vector<16xi32>
      %sub3A_315 = arith.subi %masked_cumsum3A_312, %sub3A_314 : vector<16xi32>
      %add3A_316 = arith.addi %while3A_220, %sub3A_315 : vector<16xi32>
      tpu.vector_store_idx %arg6[%add3A_316], %add3A_231 masked %eq3A_304 : memref<4096xi32, #tpu.memory_space<vmem>>[vector<16xi32>], vector<16xi32>, vector<16xi1>
      tpu.vector_store_idx %arg7[%add3A_316], %and3A_236 masked %eq3A_304 : memref<4096xi32, #tpu.memory_space<vmem>>[vector<16xi32>], vector<16xi32>, vector<16xi1>
      %all_reduce_population_count3A_317 = tpu.all_reduce %eq3A_304 {dim = 0 : i64, kind = #tpu.reduction_kind<sum>} : vector<16xi1> -> vector<16xi32>
      %add3A_318 = arith.addi %while3A_220, %all_reduce_population_count3A_317 : vector<16xi32>
      %eq3A_319 = arith.constant 5 : i32
      %eq3A_320 = vector.broadcast %eq3A_319 : i32 to vector<16xi32>
      %eq3A_321 = arith.cmpi eq, %shift_right_arithmetic3A_234, %eq3A_320 : vector<16xi32>
      %jit3A_322 = arith.constant 1 : i32
      %jit3A_323 = arith.constant 0 : i32
      %broadcast_in_dim3A_324 = vector.broadcast %jit3A_322 : i32 to vector<16xi32>
      %broadcast_in_dim3A_325 = vector.broadcast %jit3A_323 : i32 to vector<16xi32>
      %select_n3A_326 = arith.select %eq3A_321, %broadcast_in_dim3A_324, %broadcast_in_dim3A_325 : vector<16xi1>, vector<16xi32>
      %broadcast_in_dim3A_327 = arith.constant true
      %broadcast_in_dim3A_328 = vector.broadcast %broadcast_in_dim3A_327 : i1 to vector<16xi1>
      %masked_cumsum3A_329 = tpu.scan <sum>, %select_n3A_326 masked %broadcast_in_dim3A_328 : vector<16xi32>, vector<16xi1> -> vector<16xi32>
      %sub3A_330 = arith.constant 1 : i32
      %sub3A_331 = vector.broadcast %sub3A_330 : i32 to vector<16xi32>
      %sub3A_332 = arith.subi %masked_cumsum3A_329, %sub3A_331 : vector<16xi32>
      %add3A_333 = arith.addi %while3A_221, %sub3A_332 : vector<16xi32>
      tpu.vector_store_idx %arg6[%add3A_333], %add3A_231 masked %eq3A_321 : memref<4096xi32, #tpu.memory_space<vmem>>[vector<16xi32>], vector<16xi32>, vector<16xi1>
      tpu.vector_store_idx %arg7[%add3A_333], %and3A_236 masked %eq3A_321 : memref<4096xi32, #tpu.memory_space<vmem>>[vector<16xi32>], vector<16xi32>, vector<16xi1>
      %all_reduce_population_count3A_334 = tpu.all_reduce %eq3A_321 {dim = 0 : i64, kind = #tpu.reduction_kind<sum>} : vector<16xi1> -> vector<16xi32>
      %add3A_335 = arith.addi %while3A_221, %all_reduce_population_count3A_334 : vector<16xi32>
      %eq3A_336 = arith.constant 6 : i32
      %eq3A_337 = vector.broadcast %eq3A_336 : i32 to vector<16xi32>
      %eq3A_338 = arith.cmpi eq, %shift_right_arithmetic3A_234, %eq3A_337 : vector<16xi32>
      %jit3A_339 = arith.constant 1 : i32
      %jit3A_340 = arith.constant 0 : i32
      %broadcast_in_dim3A_341 = vector.broadcast %jit3A_339 : i32 to vector<16xi32>
      %broadcast_in_dim3A_342 = vector.broadcast %jit3A_340 : i32 to vector<16xi32>
      %select_n3A_343 = arith.select %eq3A_338, %broadcast_in_dim3A_341, %broadcast_in_dim3A_342 : vector<16xi1>, vector<16xi32>
      %broadcast_in_dim3A_344 = arith.constant true
      %broadcast_in_dim3A_345 = vector.broadcast %broadcast_in_dim3A_344 : i1 to vector<16xi1>
      %masked_cumsum3A_346 = tpu.scan <sum>, %select_n3A_343 masked %broadcast_in_dim3A_345 : vector<16xi32>, vector<16xi1> -> vector<16xi32>
      %sub3A_347 = arith.constant 1 : i32
      %sub3A_348 = vector.broadcast %sub3A_347 : i32 to vector<16xi32>
      %sub3A_349 = arith.subi %masked_cumsum3A_346, %sub3A_348 : vector<16xi32>
      %add3A_350 = arith.addi %while3A_222, %sub3A_349 : vector<16xi32>
      tpu.vector_store_idx %arg6[%add3A_350], %add3A_231 masked %eq3A_338 : memref<4096xi32, #tpu.memory_space<vmem>>[vector<16xi32>], vector<16xi32>, vector<16xi1>
      tpu.vector_store_idx %arg7[%add3A_350], %and3A_236 masked %eq3A_338 : memref<4096xi32, #tpu.memory_space<vmem>>[vector<16xi32>], vector<16xi32>, vector<16xi1>
      %all_reduce_population_count3A_351 = tpu.all_reduce %eq3A_338 {dim = 0 : i64, kind = #tpu.reduction_kind<sum>} : vector<16xi1> -> vector<16xi32>
      %add3A_352 = arith.addi %while3A_222, %all_reduce_population_count3A_351 : vector<16xi32>
      %eq3A_353 = arith.constant 7 : i32
      %eq3A_354 = vector.broadcast %eq3A_353 : i32 to vector<16xi32>
      %eq3A_355 = arith.cmpi eq, %shift_right_arithmetic3A_234, %eq3A_354 : vector<16xi32>
      %jit3A_356 = arith.constant 1 : i32
      %jit3A_357 = arith.constant 0 : i32
      %broadcast_in_dim3A_358 = vector.broadcast %jit3A_356 : i32 to vector<16xi32>
      %broadcast_in_dim3A_359 = vector.broadcast %jit3A_357 : i32 to vector<16xi32>
      %select_n3A_360 = arith.select %eq3A_355, %broadcast_in_dim3A_358, %broadcast_in_dim3A_359 : vector<16xi1>, vector<16xi32>
      %broadcast_in_dim3A_361 = arith.constant true
      %broadcast_in_dim3A_362 = vector.broadcast %broadcast_in_dim3A_361 : i1 to vector<16xi1>
      %masked_cumsum3A_363 = tpu.scan <sum>, %select_n3A_360 masked %broadcast_in_dim3A_362 : vector<16xi32>, vector<16xi1> -> vector<16xi32>
      %sub3A_364 = arith.constant 1 : i32
      %sub3A_365 = vector.broadcast %sub3A_364 : i32 to vector<16xi32>
      %sub3A_366 = arith.subi %masked_cumsum3A_363, %sub3A_365 : vector<16xi32>
      %add3A_367 = arith.addi %while3A_223, %sub3A_366 : vector<16xi32>
      tpu.vector_store_idx %arg6[%add3A_367], %add3A_231 masked %eq3A_355 : memref<4096xi32, #tpu.memory_space<vmem>>[vector<16xi32>], vector<16xi32>, vector<16xi1>
      tpu.vector_store_idx %arg7[%add3A_367], %and3A_236 masked %eq3A_355 : memref<4096xi32, #tpu.memory_space<vmem>>[vector<16xi32>], vector<16xi32>, vector<16xi1>
      %all_reduce_population_count3A_368 = tpu.all_reduce %eq3A_355 {dim = 0 : i64, kind = #tpu.reduction_kind<sum>} : vector<16xi1> -> vector<16xi32>
      %add3A_369 = arith.addi %while3A_223, %all_reduce_population_count3A_368 : vector<16xi32>
      scf.yield %add3A_250, %add3A_267, %add3A_284, %add3A_301, %add3A_318, %add3A_335, %add3A_352, %add3A_369 : vector<16xi32>, vector<16xi32>, vector<16xi32>, vector<16xi32>, vector<16xi32>, vector<16xi32>, vector<16xi32>, vector<16xi32>
    }
    %reduce_max3A = arith.constant true
    %reduce_max3A_47 = vector.broadcast %reduce_max3A : i1 to vector<16xi1>
    %reduce_max3A_48 = arith.constant -2147483648 : i32
    %reduce_max3A_49 = vector.broadcast %reduce_max3A_48 : i32 to vector<16xi32>
    %reduce_max3A_50 = arith.xori %while3A_46#0, %reduce_max3A_49 : vector<16xi32>
    %reduce_max3A_51 = tpu.scan <max>, %reduce_max3A_50 masked %reduce_max3A_47 : vector<16xi32>, vector<16xi1> -> vector<16xi32>
    %reduce_max3A_52 = arith.xori %reduce_max3A_51, %reduce_max3A_49 : vector<16xi32>
    %reduce_max3A_53 = vector.extract %reduce_max3A_52[15] : i32 from vector<16xi32>
    %sub3A = arith.constant 0 : i32
    %sub3A_54 = arith.subi %reduce_max3A_53, %sub3A : i32
    %reduce_max3A_55 = arith.constant true
    %reduce_max3A_56 = vector.broadcast %reduce_max3A_55 : i1 to vector<16xi1>
    %reduce_max3A_57 = arith.constant -2147483648 : i32
    %reduce_max3A_58 = vector.broadcast %reduce_max3A_57 : i32 to vector<16xi32>
    %reduce_max3A_59 = arith.xori %while3A_46#1, %reduce_max3A_58 : vector<16xi32>
    %reduce_max3A_60 = tpu.scan <max>, %reduce_max3A_59 masked %reduce_max3A_56 : vector<16xi32>, vector<16xi1> -> vector<16xi32>
    %reduce_max3A_61 = arith.xori %reduce_max3A_60, %reduce_max3A_58 : vector<16xi32>
    %reduce_max3A_62 = vector.extract %reduce_max3A_61[15] : i32 from vector<16xi32>
    %sub3A_63 = arith.constant 512 : i32
    %sub3A_64 = arith.subi %reduce_max3A_62, %sub3A_63 : i32
    %reduce_max3A_65 = arith.constant true
    %reduce_max3A_66 = vector.broadcast %reduce_max3A_65 : i1 to vector<16xi1>
    %reduce_max3A_67 = arith.constant -2147483648 : i32
    %reduce_max3A_68 = vector.broadcast %reduce_max3A_67 : i32 to vector<16xi32>
    %reduce_max3A_69 = arith.xori %while3A_46#2, %reduce_max3A_68 : vector<16xi32>
    %reduce_max3A_70 = tpu.scan <max>, %reduce_max3A_69 masked %reduce_max3A_66 : vector<16xi32>, vector<16xi1> -> vector<16xi32>
    %reduce_max3A_71 = arith.xori %reduce_max3A_70, %reduce_max3A_68 : vector<16xi32>
    %reduce_max3A_72 = vector.extract %reduce_max3A_71[15] : i32 from vector<16xi32>
    %sub3A_73 = arith.constant 1024 : i32
    %sub3A_74 = arith.subi %reduce_max3A_72, %sub3A_73 : i32
    %reduce_max3A_75 = arith.constant true
    %reduce_max3A_76 = vector.broadcast %reduce_max3A_75 : i1 to vector<16xi1>
    %reduce_max3A_77 = arith.constant -2147483648 : i32
    %reduce_max3A_78 = vector.broadcast %reduce_max3A_77 : i32 to vector<16xi32>
    %reduce_max3A_79 = arith.xori %while3A_46#3, %reduce_max3A_78 : vector<16xi32>
    %reduce_max3A_80 = tpu.scan <max>, %reduce_max3A_79 masked %reduce_max3A_76 : vector<16xi32>, vector<16xi1> -> vector<16xi32>
    %reduce_max3A_81 = arith.xori %reduce_max3A_80, %reduce_max3A_78 : vector<16xi32>
    %reduce_max3A_82 = vector.extract %reduce_max3A_81[15] : i32 from vector<16xi32>
    %sub3A_83 = arith.constant 1536 : i32
    %sub3A_84 = arith.subi %reduce_max3A_82, %sub3A_83 : i32
    %reduce_max3A_85 = arith.constant true
    %reduce_max3A_86 = vector.broadcast %reduce_max3A_85 : i1 to vector<16xi1>
    %reduce_max3A_87 = arith.constant -2147483648 : i32
    %reduce_max3A_88 = vector.broadcast %reduce_max3A_87 : i32 to vector<16xi32>
    %reduce_max3A_89 = arith.xori %while3A_46#4, %reduce_max3A_88 : vector<16xi32>
    %reduce_max3A_90 = tpu.scan <max>, %reduce_max3A_89 masked %reduce_max3A_86 : vector<16xi32>, vector<16xi1> -> vector<16xi32>
    %reduce_max3A_91 = arith.xori %reduce_max3A_90, %reduce_max3A_88 : vector<16xi32>
    %reduce_max3A_92 = vector.extract %reduce_max3A_91[15] : i32 from vector<16xi32>
    %sub3A_93 = arith.constant 2048 : i32
    %sub3A_94 = arith.subi %reduce_max3A_92, %sub3A_93 : i32
    %reduce_max3A_95 = arith.constant true
    %reduce_max3A_96 = vector.broadcast %reduce_max3A_95 : i1 to vector<16xi1>
    %reduce_max3A_97 = arith.constant -2147483648 : i32
    %reduce_max3A_98 = vector.broadcast %reduce_max3A_97 : i32 to vector<16xi32>
    %reduce_max3A_99 = arith.xori %while3A_46#5, %reduce_max3A_98 : vector<16xi32>
    %reduce_max3A_100 = tpu.scan <max>, %reduce_max3A_99 masked %reduce_max3A_96 : vector<16xi32>, vector<16xi1> -> vector<16xi32>
    %reduce_max3A_101 = arith.xori %reduce_max3A_100, %reduce_max3A_98 : vector<16xi32>
    %reduce_max3A_102 = vector.extract %reduce_max3A_101[15] : i32 from vector<16xi32>
    %sub3A_103 = arith.constant 2560 : i32
    %sub3A_104 = arith.subi %reduce_max3A_102, %sub3A_103 : i32
    %reduce_max3A_105 = arith.constant true
    %reduce_max3A_106 = vector.broadcast %reduce_max3A_105 : i1 to vector<16xi1>
    %reduce_max3A_107 = arith.constant -2147483648 : i32
    %reduce_max3A_108 = vector.broadcast %reduce_max3A_107 : i32 to vector<16xi32>
    %reduce_max3A_109 = arith.xori %while3A_46#6, %reduce_max3A_108 : vector<16xi32>
    %reduce_max3A_110 = tpu.scan <max>, %reduce_max3A_109 masked %reduce_max3A_106 : vector<16xi32>, vector<16xi1> -> vector<16xi32>
    %reduce_max3A_111 = arith.xori %reduce_max3A_110, %reduce_max3A_108 : vector<16xi32>
    %reduce_max3A_112 = vector.extract %reduce_max3A_111[15] : i32 from vector<16xi32>
    %sub3A_113 = arith.constant 3072 : i32
    %sub3A_114 = arith.subi %reduce_max3A_112, %sub3A_113 : i32
    %reduce_max3A_115 = arith.constant true
    %reduce_max3A_116 = vector.broadcast %reduce_max3A_115 : i1 to vector<16xi1>
    %reduce_max3A_117 = arith.constant -2147483648 : i32
    %reduce_max3A_118 = vector.broadcast %reduce_max3A_117 : i32 to vector<16xi32>
    %reduce_max3A_119 = arith.xori %while3A_46#7, %reduce_max3A_118 : vector<16xi32>
    %reduce_max3A_120 = tpu.scan <max>, %reduce_max3A_119 masked %reduce_max3A_116 : vector<16xi32>, vector<16xi1> -> vector<16xi32>
    %reduce_max3A_121 = arith.xori %reduce_max3A_120, %reduce_max3A_118 : vector<16xi32>
    %reduce_max3A_122 = vector.extract %reduce_max3A_121[15] : i32 from vector<16xi32>
    %sub3A_123 = arith.constant 3584 : i32
    %sub3A_124 = arith.subi %reduce_max3A_122, %sub3A_123 : i32
    %while3A_125 = arith.constant 0 : i32
    %while3A_126 = arith.constant 0 : i32
    %while3A_127 = arith.subi %sub3A_124, %while3A_125 : i32
    %while3A_128 = arith.addi %while3A_125, %while3A_127 : i32
    %while3A_129 = arith.constant 1 : i32
    %while3A_130 = arith.divsi %while3A_127, %while3A_129 : i32
    %while3A_131 = arith.muli %while3A_130, %while3A_129 : i32
    %while3A_132 = arith.addi %while3A_125, %while3A_131 : i32
    %while3A_133 = arith.constant 1 : i32
    %while3A_134 = scf.for %while3A_215 = %while3A_125 to %while3A_132 step %while3A_133 iter_args(%while3A_216 = %while3A_126) -> (i32)  : i32 {
      %shift_right_arithmetic3A_217 = arith.constant 4 : i32
      %shift_right_arithmetic3A_218 = arith.shrsi %while3A_215, %shift_right_arithmetic3A_217 : i32
      %mul3A_219 = arith.constant 16 : i32
      %mul3A_220 = arith.muli %shift_right_arithmetic3A_218, %mul3A_219 : i32
      %add3A_221 = arith.constant 3584 : i32
      %add3A_222 = arith.addi %add3A_221, %mul3A_220 : i32
      %get3A = arith.index_cast %add3A_222 : i32 to index
      %get3A_223 = tpu.vector_load %arg6[%get3A] {strides = array<i32>} : memref<4096xi32, #tpu.memory_space<vmem>>, vector<16xi32>,
      %and3A = arith.constant 15 : i32
      %and3A_224 = arith.andi %while3A_215, %and3A : i32
      %eq3A_225 = vector.broadcast %and3A_224 : i32 to vector<16xi32>
      %eq3A_226 = arith.cmpi eq, %iota3A, %eq3A_225 : vector<16xi32>
      %jit3A = arith.constant 0 : i32
      %broadcast_in_dim3A_227 = vector.broadcast %jit3A : i32 to vector<16xi32>
      %select_n3A_228 = arith.select %eq3A_226, %get3A_223, %broadcast_in_dim3A_227 : vector<16xi1>, vector<16xi32>
      %reduce_sum3A = arith.constant true
      %reduce_sum3A_229 = vector.broadcast %reduce_sum3A : i1 to vector<16xi1>
      %reduce_sum3A_230 = tpu.scan <sum>, %select_n3A_228 masked %reduce_sum3A_229 : vector<16xi32>, vector<16xi1> -> vector<16xi32>
      %reduce_sum3A_231 = vector.extract %reduce_sum3A_230[15] : i32 from vector<16xi32>
      %dma_start3A = arith.constant 0 : i32
      %dma_start3A_232 = tpu.memref_slice %arg10[%while3A_215, %dma_start3A] : memref<512x104xf32, #tpu.memory_space<vmem>> -> memref<1x104xf32, #tpu.memory_space<vmem>>
      %dma_start3A_233 = tpu.memref_squeeze %dma_start3A_232 : memref<1x104xf32, #tpu.memory_space<vmem>> -> memref<104xf32, #tpu.memory_space<vmem>>
      %dma_start3A_234 = arith.constant 896 : i32
      %dma_start3A_235 = tpu.memref_slice %arg2[%reduce_sum3A_231, %dma_start3A_234] : memref<16384x1000xf32, #tpu.memory_space<hbm>> -> memref<1x104xf32, #tpu.memory_space<hbm>>
      %dma_start3A_236 = tpu.memref_squeeze %dma_start3A_235 : memref<1x104xf32, #tpu.memory_space<hbm>> -> memref<104xf32, #tpu.memory_space<hbm>>
      %dma_start3A_237 = arith.constant 0 : i32
      %dma_start3A_238 = tpu.memref_slice %arg10[%while3A_215, %dma_start3A_237] : memref<512x104xf32, #tpu.memory_space<vmem>> -> memref<1x104xf32, #tpu.memory_space<vmem>>
      %dma_start3A_239 = tpu.memref_squeeze %dma_start3A_238 : memref<1x104xf32, #tpu.memory_space<vmem>> -> memref<104xf32, #tpu.memory_space<vmem>>
      %dma_start3A_240 = arith.constant 896 : i32
      %dma_start3A_241 = tpu.memref_slice %arg2[%reduce_sum3A_231, %dma_start3A_240] : memref<16384x1000xf32, #tpu.memory_space<hbm>> -> memref<1x104xf32, #tpu.memory_space<hbm>>
      %dma_start3A_242 = tpu.memref_squeeze %dma_start3A_241 : memref<1x104xf32, #tpu.memory_space<hbm>> -> memref<104xf32, #tpu.memory_space<hbm>>
      tpu.enqueue_dma source(%dma_start3A_242 : memref<104xf32, #tpu.memory_space<hbm>>) target(%dma_start3A_239 : memref<104xf32, #tpu.memory_space<vmem>>) target_semaphore(%arg14 : memref<!tpu.dma_semaphore, #tpu.memory_space<semaphore_mem>>)
      %while3A_243 = arith.constant 0 : i32
      scf.yield %while3A_243 : i32
    }
    %while3A_135 = arith.constant 1 : i32
    %while3A_136 = scf.for %while3A_215 = %while3A_132 to %while3A_128 step %while3A_135 iter_args(%while3A_216 = %while3A_134) -> (i32)  : i32 {
      %shift_right_arithmetic3A_217 = arith.constant 4 : i32
      %shift_right_arithmetic3A_218 = arith.shrsi %while3A_215, %shift_right_arithmetic3A_217 : i32
      %mul3A_219 = arith.constant 16 : i32
      %mul3A_220 = arith.muli %shift_right_arithmetic3A_218, %mul3A_219 : i32
      %add3A_221 = arith.constant 3584 : i32
      %add3A_222 = arith.addi %add3A_221, %mul3A_220 : i32
      %get3A = arith.index_cast %add3A_222 : i32 to index
      %get3A_223 = tpu.vector_load %arg6[%get3A] {strides = array<i32>} : memref<4096xi32, #tpu.memory_space<vmem>>, vector<16xi32>,
      %and3A = arith.constant 15 : i32
      %and3A_224 = arith.andi %while3A_215, %and3A : i32
      %eq3A_225 = vector.broadcast %and3A_224 : i32 to vector<16xi32>
      %eq3A_226 = arith.cmpi eq, %iota3A, %eq3A_225 : vector<16xi32>
      %jit3A = arith.constant 0 : i32
      %broadcast_in_dim3A_227 = vector.broadcast %jit3A : i32 to vector<16xi32>
      %select_n3A_228 = arith.select %eq3A_226, %get3A_223, %broadcast_in_dim3A_227 : vector<16xi1>, vector<16xi32>
      %reduce_sum3A = arith.constant true
      %reduce_sum3A_229 = vector.broadcast %reduce_sum3A : i1 to vector<16xi1>
      %reduce_sum3A_230 = tpu.scan <sum>, %select_n3A_228 masked %reduce_sum3A_229 : vector<16xi32>, vector<16xi1> -> vector<16xi32>
      %reduce_sum3A_231 = vector.extract %reduce_sum3A_230[15] : i32 from vector<16xi32>
      %dma_start3A = arith.constant 0 : i32
      %dma_start3A_232 = tpu.memref_slice %arg10[%while3A_215, %dma_start3A] : memref<512x104xf32, #tpu.memory_space<vmem>> -> memref<1x104xf32, #tpu.memory_space<vmem>>
      %dma_start3A_233 = tpu.memref_squeeze %dma_start3A_232 : memref<1x104xf32, #tpu.memory_space<vmem>> -> memref<104xf32, #tpu.memory_space<vmem>>
      %dma_start3A_234 = arith.constant 896 : i32
      %dma_start3A_235 = tpu.memref_slice %arg2[%reduce_sum3A_231, %dma_start3A_234] : memref<16384x1000xf32, #tpu.memory_space<hbm>> -> memref<1x104xf32, #tpu.memory_space<hbm>>
      %dma_start3A_236 = tpu.memref_squeeze %dma_start3A_235 : memref<1x104xf32, #tpu.memory_space<hbm>> -> memref<104xf32, #tpu.memory_space<hbm>>
      %dma_start3A_237 = arith.constant 0 : i32
      %dma_start3A_238 = tpu.memref_slice %arg10[%while3A_215, %dma_start3A_237] : memref<512x104xf32, #tpu.memory_space<vmem>> -> memref<1x104xf32, #tpu.memory_space<vmem>>
      %dma_start3A_239 = tpu.memref_squeeze %dma_start3A_238 : memref<1x104xf32, #tpu.memory_space<vmem>> -> memref<104xf32, #tpu.memory_space<vmem>>
      %dma_start3A_240 = arith.constant 896 : i32
      %dma_start3A_241 = tpu.memref_slice %arg2[%reduce_sum3A_231, %dma_start3A_240] : memref<16384x1000xf32, #tpu.memory_space<hbm>> -> memref<1x104xf32, #tpu.memory_space<hbm>>
      %dma_start3A_242 = tpu.memref_squeeze %dma_start3A_241 : memref<1x104xf32, #tpu.memory_space<hbm>> -> memref<104xf32, #tpu.memory_space<hbm>>
      tpu.enqueue_dma source(%dma_start3A_242 : memref<104xf32, #tpu.memory_space<hbm>>) target(%dma_start3A_239 : memref<104xf32, #tpu.memory_space<vmem>>) target_semaphore(%arg14 : memref<!tpu.dma_semaphore, #tpu.memory_space<semaphore_mem>>)
      %while3A_243 = arith.constant 0 : i32
      scf.yield %while3A_243 : i32
    }
    %broadcast_in_dim3A_137 = arith.constant 0 : i32
    %broadcast_in_dim3A_138 = vector.broadcast %broadcast_in_dim3A_137 : i32 to vector<16xi32>
    %eq3A = arith.constant 0 : i32
    %eq3A_139 = vector.broadcast %eq3A : i32 to vector<16xi32>
    %eq3A_140 = arith.cmpi eq, %iota3A, %eq3A_139 : vector<16xi32>
    %broadcast_in_dim3A_141 = vector.broadcast %sub3A_54 : i32 to vector<16xi32>
    %select_n3A = arith.select %eq3A_140, %broadcast_in_dim3A_141, %broadcast_in_dim3A_138 : vector<16xi1>, vector<16xi32>
    %eq3A_142 = arith.constant 1 : i32
    %eq3A_143 = vector.broadcast %eq3A_142 : i32 to vector<16xi32>
    %eq3A_144 = arith.cmpi eq, %iota3A, %eq3A_143 : vector<16xi32>
    %broadcast_in_dim3A_145 = vector.broadcast %sub3A_64 : i32 to vector<16xi32>
    %select_n3A_146 = arith.select %eq3A_144, %broadcast_in_dim3A_145, %select_n3A : vector<16xi1>, vector<16xi32>
    %eq3A_147 = arith.constant 2 : i32
    %eq3A_148 = vector.broadcast %eq3A_147 : i32 to vector<16xi32>
    %eq3A_149 = arith.cmpi eq, %iota3A, %eq3A_148 : vector<16xi32>
    %broadcast_in_dim3A_150 = vector.broadcast %sub3A_74 : i32 to vector<16xi32>
    %select_n3A_151 = arith.select %eq3A_149, %broadcast_in_dim3A_150, %select_n3A_146 : vector<16xi1>, vector<16xi32>
    %eq3A_152 = arith.constant 3 : i32
    %eq3A_153 = vector.broadcast %eq3A_152 : i32 to vector<16xi32>
    %eq3A_154 = arith.cmpi eq, %iota3A, %eq3A_153 : vector<16xi32>
    %broadcast_in_dim3A_155 = vector.broadcast %sub3A_84 : i32 to vector<16xi32>
    %select_n3A_156 = arith.select %eq3A_154, %broadcast_in_dim3A_155, %select_n3A_151 : vector<16xi1>, vector<16xi32>
    %eq3A_157 = arith.constant 4 : i32
    %eq3A_158 = vector.broadcast %eq3A_157 : i32 to vector<16xi32>
    %eq3A_159 = arith.cmpi eq, %iota3A, %eq3A_158 : vector<16xi32>
    %broadcast_in_dim3A_160 = vector.broadcast %sub3A_94 : i32 to vector<16xi32>
    %select_n3A_161 = arith.select %eq3A_159, %broadcast_in_dim3A_160, %select_n3A_156 : vector<16xi1>, vector<16xi32>
    %eq3A_162 = arith.constant 5 : i32
    %eq3A_163 = vector.broadcast %eq3A_162 : i32 to vector<16xi32>
    %eq3A_164 = arith.cmpi eq, %iota3A, %eq3A_163 : vector<16xi32>
    %broadcast_in_dim3A_165 = vector.broadcast %sub3A_104 : i32 to vector<16xi32>
    %select_n3A_166 = arith.select %eq3A_164, %broadcast_in_dim3A_165, %select_n3A_161 : vector<16xi1>, vector<16xi32>
    %eq3A_167 = arith.constant 6 : i32
    %eq3A_168 = vector.broadcast %eq3A_167 : i32 to vector<16xi32>
    %eq3A_169 = arith.cmpi eq, %iota3A, %eq3A_168 : vector<16xi32>
    %broadcast_in_dim3A_170 = vector.broadcast %sub3A_114 : i32 to vector<16xi32>
    %select_n3A_171 = arith.select %eq3A_169, %broadcast_in_dim3A_170, %select_n3A_166 : vector<16xi1>, vector<16xi32>
    %add3A_172 = arith.constant 14 : i32
    %add3A_173 = arith.addi %add3A_172, %shift_right_arithmetic3A_3 : i32
    %broadcast_in_dim3A_174 = arith.constant 0.000000e+00 : f32
    %broadcast_in_dim3A_175 = vector.broadcast %broadcast_in_dim3A_174 : f32 to vector<16xf32>
    %while3A_176 = arith.constant 0 : i32
    %while3A_177 = arith.subi %add3A_173, %while3A_176 : i32
    %while3A_178 = arith.addi %while3A_176, %while3A_177 : i32
    %while3A_179 = arith.constant 1 : i32
    %while3A_180 = arith.divsi %while3A_177, %while3A_179 : i32
    %while3A_181 = arith.muli %while3A_180, %while3A_179 : i32
    %while3A_182 = arith.addi %while3A_176, %while3A_181 : i32
    %while3A_183 = arith.constant 1 : i32
    %while3A_184 = scf.for %while3A_215 = %while3A_176 to %while3A_182 step %while3A_183 iter_args(%while3A_216 = %broadcast_in_dim3A_175) -> (vector<16xf32>)  : i32 {
      %mul3A_217 = arith.constant 2 : i32
      %mul3A_218 = arith.muli %mul3A_217, %while3A_215 : i32
      %mul3A_219 = arith.constant 2 : i32
      %mul3A_220 = arith.muli %mul3A_219, %while3A_215 : i32
      %add3A_221 = arith.constant 1 : i32
      %add3A_222 = arith.addi %mul3A_220, %add3A_221 : i32
      %shift_right_arithmetic3A_223 = arith.constant 2 : i32
      %shift_right_arithmetic3A_224 = arith.shrsi %mul3A_218, %shift_right_arithmetic3A_223 : i32
      %and3A = arith.constant 3 : i32
      %and3A_225 = arith.andi %mul3A_218, %and3A : i32
      %eq3A_226 = vector.broadcast %shift_right_arithmetic3A_224 : i32 to vector<16xi32>
      %eq3A_227 = arith.cmpi eq, %iota3A, %eq3A_226 : vector<16xi32>
      %jit3A = arith.constant 0 : i32
      %broadcast_in_dim3A_228 = vector.broadcast %jit3A : i32 to vector<16xi32>
      %select_n3A_229 = arith.select %eq3A_227, %select_n3A_171, %broadcast_in_dim3A_228 : vector<16xi1>, vector<16xi32>
      %reduce_sum3A = arith.constant true
      %reduce_sum3A_230 = vector.broadcast %reduce_sum3A : i1 to vector<16xi1>
      %reduce_sum3A_231 = tpu.scan <sum>, %select_n3A_229 masked %reduce_sum3A_230 : vector<16xi32>, vector<16xi1> -> vector<16xi32>
      %reduce_sum3A_232 = vector.extract %reduce_sum3A_231[15] : i32 from vector<16xi32>
      %mul3A_233 = arith.constant 128 : i32
      %mul3A_234 = arith.muli %and3A_225, %mul3A_233 : i32
      %gt3A = arith.cmpi sgt, %reduce_sum3A_232, %mul3A_234 : i32
      %shift_right_arithmetic3A_235 = arith.constant 2 : i32
      %shift_right_arithmetic3A_236 = arith.shrsi %add3A_222, %shift_right_arithmetic3A_235 : i32
      %and3A_237 = arith.constant 3 : i32
      %and3A_238 = arith.andi %add3A_222, %and3A_237 : i32
      %eq3A_239 = vector.broadcast %shift_right_arithmetic3A_236 : i32 to vector<16xi32>
      %eq3A_240 = arith.cmpi eq, %iota3A, %eq3A_239 : vector<16xi32>
      %jit3A_241 = arith.constant 0 : i32
      %broadcast_in_dim3A_242 = vector.broadcast %jit3A_241 : i32 to vector<16xi32>
      %select_n3A_243 = arith.select %eq3A_240, %select_n3A_171, %broadcast_in_dim3A_242 : vector<16xi1>, vector<16xi32>
      %reduce_sum3A_244 = arith.constant true
      %reduce_sum3A_245 = vector.broadcast %reduce_sum3A_244 : i1 to vector<16xi1>
      %reduce_sum3A_246 = tpu.scan <sum>, %select_n3A_243 masked %reduce_sum3A_245 : vector<16xi32>, vector<16xi1> -> vector<16xi32>
      %reduce_sum3A_247 = vector.extract %reduce_sum3A_246[15] : i32 from vector<16xi32>
      %mul3A_248 = arith.constant 128 : i32
      %mul3A_249 = arith.muli %and3A_238, %mul3A_248 : i32
      %gt3A_250 = arith.cmpi sgt, %reduce_sum3A_247, %mul3A_249 : i32
      %convert_element_type3A = arith.extui %gt3A : i1 to i32
      %cond3A = arith.constant 0 : i32
      %cond3A_251 = arith.cmpi ne, %convert_element_type3A, %cond3A : i32
      scf.if %cond3A_251 {
        %shift_right_arithmetic3A_263 = arith.constant 2 : i32
        %shift_right_arithmetic3A_264 = arith.shrsi %mul3A_218, %shift_right_arithmetic3A_263 : i32
        %and3A_265 = arith.constant 3 : i32
        %and3A_266 = arith.andi %mul3A_218, %and3A_265 : i32
        %mul3A_267 = arith.constant 512 : i32
        %mul3A_268 = arith.muli %shift_right_arithmetic3A_264, %mul3A_267 : i32
        %mul3A_269 = arith.constant 128 : i32
        %mul3A_270 = arith.muli %and3A_266, %mul3A_269 : i32
        %add3A_271 = arith.addi %mul3A_268, %mul3A_270 : i32
        %multiple_of3A = tpu.assume_multiple %add3A_271, 128 : i32
        %mul3A_272 = arith.constant 128 : i32
        %mul3A_273 = arith.muli %shift_right_arithmetic3A_264, %mul3A_272 : i32
        %multiple_of3A_274 = tpu.assume_multiple %mul3A_273, 128 : i32
        %dma_start3A = tpu.memref_slice %arg6[%multiple_of3A] : memref<4096xi32, #tpu.memory_space<vmem>> -> memref<128xi32, #tpu.memory_space<vmem>>
        %dma_start3A_275 = arith.constant 0 : i32
        %dma_start3A_276 = tpu.memref_slice %arg2[%dma_start3A_275, %multiple_of3A_274] : memref<16384x1000xf32, #tpu.memory_space<hbm>> -> memref<16384x128xf32, #tpu.memory_space<hbm>>
        tpu.enqueue_indirect_dma source(%dma_start3A_276 : memref<16384x128xf32, #tpu.memory_space<hbm>>) target(%arg8 : memref<128x128xf32, #tpu.memory_space<vmem>>) offsets(%dma_start3A : memref<128xi32, #tpu.memory_space<vmem>>) semaphore(%arg12 : memref<!tpu.dma_semaphore, #tpu.memory_space<semaphore_mem>>)
      } else {
      }
      %convert_element_type3A_252 = arith.extui %gt3A_250 : i1 to i32
      %cond3A_253 = arith.constant 0 : i32
      %cond3A_254 = arith.cmpi ne, %convert_element_type3A_252, %cond3A_253 : i32
      scf.if %cond3A_254 {
        %shift_right_arithmetic3A_263 = arith.constant 2 : i32
        %shift_right_arithmetic3A_264 = arith.shrsi %add3A_222, %shift_right_arithmetic3A_263 : i32
        %and3A_265 = arith.constant 3 : i32
        %and3A_266 = arith.andi %add3A_222, %and3A_265 : i32
        %mul3A_267 = arith.constant 512 : i32
        %mul3A_268 = arith.muli %shift_right_arithmetic3A_264, %mul3A_267 : i32
        %mul3A_269 = arith.constant 128 : i32
        %mul3A_270 = arith.muli %and3A_266, %mul3A_269 : i32
        %add3A_271 = arith.addi %mul3A_268, %mul3A_270 : i32
        %multiple_of3A = tpu.assume_multiple %add3A_271, 128 : i32
        %mul3A_272 = arith.constant 128 : i32
        %mul3A_273 = arith.muli %shift_right_arithmetic3A_264, %mul3A_272 : i32
        %multiple_of3A_274 = tpu.assume_multiple %mul3A_273, 128 : i32
        %dma_start3A = tpu.memref_slice %arg6[%multiple_of3A] : memref<4096xi32, #tpu.memory_space<vmem>> -> memref<128xi32, #tpu.memory_space<vmem>>
        %dma_start3A_275 = arith.constant 0 : i32
        %dma_start3A_276 = tpu.memref_slice %arg2[%dma_start3A_275, %multiple_of3A_274] : memref<16384x1000xf32, #tpu.memory_space<hbm>> -> memref<16384x128xf32, #tpu.memory_space<hbm>>
        tpu.enqueue_indirect_dma source(%dma_start3A_276 : memref<16384x128xf32, #tpu.memory_space<hbm>>) target(%arg9 : memref<128x128xf32, #tpu.memory_space<vmem>>) offsets(%dma_start3A : memref<128xi32, #tpu.memory_space<vmem>>) semaphore(%arg13 : memref<!tpu.dma_semaphore, #tpu.memory_space<semaphore_mem>>)
      } else {
      }
      %convert_element_type3A_255 = arith.extui %gt3A : i1 to i32
      %cond3A_256 = arith.constant 0 : i32
      %cond3A_257 = arith.cmpi ne, %convert_element_type3A_255, %cond3A_256 : i32
      %cond3A_258 = scf.if %cond3A_257 -> (vector<16xf32>) {
        %shift_right_arithmetic3A_263 = arith.constant 2 : i32
        %shift_right_arithmetic3A_264 = arith.shrsi %mul3A_218, %shift_right_arithmetic3A_263 : i32
        %and3A_265 = arith.constant 3 : i32
        %and3A_266 = arith.andi %mul3A_218, %and3A_265 : i32
        %mul3A_267 = arith.constant 512 : i32
        %mul3A_268 = arith.muli %shift_right_arithmetic3A_264, %mul3A_267 : i32
        %mul3A_269 = arith.constant 128 : i32
        %mul3A_270 = arith.muli %and3A_266, %mul3A_269 : i32
        %add3A_271 = arith.addi %mul3A_268, %mul3A_270 : i32
        %multiple_of3A = tpu.assume_multiple %add3A_271, 128 : i32
        %mul3A_272 = arith.constant 128 : i32
        %mul3A_273 = arith.muli %shift_right_arithmetic3A_264, %mul3A_272 : i32
        %multiple_of3A_274 = tpu.assume_multiple %mul3A_273, 128 : i32
        %dma_wait3A = tpu.memref_slice %arg6[%multiple_of3A] : memref<4096xi32, #tpu.memory_space<vmem>> -> memref<128xi32, #tpu.memory_space<vmem>>
        %dma_wait3A_275 = arith.constant 0 : i32
        %dma_wait3A_276 = tpu.memref_slice %arg2[%dma_wait3A_275, %multiple_of3A_274] : memref<16384x1000xf32, #tpu.memory_space<hbm>> -> memref<16384x128xf32, #tpu.memory_space<hbm>>
        tpu.wait_indirect_dma semaphore(%arg12 : memref<!tpu.dma_semaphore, #tpu.memory_space<semaphore_mem>>) src(%dma_wait3A_276 : memref<16384x128xf32, #tpu.memory_space<hbm>>) dst(%arg8 : memref<128x128xf32, #tpu.memory_space<vmem>>)
        %eq3A_277 = vector.broadcast %shift_right_arithmetic3A_264 : i32 to vector<16xi32>
        %eq3A_278 = arith.cmpi eq, %iota3A, %eq3A_277 : vector<16xi32>
        %jit3A_279 = arith.constant 0 : i32
        %broadcast_in_dim3A_280 = vector.broadcast %jit3A_279 : i32 to vector<16xi32>
        %select_n3A_281 = arith.select %eq3A_278, %select_n3A_171, %broadcast_in_dim3A_280 : vector<16xi1>, vector<16xi32>
        %reduce_sum3A_282 = arith.constant true
        %reduce_sum3A_283 = vector.broadcast %reduce_sum3A_282 : i1 to vector<16xi1>
        %reduce_sum3A_284 = tpu.scan <sum>, %select_n3A_281 masked %reduce_sum3A_283 : vector<16xi32>, vector<16xi1> -> vector<16xi32>
        %reduce_sum3A_285 = vector.extract %reduce_sum3A_284[15] : i32 from vector<16xi32>
        %mul3A_286 = arith.constant 128 : i32
        %mul3A_287 = arith.muli %and3A_266, %mul3A_286 : i32
        %sub3A_288 = arith.subi %reduce_sum3A_285, %mul3A_287 : i32
        %min3A = arith.constant 128 : i32
        %min3A_289 = arith.minsi %min3A, %sub3A_288 : i32
        %add3A_290 = arith.constant 15 : i32
        %add3A_291 = arith.addi %min3A_289, %add3A_290 : i32
        %shift_right_arithmetic3A_292 = arith.constant 4 : i32
        %shift_right_arithmetic3A_293 = arith.shrsi %add3A_291, %shift_right_arithmetic3A_292 : i32
        %while3A_294 = arith.constant 0 : i32
        %while3A_295 = arith.subi %shift_right_arithmetic3A_293, %while3A_294 : i32
        %while3A_296 = arith.addi %while3A_294, %while3A_295 : i32
        %while3A_297 = arith.constant 1 : i32
        %while3A_298 = arith.divsi %while3A_295, %while3A_297 : i32
        %while3A_299 = arith.muli %while3A_298, %while3A_297 : i32
        %while3A_300 = arith.addi %while3A_294, %while3A_299 : i32
        %while3A_301 = arith.constant 1 : i32
        %while3A_302 = scf.for %while3A_305 = %while3A_294 to %while3A_300 step %while3A_301 iter_args(%while3A_306 = %while3A_216) -> (vector<16xf32>)  : i32 {
          %mul3A_307 = arith.constant 16 : i32
          %mul3A_308 = arith.muli %while3A_305, %mul3A_307 : i32
          %add3A_309 = arith.addi %multiple_of3A, %mul3A_308 : i32
          %get3A = arith.index_cast %add3A_309 : i32 to index
          %get3A_310 = tpu.vector_load %arg7[%get3A] {strides = array<i32>} : memref<4096xi32, #tpu.memory_space<vmem>>, vector<16xi32>,
          %mul3A_311 = arith.constant 16 : i32
          %mul3A_312 = arith.muli %while3A_305, %mul3A_311 : i32
          %add3A_313 = vector.broadcast %mul3A_312 : i32 to vector<16xi32>
          %add3A_314 = arith.addi %add3A_313, %iota3A : vector<16xi32>
          %gather3A = tpu.vector_load_idx %arg8[%add3A_314, %get3A_310] : memref<128x128xf32, #tpu.memory_space<vmem>>[vector<16xi32>, vector<16xi32>], vector<16xf32>,
          %mul3A_315 = arith.constant 128 : i32
          %mul3A_316 = arith.muli %and3A_266, %mul3A_315 : i32
          %add3A_317 = vector.broadcast %mul3A_316 : i32 to vector<16xi32>
          %add3A_318 = arith.addi %add3A_317, %add3A_314 : vector<16xi32>
          %lt3A = vector.broadcast %reduce_sum3A_285 : i32 to vector<16xi32>
          %lt3A_319 = arith.cmpi slt, %add3A_318, %lt3A : vector<16xi32>
          %add3A_320 = arith.constant 1.000000e-07 : f32
          %add3A_321 = vector.broadcast %add3A_320 : f32 to vector<16xf32>
          %add3A_322 = arith.addf %gather3A, %add3A_321 : vector<16xf32>
          %bitcast_convert_type3A = tpu.bitcast %add3A_322 : vector<16xf32> -> vector<16xi32>
          %shift_right_arithmetic3A_323 = arith.constant 23 : i32
          %shift_right_arithmetic3A_324 = vector.broadcast %shift_right_arithmetic3A_323 : i32 to vector<16xi32>
          %shift_right_arithmetic3A_325 = arith.shrsi %bitcast_convert_type3A, %shift_right_arithmetic3A_324 : vector<16xi32>
          %and3A_326 = arith.constant 255 : i32
          %and3A_327 = vector.broadcast %and3A_326 : i32 to vector<16xi32>
          %and3A_328 = arith.andi %shift_right_arithmetic3A_325, %and3A_327 : vector<16xi32>
          %sub3A_329 = arith.constant 127 : i32
          %sub3A_330 = vector.broadcast %sub3A_329 : i32 to vector<16xi32>
          %sub3A_331 = arith.subi %and3A_328, %sub3A_330 : vector<16xi32>
          %and3A_332 = arith.constant 8388607 : i32
          %and3A_333 = vector.broadcast %and3A_332 : i32 to vector<16xi32>
          %and3A_334 = arith.andi %bitcast_convert_type3A, %and3A_333 : vector<16xi32>
          %or3A = arith.constant 1065353216 : i32
          %or3A_335 = vector.broadcast %or3A : i32 to vector<16xi32>
          %or3A_336 = arith.ori %and3A_334, %or3A_335 : vector<16xi32>
          %bitcast_convert_type3A_337 = tpu.bitcast %or3A_336 : vector<16xi32> -> vector<16xf32>
          %gt3A_338 = arith.constant 1.41421354 : f32
          %gt3A_339 = vector.broadcast %gt3A_338 : f32 to vector<16xf32>
          %gt3A_340 = arith.cmpf ogt, %bitcast_convert_type3A_337, %gt3A_339 : vector<16xf32>
          %mul3A_341 = arith.constant 5.000000e-01 : f32
          %mul3A_342 = vector.broadcast %mul3A_341 : f32 to vector<16xf32>
          %mul3A_343 = arith.mulf %bitcast_convert_type3A_337, %mul3A_342 : vector<16xf32>
          %select_n3A_344 = arith.select %gt3A_340, %mul3A_343, %bitcast_convert_type3A_337 : vector<16xi1>, vector<16xf32>
          %jit3A_345 = arith.constant 1 : i32
          %jit3A_346 = arith.constant 0 : i32
          %broadcast_in_dim3A_347 = vector.broadcast %jit3A_345 : i32 to vector<16xi32>
          %broadcast_in_dim3A_348 = vector.broadcast %jit3A_346 : i32 to vector<16xi32>
          %select_n3A_349 = arith.select %gt3A_340, %broadcast_in_dim3A_347, %broadcast_in_dim3A_348 : vector<16xi1>, vector<16xi32>
          %add3A_350 = arith.addi %sub3A_331, %select_n3A_349 : vector<16xi32>
          %convert_element_type3A_351 = arith.sitofp %add3A_350 : vector<16xi32> to vector<16xf32>
          %sub3A_352 = arith.constant 1.000000e+00 : f32
          %sub3A_353 = vector.broadcast %sub3A_352 : f32 to vector<16xf32>
          %sub3A_354 = arith.subf %select_n3A_344, %sub3A_353 : vector<16xf32>
          %add3A_355 = arith.constant 1.000000e+00 : f32
          %add3A_356 = vector.broadcast %add3A_355 : f32 to vector<16xf32>
          %add3A_357 = arith.addf %select_n3A_344, %add3A_356 : vector<16xf32>
          %div3A = arith.divf %sub3A_354, %add3A_357 : vector<16xf32>
          %mul3A_358 = arith.mulf %div3A, %div3A : vector<16xf32>
          %mul3A_359 = arith.constant 0.111111112 : f32
          %mul3A_360 = vector.broadcast %mul3A_359 : f32 to vector<16xf32>
          %mul3A_361 = arith.mulf %mul3A_358, %mul3A_360 : vector<16xf32>
          %add3A_362 = arith.constant 0.142857149 : f32
          %add3A_363 = vector.broadcast %add3A_362 : f32 to vector<16xf32>
          %add3A_364 = arith.addf %add3A_363, %mul3A_361 : vector<16xf32>
          %mul3A_365 = arith.mulf %mul3A_358, %add3A_364 : vector<16xf32>
          %add3A_366 = arith.constant 2.000000e-01 : f32
          %add3A_367 = vector.broadcast %add3A_366 : f32 to vector<16xf32>
          %add3A_368 = arith.addf %add3A_367, %mul3A_365 : vector<16xf32>
          %mul3A_369 = arith.mulf %mul3A_358, %add3A_368 : vector<16xf32>
          %add3A_370 = arith.constant 0.333333343 : f32
          %add3A_371 = vector.broadcast %add3A_370 : f32 to vector<16xf32>
          %add3A_372 = arith.addf %add3A_371, %mul3A_369 : vector<16xf32>
          %mul3A_373 = arith.mulf %mul3A_358, %add3A_372 : vector<16xf32>
          %add3A_374 = arith.constant 1.000000e+00 : f32
          %add3A_375 = vector.broadcast %add3A_374 : f32 to vector<16xf32>
          %add3A_376 = arith.addf %add3A_375, %mul3A_373 : vector<16xf32>
          %mul3A_377 = arith.constant 0.693147182 : f32
          %mul3A_378 = vector.broadcast %mul3A_377 : f32 to vector<16xf32>
          %mul3A_379 = arith.mulf %convert_element_type3A_351, %mul3A_378 : vector<16xf32>
          %mul3A_380 = arith.constant 2.000000e+00 : f32
          %mul3A_381 = vector.broadcast %mul3A_380 : f32 to vector<16xf32>
          %mul3A_382 = arith.mulf %mul3A_381, %div3A : vector<16xf32>
          %mul3A_383 = arith.mulf %mul3A_382, %add3A_376 : vector<16xf32>
          %add3A_384 = arith.addf %mul3A_379, %mul3A_383 : vector<16xf32>
          %jit3A_385 = arith.constant 0.000000e+00 : f32
          %broadcast_in_dim3A_386 = vector.broadcast %jit3A_385 : f32 to vector<16xf32>
          %select_n3A_387 = arith.select %lt3A_319, %add3A_384, %broadcast_in_dim3A_386 : vector<16xi1>, vector<16xf32>
          %add3A_388 = arith.addf %while3A_306, %select_n3A_387 : vector<16xf32>
          scf.yield %add3A_388 : vector<16xf32>
        }
        %while3A_303 = arith.constant 1 : i32
        %while3A_304 = scf.for %while3A_305 = %while3A_300 to %while3A_296 step %while3A_303 iter_args(%while3A_306 = %while3A_302) -> (vector<16xf32>)  : i32 {
          %mul3A_307 = arith.constant 16 : i32
          %mul3A_308 = arith.muli %while3A_305, %mul3A_307 : i32
          %add3A_309 = arith.addi %multiple_of3A, %mul3A_308 : i32
          %get3A = arith.index_cast %add3A_309 : i32 to index
          %get3A_310 = tpu.vector_load %arg7[%get3A] {strides = array<i32>} : memref<4096xi32, #tpu.memory_space<vmem>>, vector<16xi32>,
          %mul3A_311 = arith.constant 16 : i32
          %mul3A_312 = arith.muli %while3A_305, %mul3A_311 : i32
          %add3A_313 = vector.broadcast %mul3A_312 : i32 to vector<16xi32>
          %add3A_314 = arith.addi %add3A_313, %iota3A : vector<16xi32>
          %gather3A = tpu.vector_load_idx %arg8[%add3A_314, %get3A_310] : memref<128x128xf32, #tpu.memory_space<vmem>>[vector<16xi32>, vector<16xi32>], vector<16xf32>,
          %mul3A_315 = arith.constant 128 : i32
          %mul3A_316 = arith.muli %and3A_266, %mul3A_315 : i32
          %add3A_317 = vector.broadcast %mul3A_316 : i32 to vector<16xi32>
          %add3A_318 = arith.addi %add3A_317, %add3A_314 : vector<16xi32>
          %lt3A = vector.broadcast %reduce_sum3A_285 : i32 to vector<16xi32>
          %lt3A_319 = arith.cmpi slt, %add3A_318, %lt3A : vector<16xi32>
          %add3A_320 = arith.constant 1.000000e-07 : f32
          %add3A_321 = vector.broadcast %add3A_320 : f32 to vector<16xf32>
          %add3A_322 = arith.addf %gather3A, %add3A_321 : vector<16xf32>
          %bitcast_convert_type3A = tpu.bitcast %add3A_322 : vector<16xf32> -> vector<16xi32>
          %shift_right_arithmetic3A_323 = arith.constant 23 : i32
          %shift_right_arithmetic3A_324 = vector.broadcast %shift_right_arithmetic3A_323 : i32 to vector<16xi32>
          %shift_right_arithmetic3A_325 = arith.shrsi %bitcast_convert_type3A, %shift_right_arithmetic3A_324 : vector<16xi32>
          %and3A_326 = arith.constant 255 : i32
          %and3A_327 = vector.broadcast %and3A_326 : i32 to vector<16xi32>
          %and3A_328 = arith.andi %shift_right_arithmetic3A_325, %and3A_327 : vector<16xi32>
          %sub3A_329 = arith.constant 127 : i32
          %sub3A_330 = vector.broadcast %sub3A_329 : i32 to vector<16xi32>
          %sub3A_331 = arith.subi %and3A_328, %sub3A_330 : vector<16xi32>
          %and3A_332 = arith.constant 8388607 : i32
          %and3A_333 = vector.broadcast %and3A_332 : i32 to vector<16xi32>
          %and3A_334 = arith.andi %bitcast_convert_type3A, %and3A_333 : vector<16xi32>
          %or3A = arith.constant 1065353216 : i32
          %or3A_335 = vector.broadcast %or3A : i32 to vector<16xi32>
          %or3A_336 = arith.ori %and3A_334, %or3A_335 : vector<16xi32>
          %bitcast_convert_type3A_337 = tpu.bitcast %or3A_336 : vector<16xi32> -> vector<16xf32>
          %gt3A_338 = arith.constant 1.41421354 : f32
          %gt3A_339 = vector.broadcast %gt3A_338 : f32 to vector<16xf32>
          %gt3A_340 = arith.cmpf ogt, %bitcast_convert_type3A_337, %gt3A_339 : vector<16xf32>
          %mul3A_341 = arith.constant 5.000000e-01 : f32
          %mul3A_342 = vector.broadcast %mul3A_341 : f32 to vector<16xf32>
          %mul3A_343 = arith.mulf %bitcast_convert_type3A_337, %mul3A_342 : vector<16xf32>
          %select_n3A_344 = arith.select %gt3A_340, %mul3A_343, %bitcast_convert_type3A_337 : vector<16xi1>, vector<16xf32>
          %jit3A_345 = arith.constant 1 : i32
          %jit3A_346 = arith.constant 0 : i32
          %broadcast_in_dim3A_347 = vector.broadcast %jit3A_345 : i32 to vector<16xi32>
          %broadcast_in_dim3A_348 = vector.broadcast %jit3A_346 : i32 to vector<16xi32>
          %select_n3A_349 = arith.select %gt3A_340, %broadcast_in_dim3A_347, %broadcast_in_dim3A_348 : vector<16xi1>, vector<16xi32>
          %add3A_350 = arith.addi %sub3A_331, %select_n3A_349 : vector<16xi32>
          %convert_element_type3A_351 = arith.sitofp %add3A_350 : vector<16xi32> to vector<16xf32>
          %sub3A_352 = arith.constant 1.000000e+00 : f32
          %sub3A_353 = vector.broadcast %sub3A_352 : f32 to vector<16xf32>
          %sub3A_354 = arith.subf %select_n3A_344, %sub3A_353 : vector<16xf32>
          %add3A_355 = arith.constant 1.000000e+00 : f32
          %add3A_356 = vector.broadcast %add3A_355 : f32 to vector<16xf32>
          %add3A_357 = arith.addf %select_n3A_344, %add3A_356 : vector<16xf32>
          %div3A = arith.divf %sub3A_354, %add3A_357 : vector<16xf32>
          %mul3A_358 = arith.mulf %div3A, %div3A : vector<16xf32>
          %mul3A_359 = arith.constant 0.111111112 : f32
          %mul3A_360 = vector.broadcast %mul3A_359 : f32 to vector<16xf32>
          %mul3A_361 = arith.mulf %mul3A_358, %mul3A_360 : vector<16xf32>
          %add3A_362 = arith.constant 0.142857149 : f32
          %add3A_363 = vector.broadcast %add3A_362 : f32 to vector<16xf32>
          %add3A_364 = arith.addf %add3A_363, %mul3A_361 : vector<16xf32>
          %mul3A_365 = arith.mulf %mul3A_358, %add3A_364 : vector<16xf32>
          %add3A_366 = arith.constant 2.000000e-01 : f32
          %add3A_367 = vector.broadcast %add3A_366 : f32 to vector<16xf32>
          %add3A_368 = arith.addf %add3A_367, %mul3A_365 : vector<16xf32>
          %mul3A_369 = arith.mulf %mul3A_358, %add3A_368 : vector<16xf32>
          %add3A_370 = arith.constant 0.333333343 : f32
          %add3A_371 = vector.broadcast %add3A_370 : f32 to vector<16xf32>
          %add3A_372 = arith.addf %add3A_371, %mul3A_369 : vector<16xf32>
          %mul3A_373 = arith.mulf %mul3A_358, %add3A_372 : vector<16xf32>
          %add3A_374 = arith.constant 1.000000e+00 : f32
          %add3A_375 = vector.broadcast %add3A_374 : f32 to vector<16xf32>
          %add3A_376 = arith.addf %add3A_375, %mul3A_373 : vector<16xf32>
          %mul3A_377 = arith.constant 0.693147182 : f32
          %mul3A_378 = vector.broadcast %mul3A_377 : f32 to vector<16xf32>
          %mul3A_379 = arith.mulf %convert_element_type3A_351, %mul3A_378 : vector<16xf32>
          %mul3A_380 = arith.constant 2.000000e+00 : f32
          %mul3A_381 = vector.broadcast %mul3A_380 : f32 to vector<16xf32>
          %mul3A_382 = arith.mulf %mul3A_381, %div3A : vector<16xf32>
          %mul3A_383 = arith.mulf %mul3A_382, %add3A_376 : vector<16xf32>
          %add3A_384 = arith.addf %mul3A_379, %mul3A_383 : vector<16xf32>
          %jit3A_385 = arith.constant 0.000000e+00 : f32
          %broadcast_in_dim3A_386 = vector.broadcast %jit3A_385 : f32 to vector<16xf32>
          %select_n3A_387 = arith.select %lt3A_319, %add3A_384, %broadcast_in_dim3A_386 : vector<16xi1>, vector<16xf32>
          %add3A_388 = arith.addf %while3A_306, %select_n3A_387 : vector<16xf32>
          scf.yield %add3A_388 : vector<16xf32>
        }
        scf.yield %while3A_304 : vector<16xf32>
      } else {
        scf.yield %while3A_216 : vector<16xf32>
      }
      %convert_element_type3A_259 = arith.extui %gt3A_250 : i1 to i32
      %cond3A_260 = arith.constant 0 : i32
      %cond3A_261 = arith.cmpi ne, %convert_element_type3A_259, %cond3A_260 : i32
      %cond3A_262 = scf.if %cond3A_261 -> (vector<16xf32>) {
        %shift_right_arithmetic3A_263 = arith.constant 2 : i32
        %shift_right_arithmetic3A_264 = arith.shrsi %add3A_222, %shift_right_arithmetic3A_263 : i32
        %and3A_265 = arith.constant 3 : i32
        %and3A_266 = arith.andi %add3A_222, %and3A_265 : i32
        %mul3A_267 = arith.constant 512 : i32
        %mul3A_268 = arith.muli %shift_right_arithmetic3A_264, %mul3A_267 : i32
        %mul3A_269 = arith.constant 128 : i32
        %mul3A_270 = arith.muli %and3A_266, %mul3A_269 : i32
        %add3A_271 = arith.addi %mul3A_268, %mul3A_270 : i32
        %multiple_of3A = tpu.assume_multiple %add3A_271, 128 : i32
        %mul3A_272 = arith.constant 128 : i32
        %mul3A_273 = arith.muli %shift_right_arithmetic3A_264, %mul3A_272 : i32
        %multiple_of3A_274 = tpu.assume_multiple %mul3A_273, 128 : i32
        %dma_wait3A = tpu.memref_slice %arg6[%multiple_of3A] : memref<4096xi32, #tpu.memory_space<vmem>> -> memref<128xi32, #tpu.memory_space<vmem>>
        %dma_wait3A_275 = arith.constant 0 : i32
        %dma_wait3A_276 = tpu.memref_slice %arg2[%dma_wait3A_275, %multiple_of3A_274] : memref<16384x1000xf32, #tpu.memory_space<hbm>> -> memref<16384x128xf32, #tpu.memory_space<hbm>>
        tpu.wait_indirect_dma semaphore(%arg13 : memref<!tpu.dma_semaphore, #tpu.memory_space<semaphore_mem>>) src(%dma_wait3A_276 : memref<16384x128xf32, #tpu.memory_space<hbm>>) dst(%arg9 : memref<128x128xf32, #tpu.memory_space<vmem>>)
        %eq3A_277 = vector.broadcast %shift_right_arithmetic3A_264 : i32 to vector<16xi32>
        %eq3A_278 = arith.cmpi eq, %iota3A, %eq3A_277 : vector<16xi32>
        %jit3A_279 = arith.constant 0 : i32
        %broadcast_in_dim3A_280 = vector.broadcast %jit3A_279 : i32 to vector<16xi32>
        %select_n3A_281 = arith.select %eq3A_278, %select_n3A_171, %broadcast_in_dim3A_280 : vector<16xi1>, vector<16xi32>
        %reduce_sum3A_282 = arith.constant true
        %reduce_sum3A_283 = vector.broadcast %reduce_sum3A_282 : i1 to vector<16xi1>
        %reduce_sum3A_284 = tpu.scan <sum>, %select_n3A_281 masked %reduce_sum3A_283 : vector<16xi32>, vector<16xi1> -> vector<16xi32>
        %reduce_sum3A_285 = vector.extract %reduce_sum3A_284[15] : i32 from vector<16xi32>
        %mul3A_286 = arith.constant 128 : i32
        %mul3A_287 = arith.muli %and3A_266, %mul3A_286 : i32
        %sub3A_288 = arith.subi %reduce_sum3A_285, %mul3A_287 : i32
        %min3A = arith.constant 128 : i32
        %min3A_289 = arith.minsi %min3A, %sub3A_288 : i32
        %add3A_290 = arith.constant 15 : i32
        %add3A_291 = arith.addi %min3A_289, %add3A_290 : i32
        %shift_right_arithmetic3A_292 = arith.constant 4 : i32
        %shift_right_arithmetic3A_293 = arith.shrsi %add3A_291, %shift_right_arithmetic3A_292 : i32
        %while3A_294 = arith.constant 0 : i32
        %while3A_295 = arith.subi %shift_right_arithmetic3A_293, %while3A_294 : i32
        %while3A_296 = arith.addi %while3A_294, %while3A_295 : i32
        %while3A_297 = arith.constant 1 : i32
        %while3A_298 = arith.divsi %while3A_295, %while3A_297 : i32
        %while3A_299 = arith.muli %while3A_298, %while3A_297 : i32
        %while3A_300 = arith.addi %while3A_294, %while3A_299 : i32
        %while3A_301 = arith.constant 1 : i32
        %while3A_302 = scf.for %while3A_305 = %while3A_294 to %while3A_300 step %while3A_301 iter_args(%while3A_306 = %cond3A_258) -> (vector<16xf32>)  : i32 {
          %mul3A_307 = arith.constant 16 : i32
          %mul3A_308 = arith.muli %while3A_305, %mul3A_307 : i32
          %add3A_309 = arith.addi %multiple_of3A, %mul3A_308 : i32
          %get3A = arith.index_cast %add3A_309 : i32 to index
          %get3A_310 = tpu.vector_load %arg7[%get3A] {strides = array<i32>} : memref<4096xi32, #tpu.memory_space<vmem>>, vector<16xi32>,
          %mul3A_311 = arith.constant 16 : i32
          %mul3A_312 = arith.muli %while3A_305, %mul3A_311 : i32
          %add3A_313 = vector.broadcast %mul3A_312 : i32 to vector<16xi32>
          %add3A_314 = arith.addi %add3A_313, %iota3A : vector<16xi32>
          %gather3A = tpu.vector_load_idx %arg9[%add3A_314, %get3A_310] : memref<128x128xf32, #tpu.memory_space<vmem>>[vector<16xi32>, vector<16xi32>], vector<16xf32>,
          %mul3A_315 = arith.constant 128 : i32
          %mul3A_316 = arith.muli %and3A_266, %mul3A_315 : i32
          %add3A_317 = vector.broadcast %mul3A_316 : i32 to vector<16xi32>
          %add3A_318 = arith.addi %add3A_317, %add3A_314 : vector<16xi32>
          %lt3A = vector.broadcast %reduce_sum3A_285 : i32 to vector<16xi32>
          %lt3A_319 = arith.cmpi slt, %add3A_318, %lt3A : vector<16xi32>
          %add3A_320 = arith.constant 1.000000e-07 : f32
          %add3A_321 = vector.broadcast %add3A_320 : f32 to vector<16xf32>
          %add3A_322 = arith.addf %gather3A, %add3A_321 : vector<16xf32>
          %bitcast_convert_type3A = tpu.bitcast %add3A_322 : vector<16xf32> -> vector<16xi32>
          %shift_right_arithmetic3A_323 = arith.constant 23 : i32
          %shift_right_arithmetic3A_324 = vector.broadcast %shift_right_arithmetic3A_323 : i32 to vector<16xi32>
          %shift_right_arithmetic3A_325 = arith.shrsi %bitcast_convert_type3A, %shift_right_arithmetic3A_324 : vector<16xi32>
          %and3A_326 = arith.constant 255 : i32
          %and3A_327 = vector.broadcast %and3A_326 : i32 to vector<16xi32>
          %and3A_328 = arith.andi %shift_right_arithmetic3A_325, %and3A_327 : vector<16xi32>
          %sub3A_329 = arith.constant 127 : i32
          %sub3A_330 = vector.broadcast %sub3A_329 : i32 to vector<16xi32>
          %sub3A_331 = arith.subi %and3A_328, %sub3A_330 : vector<16xi32>
          %and3A_332 = arith.constant 8388607 : i32
          %and3A_333 = vector.broadcast %and3A_332 : i32 to vector<16xi32>
          %and3A_334 = arith.andi %bitcast_convert_type3A, %and3A_333 : vector<16xi32>
          %or3A = arith.constant 1065353216 : i32
          %or3A_335 = vector.broadcast %or3A : i32 to vector<16xi32>
          %or3A_336 = arith.ori %and3A_334, %or3A_335 : vector<16xi32>
          %bitcast_convert_type3A_337 = tpu.bitcast %or3A_336 : vector<16xi32> -> vector<16xf32>
          %gt3A_338 = arith.constant 1.41421354 : f32
          %gt3A_339 = vector.broadcast %gt3A_338 : f32 to vector<16xf32>
          %gt3A_340 = arith.cmpf ogt, %bitcast_convert_type3A_337, %gt3A_339 : vector<16xf32>
          %mul3A_341 = arith.constant 5.000000e-01 : f32
          %mul3A_342 = vector.broadcast %mul3A_341 : f32 to vector<16xf32>
          %mul3A_343 = arith.mulf %bitcast_convert_type3A_337, %mul3A_342 : vector<16xf32>
          %select_n3A_344 = arith.select %gt3A_340, %mul3A_343, %bitcast_convert_type3A_337 : vector<16xi1>, vector<16xf32>
          %jit3A_345 = arith.constant 1 : i32
          %jit3A_346 = arith.constant 0 : i32
          %broadcast_in_dim3A_347 = vector.broadcast %jit3A_345 : i32 to vector<16xi32>
          %broadcast_in_dim3A_348 = vector.broadcast %jit3A_346 : i32 to vector<16xi32>
          %select_n3A_349 = arith.select %gt3A_340, %broadcast_in_dim3A_347, %broadcast_in_dim3A_348 : vector<16xi1>, vector<16xi32>
          %add3A_350 = arith.addi %sub3A_331, %select_n3A_349 : vector<16xi32>
          %convert_element_type3A_351 = arith.sitofp %add3A_350 : vector<16xi32> to vector<16xf32>
          %sub3A_352 = arith.constant 1.000000e+00 : f32
          %sub3A_353 = vector.broadcast %sub3A_352 : f32 to vector<16xf32>
          %sub3A_354 = arith.subf %select_n3A_344, %sub3A_353 : vector<16xf32>
          %add3A_355 = arith.constant 1.000000e+00 : f32
          %add3A_356 = vector.broadcast %add3A_355 : f32 to vector<16xf32>
          %add3A_357 = arith.addf %select_n3A_344, %add3A_356 : vector<16xf32>
          %div3A = arith.divf %sub3A_354, %add3A_357 : vector<16xf32>
          %mul3A_358 = arith.mulf %div3A, %div3A : vector<16xf32>
          %mul3A_359 = arith.constant 0.111111112 : f32
          %mul3A_360 = vector.broadcast %mul3A_359 : f32 to vector<16xf32>
          %mul3A_361 = arith.mulf %mul3A_358, %mul3A_360 : vector<16xf32>
          %add3A_362 = arith.constant 0.142857149 : f32
          %add3A_363 = vector.broadcast %add3A_362 : f32 to vector<16xf32>
          %add3A_364 = arith.addf %add3A_363, %mul3A_361 : vector<16xf32>
          %mul3A_365 = arith.mulf %mul3A_358, %add3A_364 : vector<16xf32>
          %add3A_366 = arith.constant 2.000000e-01 : f32
          %add3A_367 = vector.broadcast %add3A_366 : f32 to vector<16xf32>
          %add3A_368 = arith.addf %add3A_367, %mul3A_365 : vector<16xf32>
          %mul3A_369 = arith.mulf %mul3A_358, %add3A_368 : vector<16xf32>
          %add3A_370 = arith.constant 0.333333343 : f32
          %add3A_371 = vector.broadcast %add3A_370 : f32 to vector<16xf32>
          %add3A_372 = arith.addf %add3A_371, %mul3A_369 : vector<16xf32>
          %mul3A_373 = arith.mulf %mul3A_358, %add3A_372 : vector<16xf32>
          %add3A_374 = arith.constant 1.000000e+00 : f32
          %add3A_375 = vector.broadcast %add3A_374 : f32 to vector<16xf32>
          %add3A_376 = arith.addf %add3A_375, %mul3A_373 : vector<16xf32>
          %mul3A_377 = arith.constant 0.693147182 : f32
          %mul3A_378 = vector.broadcast %mul3A_377 : f32 to vector<16xf32>
          %mul3A_379 = arith.mulf %convert_element_type3A_351, %mul3A_378 : vector<16xf32>
          %mul3A_380 = arith.constant 2.000000e+00 : f32
          %mul3A_381 = vector.broadcast %mul3A_380 : f32 to vector<16xf32>
          %mul3A_382 = arith.mulf %mul3A_381, %div3A : vector<16xf32>
          %mul3A_383 = arith.mulf %mul3A_382, %add3A_376 : vector<16xf32>
          %add3A_384 = arith.addf %mul3A_379, %mul3A_383 : vector<16xf32>
          %jit3A_385 = arith.constant 0.000000e+00 : f32
          %broadcast_in_dim3A_386 = vector.broadcast %jit3A_385 : f32 to vector<16xf32>
          %select_n3A_387 = arith.select %lt3A_319, %add3A_384, %broadcast_in_dim3A_386 : vector<16xi1>, vector<16xf32>
          %add3A_388 = arith.addf %while3A_306, %select_n3A_387 : vector<16xf32>
          scf.yield %add3A_388 : vector<16xf32>
        }
        %while3A_303 = arith.constant 1 : i32
        %while3A_304 = scf.for %while3A_305 = %while3A_300 to %while3A_296 step %while3A_303 iter_args(%while3A_306 = %while3A_302) -> (vector<16xf32>)  : i32 {
          %mul3A_307 = arith.constant 16 : i32
          %mul3A_308 = arith.muli %while3A_305, %mul3A_307 : i32
          %add3A_309 = arith.addi %multiple_of3A, %mul3A_308 : i32
          %get3A = arith.index_cast %add3A_309 : i32 to index
          %get3A_310 = tpu.vector_load %arg7[%get3A] {strides = array<i32>} : memref<4096xi32, #tpu.memory_space<vmem>>, vector<16xi32>,
          %mul3A_311 = arith.constant 16 : i32
          %mul3A_312 = arith.muli %while3A_305, %mul3A_311 : i32
          %add3A_313 = vector.broadcast %mul3A_312 : i32 to vector<16xi32>
          %add3A_314 = arith.addi %add3A_313, %iota3A : vector<16xi32>
          %gather3A = tpu.vector_load_idx %arg9[%add3A_314, %get3A_310] : memref<128x128xf32, #tpu.memory_space<vmem>>[vector<16xi32>, vector<16xi32>], vector<16xf32>,
          %mul3A_315 = arith.constant 128 : i32
          %mul3A_316 = arith.muli %and3A_266, %mul3A_315 : i32
          %add3A_317 = vector.broadcast %mul3A_316 : i32 to vector<16xi32>
          %add3A_318 = arith.addi %add3A_317, %add3A_314 : vector<16xi32>
          %lt3A = vector.broadcast %reduce_sum3A_285 : i32 to vector<16xi32>
          %lt3A_319 = arith.cmpi slt, %add3A_318, %lt3A : vector<16xi32>
          %add3A_320 = arith.constant 1.000000e-07 : f32
          %add3A_321 = vector.broadcast %add3A_320 : f32 to vector<16xf32>
          %add3A_322 = arith.addf %gather3A, %add3A_321 : vector<16xf32>
          %bitcast_convert_type3A = tpu.bitcast %add3A_322 : vector<16xf32> -> vector<16xi32>
          %shift_right_arithmetic3A_323 = arith.constant 23 : i32
          %shift_right_arithmetic3A_324 = vector.broadcast %shift_right_arithmetic3A_323 : i32 to vector<16xi32>
          %shift_right_arithmetic3A_325 = arith.shrsi %bitcast_convert_type3A, %shift_right_arithmetic3A_324 : vector<16xi32>
          %and3A_326 = arith.constant 255 : i32
          %and3A_327 = vector.broadcast %and3A_326 : i32 to vector<16xi32>
          %and3A_328 = arith.andi %shift_right_arithmetic3A_325, %and3A_327 : vector<16xi32>
          %sub3A_329 = arith.constant 127 : i32
          %sub3A_330 = vector.broadcast %sub3A_329 : i32 to vector<16xi32>
          %sub3A_331 = arith.subi %and3A_328, %sub3A_330 : vector<16xi32>
          %and3A_332 = arith.constant 8388607 : i32
          %and3A_333 = vector.broadcast %and3A_332 : i32 to vector<16xi32>
          %and3A_334 = arith.andi %bitcast_convert_type3A, %and3A_333 : vector<16xi32>
          %or3A = arith.constant 1065353216 : i32
          %or3A_335 = vector.broadcast %or3A : i32 to vector<16xi32>
          %or3A_336 = arith.ori %and3A_334, %or3A_335 : vector<16xi32>
          %bitcast_convert_type3A_337 = tpu.bitcast %or3A_336 : vector<16xi32> -> vector<16xf32>
          %gt3A_338 = arith.constant 1.41421354 : f32
          %gt3A_339 = vector.broadcast %gt3A_338 : f32 to vector<16xf32>
          %gt3A_340 = arith.cmpf ogt, %bitcast_convert_type3A_337, %gt3A_339 : vector<16xf32>
          %mul3A_341 = arith.constant 5.000000e-01 : f32
          %mul3A_342 = vector.broadcast %mul3A_341 : f32 to vector<16xf32>
          %mul3A_343 = arith.mulf %bitcast_convert_type3A_337, %mul3A_342 : vector<16xf32>
          %select_n3A_344 = arith.select %gt3A_340, %mul3A_343, %bitcast_convert_type3A_337 : vector<16xi1>, vector<16xf32>
          %jit3A_345 = arith.constant 1 : i32
          %jit3A_346 = arith.constant 0 : i32
          %broadcast_in_dim3A_347 = vector.broadcast %jit3A_345 : i32 to vector<16xi32>
          %broadcast_in_dim3A_348 = vector.broadcast %jit3A_346 : i32 to vector<16xi32>
          %select_n3A_349 = arith.select %gt3A_340, %broadcast_in_dim3A_347, %broadcast_in_dim3A_348 : vector<16xi1>, vector<16xi32>
          %add3A_350 = arith.addi %sub3A_331, %select_n3A_349 : vector<16xi32>
          %convert_element_type3A_351 = arith.sitofp %add3A_350 : vector<16xi32> to vector<16xf32>
          %sub3A_352 = arith.constant 1.000000e+00 : f32
          %sub3A_353 = vector.broadcast %sub3A_352 : f32 to vector<16xf32>
          %sub3A_354 = arith.subf %select_n3A_344, %sub3A_353 : vector<16xf32>
          %add3A_355 = arith.constant 1.000000e+00 : f32
          %add3A_356 = vector.broadcast %add3A_355 : f32 to vector<16xf32>
          %add3A_357 = arith.addf %select_n3A_344, %add3A_356 : vector<16xf32>
          %div3A = arith.divf %sub3A_354, %add3A_357 : vector<16xf32>
          %mul3A_358 = arith.mulf %div3A, %div3A : vector<16xf32>
          %mul3A_359 = arith.constant 0.111111112 : f32
          %mul3A_360 = vector.broadcast %mul3A_359 : f32 to vector<16xf32>
          %mul3A_361 = arith.mulf %mul3A_358, %mul3A_360 : vector<16xf32>
          %add3A_362 = arith.constant 0.142857149 : f32
          %add3A_363 = vector.broadcast %add3A_362 : f32 to vector<16xf32>
          %add3A_364 = arith.addf %add3A_363, %mul3A_361 : vector<16xf32>
          %mul3A_365 = arith.mulf %mul3A_358, %add3A_364 : vector<16xf32>
          %add3A_366 = arith.constant 2.000000e-01 : f32
          %add3A_367 = vector.broadcast %add3A_366 : f32 to vector<16xf32>
          %add3A_368 = arith.addf %add3A_367, %mul3A_365 : vector<16xf32>
          %mul3A_369 = arith.mulf %mul3A_358, %add3A_368 : vector<16xf32>
          %add3A_370 = arith.constant 0.333333343 : f32
          %add3A_371 = vector.broadcast %add3A_370 : f32 to vector<16xf32>
          %add3A_372 = arith.addf %add3A_371, %mul3A_369 : vector<16xf32>
          %mul3A_373 = arith.mulf %mul3A_358, %add3A_372 : vector<16xf32>
          %add3A_374 = arith.constant 1.000000e+00 : f32
          %add3A_375 = vector.broadcast %add3A_374 : f32 to vector<16xf32>
          %add3A_376 = arith.addf %add3A_375, %mul3A_373 : vector<16xf32>
          %mul3A_377 = arith.constant 0.693147182 : f32
          %mul3A_378 = vector.broadcast %mul3A_377 : f32 to vector<16xf32>
          %mul3A_379 = arith.mulf %convert_element_type3A_351, %mul3A_378 : vector<16xf32>
          %mul3A_380 = arith.constant 2.000000e+00 : f32
          %mul3A_381 = vector.broadcast %mul3A_380 : f32 to vector<16xf32>
          %mul3A_382 = arith.mulf %mul3A_381, %div3A : vector<16xf32>
          %mul3A_383 = arith.mulf %mul3A_382, %add3A_376 : vector<16xf32>
          %add3A_384 = arith.addf %mul3A_379, %mul3A_383 : vector<16xf32>
          %jit3A_385 = arith.constant 0.000000e+00 : f32
          %broadcast_in_dim3A_386 = vector.broadcast %jit3A_385 : f32 to vector<16xf32>
          %select_n3A_387 = arith.select %lt3A_319, %add3A_384, %broadcast_in_dim3A_386 : vector<16xi1>, vector<16xf32>
          %add3A_388 = arith.addf %while3A_306, %select_n3A_387 : vector<16xf32>
          scf.yield %add3A_388 : vector<16xf32>
        }
        scf.yield %while3A_304 : vector<16xf32>
      } else {
        scf.yield %cond3A_258 : vector<16xf32>
      }
      scf.yield %cond3A_262 : vector<16xf32>
    }
    %while3A_185 = arith.constant 1 : i32
    %while3A_186 = scf.for %while3A_215 = %while3A_182 to %while3A_178 step %while3A_185 iter_args(%while3A_216 = %while3A_184) -> (vector<16xf32>)  : i32 {
      %mul3A_217 = arith.constant 2 : i32
      %mul3A_218 = arith.muli %mul3A_217, %while3A_215 : i32
      %mul3A_219 = arith.constant 2 : i32
      %mul3A_220 = arith.muli %mul3A_219, %while3A_215 : i32
      %add3A_221 = arith.constant 1 : i32
      %add3A_222 = arith.addi %mul3A_220, %add3A_221 : i32
      %shift_right_arithmetic3A_223 = arith.constant 2 : i32
      %shift_right_arithmetic3A_224 = arith.shrsi %mul3A_218, %shift_right_arithmetic3A_223 : i32
      %and3A = arith.constant 3 : i32
      %and3A_225 = arith.andi %mul3A_218, %and3A : i32
      %eq3A_226 = vector.broadcast %shift_right_arithmetic3A_224 : i32 to vector<16xi32>
      %eq3A_227 = arith.cmpi eq, %iota3A, %eq3A_226 : vector<16xi32>
      %jit3A = arith.constant 0 : i32
      %broadcast_in_dim3A_228 = vector.broadcast %jit3A : i32 to vector<16xi32>
      %select_n3A_229 = arith.select %eq3A_227, %select_n3A_171, %broadcast_in_dim3A_228 : vector<16xi1>, vector<16xi32>
      %reduce_sum3A = arith.constant true
      %reduce_sum3A_230 = vector.broadcast %reduce_sum3A : i1 to vector<16xi1>
      %reduce_sum3A_231 = tpu.scan <sum>, %select_n3A_229 masked %reduce_sum3A_230 : vector<16xi32>, vector<16xi1> -> vector<16xi32>
      %reduce_sum3A_232 = vector.extract %reduce_sum3A_231[15] : i32 from vector<16xi32>
      %mul3A_233 = arith.constant 128 : i32
      %mul3A_234 = arith.muli %and3A_225, %mul3A_233 : i32
      %gt3A = arith.cmpi sgt, %reduce_sum3A_232, %mul3A_234 : i32
      %shift_right_arithmetic3A_235 = arith.constant 2 : i32
      %shift_right_arithmetic3A_236 = arith.shrsi %add3A_222, %shift_right_arithmetic3A_235 : i32
      %and3A_237 = arith.constant 3 : i32
      %and3A_238 = arith.andi %add3A_222, %and3A_237 : i32
      %eq3A_239 = vector.broadcast %shift_right_arithmetic3A_236 : i32 to vector<16xi32>
      %eq3A_240 = arith.cmpi eq, %iota3A, %eq3A_239 : vector<16xi32>
      %jit3A_241 = arith.constant 0 : i32
      %broadcast_in_dim3A_242 = vector.broadcast %jit3A_241 : i32 to vector<16xi32>
      %select_n3A_243 = arith.select %eq3A_240, %select_n3A_171, %broadcast_in_dim3A_242 : vector<16xi1>, vector<16xi32>
      %reduce_sum3A_244 = arith.constant true
      %reduce_sum3A_245 = vector.broadcast %reduce_sum3A_244 : i1 to vector<16xi1>
      %reduce_sum3A_246 = tpu.scan <sum>, %select_n3A_243 masked %reduce_sum3A_245 : vector<16xi32>, vector<16xi1> -> vector<16xi32>
      %reduce_sum3A_247 = vector.extract %reduce_sum3A_246[15] : i32 from vector<16xi32>
      %mul3A_248 = arith.constant 128 : i32
      %mul3A_249 = arith.muli %and3A_238, %mul3A_248 : i32
      %gt3A_250 = arith.cmpi sgt, %reduce_sum3A_247, %mul3A_249 : i32
      %convert_element_type3A = arith.extui %gt3A : i1 to i32
      %cond3A = arith.constant 0 : i32
      %cond3A_251 = arith.cmpi ne, %convert_element_type3A, %cond3A : i32
      scf.if %cond3A_251 {
        %shift_right_arithmetic3A_263 = arith.constant 2 : i32
        %shift_right_arithmetic3A_264 = arith.shrsi %mul3A_218, %shift_right_arithmetic3A_263 : i32
        %and3A_265 = arith.constant 3 : i32
        %and3A_266 = arith.andi %mul3A_218, %and3A_265 : i32
        %mul3A_267 = arith.constant 512 : i32
        %mul3A_268 = arith.muli %shift_right_arithmetic3A_264, %mul3A_267 : i32
        %mul3A_269 = arith.constant 128 : i32
        %mul3A_270 = arith.muli %and3A_266, %mul3A_269 : i32
        %add3A_271 = arith.addi %mul3A_268, %mul3A_270 : i32
        %multiple_of3A = tpu.assume_multiple %add3A_271, 128 : i32
        %mul3A_272 = arith.constant 128 : i32
        %mul3A_273 = arith.muli %shift_right_arithmetic3A_264, %mul3A_272 : i32
        %multiple_of3A_274 = tpu.assume_multiple %mul3A_273, 128 : i32
        %dma_start3A = tpu.memref_slice %arg6[%multiple_of3A] : memref<4096xi32, #tpu.memory_space<vmem>> -> memref<128xi32, #tpu.memory_space<vmem>>
        %dma_start3A_275 = arith.constant 0 : i32
        %dma_start3A_276 = tpu.memref_slice %arg2[%dma_start3A_275, %multiple_of3A_274] : memref<16384x1000xf32, #tpu.memory_space<hbm>> -> memref<16384x128xf32, #tpu.memory_space<hbm>>
        tpu.enqueue_indirect_dma source(%dma_start3A_276 : memref<16384x128xf32, #tpu.memory_space<hbm>>) target(%arg8 : memref<128x128xf32, #tpu.memory_space<vmem>>) offsets(%dma_start3A : memref<128xi32, #tpu.memory_space<vmem>>) semaphore(%arg12 : memref<!tpu.dma_semaphore, #tpu.memory_space<semaphore_mem>>)
      } else {
      }
      %convert_element_type3A_252 = arith.extui %gt3A_250 : i1 to i32
      %cond3A_253 = arith.constant 0 : i32
      %cond3A_254 = arith.cmpi ne, %convert_element_type3A_252, %cond3A_253 : i32
      scf.if %cond3A_254 {
        %shift_right_arithmetic3A_263 = arith.constant 2 : i32
        %shift_right_arithmetic3A_264 = arith.shrsi %add3A_222, %shift_right_arithmetic3A_263 : i32
        %and3A_265 = arith.constant 3 : i32
        %and3A_266 = arith.andi %add3A_222, %and3A_265 : i32
        %mul3A_267 = arith.constant 512 : i32
        %mul3A_268 = arith.muli %shift_right_arithmetic3A_264, %mul3A_267 : i32
        %mul3A_269 = arith.constant 128 : i32
        %mul3A_270 = arith.muli %and3A_266, %mul3A_269 : i32
        %add3A_271 = arith.addi %mul3A_268, %mul3A_270 : i32
        %multiple_of3A = tpu.assume_multiple %add3A_271, 128 : i32
        %mul3A_272 = arith.constant 128 : i32
        %mul3A_273 = arith.muli %shift_right_arithmetic3A_264, %mul3A_272 : i32
        %multiple_of3A_274 = tpu.assume_multiple %mul3A_273, 128 : i32
        %dma_start3A = tpu.memref_slice %arg6[%multiple_of3A] : memref<4096xi32, #tpu.memory_space<vmem>> -> memref<128xi32, #tpu.memory_space<vmem>>
        %dma_start3A_275 = arith.constant 0 : i32
        %dma_start3A_276 = tpu.memref_slice %arg2[%dma_start3A_275, %multiple_of3A_274] : memref<16384x1000xf32, #tpu.memory_space<hbm>> -> memref<16384x128xf32, #tpu.memory_space<hbm>>
        tpu.enqueue_indirect_dma source(%dma_start3A_276 : memref<16384x128xf32, #tpu.memory_space<hbm>>) target(%arg9 : memref<128x128xf32, #tpu.memory_space<vmem>>) offsets(%dma_start3A : memref<128xi32, #tpu.memory_space<vmem>>) semaphore(%arg13 : memref<!tpu.dma_semaphore, #tpu.memory_space<semaphore_mem>>)
      } else {
      }
      %convert_element_type3A_255 = arith.extui %gt3A : i1 to i32
      %cond3A_256 = arith.constant 0 : i32
      %cond3A_257 = arith.cmpi ne, %convert_element_type3A_255, %cond3A_256 : i32
      %cond3A_258 = scf.if %cond3A_257 -> (vector<16xf32>) {
        %shift_right_arithmetic3A_263 = arith.constant 2 : i32
        %shift_right_arithmetic3A_264 = arith.shrsi %mul3A_218, %shift_right_arithmetic3A_263 : i32
        %and3A_265 = arith.constant 3 : i32
        %and3A_266 = arith.andi %mul3A_218, %and3A_265 : i32
        %mul3A_267 = arith.constant 512 : i32
        %mul3A_268 = arith.muli %shift_right_arithmetic3A_264, %mul3A_267 : i32
        %mul3A_269 = arith.constant 128 : i32
        %mul3A_270 = arith.muli %and3A_266, %mul3A_269 : i32
        %add3A_271 = arith.addi %mul3A_268, %mul3A_270 : i32
        %multiple_of3A = tpu.assume_multiple %add3A_271, 128 : i32
        %mul3A_272 = arith.constant 128 : i32
        %mul3A_273 = arith.muli %shift_right_arithmetic3A_264, %mul3A_272 : i32
        %multiple_of3A_274 = tpu.assume_multiple %mul3A_273, 128 : i32
        %dma_wait3A = tpu.memref_slice %arg6[%multiple_of3A] : memref<4096xi32, #tpu.memory_space<vmem>> -> memref<128xi32, #tpu.memory_space<vmem>>
        %dma_wait3A_275 = arith.constant 0 : i32
        %dma_wait3A_276 = tpu.memref_slice %arg2[%dma_wait3A_275, %multiple_of3A_274] : memref<16384x1000xf32, #tpu.memory_space<hbm>> -> memref<16384x128xf32, #tpu.memory_space<hbm>>
        tpu.wait_indirect_dma semaphore(%arg12 : memref<!tpu.dma_semaphore, #tpu.memory_space<semaphore_mem>>) src(%dma_wait3A_276 : memref<16384x128xf32, #tpu.memory_space<hbm>>) dst(%arg8 : memref<128x128xf32, #tpu.memory_space<vmem>>)
        %eq3A_277 = vector.broadcast %shift_right_arithmetic3A_264 : i32 to vector<16xi32>
        %eq3A_278 = arith.cmpi eq, %iota3A, %eq3A_277 : vector<16xi32>
        %jit3A_279 = arith.constant 0 : i32
        %broadcast_in_dim3A_280 = vector.broadcast %jit3A_279 : i32 to vector<16xi32>
        %select_n3A_281 = arith.select %eq3A_278, %select_n3A_171, %broadcast_in_dim3A_280 : vector<16xi1>, vector<16xi32>
        %reduce_sum3A_282 = arith.constant true
        %reduce_sum3A_283 = vector.broadcast %reduce_sum3A_282 : i1 to vector<16xi1>
        %reduce_sum3A_284 = tpu.scan <sum>, %select_n3A_281 masked %reduce_sum3A_283 : vector<16xi32>, vector<16xi1> -> vector<16xi32>
        %reduce_sum3A_285 = vector.extract %reduce_sum3A_284[15] : i32 from vector<16xi32>
        %mul3A_286 = arith.constant 128 : i32
        %mul3A_287 = arith.muli %and3A_266, %mul3A_286 : i32
        %sub3A_288 = arith.subi %reduce_sum3A_285, %mul3A_287 : i32
        %min3A = arith.constant 128 : i32
        %min3A_289 = arith.minsi %min3A, %sub3A_288 : i32
        %add3A_290 = arith.constant 15 : i32
        %add3A_291 = arith.addi %min3A_289, %add3A_290 : i32
        %shift_right_arithmetic3A_292 = arith.constant 4 : i32
        %shift_right_arithmetic3A_293 = arith.shrsi %add3A_291, %shift_right_arithmetic3A_292 : i32
        %while3A_294 = arith.constant 0 : i32
        %while3A_295 = arith.subi %shift_right_arithmetic3A_293, %while3A_294 : i32
        %while3A_296 = arith.addi %while3A_294, %while3A_295 : i32
        %while3A_297 = arith.constant 1 : i32
        %while3A_298 = arith.divsi %while3A_295, %while3A_297 : i32
        %while3A_299 = arith.muli %while3A_298, %while3A_297 : i32
        %while3A_300 = arith.addi %while3A_294, %while3A_299 : i32
        %while3A_301 = arith.constant 1 : i32
        %while3A_302 = scf.for %while3A_305 = %while3A_294 to %while3A_300 step %while3A_301 iter_args(%while3A_306 = %while3A_216) -> (vector<16xf32>)  : i32 {
          %mul3A_307 = arith.constant 16 : i32
          %mul3A_308 = arith.muli %while3A_305, %mul3A_307 : i32
          %add3A_309 = arith.addi %multiple_of3A, %mul3A_308 : i32
          %get3A = arith.index_cast %add3A_309 : i32 to index
          %get3A_310 = tpu.vector_load %arg7[%get3A] {strides = array<i32>} : memref<4096xi32, #tpu.memory_space<vmem>>, vector<16xi32>,
          %mul3A_311 = arith.constant 16 : i32
          %mul3A_312 = arith.muli %while3A_305, %mul3A_311 : i32
          %add3A_313 = vector.broadcast %mul3A_312 : i32 to vector<16xi32>
          %add3A_314 = arith.addi %add3A_313, %iota3A : vector<16xi32>
          %gather3A = tpu.vector_load_idx %arg8[%add3A_314, %get3A_310] : memref<128x128xf32, #tpu.memory_space<vmem>>[vector<16xi32>, vector<16xi32>], vector<16xf32>,
          %mul3A_315 = arith.constant 128 : i32
          %mul3A_316 = arith.muli %and3A_266, %mul3A_315 : i32
          %add3A_317 = vector.broadcast %mul3A_316 : i32 to vector<16xi32>
          %add3A_318 = arith.addi %add3A_317, %add3A_314 : vector<16xi32>
          %lt3A = vector.broadcast %reduce_sum3A_285 : i32 to vector<16xi32>
          %lt3A_319 = arith.cmpi slt, %add3A_318, %lt3A : vector<16xi32>
          %add3A_320 = arith.constant 1.000000e-07 : f32
          %add3A_321 = vector.broadcast %add3A_320 : f32 to vector<16xf32>
          %add3A_322 = arith.addf %gather3A, %add3A_321 : vector<16xf32>
          %bitcast_convert_type3A = tpu.bitcast %add3A_322 : vector<16xf32> -> vector<16xi32>
          %shift_right_arithmetic3A_323 = arith.constant 23 : i32
          %shift_right_arithmetic3A_324 = vector.broadcast %shift_right_arithmetic3A_323 : i32 to vector<16xi32>
          %shift_right_arithmetic3A_325 = arith.shrsi %bitcast_convert_type3A, %shift_right_arithmetic3A_324 : vector<16xi32>
          %and3A_326 = arith.constant 255 : i32
          %and3A_327 = vector.broadcast %and3A_326 : i32 to vector<16xi32>
          %and3A_328 = arith.andi %shift_right_arithmetic3A_325, %and3A_327 : vector<16xi32>
          %sub3A_329 = arith.constant 127 : i32
          %sub3A_330 = vector.broadcast %sub3A_329 : i32 to vector<16xi32>
          %sub3A_331 = arith.subi %and3A_328, %sub3A_330 : vector<16xi32>
          %and3A_332 = arith.constant 8388607 : i32
          %and3A_333 = vector.broadcast %and3A_332 : i32 to vector<16xi32>
          %and3A_334 = arith.andi %bitcast_convert_type3A, %and3A_333 : vector<16xi32>
          %or3A = arith.constant 1065353216 : i32
          %or3A_335 = vector.broadcast %or3A : i32 to vector<16xi32>
          %or3A_336 = arith.ori %and3A_334, %or3A_335 : vector<16xi32>
          %bitcast_convert_type3A_337 = tpu.bitcast %or3A_336 : vector<16xi32> -> vector<16xf32>
          %gt3A_338 = arith.constant 1.41421354 : f32
          %gt3A_339 = vector.broadcast %gt3A_338 : f32 to vector<16xf32>
          %gt3A_340 = arith.cmpf ogt, %bitcast_convert_type3A_337, %gt3A_339 : vector<16xf32>
          %mul3A_341 = arith.constant 5.000000e-01 : f32
          %mul3A_342 = vector.broadcast %mul3A_341 : f32 to vector<16xf32>
          %mul3A_343 = arith.mulf %bitcast_convert_type3A_337, %mul3A_342 : vector<16xf32>
          %select_n3A_344 = arith.select %gt3A_340, %mul3A_343, %bitcast_convert_type3A_337 : vector<16xi1>, vector<16xf32>
          %jit3A_345 = arith.constant 1 : i32
          %jit3A_346 = arith.constant 0 : i32
          %broadcast_in_dim3A_347 = vector.broadcast %jit3A_345 : i32 to vector<16xi32>
          %broadcast_in_dim3A_348 = vector.broadcast %jit3A_346 : i32 to vector<16xi32>
          %select_n3A_349 = arith.select %gt3A_340, %broadcast_in_dim3A_347, %broadcast_in_dim3A_348 : vector<16xi1>, vector<16xi32>
          %add3A_350 = arith.addi %sub3A_331, %select_n3A_349 : vector<16xi32>
          %convert_element_type3A_351 = arith.sitofp %add3A_350 : vector<16xi32> to vector<16xf32>
          %sub3A_352 = arith.constant 1.000000e+00 : f32
          %sub3A_353 = vector.broadcast %sub3A_352 : f32 to vector<16xf32>
          %sub3A_354 = arith.subf %select_n3A_344, %sub3A_353 : vector<16xf32>
          %add3A_355 = arith.constant 1.000000e+00 : f32
          %add3A_356 = vector.broadcast %add3A_355 : f32 to vector<16xf32>
          %add3A_357 = arith.addf %select_n3A_344, %add3A_356 : vector<16xf32>
          %div3A = arith.divf %sub3A_354, %add3A_357 : vector<16xf32>
          %mul3A_358 = arith.mulf %div3A, %div3A : vector<16xf32>
          %mul3A_359 = arith.constant 0.111111112 : f32
          %mul3A_360 = vector.broadcast %mul3A_359 : f32 to vector<16xf32>
          %mul3A_361 = arith.mulf %mul3A_358, %mul3A_360 : vector<16xf32>
          %add3A_362 = arith.constant 0.142857149 : f32
          %add3A_363 = vector.broadcast %add3A_362 : f32 to vector<16xf32>
          %add3A_364 = arith.addf %add3A_363, %mul3A_361 : vector<16xf32>
          %mul3A_365 = arith.mulf %mul3A_358, %add3A_364 : vector<16xf32>
          %add3A_366 = arith.constant 2.000000e-01 : f32
          %add3A_367 = vector.broadcast %add3A_366 : f32 to vector<16xf32>
          %add3A_368 = arith.addf %add3A_367, %mul3A_365 : vector<16xf32>
          %mul3A_369 = arith.mulf %mul3A_358, %add3A_368 : vector<16xf32>
          %add3A_370 = arith.constant 0.333333343 : f32
          %add3A_371 = vector.broadcast %add3A_370 : f32 to vector<16xf32>
          %add3A_372 = arith.addf %add3A_371, %mul3A_369 : vector<16xf32>
          %mul3A_373 = arith.mulf %mul3A_358, %add3A_372 : vector<16xf32>
          %add3A_374 = arith.constant 1.000000e+00 : f32
          %add3A_375 = vector.broadcast %add3A_374 : f32 to vector<16xf32>
          %add3A_376 = arith.addf %add3A_375, %mul3A_373 : vector<16xf32>
          %mul3A_377 = arith.constant 0.693147182 : f32
          %mul3A_378 = vector.broadcast %mul3A_377 : f32 to vector<16xf32>
          %mul3A_379 = arith.mulf %convert_element_type3A_351, %mul3A_378 : vector<16xf32>
          %mul3A_380 = arith.constant 2.000000e+00 : f32
          %mul3A_381 = vector.broadcast %mul3A_380 : f32 to vector<16xf32>
          %mul3A_382 = arith.mulf %mul3A_381, %div3A : vector<16xf32>
          %mul3A_383 = arith.mulf %mul3A_382, %add3A_376 : vector<16xf32>
          %add3A_384 = arith.addf %mul3A_379, %mul3A_383 : vector<16xf32>
          %jit3A_385 = arith.constant 0.000000e+00 : f32
          %broadcast_in_dim3A_386 = vector.broadcast %jit3A_385 : f32 to vector<16xf32>
          %select_n3A_387 = arith.select %lt3A_319, %add3A_384, %broadcast_in_dim3A_386 : vector<16xi1>, vector<16xf32>
          %add3A_388 = arith.addf %while3A_306, %select_n3A_387 : vector<16xf32>
          scf.yield %add3A_388 : vector<16xf32>
        }
        %while3A_303 = arith.constant 1 : i32
        %while3A_304 = scf.for %while3A_305 = %while3A_300 to %while3A_296 step %while3A_303 iter_args(%while3A_306 = %while3A_302) -> (vector<16xf32>)  : i32 {
          %mul3A_307 = arith.constant 16 : i32
          %mul3A_308 = arith.muli %while3A_305, %mul3A_307 : i32
          %add3A_309 = arith.addi %multiple_of3A, %mul3A_308 : i32
          %get3A = arith.index_cast %add3A_309 : i32 to index
          %get3A_310 = tpu.vector_load %arg7[%get3A] {strides = array<i32>} : memref<4096xi32, #tpu.memory_space<vmem>>, vector<16xi32>,
          %mul3A_311 = arith.constant 16 : i32
          %mul3A_312 = arith.muli %while3A_305, %mul3A_311 : i32
          %add3A_313 = vector.broadcast %mul3A_312 : i32 to vector<16xi32>
          %add3A_314 = arith.addi %add3A_313, %iota3A : vector<16xi32>
          %gather3A = tpu.vector_load_idx %arg8[%add3A_314, %get3A_310] : memref<128x128xf32, #tpu.memory_space<vmem>>[vector<16xi32>, vector<16xi32>], vector<16xf32>,
          %mul3A_315 = arith.constant 128 : i32
          %mul3A_316 = arith.muli %and3A_266, %mul3A_315 : i32
          %add3A_317 = vector.broadcast %mul3A_316 : i32 to vector<16xi32>
          %add3A_318 = arith.addi %add3A_317, %add3A_314 : vector<16xi32>
          %lt3A = vector.broadcast %reduce_sum3A_285 : i32 to vector<16xi32>
          %lt3A_319 = arith.cmpi slt, %add3A_318, %lt3A : vector<16xi32>
          %add3A_320 = arith.constant 1.000000e-07 : f32
          %add3A_321 = vector.broadcast %add3A_320 : f32 to vector<16xf32>
          %add3A_322 = arith.addf %gather3A, %add3A_321 : vector<16xf32>
          %bitcast_convert_type3A = tpu.bitcast %add3A_322 : vector<16xf32> -> vector<16xi32>
          %shift_right_arithmetic3A_323 = arith.constant 23 : i32
          %shift_right_arithmetic3A_324 = vector.broadcast %shift_right_arithmetic3A_323 : i32 to vector<16xi32>
          %shift_right_arithmetic3A_325 = arith.shrsi %bitcast_convert_type3A, %shift_right_arithmetic3A_324 : vector<16xi32>
          %and3A_326 = arith.constant 255 : i32
          %and3A_327 = vector.broadcast %and3A_326 : i32 to vector<16xi32>
          %and3A_328 = arith.andi %shift_right_arithmetic3A_325, %and3A_327 : vector<16xi32>
          %sub3A_329 = arith.constant 127 : i32
          %sub3A_330 = vector.broadcast %sub3A_329 : i32 to vector<16xi32>
          %sub3A_331 = arith.subi %and3A_328, %sub3A_330 : vector<16xi32>
          %and3A_332 = arith.constant 8388607 : i32
          %and3A_333 = vector.broadcast %and3A_332 : i32 to vector<16xi32>
          %and3A_334 = arith.andi %bitcast_convert_type3A, %and3A_333 : vector<16xi32>
          %or3A = arith.constant 1065353216 : i32
          %or3A_335 = vector.broadcast %or3A : i32 to vector<16xi32>
          %or3A_336 = arith.ori %and3A_334, %or3A_335 : vector<16xi32>
          %bitcast_convert_type3A_337 = tpu.bitcast %or3A_336 : vector<16xi32> -> vector<16xf32>
          %gt3A_338 = arith.constant 1.41421354 : f32
          %gt3A_339 = vector.broadcast %gt3A_338 : f32 to vector<16xf32>
          %gt3A_340 = arith.cmpf ogt, %bitcast_convert_type3A_337, %gt3A_339 : vector<16xf32>
          %mul3A_341 = arith.constant 5.000000e-01 : f32
          %mul3A_342 = vector.broadcast %mul3A_341 : f32 to vector<16xf32>
          %mul3A_343 = arith.mulf %bitcast_convert_type3A_337, %mul3A_342 : vector<16xf32>
          %select_n3A_344 = arith.select %gt3A_340, %mul3A_343, %bitcast_convert_type3A_337 : vector<16xi1>, vector<16xf32>
          %jit3A_345 = arith.constant 1 : i32
          %jit3A_346 = arith.constant 0 : i32
          %broadcast_in_dim3A_347 = vector.broadcast %jit3A_345 : i32 to vector<16xi32>
          %broadcast_in_dim3A_348 = vector.broadcast %jit3A_346 : i32 to vector<16xi32>
          %select_n3A_349 = arith.select %gt3A_340, %broadcast_in_dim3A_347, %broadcast_in_dim3A_348 : vector<16xi1>, vector<16xi32>
          %add3A_350 = arith.addi %sub3A_331, %select_n3A_349 : vector<16xi32>
          %convert_element_type3A_351 = arith.sitofp %add3A_350 : vector<16xi32> to vector<16xf32>
          %sub3A_352 = arith.constant 1.000000e+00 : f32
          %sub3A_353 = vector.broadcast %sub3A_352 : f32 to vector<16xf32>
          %sub3A_354 = arith.subf %select_n3A_344, %sub3A_353 : vector<16xf32>
          %add3A_355 = arith.constant 1.000000e+00 : f32
          %add3A_356 = vector.broadcast %add3A_355 : f32 to vector<16xf32>
          %add3A_357 = arith.addf %select_n3A_344, %add3A_356 : vector<16xf32>
          %div3A = arith.divf %sub3A_354, %add3A_357 : vector<16xf32>
          %mul3A_358 = arith.mulf %div3A, %div3A : vector<16xf32>
          %mul3A_359 = arith.constant 0.111111112 : f32
          %mul3A_360 = vector.broadcast %mul3A_359 : f32 to vector<16xf32>
          %mul3A_361 = arith.mulf %mul3A_358, %mul3A_360 : vector<16xf32>
          %add3A_362 = arith.constant 0.142857149 : f32
          %add3A_363 = vector.broadcast %add3A_362 : f32 to vector<16xf32>
          %add3A_364 = arith.addf %add3A_363, %mul3A_361 : vector<16xf32>
          %mul3A_365 = arith.mulf %mul3A_358, %add3A_364 : vector<16xf32>
          %add3A_366 = arith.constant 2.000000e-01 : f32
          %add3A_367 = vector.broadcast %add3A_366 : f32 to vector<16xf32>
          %add3A_368 = arith.addf %add3A_367, %mul3A_365 : vector<16xf32>
          %mul3A_369 = arith.mulf %mul3A_358, %add3A_368 : vector<16xf32>
          %add3A_370 = arith.constant 0.333333343 : f32
          %add3A_371 = vector.broadcast %add3A_370 : f32 to vector<16xf32>
          %add3A_372 = arith.addf %add3A_371, %mul3A_369 : vector<16xf32>
          %mul3A_373 = arith.mulf %mul3A_358, %add3A_372 : vector<16xf32>
          %add3A_374 = arith.constant 1.000000e+00 : f32
          %add3A_375 = vector.broadcast %add3A_374 : f32 to vector<16xf32>
          %add3A_376 = arith.addf %add3A_375, %mul3A_373 : vector<16xf32>
          %mul3A_377 = arith.constant 0.693147182 : f32
          %mul3A_378 = vector.broadcast %mul3A_377 : f32 to vector<16xf32>
          %mul3A_379 = arith.mulf %convert_element_type3A_351, %mul3A_378 : vector<16xf32>
          %mul3A_380 = arith.constant 2.000000e+00 : f32
          %mul3A_381 = vector.broadcast %mul3A_380 : f32 to vector<16xf32>
          %mul3A_382 = arith.mulf %mul3A_381, %div3A : vector<16xf32>
          %mul3A_383 = arith.mulf %mul3A_382, %add3A_376 : vector<16xf32>
          %add3A_384 = arith.addf %mul3A_379, %mul3A_383 : vector<16xf32>
          %jit3A_385 = arith.constant 0.000000e+00 : f32
          %broadcast_in_dim3A_386 = vector.broadcast %jit3A_385 : f32 to vector<16xf32>
          %select_n3A_387 = arith.select %lt3A_319, %add3A_384, %broadcast_in_dim3A_386 : vector<16xi1>, vector<16xf32>
          %add3A_388 = arith.addf %while3A_306, %select_n3A_387 : vector<16xf32>
          scf.yield %add3A_388 : vector<16xf32>
        }
        scf.yield %while3A_304 : vector<16xf32>
      } else {
        scf.yield %while3A_216 : vector<16xf32>
      }
      %convert_element_type3A_259 = arith.extui %gt3A_250 : i1 to i32
      %cond3A_260 = arith.constant 0 : i32
      %cond3A_261 = arith.cmpi ne, %convert_element_type3A_259, %cond3A_260 : i32
      %cond3A_262 = scf.if %cond3A_261 -> (vector<16xf32>) {
        %shift_right_arithmetic3A_263 = arith.constant 2 : i32
        %shift_right_arithmetic3A_264 = arith.shrsi %add3A_222, %shift_right_arithmetic3A_263 : i32
        %and3A_265 = arith.constant 3 : i32
        %and3A_266 = arith.andi %add3A_222, %and3A_265 : i32
        %mul3A_267 = arith.constant 512 : i32
        %mul3A_268 = arith.muli %shift_right_arithmetic3A_264, %mul3A_267 : i32
        %mul3A_269 = arith.constant 128 : i32
        %mul3A_270 = arith.muli %and3A_266, %mul3A_269 : i32
        %add3A_271 = arith.addi %mul3A_268, %mul3A_270 : i32
        %multiple_of3A = tpu.assume_multiple %add3A_271, 128 : i32
        %mul3A_272 = arith.constant 128 : i32
        %mul3A_273 = arith.muli %shift_right_arithmetic3A_264, %mul3A_272 : i32
        %multiple_of3A_274 = tpu.assume_multiple %mul3A_273, 128 : i32
        %dma_wait3A = tpu.memref_slice %arg6[%multiple_of3A] : memref<4096xi32, #tpu.memory_space<vmem>> -> memref<128xi32, #tpu.memory_space<vmem>>
        %dma_wait3A_275 = arith.constant 0 : i32
        %dma_wait3A_276 = tpu.memref_slice %arg2[%dma_wait3A_275, %multiple_of3A_274] : memref<16384x1000xf32, #tpu.memory_space<hbm>> -> memref<16384x128xf32, #tpu.memory_space<hbm>>
        tpu.wait_indirect_dma semaphore(%arg13 : memref<!tpu.dma_semaphore, #tpu.memory_space<semaphore_mem>>) src(%dma_wait3A_276 : memref<16384x128xf32, #tpu.memory_space<hbm>>) dst(%arg9 : memref<128x128xf32, #tpu.memory_space<vmem>>)
        %eq3A_277 = vector.broadcast %shift_right_arithmetic3A_264 : i32 to vector<16xi32>
        %eq3A_278 = arith.cmpi eq, %iota3A, %eq3A_277 : vector<16xi32>
        %jit3A_279 = arith.constant 0 : i32
        %broadcast_in_dim3A_280 = vector.broadcast %jit3A_279 : i32 to vector<16xi32>
        %select_n3A_281 = arith.select %eq3A_278, %select_n3A_171, %broadcast_in_dim3A_280 : vector<16xi1>, vector<16xi32>
        %reduce_sum3A_282 = arith.constant true
        %reduce_sum3A_283 = vector.broadcast %reduce_sum3A_282 : i1 to vector<16xi1>
        %reduce_sum3A_284 = tpu.scan <sum>, %select_n3A_281 masked %reduce_sum3A_283 : vector<16xi32>, vector<16xi1> -> vector<16xi32>
        %reduce_sum3A_285 = vector.extract %reduce_sum3A_284[15] : i32 from vector<16xi32>
        %mul3A_286 = arith.constant 128 : i32
        %mul3A_287 = arith.muli %and3A_266, %mul3A_286 : i32
        %sub3A_288 = arith.subi %reduce_sum3A_285, %mul3A_287 : i32
        %min3A = arith.constant 128 : i32
        %min3A_289 = arith.minsi %min3A, %sub3A_288 : i32
        %add3A_290 = arith.constant 15 : i32
        %add3A_291 = arith.addi %min3A_289, %add3A_290 : i32
        %shift_right_arithmetic3A_292 = arith.constant 4 : i32
        %shift_right_arithmetic3A_293 = arith.shrsi %add3A_291, %shift_right_arithmetic3A_292 : i32
        %while3A_294 = arith.constant 0 : i32
        %while3A_295 = arith.subi %shift_right_arithmetic3A_293, %while3A_294 : i32
        %while3A_296 = arith.addi %while3A_294, %while3A_295 : i32
        %while3A_297 = arith.constant 1 : i32
        %while3A_298 = arith.divsi %while3A_295, %while3A_297 : i32
        %while3A_299 = arith.muli %while3A_298, %while3A_297 : i32
        %while3A_300 = arith.addi %while3A_294, %while3A_299 : i32
        %while3A_301 = arith.constant 1 : i32
        %while3A_302 = scf.for %while3A_305 = %while3A_294 to %while3A_300 step %while3A_301 iter_args(%while3A_306 = %cond3A_258) -> (vector<16xf32>)  : i32 {
          %mul3A_307 = arith.constant 16 : i32
          %mul3A_308 = arith.muli %while3A_305, %mul3A_307 : i32
          %add3A_309 = arith.addi %multiple_of3A, %mul3A_308 : i32
          %get3A = arith.index_cast %add3A_309 : i32 to index
          %get3A_310 = tpu.vector_load %arg7[%get3A] {strides = array<i32>} : memref<4096xi32, #tpu.memory_space<vmem>>, vector<16xi32>,
          %mul3A_311 = arith.constant 16 : i32
          %mul3A_312 = arith.muli %while3A_305, %mul3A_311 : i32
          %add3A_313 = vector.broadcast %mul3A_312 : i32 to vector<16xi32>
          %add3A_314 = arith.addi %add3A_313, %iota3A : vector<16xi32>
          %gather3A = tpu.vector_load_idx %arg9[%add3A_314, %get3A_310] : memref<128x128xf32, #tpu.memory_space<vmem>>[vector<16xi32>, vector<16xi32>], vector<16xf32>,
          %mul3A_315 = arith.constant 128 : i32
          %mul3A_316 = arith.muli %and3A_266, %mul3A_315 : i32
          %add3A_317 = vector.broadcast %mul3A_316 : i32 to vector<16xi32>
          %add3A_318 = arith.addi %add3A_317, %add3A_314 : vector<16xi32>
          %lt3A = vector.broadcast %reduce_sum3A_285 : i32 to vector<16xi32>
          %lt3A_319 = arith.cmpi slt, %add3A_318, %lt3A : vector<16xi32>
          %add3A_320 = arith.constant 1.000000e-07 : f32
          %add3A_321 = vector.broadcast %add3A_320 : f32 to vector<16xf32>
          %add3A_322 = arith.addf %gather3A, %add3A_321 : vector<16xf32>
          %bitcast_convert_type3A = tpu.bitcast %add3A_322 : vector<16xf32> -> vector<16xi32>
          %shift_right_arithmetic3A_323 = arith.constant 23 : i32
          %shift_right_arithmetic3A_324 = vector.broadcast %shift_right_arithmetic3A_323 : i32 to vector<16xi32>
          %shift_right_arithmetic3A_325 = arith.shrsi %bitcast_convert_type3A, %shift_right_arithmetic3A_324 : vector<16xi32>
          %and3A_326 = arith.constant 255 : i32
          %and3A_327 = vector.broadcast %and3A_326 : i32 to vector<16xi32>
          %and3A_328 = arith.andi %shift_right_arithmetic3A_325, %and3A_327 : vector<16xi32>
          %sub3A_329 = arith.constant 127 : i32
          %sub3A_330 = vector.broadcast %sub3A_329 : i32 to vector<16xi32>
          %sub3A_331 = arith.subi %and3A_328, %sub3A_330 : vector<16xi32>
          %and3A_332 = arith.constant 8388607 : i32
          %and3A_333 = vector.broadcast %and3A_332 : i32 to vector<16xi32>
          %and3A_334 = arith.andi %bitcast_convert_type3A, %and3A_333 : vector<16xi32>
          %or3A = arith.constant 1065353216 : i32
          %or3A_335 = vector.broadcast %or3A : i32 to vector<16xi32>
          %or3A_336 = arith.ori %and3A_334, %or3A_335 : vector<16xi32>
          %bitcast_convert_type3A_337 = tpu.bitcast %or3A_336 : vector<16xi32> -> vector<16xf32>
          %gt3A_338 = arith.constant 1.41421354 : f32
          %gt3A_339 = vector.broadcast %gt3A_338 : f32 to vector<16xf32>
          %gt3A_340 = arith.cmpf ogt, %bitcast_convert_type3A_337, %gt3A_339 : vector<16xf32>
          %mul3A_341 = arith.constant 5.000000e-01 : f32
          %mul3A_342 = vector.broadcast %mul3A_341 : f32 to vector<16xf32>
          %mul3A_343 = arith.mulf %bitcast_convert_type3A_337, %mul3A_342 : vector<16xf32>
          %select_n3A_344 = arith.select %gt3A_340, %mul3A_343, %bitcast_convert_type3A_337 : vector<16xi1>, vector<16xf32>
          %jit3A_345 = arith.constant 1 : i32
          %jit3A_346 = arith.constant 0 : i32
          %broadcast_in_dim3A_347 = vector.broadcast %jit3A_345 : i32 to vector<16xi32>
          %broadcast_in_dim3A_348 = vector.broadcast %jit3A_346 : i32 to vector<16xi32>
          %select_n3A_349 = arith.select %gt3A_340, %broadcast_in_dim3A_347, %broadcast_in_dim3A_348 : vector<16xi1>, vector<16xi32>
          %add3A_350 = arith.addi %sub3A_331, %select_n3A_349 : vector<16xi32>
          %convert_element_type3A_351 = arith.sitofp %add3A_350 : vector<16xi32> to vector<16xf32>
          %sub3A_352 = arith.constant 1.000000e+00 : f32
          %sub3A_353 = vector.broadcast %sub3A_352 : f32 to vector<16xf32>
          %sub3A_354 = arith.subf %select_n3A_344, %sub3A_353 : vector<16xf32>
          %add3A_355 = arith.constant 1.000000e+00 : f32
          %add3A_356 = vector.broadcast %add3A_355 : f32 to vector<16xf32>
          %add3A_357 = arith.addf %select_n3A_344, %add3A_356 : vector<16xf32>
          %div3A = arith.divf %sub3A_354, %add3A_357 : vector<16xf32>
          %mul3A_358 = arith.mulf %div3A, %div3A : vector<16xf32>
          %mul3A_359 = arith.constant 0.111111112 : f32
          %mul3A_360 = vector.broadcast %mul3A_359 : f32 to vector<16xf32>
          %mul3A_361 = arith.mulf %mul3A_358, %mul3A_360 : vector<16xf32>
          %add3A_362 = arith.constant 0.142857149 : f32
          %add3A_363 = vector.broadcast %add3A_362 : f32 to vector<16xf32>
          %add3A_364 = arith.addf %add3A_363, %mul3A_361 : vector<16xf32>
          %mul3A_365 = arith.mulf %mul3A_358, %add3A_364 : vector<16xf32>
          %add3A_366 = arith.constant 2.000000e-01 : f32
          %add3A_367 = vector.broadcast %add3A_366 : f32 to vector<16xf32>
          %add3A_368 = arith.addf %add3A_367, %mul3A_365 : vector<16xf32>
          %mul3A_369 = arith.mulf %mul3A_358, %add3A_368 : vector<16xf32>
          %add3A_370 = arith.constant 0.333333343 : f32
          %add3A_371 = vector.broadcast %add3A_370 : f32 to vector<16xf32>
          %add3A_372 = arith.addf %add3A_371, %mul3A_369 : vector<16xf32>
          %mul3A_373 = arith.mulf %mul3A_358, %add3A_372 : vector<16xf32>
          %add3A_374 = arith.constant 1.000000e+00 : f32
          %add3A_375 = vector.broadcast %add3A_374 : f32 to vector<16xf32>
          %add3A_376 = arith.addf %add3A_375, %mul3A_373 : vector<16xf32>
          %mul3A_377 = arith.constant 0.693147182 : f32
          %mul3A_378 = vector.broadcast %mul3A_377 : f32 to vector<16xf32>
          %mul3A_379 = arith.mulf %convert_element_type3A_351, %mul3A_378 : vector<16xf32>
          %mul3A_380 = arith.constant 2.000000e+00 : f32
          %mul3A_381 = vector.broadcast %mul3A_380 : f32 to vector<16xf32>
          %mul3A_382 = arith.mulf %mul3A_381, %div3A : vector<16xf32>
          %mul3A_383 = arith.mulf %mul3A_382, %add3A_376 : vector<16xf32>
          %add3A_384 = arith.addf %mul3A_379, %mul3A_383 : vector<16xf32>
          %jit3A_385 = arith.constant 0.000000e+00 : f32
          %broadcast_in_dim3A_386 = vector.broadcast %jit3A_385 : f32 to vector<16xf32>
          %select_n3A_387 = arith.select %lt3A_319, %add3A_384, %broadcast_in_dim3A_386 : vector<16xi1>, vector<16xf32>
          %add3A_388 = arith.addf %while3A_306, %select_n3A_387 : vector<16xf32>
          scf.yield %add3A_388 : vector<16xf32>
        }
        %while3A_303 = arith.constant 1 : i32
        %while3A_304 = scf.for %while3A_305 = %while3A_300 to %while3A_296 step %while3A_303 iter_args(%while3A_306 = %while3A_302) -> (vector<16xf32>)  : i32 {
          %mul3A_307 = arith.constant 16 : i32
          %mul3A_308 = arith.muli %while3A_305, %mul3A_307 : i32
          %add3A_309 = arith.addi %multiple_of3A, %mul3A_308 : i32
          %get3A = arith.index_cast %add3A_309 : i32 to index
          %get3A_310 = tpu.vector_load %arg7[%get3A] {strides = array<i32>} : memref<4096xi32, #tpu.memory_space<vmem>>, vector<16xi32>,
          %mul3A_311 = arith.constant 16 : i32
          %mul3A_312 = arith.muli %while3A_305, %mul3A_311 : i32
          %add3A_313 = vector.broadcast %mul3A_312 : i32 to vector<16xi32>
          %add3A_314 = arith.addi %add3A_313, %iota3A : vector<16xi32>
          %gather3A = tpu.vector_load_idx %arg9[%add3A_314, %get3A_310] : memref<128x128xf32, #tpu.memory_space<vmem>>[vector<16xi32>, vector<16xi32>], vector<16xf32>,
          %mul3A_315 = arith.constant 128 : i32
          %mul3A_316 = arith.muli %and3A_266, %mul3A_315 : i32
          %add3A_317 = vector.broadcast %mul3A_316 : i32 to vector<16xi32>
          %add3A_318 = arith.addi %add3A_317, %add3A_314 : vector<16xi32>
          %lt3A = vector.broadcast %reduce_sum3A_285 : i32 to vector<16xi32>
          %lt3A_319 = arith.cmpi slt, %add3A_318, %lt3A : vector<16xi32>
          %add3A_320 = arith.constant 1.000000e-07 : f32
          %add3A_321 = vector.broadcast %add3A_320 : f32 to vector<16xf32>
          %add3A_322 = arith.addf %gather3A, %add3A_321 : vector<16xf32>
          %bitcast_convert_type3A = tpu.bitcast %add3A_322 : vector<16xf32> -> vector<16xi32>
          %shift_right_arithmetic3A_323 = arith.constant 23 : i32
          %shift_right_arithmetic3A_324 = vector.broadcast %shift_right_arithmetic3A_323 : i32 to vector<16xi32>
          %shift_right_arithmetic3A_325 = arith.shrsi %bitcast_convert_type3A, %shift_right_arithmetic3A_324 : vector<16xi32>
          %and3A_326 = arith.constant 255 : i32
          %and3A_327 = vector.broadcast %and3A_326 : i32 to vector<16xi32>
          %and3A_328 = arith.andi %shift_right_arithmetic3A_325, %and3A_327 : vector<16xi32>
          %sub3A_329 = arith.constant 127 : i32
          %sub3A_330 = vector.broadcast %sub3A_329 : i32 to vector<16xi32>
          %sub3A_331 = arith.subi %and3A_328, %sub3A_330 : vector<16xi32>
          %and3A_332 = arith.constant 8388607 : i32
          %and3A_333 = vector.broadcast %and3A_332 : i32 to vector<16xi32>
          %and3A_334 = arith.andi %bitcast_convert_type3A, %and3A_333 : vector<16xi32>
          %or3A = arith.constant 1065353216 : i32
          %or3A_335 = vector.broadcast %or3A : i32 to vector<16xi32>
          %or3A_336 = arith.ori %and3A_334, %or3A_335 : vector<16xi32>
          %bitcast_convert_type3A_337 = tpu.bitcast %or3A_336 : vector<16xi32> -> vector<16xf32>
          %gt3A_338 = arith.constant 1.41421354 : f32
          %gt3A_339 = vector.broadcast %gt3A_338 : f32 to vector<16xf32>
          %gt3A_340 = arith.cmpf ogt, %bitcast_convert_type3A_337, %gt3A_339 : vector<16xf32>
          %mul3A_341 = arith.constant 5.000000e-01 : f32
          %mul3A_342 = vector.broadcast %mul3A_341 : f32 to vector<16xf32>
          %mul3A_343 = arith.mulf %bitcast_convert_type3A_337, %mul3A_342 : vector<16xf32>
          %select_n3A_344 = arith.select %gt3A_340, %mul3A_343, %bitcast_convert_type3A_337 : vector<16xi1>, vector<16xf32>
          %jit3A_345 = arith.constant 1 : i32
          %jit3A_346 = arith.constant 0 : i32
          %broadcast_in_dim3A_347 = vector.broadcast %jit3A_345 : i32 to vector<16xi32>
          %broadcast_in_dim3A_348 = vector.broadcast %jit3A_346 : i32 to vector<16xi32>
          %select_n3A_349 = arith.select %gt3A_340, %broadcast_in_dim3A_347, %broadcast_in_dim3A_348 : vector<16xi1>, vector<16xi32>
          %add3A_350 = arith.addi %sub3A_331, %select_n3A_349 : vector<16xi32>
          %convert_element_type3A_351 = arith.sitofp %add3A_350 : vector<16xi32> to vector<16xf32>
          %sub3A_352 = arith.constant 1.000000e+00 : f32
          %sub3A_353 = vector.broadcast %sub3A_352 : f32 to vector<16xf32>
          %sub3A_354 = arith.subf %select_n3A_344, %sub3A_353 : vector<16xf32>
          %add3A_355 = arith.constant 1.000000e+00 : f32
          %add3A_356 = vector.broadcast %add3A_355 : f32 to vector<16xf32>
          %add3A_357 = arith.addf %select_n3A_344, %add3A_356 : vector<16xf32>
          %div3A = arith.divf %sub3A_354, %add3A_357 : vector<16xf32>
          %mul3A_358 = arith.mulf %div3A, %div3A : vector<16xf32>
          %mul3A_359 = arith.constant 0.111111112 : f32
          %mul3A_360 = vector.broadcast %mul3A_359 : f32 to vector<16xf32>
          %mul3A_361 = arith.mulf %mul3A_358, %mul3A_360 : vector<16xf32>
          %add3A_362 = arith.constant 0.142857149 : f32
          %add3A_363 = vector.broadcast %add3A_362 : f32 to vector<16xf32>
          %add3A_364 = arith.addf %add3A_363, %mul3A_361 : vector<16xf32>
          %mul3A_365 = arith.mulf %mul3A_358, %add3A_364 : vector<16xf32>
          %add3A_366 = arith.constant 2.000000e-01 : f32
          %add3A_367 = vector.broadcast %add3A_366 : f32 to vector<16xf32>
          %add3A_368 = arith.addf %add3A_367, %mul3A_365 : vector<16xf32>
          %mul3A_369 = arith.mulf %mul3A_358, %add3A_368 : vector<16xf32>
          %add3A_370 = arith.constant 0.333333343 : f32
          %add3A_371 = vector.broadcast %add3A_370 : f32 to vector<16xf32>
          %add3A_372 = arith.addf %add3A_371, %mul3A_369 : vector<16xf32>
          %mul3A_373 = arith.mulf %mul3A_358, %add3A_372 : vector<16xf32>
          %add3A_374 = arith.constant 1.000000e+00 : f32
          %add3A_375 = vector.broadcast %add3A_374 : f32 to vector<16xf32>
          %add3A_376 = arith.addf %add3A_375, %mul3A_373 : vector<16xf32>
          %mul3A_377 = arith.constant 0.693147182 : f32
          %mul3A_378 = vector.broadcast %mul3A_377 : f32 to vector<16xf32>
          %mul3A_379 = arith.mulf %convert_element_type3A_351, %mul3A_378 : vector<16xf32>
          %mul3A_380 = arith.constant 2.000000e+00 : f32
          %mul3A_381 = vector.broadcast %mul3A_380 : f32 to vector<16xf32>
          %mul3A_382 = arith.mulf %mul3A_381, %div3A : vector<16xf32>
          %mul3A_383 = arith.mulf %mul3A_382, %add3A_376 : vector<16xf32>
          %add3A_384 = arith.addf %mul3A_379, %mul3A_383 : vector<16xf32>
          %jit3A_385 = arith.constant 0.000000e+00 : f32
          %broadcast_in_dim3A_386 = vector.broadcast %jit3A_385 : f32 to vector<16xf32>
          %select_n3A_387 = arith.select %lt3A_319, %add3A_384, %broadcast_in_dim3A_386 : vector<16xi1>, vector<16xf32>
          %add3A_388 = arith.addf %while3A_306, %select_n3A_387 : vector<16xf32>
          scf.yield %add3A_388 : vector<16xf32>
        }
        scf.yield %while3A_304 : vector<16xf32>
      } else {
        scf.yield %cond3A_258 : vector<16xf32>
      }
      scf.yield %cond3A_262 : vector<16xf32>
    }
    %while3A_187 = arith.constant 0 : i32
    %while3A_188 = arith.constant 0 : i32
    %while3A_189 = arith.subi %sub3A_124, %while3A_187 : i32
    %while3A_190 = arith.addi %while3A_187, %while3A_189 : i32
    %while3A_191 = arith.constant 1 : i32
    %while3A_192 = arith.divsi %while3A_189, %while3A_191 : i32
    %while3A_193 = arith.muli %while3A_192, %while3A_191 : i32
    %while3A_194 = arith.addi %while3A_187, %while3A_193 : i32
    %while3A_195 = arith.constant 1 : i32
    %while3A_196 = scf.for %while3A_215 = %while3A_187 to %while3A_194 step %while3A_195 iter_args(%while3A_216 = %while3A_188) -> (i32)  : i32 {
      %dma_wait3A = arith.constant 0 : i32
      %dma_wait3A_217 = arith.constant 0 : i32
      %dma_wait3A_218 = tpu.memref_slice %arg10[%while3A_215, %dma_wait3A_217] : memref<512x104xf32, #tpu.memory_space<vmem>> -> memref<1x104xf32, #tpu.memory_space<vmem>>
      %dma_wait3A_219 = tpu.memref_squeeze %dma_wait3A_218 : memref<1x104xf32, #tpu.memory_space<vmem>> -> memref<104xf32, #tpu.memory_space<vmem>>
      %dma_wait3A_220 = arith.constant 896 : i32
      %dma_wait3A_221 = tpu.memref_slice %arg2[%dma_wait3A, %dma_wait3A_220] : memref<16384x1000xf32, #tpu.memory_space<hbm>> -> memref<1x104xf32, #tpu.memory_space<hbm>>
      %dma_wait3A_222 = tpu.memref_squeeze %dma_wait3A_221 : memref<1x104xf32, #tpu.memory_space<hbm>> -> memref<104xf32, #tpu.memory_space<hbm>>
      %dma_wait3A_223 = arith.constant 0 : i32
      %dma_wait3A_224 = tpu.memref_slice %arg10[%while3A_215, %dma_wait3A_223] : memref<512x104xf32, #tpu.memory_space<vmem>> -> memref<1x104xf32, #tpu.memory_space<vmem>>
      %dma_wait3A_225 = tpu.memref_squeeze %dma_wait3A_224 : memref<1x104xf32, #tpu.memory_space<vmem>> -> memref<104xf32, #tpu.memory_space<vmem>>
      %dma_wait3A_226 = arith.constant 896 : i32
      %dma_wait3A_227 = tpu.memref_slice %arg2[%dma_wait3A, %dma_wait3A_226] : memref<16384x1000xf32, #tpu.memory_space<hbm>> -> memref<1x104xf32, #tpu.memory_space<hbm>>
      %dma_wait3A_228 = tpu.memref_squeeze %dma_wait3A_227 : memref<1x104xf32, #tpu.memory_space<hbm>> -> memref<104xf32, #tpu.memory_space<hbm>>
      tpu.wait_dma2 semaphore(%arg14 : memref<!tpu.dma_semaphore, #tpu.memory_space<semaphore_mem>>) src(%dma_wait3A_228 : memref<104xf32, #tpu.memory_space<hbm>>) dst(%dma_wait3A_225 : memref<104xf32, #tpu.memory_space<vmem>>)
      %while3A_229 = arith.constant 0 : i32
      scf.yield %while3A_229 : i32
    }
    %while3A_197 = arith.constant 1 : i32
    %while3A_198 = scf.for %while3A_215 = %while3A_194 to %while3A_190 step %while3A_197 iter_args(%while3A_216 = %while3A_196) -> (i32)  : i32 {
      %dma_wait3A = arith.constant 0 : i32
      %dma_wait3A_217 = arith.constant 0 : i32
      %dma_wait3A_218 = tpu.memref_slice %arg10[%while3A_215, %dma_wait3A_217] : memref<512x104xf32, #tpu.memory_space<vmem>> -> memref<1x104xf32, #tpu.memory_space<vmem>>
      %dma_wait3A_219 = tpu.memref_squeeze %dma_wait3A_218 : memref<1x104xf32, #tpu.memory_space<vmem>> -> memref<104xf32, #tpu.memory_space<vmem>>
      %dma_wait3A_220 = arith.constant 896 : i32
      %dma_wait3A_221 = tpu.memref_slice %arg2[%dma_wait3A, %dma_wait3A_220] : memref<16384x1000xf32, #tpu.memory_space<hbm>> -> memref<1x104xf32, #tpu.memory_space<hbm>>
      %dma_wait3A_222 = tpu.memref_squeeze %dma_wait3A_221 : memref<1x104xf32, #tpu.memory_space<hbm>> -> memref<104xf32, #tpu.memory_space<hbm>>
      %dma_wait3A_223 = arith.constant 0 : i32
      %dma_wait3A_224 = tpu.memref_slice %arg10[%while3A_215, %dma_wait3A_223] : memref<512x104xf32, #tpu.memory_space<vmem>> -> memref<1x104xf32, #tpu.memory_space<vmem>>
      %dma_wait3A_225 = tpu.memref_squeeze %dma_wait3A_224 : memref<1x104xf32, #tpu.memory_space<vmem>> -> memref<104xf32, #tpu.memory_space<vmem>>
      %dma_wait3A_226 = arith.constant 896 : i32
      %dma_wait3A_227 = tpu.memref_slice %arg2[%dma_wait3A, %dma_wait3A_226] : memref<16384x1000xf32, #tpu.memory_space<hbm>> -> memref<1x104xf32, #tpu.memory_space<hbm>>
      %dma_wait3A_228 = tpu.memref_squeeze %dma_wait3A_227 : memref<1x104xf32, #tpu.memory_space<hbm>> -> memref<104xf32, #tpu.memory_space<hbm>>
      tpu.wait_dma2 semaphore(%arg14 : memref<!tpu.dma_semaphore, #tpu.memory_space<semaphore_mem>>) src(%dma_wait3A_228 : memref<104xf32, #tpu.memory_space<hbm>>) dst(%dma_wait3A_225 : memref<104xf32, #tpu.memory_space<vmem>>)
      %while3A_229 = arith.constant 0 : i32
      scf.yield %while3A_229 : i32
    }
    %add3A_199 = arith.constant 15 : i32
    %add3A_200 = arith.addi %sub3A_124, %add3A_199 : i32
    %shift_right_arithmetic3A_201 = arith.constant 4 : i32
    %shift_right_arithmetic3A_202 = arith.shrsi %add3A_200, %shift_right_arithmetic3A_201 : i32
    %while3A_203 = arith.constant 0 : i32
    %while3A_204 = arith.subi %shift_right_arithmetic3A_202, %while3A_203 : i32
    %while3A_205 = arith.addi %while3A_203, %while3A_204 : i32
    %while3A_206 = arith.constant 1 : i32
    %while3A_207 = arith.divsi %while3A_204, %while3A_206 : i32
    %while3A_208 = arith.muli %while3A_207, %while3A_206 : i32
    %while3A_209 = arith.addi %while3A_203, %while3A_208 : i32
    %while3A_210 = arith.constant 1 : i32
    %while3A_211 = scf.for %while3A_215 = %while3A_203 to %while3A_209 step %while3A_210 iter_args(%while3A_216 = %while3A_186) -> (vector<16xf32>)  : i32 {
      %mul3A_217 = arith.constant 16 : i32
      %mul3A_218 = arith.muli %while3A_215, %mul3A_217 : i32
      %add3A_219 = arith.constant 3584 : i32
      %add3A_220 = arith.addi %add3A_219, %mul3A_218 : i32
      %get3A = arith.index_cast %add3A_220 : i32 to index
      %get3A_221 = tpu.vector_load %arg7[%get3A] {strides = array<i32>} : memref<4096xi32, #tpu.memory_space<vmem>>, vector<16xi32>,
      %mul3A_222 = arith.constant 16 : i32
      %mul3A_223 = arith.muli %while3A_215, %mul3A_222 : i32
      %add3A_224 = vector.broadcast %mul3A_223 : i32 to vector<16xi32>
      %add3A_225 = arith.addi %add3A_224, %iota3A : vector<16xi32>
      %gather3A = tpu.vector_load_idx %arg10[%add3A_225, %get3A_221] : memref<512x104xf32, #tpu.memory_space<vmem>>[vector<16xi32>, vector<16xi32>], vector<16xf32>,
      %lt3A = vector.broadcast %sub3A_124 : i32 to vector<16xi32>
      %lt3A_226 = arith.cmpi slt, %add3A_225, %lt3A : vector<16xi32>
      %add3A_227 = arith.constant 1.000000e-07 : f32
      %add3A_228 = vector.broadcast %add3A_227 : f32 to vector<16xf32>
      %add3A_229 = arith.addf %gather3A, %add3A_228 : vector<16xf32>
      %bitcast_convert_type3A = tpu.bitcast %add3A_229 : vector<16xf32> -> vector<16xi32>
      %shift_right_arithmetic3A_230 = arith.constant 23 : i32
      %shift_right_arithmetic3A_231 = vector.broadcast %shift_right_arithmetic3A_230 : i32 to vector<16xi32>
      %shift_right_arithmetic3A_232 = arith.shrsi %bitcast_convert_type3A, %shift_right_arithmetic3A_231 : vector<16xi32>
      %and3A = arith.constant 255 : i32
      %and3A_233 = vector.broadcast %and3A : i32 to vector<16xi32>
      %and3A_234 = arith.andi %shift_right_arithmetic3A_232, %and3A_233 : vector<16xi32>
      %sub3A_235 = arith.constant 127 : i32
      %sub3A_236 = vector.broadcast %sub3A_235 : i32 to vector<16xi32>
      %sub3A_237 = arith.subi %and3A_234, %sub3A_236 : vector<16xi32>
      %and3A_238 = arith.constant 8388607 : i32
      %and3A_239 = vector.broadcast %and3A_238 : i32 to vector<16xi32>
      %and3A_240 = arith.andi %bitcast_convert_type3A, %and3A_239 : vector<16xi32>
      %or3A = arith.constant 1065353216 : i32
      %or3A_241 = vector.broadcast %or3A : i32 to vector<16xi32>
      %or3A_242 = arith.ori %and3A_240, %or3A_241 : vector<16xi32>
      %bitcast_convert_type3A_243 = tpu.bitcast %or3A_242 : vector<16xi32> -> vector<16xf32>
      %gt3A = arith.constant 1.41421354 : f32
      %gt3A_244 = vector.broadcast %gt3A : f32 to vector<16xf32>
      %gt3A_245 = arith.cmpf ogt, %bitcast_convert_type3A_243, %gt3A_244 : vector<16xf32>
      %mul3A_246 = arith.constant 5.000000e-01 : f32
      %mul3A_247 = vector.broadcast %mul3A_246 : f32 to vector<16xf32>
      %mul3A_248 = arith.mulf %bitcast_convert_type3A_243, %mul3A_247 : vector<16xf32>
      %select_n3A_249 = arith.select %gt3A_245, %mul3A_248, %bitcast_convert_type3A_243 : vector<16xi1>, vector<16xf32>
      %jit3A = arith.constant 1 : i32
      %jit3A_250 = arith.constant 0 : i32
      %broadcast_in_dim3A_251 = vector.broadcast %jit3A : i32 to vector<16xi32>
      %broadcast_in_dim3A_252 = vector.broadcast %jit3A_250 : i32 to vector<16xi32>
      %select_n3A_253 = arith.select %gt3A_245, %broadcast_in_dim3A_251, %broadcast_in_dim3A_252 : vector<16xi1>, vector<16xi32>
      %add3A_254 = arith.addi %sub3A_237, %select_n3A_253 : vector<16xi32>
      %convert_element_type3A = arith.sitofp %add3A_254 : vector<16xi32> to vector<16xf32>
      %sub3A_255 = arith.constant 1.000000e+00 : f32
      %sub3A_256 = vector.broadcast %sub3A_255 : f32 to vector<16xf32>
      %sub3A_257 = arith.subf %select_n3A_249, %sub3A_256 : vector<16xf32>
      %add3A_258 = arith.constant 1.000000e+00 : f32
      %add3A_259 = vector.broadcast %add3A_258 : f32 to vector<16xf32>
      %add3A_260 = arith.addf %select_n3A_249, %add3A_259 : vector<16xf32>
      %div3A = arith.divf %sub3A_257, %add3A_260 : vector<16xf32>
      %mul3A_261 = arith.mulf %div3A, %div3A : vector<16xf32>
      %mul3A_262 = arith.constant 0.111111112 : f32
      %mul3A_263 = vector.broadcast %mul3A_262 : f32 to vector<16xf32>
      %mul3A_264 = arith.mulf %mul3A_261, %mul3A_263 : vector<16xf32>
      %add3A_265 = arith.constant 0.142857149 : f32
      %add3A_266 = vector.broadcast %add3A_265 : f32 to vector<16xf32>
      %add3A_267 = arith.addf %add3A_266, %mul3A_264 : vector<16xf32>
      %mul3A_268 = arith.mulf %mul3A_261, %add3A_267 : vector<16xf32>
      %add3A_269 = arith.constant 2.000000e-01 : f32
      %add3A_270 = vector.broadcast %add3A_269 : f32 to vector<16xf32>
      %add3A_271 = arith.addf %add3A_270, %mul3A_268 : vector<16xf32>
      %mul3A_272 = arith.mulf %mul3A_261, %add3A_271 : vector<16xf32>
      %add3A_273 = arith.constant 0.333333343 : f32
      %add3A_274 = vector.broadcast %add3A_273 : f32 to vector<16xf32>
      %add3A_275 = arith.addf %add3A_274, %mul3A_272 : vector<16xf32>
      %mul3A_276 = arith.mulf %mul3A_261, %add3A_275 : vector<16xf32>
      %add3A_277 = arith.constant 1.000000e+00 : f32
      %add3A_278 = vector.broadcast %add3A_277 : f32 to vector<16xf32>
      %add3A_279 = arith.addf %add3A_278, %mul3A_276 : vector<16xf32>
      %mul3A_280 = arith.constant 0.693147182 : f32
      %mul3A_281 = vector.broadcast %mul3A_280 : f32 to vector<16xf32>
      %mul3A_282 = arith.mulf %convert_element_type3A, %mul3A_281 : vector<16xf32>
      %mul3A_283 = arith.constant 2.000000e+00 : f32
      %mul3A_284 = vector.broadcast %mul3A_283 : f32 to vector<16xf32>
      %mul3A_285 = arith.mulf %mul3A_284, %div3A : vector<16xf32>
      %mul3A_286 = arith.mulf %mul3A_285, %add3A_279 : vector<16xf32>
      %add3A_287 = arith.addf %mul3A_282, %mul3A_286 : vector<16xf32>
      %jit3A_288 = arith.constant 0.000000e+00 : f32
      %broadcast_in_dim3A_289 = vector.broadcast %jit3A_288 : f32 to vector<16xf32>
      %select_n3A_290 = arith.select %lt3A_226, %add3A_287, %broadcast_in_dim3A_289 : vector<16xi1>, vector<16xf32>
      %add3A_291 = arith.addf %while3A_216, %select_n3A_290 : vector<16xf32>
      scf.yield %add3A_291 : vector<16xf32>
    }
    %while3A_212 = arith.constant 1 : i32
    %while3A_213 = scf.for %while3A_215 = %while3A_209 to %while3A_205 step %while3A_212 iter_args(%while3A_216 = %while3A_211) -> (vector<16xf32>)  : i32 {
      %mul3A_217 = arith.constant 16 : i32
      %mul3A_218 = arith.muli %while3A_215, %mul3A_217 : i32
      %add3A_219 = arith.constant 3584 : i32
      %add3A_220 = arith.addi %add3A_219, %mul3A_218 : i32
      %get3A = arith.index_cast %add3A_220 : i32 to index
      %get3A_221 = tpu.vector_load %arg7[%get3A] {strides = array<i32>} : memref<4096xi32, #tpu.memory_space<vmem>>, vector<16xi32>,
      %mul3A_222 = arith.constant 16 : i32
      %mul3A_223 = arith.muli %while3A_215, %mul3A_222 : i32
      %add3A_224 = vector.broadcast %mul3A_223 : i32 to vector<16xi32>
      %add3A_225 = arith.addi %add3A_224, %iota3A : vector<16xi32>
      %gather3A = tpu.vector_load_idx %arg10[%add3A_225, %get3A_221] : memref<512x104xf32, #tpu.memory_space<vmem>>[vector<16xi32>, vector<16xi32>], vector<16xf32>,
      %lt3A = vector.broadcast %sub3A_124 : i32 to vector<16xi32>
      %lt3A_226 = arith.cmpi slt, %add3A_225, %lt3A : vector<16xi32>
      %add3A_227 = arith.constant 1.000000e-07 : f32
      %add3A_228 = vector.broadcast %add3A_227 : f32 to vector<16xf32>
      %add3A_229 = arith.addf %gather3A, %add3A_228 : vector<16xf32>
      %bitcast_convert_type3A = tpu.bitcast %add3A_229 : vector<16xf32> -> vector<16xi32>
      %shift_right_arithmetic3A_230 = arith.constant 23 : i32
      %shift_right_arithmetic3A_231 = vector.broadcast %shift_right_arithmetic3A_230 : i32 to vector<16xi32>
      %shift_right_arithmetic3A_232 = arith.shrsi %bitcast_convert_type3A, %shift_right_arithmetic3A_231 : vector<16xi32>
      %and3A = arith.constant 255 : i32
      %and3A_233 = vector.broadcast %and3A : i32 to vector<16xi32>
      %and3A_234 = arith.andi %shift_right_arithmetic3A_232, %and3A_233 : vector<16xi32>
      %sub3A_235 = arith.constant 127 : i32
      %sub3A_236 = vector.broadcast %sub3A_235 : i32 to vector<16xi32>
      %sub3A_237 = arith.subi %and3A_234, %sub3A_236 : vector<16xi32>
      %and3A_238 = arith.constant 8388607 : i32
      %and3A_239 = vector.broadcast %and3A_238 : i32 to vector<16xi32>
      %and3A_240 = arith.andi %bitcast_convert_type3A, %and3A_239 : vector<16xi32>
      %or3A = arith.constant 1065353216 : i32
      %or3A_241 = vector.broadcast %or3A : i32 to vector<16xi32>
      %or3A_242 = arith.ori %and3A_240, %or3A_241 : vector<16xi32>
      %bitcast_convert_type3A_243 = tpu.bitcast %or3A_242 : vector<16xi32> -> vector<16xf32>
      %gt3A = arith.constant 1.41421354 : f32
      %gt3A_244 = vector.broadcast %gt3A : f32 to vector<16xf32>
      %gt3A_245 = arith.cmpf ogt, %bitcast_convert_type3A_243, %gt3A_244 : vector<16xf32>
      %mul3A_246 = arith.constant 5.000000e-01 : f32
      %mul3A_247 = vector.broadcast %mul3A_246 : f32 to vector<16xf32>
      %mul3A_248 = arith.mulf %bitcast_convert_type3A_243, %mul3A_247 : vector<16xf32>
      %select_n3A_249 = arith.select %gt3A_245, %mul3A_248, %bitcast_convert_type3A_243 : vector<16xi1>, vector<16xf32>
      %jit3A = arith.constant 1 : i32
      %jit3A_250 = arith.constant 0 : i32
      %broadcast_in_dim3A_251 = vector.broadcast %jit3A : i32 to vector<16xi32>
      %broadcast_in_dim3A_252 = vector.broadcast %jit3A_250 : i32 to vector<16xi32>
      %select_n3A_253 = arith.select %gt3A_245, %broadcast_in_dim3A_251, %broadcast_in_dim3A_252 : vector<16xi1>, vector<16xi32>
      %add3A_254 = arith.addi %sub3A_237, %select_n3A_253 : vector<16xi32>
      %convert_element_type3A = arith.sitofp %add3A_254 : vector<16xi32> to vector<16xf32>
      %sub3A_255 = arith.constant 1.000000e+00 : f32
      %sub3A_256 = vector.broadcast %sub3A_255 : f32 to vector<16xf32>
      %sub3A_257 = arith.subf %select_n3A_249, %sub3A_256 : vector<16xf32>
      %add3A_258 = arith.constant 1.000000e+00 : f32
      %add3A_259 = vector.broadcast %add3A_258 : f32 to vector<16xf32>
      %add3A_260 = arith.addf %select_n3A_249, %add3A_259 : vector<16xf32>
      %div3A = arith.divf %sub3A_257, %add3A_260 : vector<16xf32>
      %mul3A_261 = arith.mulf %div3A, %div3A : vector<16xf32>
      %mul3A_262 = arith.constant 0.111111112 : f32
      %mul3A_263 = vector.broadcast %mul3A_262 : f32 to vector<16xf32>
      %mul3A_264 = arith.mulf %mul3A_261, %mul3A_263 : vector<16xf32>
      %add3A_265 = arith.constant 0.142857149 : f32
      %add3A_266 = vector.broadcast %add3A_265 : f32 to vector<16xf32>
      %add3A_267 = arith.addf %add3A_266, %mul3A_264 : vector<16xf32>
      %mul3A_268 = arith.mulf %mul3A_261, %add3A_267 : vector<16xf32>
      %add3A_269 = arith.constant 2.000000e-01 : f32
      %add3A_270 = vector.broadcast %add3A_269 : f32 to vector<16xf32>
      %add3A_271 = arith.addf %add3A_270, %mul3A_268 : vector<16xf32>
      %mul3A_272 = arith.mulf %mul3A_261, %add3A_271 : vector<16xf32>
      %add3A_273 = arith.constant 0.333333343 : f32
      %add3A_274 = vector.broadcast %add3A_273 : f32 to vector<16xf32>
      %add3A_275 = arith.addf %add3A_274, %mul3A_272 : vector<16xf32>
      %mul3A_276 = arith.mulf %mul3A_261, %add3A_275 : vector<16xf32>
      %add3A_277 = arith.constant 1.000000e+00 : f32
      %add3A_278 = vector.broadcast %add3A_277 : f32 to vector<16xf32>
      %add3A_279 = arith.addf %add3A_278, %mul3A_276 : vector<16xf32>
      %mul3A_280 = arith.constant 0.693147182 : f32
      %mul3A_281 = vector.broadcast %mul3A_280 : f32 to vector<16xf32>
      %mul3A_282 = arith.mulf %convert_element_type3A, %mul3A_281 : vector<16xf32>
      %mul3A_283 = arith.constant 2.000000e+00 : f32
      %mul3A_284 = vector.broadcast %mul3A_283 : f32 to vector<16xf32>
      %mul3A_285 = arith.mulf %mul3A_284, %div3A : vector<16xf32>
      %mul3A_286 = arith.mulf %mul3A_285, %add3A_279 : vector<16xf32>
      %add3A_287 = arith.addf %mul3A_282, %mul3A_286 : vector<16xf32>
      %jit3A_288 = arith.constant 0.000000e+00 : f32
      %broadcast_in_dim3A_289 = vector.broadcast %jit3A_288 : f32 to vector<16xf32>
      %select_n3A_290 = arith.select %lt3A_226, %add3A_287, %broadcast_in_dim3A_289 : vector<16xi1>, vector<16xf32>
      %add3A_291 = arith.addf %while3A_216, %select_n3A_290 : vector<16xf32>
      scf.yield %add3A_291 : vector<16xf32>
    }
    %swap3A = arith.constant 0 : index
    %swap3A_214 = tpu.vector_load %arg11[%swap3A] {strides = array<i32>} : memref<16xf32, #tpu.memory_space<vmem>>, vector<16xf32>,
    tpu.vector_store %arg11[%swap3A], %while3A_213 {strides = array<i32>} : memref<16xf32, #tpu.memory_space<vmem>>, vector<16xf32>,
    "tpu.region"() ({
      %run_scoped3A = tpu.sem_alloc : memref<!tpu.dma_semaphore, #tpu.memory_space<semaphore_mem>>
      %dma_start3A = arith.constant 0 : i32
      %dma_start3A_215 = tpu.memref_slice %arg4[%add3A, %dma_start3A] : memref<32x16xf32, #tpu.memory_space<hbm>> -> memref<1x16xf32, #tpu.memory_space<hbm>>
      %dma_start3A_216 = tpu.memref_squeeze %dma_start3A_215 : memref<1x16xf32, #tpu.memory_space<hbm>> -> memref<16xf32, #tpu.memory_space<hbm>>
      %dma_start3A_217 = arith.constant 0 : i32
      %dma_start3A_218 = tpu.memref_slice %arg4[%add3A, %dma_start3A_217] : memref<32x16xf32, #tpu.memory_space<hbm>> -> memref<1x16xf32, #tpu.memory_space<hbm>>
      %dma_start3A_219 = tpu.memref_squeeze %dma_start3A_218 : memref<1x16xf32, #tpu.memory_space<hbm>> -> memref<16xf32, #tpu.memory_space<hbm>>
      tpu.enqueue_dma source(%arg11 : memref<16xf32, #tpu.memory_space<vmem>>) target(%dma_start3A_219 : memref<16xf32, #tpu.memory_space<hbm>>) target_semaphore(%run_scoped3A : memref<!tpu.dma_semaphore, #tpu.memory_space<semaphore_mem>>)
      %dma_wait3A = arith.constant 0 : i32
      %dma_wait3A_220 = tpu.memref_slice %arg4[%add3A, %dma_wait3A] : memref<32x16xf32, #tpu.memory_space<hbm>> -> memref<1x16xf32, #tpu.memory_space<hbm>>
      %dma_wait3A_221 = tpu.memref_squeeze %dma_wait3A_220 : memref<1x16xf32, #tpu.memory_space<hbm>> -> memref<16xf32, #tpu.memory_space<hbm>>
      %dma_wait3A_222 = arith.constant 0 : i32
      %dma_wait3A_223 = tpu.memref_slice %arg4[%add3A, %dma_wait3A_222] : memref<32x16xf32, #tpu.memory_space<hbm>> -> memref<1x16xf32, #tpu.memory_space<hbm>>
      %dma_wait3A_224 = tpu.memref_squeeze %dma_wait3A_223 : memref<1x16xf32, #tpu.memory_space<hbm>> -> memref<16xf32, #tpu.memory_space<hbm>>
      tpu.wait_dma2 semaphore(%run_scoped3A : memref<!tpu.dma_semaphore, #tpu.memory_space<semaphore_mem>>) src(%arg11 : memref<16xf32, #tpu.memory_space<vmem>>) dst(%dma_wait3A_224 : memref<16xf32, #tpu.memory_space<hbm>>)
      tpu.yield
    }) : () -> ()
    return
  }
}

module attributes {stable_mosaic.version = 14 : i64} {
  func.func @_tc_finish_body(%arg0: memref<32x16xf32, #tpu.memory_space<vmem>>, %arg1: memref<1x1xf32, #tpu.memory_space<smem>>) attributes {dimension_semantics = [], scalar_prefetch = 0 : i64, scratch_operands = 0 : i64, tpu.core_type = #tpu.core_type<tc>} {
    %get3A = arith.constant 0 : index
    %get3A_0 = arith.constant 0 : index
    %get3A_1 = vector.load %arg0[%get3A, %get3A_0] : memref<32x16xf32, #tpu.memory_space<vmem>>, vector<32x16xf32>
    %reduce_sum3A = vector.shape_cast %get3A_1 : vector<32x16xf32> to vector<1x32x16xf32>
    %reduce_sum3A_2 = arith.constant dense<0.000000e+00> : vector<1xf32>
    %reduce_sum3A_3 = vector.multi_reduction <add>, %reduce_sum3A, %reduce_sum3A_2 [1, 2] : vector<1x32x16xf32> to vector<1xf32>
    %reduce_sum3A_4 = vector.shape_cast %reduce_sum3A_3 : vector<1xf32> to vector<1x1x1xf32>
    %reduce_sum3A_5 = vector.extract %reduce_sum3A_4[0, 0, 0] : f32 from vector<1x1x1xf32>
    %mul3A = arith.constant -6.10351563E-5 : f32
    %mul3A_6 = arith.mulf %reduce_sum3A_5, %mul3A : f32
    %swap3A = arith.constant 0 : index
    %swap3A_7 = arith.constant 0 : index
    %swap3A_8 = memref.load %arg1[%swap3A, %swap3A_7] : memref<1x1xf32, #tpu.memory_space<smem>>
    memref.store %mul3A_6, %arg1[%swap3A, %swap3A_7] : memref<1x1xf32, #tpu.memory_space<smem>>
    return
  }
}

</mosaic_0001>

<sc_bundles>
// kernel: kernel.4.cloned.1.call-start
scs
__scs_entry_jumppad:
0x0: {  	(pc) =	sbr.rel $0x88, $3  }
0x1: {  	(tag) =	ssettag $0x0;
	lr =	simm.s32 $0x1  }
0x2: {  	[smem:$0x3F9F] =	sst lr;
	_ =	strace $0xD0000000  }
0x3: {  	_ = 	snop  }
0x4: {  	_ = 	snop  }
0x5: {  	_ = 	snop  }
0x6: {  	_ = 	snop  }
0x7: {  	_ = 	snop  }
__scs_overlays_trampoline_lowered:
0x8: {  	[smem:$0x3FAE] =	sst s0  }
0x9: {  	[smem:$0x3FAF] =	sst s1  }
0xa: {  	[smem:$0x3FB0] =	sst s2  }
0xb: {  	[smem:$0x3FB1] =	sst s3  }
0xc: {  	[smem:$0x3FB2] =	sst s4  }
0xd: {  	[smem:$0x3FB3] =	sst s5  }
0xe: {  	[smem:$0x3FB4] =	sst s6  }
0xf: {  	[smem:$0x3FB5] =	sst s7  }
0x10: {  	[smem:$0x3FB6] =	sst s8  }
0x11: {  	[smem:$0x3FB7] =	sst s9;
	s0 =	simm.s32 @!p0 $0x0  }
0x12: {  	s1 =	sld [smem:$0x3F9D];
	s0 =	simm.s32 @p0 $0x1  }
0x13: {  	[smem:$0x3FB8] =	sst s0;
	s0 =	simm.s32 @!p1 $0x0  }
0x14: {  	s2 =	sld [smem:$0x3F9C];
	s0 =	simm.s32 @p1 $0x1  }
0x15: {  	[smem:$0x3FB9] =	sst s0;
	s0 =	simm.s32 @!p2 $0x0  }
0x16: {  	s3 =	sld [smem:$0x3FDB];
	s0 =	simm.s32 @p2 $0x1  }
0x17: {  	s4 =	simm.s32 $0x1BF5;
	[smem:$0x3FBB] =	sst s0  }
0x18: {  	s0 =	sld [smem:$0x3F9E];
	_ =	swait.ge [sflag:s4], $0x0  }
0x19: {  	s7 =	sld [smem:$0x3F9F]  }
0x1a: {  	s8 =	sadd.s32 $0xFFFFE003, lr  }
0x1b: {  	s9 =	sadd.s32 $0xFFFFFEF7, lr;
	s5 =	simm.s32 $0xFFFFFFFF;
	p2 =	slt.u32 s8, $0xFFFFF086  }
0x1c: {  	p1 =	slt.u32 s9, $0xF7A;
	s5 =	simm.s32 @!p2 $0x0  }
0x1d: {  	s5 =	simm.s32 @p1 $0x1;
	p0 =	seq.s32 s7, s2  }
0x1e: {  	s7 =	smul.u32 @!p0 $0xF7A, s2;
	p2 =	seq.s32 @!p0 s5, $0x0  }
0x1f: {  	s9 =	smul.u32 $0xF7A, s1;
	s8 =	simm.s32 @!p0 $0x1BF5;
	p2 =	por !p2, p0  }
0x20: {  	[sflag:s8] =	ssyncset.s32 @!p0 $0xFFFFF086;
	s6 =	sadd.s32 @!p0 s3, s7;
	s7 =	simm.s32 @!p0 $0x108  }
0x21: {  	s3 =	sadd.s32 s3, s9;
	s6 =	sadd.s32 @!p0 $0x88, s6;
	s7 =	simm.s32 @p2 $0x1082  }
0x22: {  	[simem:s7], [sflag:s8] =	dma.local @!p0 [hbm:s6], $0xF7A  }
0x23: {  	s9 =	sor.u32 $0xD0000000, s2;
	s6 =	simm.s32 $0x108;
	_ =	swait.ge @!p0 [sflag:s8], $0x0  }
0x24: {  	s3 =	sadd.s32 $0x88, s3;
	s6 =	simm.s32 @!p1 $0x1082;
	[sflag:s4] =	ssyncset.s32 $0xFFFFF086  }
0x25: {  	[simem:s6], [sflag:s4] =	dma.local [hbm:s3], $0xF7A  }
0x26: {  	[smem:$0x3F9F] =	sst s1;
	(tag) =	ssettag s2;
	_ =	strace s9  }
0x27: {  	s1 =	sld [smem:$0x3FAF]  }
0x28: {  	s2 =	sld [smem:$0x3FB0]  }
0x29: {  	s4 =	sld [smem:$0x3FB2]  }
0x2a: {  	p0 =	seq.s32 s5, $0x0;
	s5 =	sld [smem:$0x3FB3]  }
0x2b: {  	s6 =	sld [smem:$0x3FB4]  }
0x2c: {  	s7 =	sld [smem:$0x3FB5]  }
0x2d: {  	s3 =	simm.s32 $0x108;
	s8 =	sld [smem:$0x3FB6]  }
0x2e: {  	s3 =	simm.s32 @!p0 $0x1082;
	s9 =	sld [smem:$0x3FB7]  }
0x2f: {  	lr =	sadd.s32 s0, s3;
	s0 =	sld [smem:$0x3FAE]  }
0x30: {  	s3 =	sld [smem:$0x3FB1]  }
0x31: {  	[smem:$0x3FBA] =	sst s10  }
0x32: {  	s10 =	sld [smem:$0x3FB8];
	_ =	sdelay $0x3  }
0x33: {  	p0 =	seq.s32 s10, $0x1;
	s10 =	sld [smem:$0x3FBA];
	_ =	sdelay $0x3  }
0x34: {  	[smem:$0x3FBA] =	sst s10  }
0x35: {  	s10 =	sld [smem:$0x3FB9];
	_ =	sdelay $0x3  }
0x36: {  	p1 =	seq.s32 s10, $0x1;
	s10 =	sld [smem:$0x3FBA];
	_ =	sdelay $0x3  }
0x37: {  	[smem:$0x3FBA] =	sst s10  }
0x38: {  	s10 =	sld [smem:$0x3FBB]  }
0x39: {  	_ = 	snop;
	(pc) =	sbr.ind lr, $3  }
0x3a: {  	_ = 	snop  }
0x3b: {  	_ = 	snop  }
0x3c: {  	p2 =	seq.s32 s10, $0x1;
	s10 =	sld [smem:$0x3FBA]  }
0x3d: {  	_ =	shalt  }
0x3e: {  	_ =	shalt  }
0x3f: {  	_ =	shalt  }
0x40: {  	_ =	shalt  }
0x41: {  	_ =	shalt  }
0x42: {  	_ =	shalt  }
0x43: {  	_ =	shalt  }
0x44: {  	_ =	shalt  }
0x45: {  	_ =	shalt  }
0x46: {  	_ =	shalt  }
0x47: {  	_ =	shalt  }
0x48: {  	_ =	shalt  }
0x49: {  	_ =	shalt  }
0x4a: {  	_ =	shalt  }
0x4b: {  	_ =	shalt  }
0x4c: {  	_ =	shalt  }
0x4d: {  	_ =	shalt  }
0x4e: {  	_ =	shalt  }
0x4f: {  	_ =	shalt  }
0x50: {  	_ =	shalt  }
0x51: {  	_ =	shalt  }
0x52: {  	_ =	shalt  }
0x53: {  	_ =	shalt  }
0x54: {  	_ =	shalt  }
0x55: {  	_ =	shalt  }
0x56: {  	_ =	shalt  }
0x57: {  	_ =	shalt  }
0x58: {  	_ =	shalt  }
0x59: {  	_ =	shalt  }
0x5a: {  	_ =	shalt  }
0x5b: {  	_ =	shalt  }
0x5c: {  	_ =	shalt  }
0x5d: {  	_ =	shalt  }
0x5e: {  	_ =	shalt  }
0x5f: {  	_ =	shalt  }
0x60: {  	_ =	shalt  }
0x61: {  	_ =	shalt  }
0x62: {  	_ =	shalt  }
0x63: {  	_ =	shalt  }
0x64: {  	_ =	shalt  }
0x65: {  	_ =	shalt  }
0x66: {  	_ =	shalt  }
0x67: {  	_ =	shalt  }
0x68: {  	_ =	shalt  }
0x69: {  	_ =	shalt  }
0x6a: {  	_ =	shalt  }
0x6b: {  	_ =	shalt  }
0x6c: {  	_ =	shalt  }
0x6d: {  	_ =	shalt  }
0x6e: {  	_ =	shalt  }
0x6f: {  	_ =	shalt  }
0x70: {  	_ =	shalt  }
0x71: {  	_ =	shalt  }
0x72: {  	_ =	shalt  }
0x73: {  	_ =	shalt  }
0x74: {  	_ =	shalt  }
0x75: {  	_ =	shalt  }
0x76: {  	_ =	shalt  }
0x77: {  	_ =	shalt  }
0x78: {  	_ =	shalt  }
0x79: {  	_ =	shalt  }
0x7a: {  	_ =	shalt  }
0x7b: {  	_ =	shalt  }
0x7c: {  	_ =	shalt  }
0x7d: {  	_ =	shalt  }
0x7e: {  	_ =	shalt  }
0x7f: {  	_ =	shalt  }
0x80: {  	_ =	shalt  }
0x81: {  	_ =	shalt  }
0x82: {  	_ =	shalt  }
0x83: {  	_ =	shalt  }
0x84: {  	_ =	shalt  }
0x85: {  	_ =	shalt  }
0x86: {  	_ =	shalt  }
0x87: {  	_ =	shalt  }
.Lfunc_end0:
.L_simem_size_0:
called_computation_lowered:
.L_overlay_start_0:
0x88: {  	s2 =	sld [smem:$0x3FD9]  }
0x89: {  	s3 =	sld [smem:$0x3FFE];
	_ =	sdelay $0x1  }
0x8a: {  	s1 =	srdreg.scid  }
0x8b: {  	s0 =	sand.u32 $0x1, s1  }
0x8c: {  	s17 =	sshll.u32 s0, $0xA;
	s2 =	sadd.s32 s3, s2  }
0x8d: {  	s2 =	sadd.s32 s2, s17  }
0x8e: {  	[smem:$0x3FC6] =	sst s2  }
0x8f: {  	_ = 	snop  }
0x90: {  	s2 =	sld [smem:$0x3FC8];
	(tm) =	ssettm $0x1  }
0x91: {  	s18 =	sld [smem:$0x3FFB];
	_ =	sdelay $0x3  }
0x92: {  	_ =	strace s18  }
0x93: {  	s3 =	sld [smem:$0x3FFC];
	_ =	sdelay $0x3  }
0x94: {  	_ =	strace s3  }
0x95: {  	s3 =	sld [smem:$0x3FFD];
	_ =	sdelay $0x3  }
0x96: {  	_ =	strace s3  }
0x97: {  	_ =	strace $0x8FFFFFFF  }
0x98: {  	s19 =	sld [smem:$0x3FDB];
	_ =	sdelay $0x1  }
0x99: {  	s4 =	simm.s32 $_scs_section_size  }
0x9a: {  	s5 =	simm.s32 $_size__tile_overlayer_lowered;
	s6 =	simm.s32 $_tile_overlayer_lowered  }
0x9b: {  	s22 =	simm.s32 $0x1BFF;
	s21 =	sshll.u32 s6, $0x1;
	s3 =	sadd.s32 s4, s19  }
0x9c: {  	s7 =	simm.s32 $0x0;
	s20 =	sshll.u32 s5, $0x1;
	s5 =	sadd.s32 s21, s3  }
0x9d: {  	[timem:s7], [sflag:s22] =	dma.local [hbm:s5], s20  }
0x9e: {  	_ =	swait.ge [sflag:s22], s20  }
0x9f: {  	s4 =	ssub.s32 $0x0, s20;
	[sflag:s22] =	ssyncset.done $0x0  }
0xa0: {  	[sflag:s22] =	ssyncadd.s32 s4;
	_ =	sdelay $0x1  }
0xa1: {  	s23 =	simm.s32 $0x1B8B  }
0xa2: {  	_ =	swait.ge [sflag:s23], $0x1  }
0xa3: {  	[sflag:s23] =	ssyncset.done $0x0  }
0xa4: {  	s25 =	simm.s32 $0x1B8E;
	s24 =	sld [smem:$0x3FFE];
	[sflag:s23] =	ssyncadd.s32 $0xFFFFFFFF  }
0xa5: {  	s26 =	simm.s32 $execute0_lowered;
	[smem:$0x3FD2] =	sst s25  }
0xa6: {  	s5 =	sshll.u32 s26, $0x1;
	_ =	strace $0x80000046;
	[dreg:$0x1] =	wrdreg $0xFFFFFFFF  }
0xa7: {  	s28 =	simm.s32 $_size_execute0_lowered;
	s3 =	sadd.s32 s3, s5;
	[dreg:$0x0] =	wrdreg $0x0  }
0xa8: {  	s5 =	sshll.u32 s28, $0x1;
	[dreg:$0x2] =	wrdreg s3  }
0xa9: {  	[dreg:$0x3] =	wrdreg s5  }
0xaa: {  	[dreg:$0x4] =	wrdreg $0xC0  }
0xab: {  	_ =	task [dreg:s7], $0x5FFFF  }
0xac: {  	[dreg:$0x1] =	wrdreg $0xFFFFFFFF  }
0xad: {  	[dreg:$0x0] =	wrdreg $0x60  }
0xae: {  	[dreg:$0x2] =	wrdreg s24  }
0xaf: {  	[dreg:$0x3] =	wrdreg s2  }
0xb0: {  	[dreg:$0x4] =	wrdreg $0x9  }
0xb1: {  	_ =	task.clear_ibuf [dreg:s7], $0x5FFFF;
	_ =	strace $0x90000046  }
0xb2: {  	s29 =	simm.s32 $0x9;
	_ =	strace $0x80000048  }
0xb3: {  	_ =	swait.ge [sflag:s29], $0x1  }
0xb4: {  	[sflag:s29] =	ssyncadd.s32 $0xFFFFFFFF  }
0xb5: {  	_ =	strace $0x90000048  }
0xb6: {  	_ =	sfence  }
0xb7: {  	s30 =	sld [smem:$0x0];
	_ =	sdelay $0x2  }
0xb8: {  	s31 =	sshll.u32 s1, $0xD;
	s1 =	sshrl.u32 s1, $0x2  }
0xb9: {  	s3 =	sand.u32 $0x4000, s31;
	s1 =	sadd.s32 s1, s30  }
0xba: {  	s0 =	sor.u32 s3, s0;
	s1 =	sshll.u32 s1, $0x11  }
0xbb: {  	s0 =	sor.u32 s1, s0  }
0xbc: {  	s0 =	sadd.s32 $0x8F2B, s0  }
0xbd: {  	[sflag:s0] =	ssyncadd.remote.s32 $0x1  }
0xbe: {  	_ =	sfence.sel $0xFFFF  }
0xbf: {  	[dreg:$0x0] =	wrdreg $0xFFFFFFFF;
	(pc) =	sbr.abs _section_cstart, $3  }
0xc0: {  	[dreg:$0x1] =	wrdreg $0xFFFFFFFF  }
0xc1: {  	_ =	task.clear_ibuf [dreg:s7], $0x2FFFF;
	_ =	strace $0x9FFFFFFF  }
0xc2: {  	(tm) =	ssettm $0x7FFFFFFF  }
0xc3: {  	_ =	shalt  }
tec
execute0_lowered:
.L_overlay_start_1:
0x0: {  	(tag) =	ssettag $0x1  }
0x1: {  	s0 =	rddreg [dreg:$0x0]  }
0x2: {  	s1 =	rddreg [dreg:$0x1];
	s2 =	simm.s32 $0x0  }
0x3: {  	s3 =	srdreg.scid;
	s9 =	stileid.u32;
	s13 =	simm.s32 $0x4  }
0x4: {  	s10 =	simm.s32 $0x1200;
	s11 =	simm.s32 $0x1;
	s12 =	simm.s32 $0x2200  }
0x5: {  	s15 =	simm.s32 $0x6200;
	s14 =	simm.s32 $0x9D80;
	s16 =	simm.s32 $0x9C00  }
0x6: {  	s17 =	simm.s32 $0x9B00;
	s18 =	simm.s32 $0x9B80;
	s19 =	simm.s32 $0x9980  }
0x7: {  	s20 =	simm.s32 $0xA080;
	s21 =	simm.s32 $0xA100;
	s22 =	simm.s32 $0xA180  }
0x8: {  	s23 =	simm.s32 $0x2;
	s24 =	simm.s32 $0x3;
	s25 =	simm.s32 $0xA200  }
0x9: {  	[smem:$0x7FF] =	sst s2;
	s4 =	sand.u32 $0x1, s3;
	s5 =	sshll.u32 s9, $0x4  }
0xa: {  	v0 =	vlaneseq.u32;
	s3 =	sadd.s32 $0x600, s0;
	s30 =	sshll.u32 s9, $0x9;
	_ =	strace $0x80000047  }
0xb: {  	v1 =	vimm.s32 $0x0;
	vm0 =	vcmask $0x300;
	vm1 =	vcmask $0x704;
	s6 =	sshll.u32 s4, $0x4;
	s5 =	sand.u32 $0x70, s5;
	s28 =	ssub.s32 $0x2, s4  }
0xc: {  	vm2 =	vcmask $0xB08;
	vm3 =	vcmask $0xF0C;
	vm4 =	vcmask $0x1310;
	s6 =	sor.u32 s9, s6;
	s0 =	sadd.s32 s5, s0;
	s8 =	sshrl.u32 s28, $0x1  }
0xd: {  	vm5 =	vcmask $0x1714;
	vm6 =	vcmask $0x1B18;
	v2 =	vimm.s32 $0x7;
	s7 =	sshll.u32 s6, $0x4;
	s6 =	sshll.u32 s6, $0x6;
	s5 =	ssub.s32 s28, s8  }
.Ltmp0:
0xe: {  	v3 =	vimm.s32 $0x3;
	v5 =	vimm.s32 $0x1;
	v6 =	vimm.s32 $0x2;
	s7 =	sand.u32 $0x180, s7;
	s1 =	sadd.s32 s1, s6;
	(pc) =	sbr.rel .LBB2_1-.Ltmp0, $4  }
0xf: {  	v7 =	vimm.s32 $0x4;
	v8 =	vimm.s32 $0x5;
	v9 =	vimm.s32 $0x6;
	s31 =	smax.u32 s5, $0x1;
	[dreg:$0x3] =	wrdreg s1;
	s0 =	sadd.s32 s7, s0  }
0x10: {  	v10 =	vimm.s32 $0x8;
	v11 =	vimm.s32 $0x9;
	v12 =	vimm.s32 $0xA;
	s29 =	sshll.u32 s4, $0xD;
	[dreg:$0x5] =	wrdreg s31;
	s0 =	sadd.s32 $0x200600, s0  }
0x11: {  	v13 =	vimm.s32 $0xB;
	v14 =	vimm.s32 $0xC;
	v15 =	vimm.s32 $0xD;
	s9 =	simm.s32 $0x200;
	[dreg:$0x4] =	wrdreg s0;
	s0 =	sor.u32 s30, s29  }
0x12: {  	v16 =	vimm.s32 $0xE;
	v17 =	vimm.s32 $0xF;
	v4 =	vmul.u32 $0x8, v0;
	s8 =	simm.s32 $0x2280;
	s5 =	simm.s32 $0x0;
	[dreg:$0x6] =	wrdreg s0  }
.LBB2_52:
0x13: {  	s5 =	rddreg [dreg:$0x7]  }
.LBB2_66:
0x14: {  	[tilespmem:$0x1A200] =	vst v18;
	s0 =	rddreg [dreg:$0x4];
	s1 =	simm.s32 $0x1A200  }
0x15: {  	[hbm4b:s0+s2] =	stream.linear.scatter [tilespmem:s1], [sflag:$0x4], $0x80, $0x38;
	[tilespmem:$0x1A280] =	vst v63  }
0x16: {  	_ =	swait.ge [sflag:s13], $0x80  }
0x17: {  	s5 =	sadd.s32 $0x1, s5;
	s31 =	rddreg [dreg:$0x5]  }
0x18: {  	p0 =	sne.s32 s5, s31  }
.Ltmp1:
0x19: {  	_ = 	snop;
	(pc) =	sbr.rel @!p0 .LBB2_67-.Ltmp1, $3  }
0x1a: {  	_ =	sdelay $0x1  }
0x1b: {  	[sflag:s13] =	ssyncset.done $0x0  }
0x1c: {  	[sflag:s13] =	ssyncadd.s32 $0xFFFFFF80  }
.LBB2_1:
0x1d: {  	s0 =	rddreg [dreg:$0x3]  }
0x1e: {  	[tilespmem:s2], [sflag:$0x4] =	stream.linear.gather [hbm4b:s0+s2], $0x200, $0x38;
	[tilespmem:$0x1A280] =	vst v63  }
0x1f: {  	_ =	swait.ge [sflag:s13], $0x200  }
0x20: {  	[sflag:s13] =	ssyncset.done $0x0  }
0x21: {  	s0 =	simm.s32 $0x0;
	[sflag:s13] =	ssyncadd.s32 $0xFFFFFE00  }
.LBB2_2:
0x22: {  	p0 =	sne.s32 s0, $0x3FC0  }
.Ltmp2:
0x23: {  	_ = 	snop;
	(pc) =	sbr.rel @p0 .LBB2_2-.Ltmp2, $4  }
0x24: {  	_ = 	snop  }
0x25: {  	s1 =	sshra.s32 s0, $0x2;
	v18 =	vimm.s32 $0x0  }
0x26: {  	[tilespmem:s1+$0x200] =	vst v18  }
0x27: {  	s0 =	sadd.s32 $0x40, s0;
	[tilespmem:s1+$0x1200] =	vst v18  }
0x28: {  	s0 =	simm.s32 $0x0  }
0x29: {  	v19 =	vld [tilespmem:s0+$0x0];
	_ =	sdelay $0x4  }
0x2a: {  	v20 =	vshra.s32 v19, $0x7  }
0x2b: {  	vm14 =	veq.s32 v20, $0x0  }
0x2c: {  	v21 =	vsel vm14, $0x1, v1  }
0x2d: {  	vm13 =	veq.s32 v20, $0x1;
	(xrf0) =	vadd.scan.msk.s32 $0xffff, v21  }
0x2e: {  	v21 =	vsel vm13, $0x1, v1  }
0x2f: {  	vm11 =	veq.s32 v20, $0x2;
	(xrf0) =	vadd.scan.msk.s32 $0xffff, v21  }
0x30: {  	v21 =	vsel vm11, $0x1, v1  }
0x31: {  	vm9 =	veq.s32 v20, $0x3;
	(xrf0) =	vadd.scan.msk.s32 $0xffff, v21  }
0x32: {  	v21 =	vsel vm9, $0x1, v1  }
0x33: {  	v22, _, _ =	vpop (xrf0);
	(xrf0) =	vadd.scan.msk.s32 $0xffff, v21  }
0x34: {  	vm8 =	veq.s32 v20, $0x4;
	v21 =	vadd.s32 v22, v18  }
0x35: {  	v23 =	vimm.s32 $0x200;
	v22 =	vsel vm8, $0x1, v1;
	v24, _, _ =	vpop (xrf0);
	v21 =	vadd.s32 $0xFFFFFFFF, v21  }
0x36: {  	v25 =	vimm.s32 $0x400;
	vm10 =	veq.s32 v20, $0x5;
	(xrf0) =	vadd.scan.msk.s32 $0xffff, v22;
	v22 =	vadd.s32 v24, v23  }
0x37: {  	vm12 =	veq.s32 v20, $0x6;
	v24 =	vsel vm10, $0x1, v1;
	v26, _, _ =	vpop (xrf0);
	v22 =	vadd.s32 $0xFFFFFFFF, v22  }
0x38: {  	s0 =	rddreg [dreg:$0x6];
	v27 =	vsel vm12, $0x1, v1;
	(xrf0) =	vadd.scan.msk.s32 $0xffff, v24;
	v26 =	vadd.s32 v26, v25  }
0x39: {  	v36 =	vor.u32 s0, v0;
	vm7 =	veq.s32 v20, $0x7;
	v26 =	vadd.s32 $0xFFFFFFFF, v26;
	v20, _, _ =	vpop (xrf0);
	(xrf0) =	vadd.scan.msk.s32 $0xffff, v27  }
0x3a: {  	v34 =	vand.u32 $0x7F, v19;
	[tilespmem:v21+s9+$0x0] =	vst.idx.msk vm14, v36  }
0x3b: {  	v24 =	vimm.s32 $0x600;
	[tilespmem:v21+s10+$0x0] =	vst.idx.msk vm14, v34  }
0x3c: {  	v19 =	vadd.s32 v20, v24;
	v20 =	vsel vm7, $0x1, v1;
	[tilespmem:v22+s9+$0x0] =	vst.idx.msk vm13, v36  }
0x3d: {  	v27 =	vimm.s32 $0x800;
	v19 =	vadd.s32 $0xFFFFFFFF, v19;
	v21, _, _ =	vpop (xrf0);
	(xrf0) =	vadd.scan.msk.s32 $0xffff, v20;
	[tilespmem:v22+s10+$0x0] =	vst.idx.msk vm13, v34  }
0x3e: {  	v20 =	vadd.s32 v21, v27;
	v22, _, _ =	vpop (xrf0);
	[tilespmem:v26+s9+$0x0] =	vst.idx.msk vm11, v36  }
0x3f: {  	v37 =	vimm.s32 $0xC00;
	v21 =	vimm.s32 $0xA00;
	v20 =	vadd.s32 $0xFFFFFFFF, v20;
	[tilespmem:v26+s10+$0x0] =	vst.idx.msk vm11, v34;
	v26, _, _ =	vpop (xrf0)  }
0x40: {  	v29 =	vmpcnt.ones.xlane vm13;
	v22 =	vadd.s32 v22, v21;
	v26 =	vadd.s32 v26, v37  }
0x41: {  	v28 =	vmpcnt.ones.xlane vm14;
	v22 =	vadd.s32 $0xFFFFFFFF, v22  }
0x42: {  	v38 =	vimm.s32 $0xE00;
	v32 =	vadd.s32 v23, v29;
	v23 =	vmpcnt.ones.xlane vm9;
	[tilespmem:v19+s9+$0x0] =	vst.idx.msk vm9, v36  }
0x43: {  	v33 =	vadd.s32 v18, v28;
	v18 =	vmpcnt.ones.xlane vm11;
	[tilespmem:v19+s10+$0x0] =	vst.idx.msk vm9, v34;
	v19 =	vadd.s32 $0xFFFFFFFF, v26;
	v26, _, _ =	vpop (xrf0)  }
0x44: {  	v30 =	vadd.s32 v24, v23;
	v23 =	vmpcnt.ones.xlane vm12;
	[tilespmem:v20+s9+$0x0] =	vst.idx.msk vm8, v36;
	v26 =	vadd.s32 v26, v38  }
0x45: {  	v24 =	vmpcnt.ones.xlane vm7;
	[tilespmem:v20+s10+$0x0] =	vst.idx.msk vm8, v34;
	v35 =	vadd.s32 $0xFFFFFFFF, v26  }
0x46: {  	v31 =	vadd.s32 v25, v18;
	v18 =	vmpcnt.ones.xlane vm8;
	v20 =	vmpcnt.ones.xlane vm10;
	[tilespmem:v22+s9+$0x0] =	vst.idx.msk vm10, v36  }
0x47: {  	v25 =	vmov v33;
	[tilespmem:v22+s10+$0x0] =	vst.idx.msk vm10, v34  }
0x48: {  	v29 =	vadd.s32 v27, v18;
	v27 =	vadd.s32 v37, v23;
	v23 =	vmov v31;
	[tilespmem:v19+s9+$0x0] =	vst.idx.msk vm12, v36  }
0x49: {  	v28 =	vadd.s32 v21, v20;
	v26 =	vadd.s32 v38, v24;
	v24 =	vmov v32;
	[tilespmem:v19+s10+$0x0] =	vst.idx.msk vm12, v34  }
0x4a: {  	[dreg:$0x7] =	wrdreg s5;
	s1 =	simm.s32 $0x40;
	s5 =	simm.s32 $0x80;
	v22 =	vmovc v30;
	v21 =	vmovc v29;
	v18 =	vmov v26;
	v20 =	vmov v28;
	v19 =	vmov v27;
	[tilespmem:v35+s9+$0x0] =	vst.idx.msk vm7, v36  }
.LBB2_4:
0x4b: {  	s6 =	sshra.s32 s1, $0x2  }
0x4c: {  	[tilespmem:v35+s10+$0x0] =	vst.idx.msk vm7, v34;
	s0 =	sadd.s32 $0x10, s0;
	s1 =	smov.u32 s5;
	s4 =	sadd.s32 $0x40, s5  }
0x4d: {  	p0 =	sne.s32 s5, $0x7C0;
	v34 =	vld [tilespmem:s6+$0x0];
	_ =	sdelay $0x4  }
0x4e: {  	v35 =	vshra.s32 v34, $0x7  }
0x4f: {  	vm13 =	veq.s32 v35, $0x0  }
0x50: {  	v36 =	vsel vm13, $0x1, v1;
	v37 =	vmpcnt.ones.xlane vm13  }
0x51: {  	vm11 =	veq.s32 v35, $0x1;
	(xrf0) =	vadd.scan.msk.s32 $0xffff, v36  }
0x52: {  	v36 =	vsel vm11, $0x1, v1;
	v33 =	vadd.s32 v33, v37;
	v37 =	vmpcnt.ones.xlane vm11  }
0x53: {  	vm10 =	veq.s32 v35, $0x2;
	(xrf0) =	vadd.scan.msk.s32 $0xffff, v36  }
0x54: {  	v36 =	vsel vm10, $0x1, v1;
	v32 =	vadd.s32 v32, v37;
	v37 =	vmpcnt.ones.xlane vm10  }
0x55: {  	vm8 =	veq.s32 v35, $0x3;
	(xrf0) =	vadd.scan.msk.s32 $0xffff, v36  }
0x56: {  	v41 =	vmpcnt.ones.xlane vm8;
	v36 =	vsel vm8, $0x1, v1;
	v31 =	vadd.s32 v31, v37  }
0x57: {  	v38 =	vor.u32 s0, v0;
	vm9 =	veq.s32 v35, $0x4;
	v39, _, _ =	vpop (xrf0);
	(xrf0) =	vadd.scan.msk.s32 $0xffff, v36  }
0x58: {  	v42 =	vmpcnt.ones.xlane vm9;
	v36 =	vadd.s32 v39, v25;
	v39 =	vsel vm9, $0x1, v1;
	v25 =	vmovc v33  }
0x59: {  	vm12 =	veq.s32 v35, $0x5;
	v30 =	vadd.s32 v30, v41;
	v36 =	vadd.s32 $0xFFFFFFFF, v36;
	v37, _, _ =	vpop (xrf0);
	(xrf0) =	vadd.scan.msk.s32 $0xffff, v39  }
0x5a: {  	v41 =	vmpcnt.ones.xlane vm12;
	v39 =	vsel vm12, $0x1, v1;
	v37 =	vadd.s32 v37, v24;
	v24 =	vmovc v32  }
0x5b: {  	vm14 =	veq.s32 v35, $0x6;
	v29 =	vadd.s32 v29, v42;
	v37 =	vadd.s32 $0xFFFFFFFF, v37;
	v40, _, _ =	vpop (xrf0);
	(xrf0) =	vadd.scan.msk.s32 $0xffff, v39  }
0x5c: {  	v42 =	vmpcnt.ones.xlane vm14;
	v39 =	vadd.s32 v40, v23;
	v40 =	vsel vm14, $0x1, v1;
	v23 =	vmovc v31  }
0x5d: {  	v34 =	vand.u32 $0x7F, v34;
	vm7 =	veq.s32 v35, $0x7;
	v39 =	vadd.s32 $0xFFFFFFFF, v39;
	v35, _, _ =	vpop (xrf0);
	(xrf0) =	vadd.scan.msk.s32 $0xffff, v40  }
0x5e: {  	v43 =	vmpcnt.ones.xlane vm7;
	v40 =	vsel vm7, $0x1, v1;
	[tilespmem:v36+s9+$0x0] =	vst.idx.msk vm13, v38;
	v35 =	vadd.s32 v35, v22;
	v22 =	vmovc v30  }
0x5f: {  	v28 =	vadd.s32 v28, v41;
	[tilespmem:v36+s10+$0x0] =	vst.idx.msk vm13, v34;
	v35 =	vadd.s32 $0xFFFFFFFF, v35;
	v36, _, _ =	vpop (xrf0);
	(xrf0) =	vadd.scan.msk.s32 $0xffff, v40  }
0x60: {  	v26 =	vadd.s32 v26, v43;
	[tilespmem:v37+s9+$0x0] =	vst.idx.msk vm11, v38;
	v36 =	vadd.s32 v36, v21;
	v21 =	vmov v29  }
0x61: {  	v27 =	vadd.s32 v27, v42;
	[tilespmem:v37+s10+$0x0] =	vst.idx.msk vm11, v34;
	v36 =	vadd.s32 $0xFFFFFFFF, v36;
	v37, _, _ =	vpop (xrf0)  }
0x62: {  	[tilespmem:v39+s9+$0x0] =	vst.idx.msk vm10, v38;
	v37 =	vadd.s32 v37, v20;
	v20 =	vmov v28  }
0x63: {  	[tilespmem:v39+s10+$0x0] =	vst.idx.msk vm10, v34;
	v37 =	vadd.s32 $0xFFFFFFFF, v37;
	v39, _, _ =	vpop (xrf0)  }
0x64: {  	[tilespmem:v35+s9+$0x0] =	vst.idx.msk vm8, v38;
	v39 =	vadd.s32 v39, v19;
	v19 =	vmov v27  }
0x65: {  	[tilespmem:v35+s10+$0x0] =	vst.idx.msk vm8, v34;
	v39 =	vadd.s32 $0xFFFFFFFF, v39;
	v35, _, _ =	vpop (xrf0)  }
0x66: {  	[tilespmem:v36+s9+$0x0] =	vst.idx.msk vm9, v38;
	v35 =	vadd.s32 v35, v18;
	v18 =	vmov v26  }
0x67: {  	[tilespmem:v36+s10+$0x0] =	vst.idx.msk vm9, v34;
	v35 =	vadd.s32 $0xFFFFFFFF, v35  }
.Ltmp3:
0x68: {  	[tilespmem:v37+s9+$0x0] =	vst.idx.msk vm12, v38;
	(pc) =	sbr.rel @p0 .LBB2_4-.Ltmp3, $4  }
0x69: {  	[tilespmem:v37+s10+$0x0] =	vst.idx.msk vm12, v34  }
0x6a: {  	[tilespmem:v39+s9+$0x0] =	vst.idx.msk vm14, v38  }
0x6b: {  	[tilespmem:v39+s10+$0x0] =	vst.idx.msk vm14, v34  }
0x6c: {  	s5 =	smov.u32 s4;
	[tilespmem:v35+s9+$0x0] =	vst.idx.msk vm7, v38  }
0x6d: {  	_ =	sdelay $0x4  }
0x6e: {  	s1 =	sshra.s32 s1, $0x2;
	[tilespmem:v35+s10+$0x0] =	vst.idx.msk vm7, v34  }
0x6f: {  	v34 =	vld [tilespmem:s1+$0x0];
	_ =	sdelay $0x4  }
0x70: {  	v55 =	vshra.s32 v34, $0x7  }
0x71: {  	vm14 =	veq.s32 v55, $0x0  }
0x72: {  	vm13 =	veq.s32 v55, $0x1;
	v36 =	vsel vm14, $0x1, v1  }
0x73: {  	vm12 =	veq.s32 v55, $0x2;
	v56 =	vsel vm13, $0x1, v1;
	(xrf0) =	vadd.scan.msk.s32 $0xffff, v36  }
0x74: {  	vm11 =	veq.s32 v55, $0x3;
	v57 =	vsel vm12, $0x1, v1;
	(xrf0) =	vadd.scan.msk.s32 $0xffff, v56  }
0x75: {  	vm10 =	veq.s32 v55, $0x4;
	v58 =	vsel vm11, $0x1, v1;
	(xrf0) =	vadd.scan.msk.s32 $0xffff, v57  }
0x76: {  	vm7 =	veq.s32 v55, $0x5;
	v59 =	vsel vm10, $0x1, v1;
	(xrf0) =	vadd.scan.msk.s32 $0xffff, v58  }
0x77: {  	vm8 =	veq.s32 v55, $0x6;
	v37 =	vmpcnt.ones.xlane vm14;
	v60 =	vsel vm7, $0x1, v1;
	(xrf0) =	vadd.scan.msk.s32 $0xffff, v59  }
0x78: {  	vm9 =	veq.s32 v55, $0x7;
	v38 =	vmpcnt.ones.xlane vm13;
	v61 =	vsel vm8, $0x1, v1;
	(xrf0) =	vadd.scan.msk.s32 $0xffff, v60  }
0x79: {  	v62 =	vmpcnt.ones.xlane vm12;
	v42 =	vsel vm9, $0x1, v1;
	v33 =	vadd.s32 v33, v37;
	v63, _, _ =	vpop (xrf0);
	(xrf0) =	vadd.scan.msk.s32 $0xffff, v61  }
0x7a: {  	v43 =	vmpcnt.ones.xlane vm11;
	v32 =	vadd.s32 v32, v38;
	v33 =	vxor.u32 $0x80000000, v33;
	v39, _, _ =	vpop (xrf0);
	(xrf0) =	vadd.scan.msk.s32 $0xffff, v42  }
0x7b: {  	v44 =	vmpcnt.ones.xlane vm10;
	v31 =	vadd.s32 v31, v62;
	v32 =	vxor.u32 $0x80000000, v32;
	v45, _, _ =	vpop (xrf0);
	(xrf0) =	vmax.scan.msk.u32 $0xffff, v33  }
0x7c: {  	v46 =	vmpcnt.ones.xlane vm7;
	v30 =	vadd.s32 v30, v43;
	v31 =	vxor.u32 $0x80000000, v31;
	v47, _, _ =	vpop (xrf0);
	(xrf0) =	vmax.scan.msk.u32 $0xffff, v32  }
0x7d: {  	v48 =	vmpcnt.ones.xlane vm8;
	v29 =	vadd.s32 v29, v44;
	v30 =	vxor.u32 $0x80000000, v30;
	v49, _, _ =	vpop (xrf0);
	(xrf0) =	vmax.scan.msk.u32 $0xffff, v31  }
0x7e: {  	v50 =	vmpcnt.ones.xlane vm9;
	v28 =	vadd.s32 v28, v46;
	v29 =	vxor.u32 $0x80000000, v29;
	v51, _, _ =	vpop (xrf0);
	(xrf0) =	vmax.scan.msk.u32 $0xffff, v30  }
0x7f: {  	v27 =	vadd.s32 v27, v48;
	v28 =	vxor.u32 $0x80000000, v28;
	v52, _, _ =	vpop (xrf0);
	(xrf0) =	vmax.scan.msk.u32 $0xffff, v29  }
0x80: {  	v26 =	vadd.s32 v26, v50;
	v27 =	vxor.u32 $0x80000000, v27;
	v53, _, _ =	vpop (xrf0);
	(xrf0) =	vmax.scan.msk.u32 $0xffff, v28  }
0x81: {  	v26 =	vxor.u32 $0x80000000, v26;
	v54, _, _ =	vpop (xrf0);
	(xrf0) =	vmax.scan.msk.u32 $0xffff, v27  }
0x82: {  	(v2sf) =	vpush v54, $0xF;
	v55, _, _ =	vpop (xrf0);
	(xrf0) =	vmax.scan.msk.u32 $0xffff, v26  }
0x83: {  	v56, _, _ =	vpop (xrf0);
	(v2sf) =	vpush v55, $0xF  }
0x84: {  	v57, _, _ =	vpop (xrf0);
	(v2sf) =	vpush v56, $0xF  }
0x85: {  	v58, _, _ =	vpop (xrf0);
	(v2sf) =	vpush v57, $0xF  }
0x86: {  	(v2sf) =	vpush v58, $0xF;
	v59, _, _ =	vpop (xrf0)  }
0x87: {  	(v2sf) =	vpush v59, $0xF;
	v60, _, _ =	vpop (xrf0)  }
0x88: {  	(v2sf) =	vpush v60, $0xF;
	v61, _, _ =	vpop (xrf0)  }
0x89: {  	(v2sf) =	vpush v61, $0xF  }
0x8a: {  	v25 =	vadd.s32 v63, v25  }
0x8b: {  	v25 =	vadd.s32 $0xFFFFFFFF, v25  }
0x8c: {  	v24 =	vadd.s32 v39, v24  }
0x8d: {  	v24 =	vadd.s32 $0xFFFFFFFF, v24  }
0x8e: {  	s0 =	sadd.s32 $0x10, s0;
	v23 =	vadd.s32 v45, v23  }
0x8f: {  	v62 =	vor.u32 s0, v0;
	v23 =	vadd.s32 $0xFFFFFFFF, v23  }
0x90: {  	v63 =	vand.u32 $0x7F, v34;
	v22 =	vadd.s32 v47, v22;
	[tilespmem:v25+s9+$0x0] =	vst.idx.msk vm14, v62  }
0x91: {  	v22 =	vadd.s32 $0xFFFFFFFF, v22;
	[tilespmem:v25+s10+$0x0] =	vst.idx.msk vm14, v63;
	s0 =	spop (v2sf)  }
0x92: {  	v21 =	vadd.s32 v49, v21;
	[tilespmem:v24+s9+$0x0] =	vst.idx.msk vm13, v62;
	s1 =	spop (v2sf)  }
0x93: {  	v21 =	vadd.s32 $0xFFFFFFFF, v21;
	[tilespmem:v24+s10+$0x0] =	vst.idx.msk vm13, v63;
	s4 =	spop (v2sf)  }
0x94: {  	v20 =	vadd.s32 v51, v20;
	[tilespmem:v23+s9+$0x0] =	vst.idx.msk vm12, v62;
	s5 =	spop (v2sf)  }
0x95: {  	v20 =	vadd.s32 $0xFFFFFFFF, v20;
	[tilespmem:v23+s10+$0x0] =	vst.idx.msk vm12, v63;
	s28 =	spop (v2sf)  }
0x96: {  	v19 =	vadd.s32 v52, v19;
	[tilespmem:v22+s9+$0x0] =	vst.idx.msk vm11, v62;
	s29 =	spop (v2sf)  }
0x97: {  	v19 =	vadd.s32 $0xFFFFFFFF, v19;
	[tilespmem:v22+s10+$0x0] =	vst.idx.msk vm11, v63;
	s30 =	spop (v2sf)  }
0x98: {  	v18 =	vadd.s32 v53, v18;
	[tilespmem:v21+s9+$0x0] =	vst.idx.msk vm10, v62;
	s6 =	spop (v2sf)  }
0x99: {  	v18 =	vadd.s32 $0xFFFFFFFF, v18;
	[tilespmem:v21+s10+$0x0] =	vst.idx.msk vm10, v63;
	s26 =	sadd.s32 $0x7FFFF200, s6  }
0x9a: {  	[tilespmem:v20+s9+$0x0] =	vst.idx.msk vm7, v62;
	p0 =	slt.s32 s26, $0x1  }
.Ltmp4:
0x9b: {  	[tilespmem:v20+s10+$0x0] =	vst.idx.msk vm7, v63;
	(pc) =	sbr.rel @p0 .LBB2_13-.Ltmp4, $4  }
0x9c: {  	[tilespmem:v19+s9+$0x0] =	vst.idx.msk vm8, v62  }
0x9d: {  	[tilespmem:v19+s10+$0x0] =	vst.idx.msk vm8, v63  }
0x9e: {  	[tilespmem:v18+s9+$0x0] =	vst.idx.msk vm9, v62  }
0x9f: {  	[tilespmem:v18+s10+$0x0] =	vst.idx.msk vm9, v63;
	[dreg:$0x8] =	wrdreg s6  }
0xa0: {  	s6 =	simm.s32 $0x0  }
0xa1: {  	s7 =	sand.u32 $0x7FFFFFF0, s6  }
0xa2: {  	v18 =	vld [tilespmem:s7+$0x1000];
	_ =	sdelay $0x1  }
0xa3: {  	s6 =	sand.u32 $0xF, s6  }
0xa4: {  	v19 =	vmov s6  }
0xa5: {  	vm7 =	veq.s32 v19, v0  }
0xa6: {  	v18 =	vnsel vm7, $0x0, v18  }
0xa7: {  	(xrf0) =	vadd.scan.msk.s32 $0xffff, v18;
	_ =	sdelay $0x5  }
0xa8: {  	v18, _, _ =	vpop (xrf0)  }
0xa9: {  	(v2sf) =	vpush v18, $0xF;
	_ =	sdelay $0xe  }
0xaa: {  	p1 =	sne.s32 s26, $0x1;
	s7 =	spop (v2sf)  }
.Ltmp5:
0xab: {  	s8 =	sshll.u32 s7, $0x7;
	(pc) =	sbr.rel @!p1 .LBB2_7-.Ltmp5, $4  }
0xac: {  	s6 =	sshll.u32 s7, $0xA;
	s7 =	sand.u32 $0x380, s8  }
0xad: {  	s6 =	sor.u32 s6, s7  }
0xae: {  	s31 =	simm.s32 $0xA200;
	s7 =	sshrl.u32 s6, $0x3  }
0xaf: {  	p0 =	por $0x0, $0x0;
	s6 =	simm.s32 $0x1;
	s8 =	sor.u32 $0x380, s7  }
0xb0: {  	s7 =	sand.u32 $0x7FFFFFF0, s6;
	s8 =	sadd.s32 s3, s8  }
0xb1: {  	[tilespmem:s31], [sflag:$0x3] =	stream.linear.gather [hbm4b:s8+s2], $0x80, $0x38;
	[tilespmem:$0x1A280] =	vst v63  }
0xb2: {  	v18 =	vld [tilespmem:s7+$0x1000];
	_ =	sdelay $0x1  }
0xb3: {  	s7 =	sand.u32 $0xF, s6  }
0xb4: {  	v19 =	vmov s7  }
0xb5: {  	vm7 =	veq.s32 v19, v0  }
0xb6: {  	v18 =	vnsel vm7, $0x0, v18  }
0xb7: {  	(xrf0) =	vadd.scan.msk.s32 $0xffff, v18;
	_ =	sdelay $0x5  }
0xb8: {  	v18, _, _ =	vpop (xrf0)  }
0xb9: {  	(v2sf) =	vpush v18, $0xF;
	_ =	sdelay $0xe  }
0xba: {  	p1 =	sne.s32 s26, $0x2;
	s8 =	spop (v2sf)  }
.Ltmp6:
0xbb: {  	s13 =	sshll.u32 s8, $0x7;
	(pc) =	sbr.rel @!p1 .LBB2_9-.Ltmp6, $4  }
0xbc: {  	s6 =	sshll.u32 s8, $0xA;
	s7 =	sand.u32 $0x380, s13  }
0xbd: {  	s6 =	sor.u32 s6, s7  }
0xbe: {  	p0 =	por $0x1, $0x1;
	s6 =	sshrl.u32 s6, $0x3  }
0xbf: {  	s7 =	simm.s32 $0x2;
	s8 =	sor.u32 $0x380, s6;
	s6 =	simm.s32 $0xA200  }
.LBB2_10:
0xc0: {  	s13 =	sand.u32 $0x7FFFFFF0, s7;
	s8 =	sadd.s32 s3, s8;
	s6 =	sadd.s32 $0x80, s6  }
0xc1: {  	[tilespmem:s6], [sflag:$0x3] =	stream.linear.gather [hbm4b:s8+s2], $0x80, $0x38;
	[tilespmem:$0x1A280] =	vst v63  }
0xc2: {  	s8 =	smov.u32 s7;
	s7 =	sadd.s32 $0x1, s7;
	v18 =	vld [tilespmem:s13+$0x1000]  }
0xc3: {  	p1 =	sne.s32 s26, s7  }
0xc4: {  	s8 =	sand.u32 $0xF, s8  }
0xc5: {  	v19 =	vmov s8  }
0xc6: {  	vm7 =	veq.s32 v19, v0  }
0xc7: {  	v18 =	vnsel vm7, $0x0, v18  }
0xc8: {  	(xrf0) =	vadd.scan.msk.s32 $0xffff, v18;
	_ =	sdelay $0x5  }
0xc9: {  	v18, _, _ =	vpop (xrf0)  }
0xca: {  	(v2sf) =	vpush v18, $0xF;
	_ =	sdelay $0xe  }
0xcb: {  	s8 =	spop (v2sf)  }
.Ltmp7:
0xcc: {  	s13 =	sshll.u32 s8, $0x7;
	(pc) =	sbr.rel @p1 .LBB2_10-.Ltmp7, $4  }
0xcd: {  	s8 =	sshll.u32 s8, $0xA;
	s13 =	sand.u32 $0x380, s13  }
0xce: {  	s8 =	sor.u32 s8, s13  }
0xcf: {  	s8 =	sshrl.u32 s8, $0x3  }
0xd0: {  	s8 =	sor.u32 $0x380, s8  }
0xd1: {  	s13 =	simm.s32 $0x4  }
.LBB2_12:
0xd2: {  	s6 =	sadd.s32 @p0 $0x80, s6  }
0xd3: {  	s7 =	sadd.s32 s3, s8;
	s8 =	simm.s32 $0x2280;
	s31 =	smov.u32 @p0 s6  }
0xd4: {  	[tilespmem:s31], [sflag:$0x3] =	stream.linear.gather [hbm4b:s7+s2], $0x80, $0x38;
	[tilespmem:$0x1A280] =	vst v63  }
.LBB2_13:
0xd5: {  	s0 =	sxor.u32 $0x80000000, s0  }
0xd6: {  	v18 =	vmov s0  }
0xd7: {  	s1 =	sadd.s32 $0x7FFFFE00, s1;
	v18 =	vnsel vm0, $0x0, v18  }
0xd8: {  	s4 =	sadd.s32 $0x7FFFFC00, s4;
	v18 =	vsel vm1, s1, v18  }
.Ltmp8:
0xd9: {  	s6 =	sadd.s32 $0x7FFFFA00, s5;
	v18 =	vsel vm2, s4, v18;
	(pc) =	sbr.rel .LBB2_14-.Ltmp8, $4  }
0xda: {  	s7 =	sadd.s32 $0x7FFFF800, s28;
	v18 =	vsel vm3, s6, v18  }
0xdb: {  	s29 =	sadd.s32 $0x7FFFF600, s29;
	v18 =	vsel vm4, s7, v18  }
0xdc: {  	s31 =	sadd.s32 $0x7FFFF400, s30;
	v18 =	vsel vm5, s29, v18  }
0xdd: {  	s28 =	simm.s32 $0x0;
	p0 =	por $0x0, $0x0;
	v19 =	vsel vm6, s31, v18;
	v18 =	vimm.f32 $0.0e+00  }
.LBB2_34:
0xde: {  	v40 =	vmov v18  }
.LBB2_45:
0xdf: {  	v32 =	vor.u32 s0, v0  }
0xe0: {  	v39 =	vsel @p2 vm11, v43, v39;
	v43 =	vmul.f32 @p3 v45, v44;
	vm12 =	vmmov @p4 vm9  }
0xe1: {  	vm9 =	vmmov @p3 vm10;
	v38 =	vshrl.u32 @p4 v38, $0x17;
	v46 =	vadd.f32 @p4 $3.333333430e-01, v46  }
0xe2: {  	vm10 =	vmmov @p2 vm11;
	v41 =	vadd.s32 @p4 v21, v41;
	v36 =	vadd.f32 @p4 v36, v36  }
0xe3: {  	v59 =	vld [tilespmem:s4+$0x1200];
	v33 =	vpsel p3, v33, v0;
	v25 =	vpsel p2, v31, v25;
	v35 =	vpsel p3, v35, v0  }
0xe4: {  	v22 =	vpsel p1, v22, v24;
	v45 =	vadd.f32 @p2 $1.000000000e+00, v39;
	v38 =	vand.u32 @p4 $0xFF, v38  }
0xe5: {  	v47 =	vsel @p4 vm12, $0x1, v1;
	v61 =	vshll.u32 v32, $0x7;
	vm11 =	vlt.s32 @p4 v41, v20  }
0xe6: {  	v39 =	vadd.f32 @p2 $-1.000000000e+00, v39;
	vm9 =	vmmov @p3 vm9;
	v37 =	vmul.f32 @p4 v46, v37  }
0xe7: {  	v34 =	vld.idx.msk @p1 [tilespmem:v34+s15+$0x0], $0xffff;
	v48 =	vmul.f32 @p3 v43, v43;
	v38 =	vadd.s32 @p4 v47, v38;
	(erf) = vrcp.f32 @p2 v45  }
0xe8: {  	v38 =	vadd.s32 @p4 $0xFFFFFF81, v38;
	v37 =	vadd.f32 @p4 $1.000000000e+00, v37;
	v60 =	vand.u32 $0xFFFFFF80, v59  }
0xe9: {  	v45 =	vmul.f32 @p3 $1.111111120e-01, v48;
	v62 =	vand.u32 $0x7F, v59;
	v63 =	vadd.s32 v61, v60  }
0xea: {  	v38 =	vcvt.s32.f32 @p4 v38;
	v36 =	vmul.f32 @p4 v37, v36;
	v37 =	vor.u32 v62, v63  }
0xeb: {  	vm8 =	vmmov @p2 vm10;
	v35 =	vadd.s32 @p3 v21, v35;
	v45 =	vadd.f32 @p3 $1.428571490e-01, v45  }
0xec: {  	v31 =	vmovc @p3 v43;
	vm9 =	vmmov @p3 vm9;
	v34 =	vadd.f32 @p1 $1.000000010e-07, v34;
	v38 =	vmul.f32 @p4 $6.931471820e-01, v38  }
0xed: {  	v29 =	vpsel p2, v39, v29;
	v31 =	vpsel p3, v31, v0;
	v45 =	vmul.f32 @p3 v45, v48  }
0xee: {  	v39 =	vsel @p3 vm9, $0x1, v1;
	v46 =	vand.u32 @p1 $0x7FFFFF, v34;
	v36 =	vadd.f32 @p4 v36, v38  }
0xef: {  	v26 =	vpsel p1, v34, v26;
	v38 =	vor.u32 @p1 $0x3F800000, v46;
	v44 =	vadd.f32 @p3 $2.000000030e-01, v45;
	v37 =	vld.idx.msk [tilespmem:v37+s15+$0x0], $0xffff  }
0xf0: {  	v41 =	vmul.f32 @p1 $5.000000000e-01, v38;
	v27 =	vpsel p1, v38, v27;
	v36 =	vnsel @p4 vm11, $0x0, v36  }
0xf1: {  	vm11 =	vgt.f32 @p1 v38, $1.414213540e+00;
	v36 =	vadd.f32 @p4 v36, v40;
	v44 =	vmul.f32 @p3 v44, v48;
	v40 =	vpop @p2 (erf)  }
0xf2: {  	vm7 =	vmmov @p1 vm11;
	v28 =	vpsel p1, v41, v28;
	v30 =	vpsel p2, v40, v30  }
0xf3: {  	v27 =	vsel @p1 vm7, v28, v27;
	v38 =	vpsel p3, v44, v0;
	v28 =	vmul.f32 @p2 v30, v29  }
0xf4: {  	v29 =	vadd.f32 @p1 $1.000000000e+00, v27;
	v30 =	vshrl.u32 @p3 v33, $0x17;
	v37 =	vadd.f32 $1.000000010e-07, v37  }
0xf5: {  	v34 =	vpsel p3, v48, v0;
	v33 =	vadd.f32 @p3 $3.333333430e-01, v38;
	v30 =	vand.u32 @p3 $0xFF, v30  }
0xf6: {  	v38 =	vmul.f32 @p2 v28, v28;
	(erf) = vrcp.f32 @p1 v29;
	v49 =	vand.u32 $0x7FFFFF, v37  }
0xf7: {  	v29 =	vadd.s32 @p3 v39, v30;
	v30 =	vmul.f32 @p3 v33, v34;
	v33 =	vor.u32 $0x3F800000, v49  }
0xf8: {  	v25 =	vpsel p2, v25, v0;
	v31 =	vadd.f32 @p3 v31, v31;
	v50 =	vmul.f32 $5.000000000e-01, v33  }
0xf9: {  	v29 =	vadd.s32 @p3 $0xFFFFFF81, v29;
	v34 =	vmul.f32 @p2 $1.111111120e-01, v38;
	vm15 =	vgt.f32 v33, $1.414213540e+00  }
0xfa: {  	v29 =	vcvt.s32.f32 @p3 v29;
	v30 =	vadd.f32 @p3 $1.000000000e+00, v30;
	v33 =	vsel vm15, v50, v33  }
0xfb: {  	v22 =	vpsel p1, v22, v0;
	v34 =	vadd.f32 @p2 $1.428571490e-01, v34;
	v51 =	vadd.f32 $1.000000000e+00, v33  }
0xfc: {  	vm8 =	vmmov @p2 vm8;
	v29 =	vmul.f32 @p3 $6.931471820e-01, v29;
	v30 =	vmul.f32 @p3 v30, v31  }
0xfd: {  	v25 =	vshrl.u32 @p2 v25, $0x17;
	v31 =	vmul.f32 @p2 v34, v38;
	(erf) = vrcp.f32 v51  }
0xfe: {  	vm10 =	vlt.s32 @p3 v35, v20;
	vm8 =	vmmov @p2 vm8;
	v25 =	vand.u32 @p2 $0xFF, v25  }
0xff: {  	vm8 =	vmmov @p2 vm8;
	v29 =	vadd.f32 @p3 v30, v29;
	v30 =	vadd.f32 @p2 $2.000000030e-01, v31  }
0x100: {  	v26 =	vpsel p1, v26, v0;
	vm7 =	vmmov @p1 vm7;
	v27 =	vadd.f32 @p1 $-1.000000000e+00, v27  }
0x101: {  	v24 =	vpsel p4, v36, v18;
	v29 =	vnsel @p3 vm10, $0x0, v29;
	v31 =	vpop @p1 (erf);
	v30 =	vmul.f32 @p2 v30, v38  }
0x102: {  	v27 =	vpsel p1, v27, v0;
	v24 =	vadd.f32 @p3 v29, v24;
	v29 =	vpsel p1, v31, v0  }
0x103: {  	v40 =	vmovc @p2 v42;
	vm7 =	vmmov @p1 vm7;
	v27 =	vmul.f32 @p1 v29, v27;
	v29 =	vpsel p2, v30, v0  }
0x104: {  	v23 =	vpsel p2, v40, v23;
	vm7 =	vmmov @p1 vm7;
	v29 =	vadd.f32 @p2 $3.333333430e-01, v29  }
0x105: {  	v33 =	vadd.f32 $-1.000000000e+00, v33;
	v30 =	vpsel p2, v38, v0;
	v31 =	vmul.f32 @p1 v27, v27  }
0x106: {  	v23 =	vpsel p2, v23, v0;
	v28 =	vpsel p2, v28, v0;
	v29 =	vmul.f32 @p2 v29, v30;
	v52 =	vpop (erf)  }
0x107: {  	v34 =	vsel @p2 vm8, $0x1, v1;
	v35 =	vmul.f32 @p1 $1.111111120e-01, v31;
	v30 =	vmul.f32 v52, v33  }
0x108: {  	v23 =	vadd.s32 @p2 v21, v23;
	v28 =	vadd.f32 @p2 v28, v28;
	v25 =	vadd.s32 @p2 v34, v25  }
0x109: {  	v25 =	vadd.s32 @p2 $0xFFFFFF81, v25;
	v34 =	vadd.f32 @p1 $1.428571490e-01, v35;
	v53 =	vmul.f32 v30, v30  }
0x10a: {  	vm9 =	vlt.s32 @p2 v23, v20;
	v23 =	vpsel p1, v26, v0;
	v25 =	vcvt.s32.f32 @p2 v25  }
0x10b: {  	v29 =	vadd.f32 @p2 $1.000000000e+00, v29;
	v33 =	vmul.f32 @p1 v34, v31;
	v54 =	vmul.f32 $1.111111120e-01, v53  }
0x10c: {  	vm7 =	vmmov @p1 vm7;
	v23 =	vshrl.u32 @p1 v23, $0x17;
	v25 =	vmul.f32 @p2 $6.931471820e-01, v25  }
0x10d: {  	v28 =	vmul.f32 @p2 v29, v28;
	v29 =	vadd.f32 @p1 $2.000000030e-01, v33;
	v55 =	vadd.f32 $1.428571490e-01, v54  }
0x10e: {  	v22 =	vpsel p1, v22, v0;
	vm7 =	vmmov @p1 vm7;
	v23 =	vand.u32 @p1 $0xFF, v23  }
0x10f: {  	v25 =	vadd.f32 @p2 v28, v25;
	v28 =	vmul.f32 @p1 v29, v31;
	v29 =	vmul.f32 v55, v53  }
0x110: {  	v57 =	vshrl.u32 v37, $0x17;
	vm8 =	vmmov vm15;
	v24 =	vpsel p3, v24, v18  }
0x111: {  	v27 =	vpsel p1, v27, v0;
	v26 =	vpsel p1, v28, v0;
	v29 =	vadd.f32 $2.000000030e-01, v29  }
0x112: {  	v27 =	vadd.f32 @p1 v27, v27;
	v28 =	vpsel p1, v31, v0;
	v26 =	vadd.f32 @p1 $3.333333430e-01, v26  }
0x113: {  	v31 =	vsel @p1 vm7, $0x1, v1;
	vm7 =	vmmov vm8;
	v56 =	vmul.f32 v29, v53  }
0x114: {  	v23 =	vadd.s32 @p1 v31, v23;
	vm7 =	vmmov vm7;
	v26 =	vmul.f32 @p1 v26, v28  }
0x115: {  	v23 =	vadd.s32 @p1 $0xFFFFFF81, v23;
	v58 =	vsel vm7, $0x1, v1;
	v28 =	vadd.f32 $3.333333430e-01, v56  }
0x116: {  	v23 =	vcvt.s32.f32 @p1 v23;
	v26 =	vadd.f32 @p1 $1.000000000e+00, v26;
	v29 =	vand.u32 $0xFF, v57  }
0x117: {  	v60 =	vadd.f32 v30, v30;
	v29 =	vadd.s32 v58, v29;
	v28 =	vmul.f32 v28, v53  }
0x118: {  	v23 =	vmul.f32 @p1 $6.931471820e-01, v23;
	v26 =	vmul.f32 @p1 v26, v27;
	v59 =	vadd.s32 $0xFFFFFF81, v29  }
0x119: {  	v25 =	vnsel @p2 vm9, $0x0, v25;
	v27 =	vcvt.s32.f32 v59;
	v28 =	vadd.f32 $1.000000000e+00, v28  }
0x11a: {  	v22 =	vadd.s32 @p1 v21, v22;
	v24 =	vadd.f32 @p2 v25, v24;
	v23 =	vadd.f32 @p1 v26, v23  }
0x11b: {  	vm7 =	vlt.s32 @p1 v22, v20;
	v61 =	vmul.f32 $6.931471820e-01, v27;
	v62 =	vmul.f32 v28, v60  }
0x11c: {  	v24 =	vpsel p2, v24, v18;
	v23 =	vnsel @p1 vm7, $0x0, v23  }
0x11d: {  	v63 =	vadd.s32 v21, v32;
	v23 =	vadd.f32 @p1 v23, v24;
	v22 =	vadd.f32 v62, v61  }
0x11e: {  	vm7 =	vlt.s32 v63, v20  }
0x11f: {  	v18 =	vpsel p1, v23, v18;
	v20 =	vnsel vm7, $0x0, v22  }
0x120: {  	v18 =	vadd.f32 v20, v18  }
.LBB2_46:
0x121: {  	s28 =	sadd.s32 $0x1, s28  }
0x122: {  	p1 =	seq.s32 s28, $0xE  }
.Ltmp9:
0x123: {  	_ = 	snop;
	(pc) =	sbr.rel @p1 .LBB2_47-.Ltmp9, $2  }
0x124: {  	_ =	sdelay $0x2  }
0x125: {  	p0 =	por !p0, !p0  }
.LBB2_14:
0x126: {  	s1 =	sshrl.u32 s28, $0x1  }
0x127: {  	v20 =	vmov s1  }
0x128: {  	vm7 =	veq.s32 v20, v0  }
0x129: {  	v20 =	vnsel vm7, $0x0, v19  }
0x12a: {  	(xrf0) =	vadd.scan.msk.s32 $0xffff, v20;
	_ =	sdelay $0x5  }
0x12b: {  	v20, _, _ =	vpop (xrf0)  }
0x12c: {  	(v2sf) =	vpush v20, $0xF;
	_ =	sdelay $0xd  }
0x12d: {  	s0 =	sshll.u32 s28, $0x8  }
0x12e: {  	s31 =	sand.u32 $0x100, s0;
	s29 =	spop (v2sf)  }
0x12f: {  	p2 =	sle.s32 s29, s31  }
.Ltmp10:
0x130: {  	_ = 	snop;
	(pc) =	sbr.rel @p2 .LBB2_16-.Ltmp10, $3  }
0x131: {  	_ =	sdelay $0x1  }
0x132: {  	s0 =	sshll.u32 s1, $0x9;
	s1 =	sshll.u32 s1, $0x7  }
0x133: {  	s4 =	sand.u32 $0x3FFFFE00, s0;
	s1 =	sadd.s32 s3, s1  }
0x134: {  	s30 =	sor.u32 s31, s4  }
0x135: {  	v21 =	vld [tilespmem:s30+$0x200];
	_ =	sdelay $0x4  }
0x136: {  	v22 =	vshll.u32 v21, $0x3  }
0x137: {  	v21 =	vand.u32 $0x7, v21;
	v22 =	vand.u32 $0xFFFFFFC0, v22  }
0x138: {  	v21 =	vor.u32 v21, v22  }
0x139: {  	v22 =	vperm.xlane v21, v1;
	_ =	sdelay $0x1  }
0x13a: {  	v23 =	vperm.xlane v21, v5;
	v22 =	vadd.s32 v4, v22;
	_ =	sdelay $0x1  }
0x13b: {  	v24 =	vperm.xlane v21, v6;
	v23 =	vadd.s32 v4, v23;
	_ =	sdelay $0x1  }
0x13c: {  	vm7 =	vmmov $0x1;
	v25 =	vperm.xlane v21, v3;
	v24 =	vadd.s32 v4, v24  }
0x13d: {  	[tilespmem:s12], [sflag:$0x1] =	stream.indirect_vreg.gather [hbm4b:s1+s2], $0x80, v22, vm7, $0xb8;
	[tilespmem:$0x1A280] =	vst v63  }
0x13e: {  	v38 =	vperm.xlane v21, v7;
	v22 =	vadd.s32 v4, v25  }
0x13f: {  	[tilespmem:s8], [sflag:$0x1] =	stream.indirect_vreg.gather [hbm4b:s1+s2], $0x80, v23, vm7, $0xb8;
	[tilespmem:$0x1A280] =	vst v63  }
0x140: {  	s5 =	simm.s32 $0x2300;
	v39 =	vperm.xlane v21, v8;
	v23 =	vadd.s32 v4, v38  }
0x141: {  	[tilespmem:s5], [sflag:$0x1] =	stream.indirect_vreg.gather [hbm4b:s1+s2], $0x80, v24, vm7, $0xb8;
	[tilespmem:$0x1A280] =	vst v63  }
0x142: {  	s7 =	simm.s32 $0x2380;
	v41 =	vperm.xlane v21, v9;
	v40 =	vadd.s32 v4, v39  }
0x143: {  	[tilespmem:s7], [sflag:$0x1] =	stream.indirect_vreg.gather [hbm4b:s1+s2], $0x80, v22, vm7, $0xb8;
	[tilespmem:$0x1A280] =	vst v63  }
0x144: {  	s6 =	simm.s32 $0x2400;
	v42 =	vperm.xlane v21, v2;
	v22 =	vadd.s32 v4, v41  }
0x145: {  	[tilespmem:s6], [sflag:$0x1] =	stream.indirect_vreg.gather [hbm4b:s1+s2], $0x80, v23, vm7, $0xb8;
	[tilespmem:$0x1A280] =	vst v63  }
0x146: {  	v43 =	vperm.xlane v21, v10;
	s7 =	simm.s32 $0x2480;
	v23 =	vadd.s32 v4, v42  }
0x147: {  	[tilespmem:s7], [sflag:$0x1] =	stream.indirect_vreg.gather [hbm4b:s1+s2], $0x80, v40, vm7, $0xb8;
	[tilespmem:$0x1A280] =	vst v63  }
0x148: {  	v45 =	vperm.xlane v21, v11;
	v44 =	vadd.s32 v4, v43;
	s6 =	simm.s32 $0x2500  }
0x149: {  	[tilespmem:s6], [sflag:$0x1] =	stream.indirect_vreg.gather [hbm4b:s1+s2], $0x80, v22, vm7, $0xb8;
	[tilespmem:$0x1A280] =	vst v63  }
0x14a: {  	v46 =	vperm.xlane v21, v12;
	s7 =	simm.s32 $0x2580;
	v22 =	vadd.s32 v4, v45  }
0x14b: {  	[tilespmem:s7], [sflag:$0x1] =	stream.indirect_vreg.gather [hbm4b:s1+s2], $0x80, v23, vm7, $0xb8;
	[tilespmem:$0x1A280] =	vst v63  }
0x14c: {  	v47 =	vperm.xlane v21, v13;
	s6 =	simm.s32 $0x2600;
	v23 =	vadd.s32 v4, v46  }
0x14d: {  	[tilespmem:s6], [sflag:$0x1] =	stream.indirect_vreg.gather [hbm4b:s1+s2], $0x80, v44, vm7, $0xb8;
	[tilespmem:$0x1A280] =	vst v63  }
0x14e: {  	v49 =	vperm.xlane v21, v14;
	v48 =	vadd.s32 v4, v47;
	s7 =	simm.s32 $0x2680  }
0x14f: {  	[tilespmem:s7], [sflag:$0x1] =	stream.indirect_vreg.gather [hbm4b:s1+s2], $0x80, v22, vm7, $0xb8;
	[tilespmem:$0x1A280] =	vst v63  }
0x150: {  	v50 =	vperm.xlane v21, v15;
	s6 =	simm.s32 $0x2700;
	v22 =	vadd.s32 v4, v49  }
0x151: {  	[tilespmem:s6], [sflag:$0x1] =	stream.indirect_vreg.gather [hbm4b:s1+s2], $0x80, v23, vm7, $0xb8;
	[tilespmem:$0x1A280] =	vst v63  }
0x152: {  	v51 =	vperm.xlane v21, v16;
	s7 =	simm.s32 $0x2780;
	v23 =	vadd.s32 v4, v50  }
0x153: {  	[tilespmem:s7], [sflag:$0x1] =	stream.indirect_vreg.gather [hbm4b:s1+s2], $0x80, v48, vm7, $0xb8;
	[tilespmem:$0x1A280] =	vst v63  }
0x154: {  	v21 =	vperm.xlane v21, v17;
	v52 =	vadd.s32 v4, v51;
	s6 =	simm.s32 $0x2800  }
0x155: {  	[tilespmem:s6], [sflag:$0x1] =	stream.indirect_vreg.gather [hbm4b:s1+s2], $0x80, v22, vm7, $0xb8;
	[tilespmem:$0x1A280] =	vst v63  }
0x156: {  	v21 =	vadd.s32 v4, v21;
	s7 =	simm.s32 $0x2880  }
0x157: {  	[tilespmem:s7], [sflag:$0x1] =	stream.indirect_vreg.gather [hbm4b:s1+s2], $0x80, v23, vm7, $0xb8;
	[tilespmem:$0x1A280] =	vst v63  }
0x158: {  	s6 =	simm.s32 $0x2900  }
0x159: {  	[tilespmem:s6], [sflag:$0x1] =	stream.indirect_vreg.gather [hbm4b:s1+s2], $0x80, v52, vm7, $0xb8;
	[tilespmem:$0x1A280] =	vst v63  }
0x15a: {  	s7 =	simm.s32 $0x2980  }
0x15b: {  	[tilespmem:s7], [sflag:$0x1] =	stream.indirect_vreg.gather [hbm4b:s1+s2], $0x80, v21, vm7, $0xb8;
	[tilespmem:$0x1A280] =	vst v63  }
0x15c: {  	v21 =	vld [tilespmem:s30+$0x210];
	_ =	sdelay $0x4  }
0x15d: {  	v22 =	vshll.u32 v21, $0x3  }
0x15e: {  	v21 =	vand.u32 $0x7, v21;
	v22 =	vand.u32 $0xFFFFFFC0, v22  }
0x15f: {  	v21 =	vor.u32 v21, v22  }
0x160: {  	v22 =	vperm.xlane v21, v1;
	_ =	sdelay $0x1  }
0x161: {  	v23 =	vperm.xlane v21, v5;
	v22 =	vadd.s32 v4, v22;
	_ =	sdelay $0x1  }
0x162: {  	v53 =	vperm.xlane v21, v6;
	v23 =	vadd.s32 v4, v23;
	_ =	sdelay $0x1  }
0x163: {  	s6 =	simm.s32 $0x2A00;
	v54 =	vperm.xlane v21, v3;
	v24 =	vadd.s32 v4, v53  }
0x164: {  	[tilespmem:s6], [sflag:$0x1] =	stream.indirect_vreg.gather [hbm4b:s1+s2], $0x80, v22, vm7, $0xb8;
	[tilespmem:$0x1A280] =	vst v63  }
0x165: {  	s7 =	simm.s32 $0x2A80;
	v55 =	vperm.xlane v21, v7;
	v22 =	vadd.s32 v4, v54  }
0x166: {  	[tilespmem:s7], [sflag:$0x1] =	stream.indirect_vreg.gather [hbm4b:s1+s2], $0x80, v23, vm7, $0xb8;
	[tilespmem:$0x1A280] =	vst v63  }
0x167: {  	v56 =	vperm.xlane v21, v8;
	s6 =	simm.s32 $0x2B00;
	v23 =	vadd.s32 v4, v55  }
0x168: {  	[tilespmem:s6], [sflag:$0x1] =	stream.indirect_vreg.gather [hbm4b:s1+s2], $0x80, v24, vm7, $0xb8;
	[tilespmem:$0x1A280] =	vst v63  }
0x169: {  	v58 =	vperm.xlane v21, v9;
	v57 =	vadd.s32 v4, v56;
	s7 =	simm.s32 $0x2B80  }
0x16a: {  	[tilespmem:s7], [sflag:$0x1] =	stream.indirect_vreg.gather [hbm4b:s1+s2], $0x80, v22, vm7, $0xb8;
	[tilespmem:$0x1A280] =	vst v63  }
0x16b: {  	v59 =	vperm.xlane v21, v2;
	s6 =	simm.s32 $0x2C00;
	v22 =	vadd.s32 v4, v58  }
0x16c: {  	[tilespmem:s6], [sflag:$0x1] =	stream.indirect_vreg.gather [hbm4b:s1+s2], $0x80, v23, vm7, $0xb8;
	[tilespmem:$0x1A280] =	vst v63  }
0x16d: {  	v60 =	vperm.xlane v21, v10;
	s7 =	simm.s32 $0x2C80;
	v23 =	vadd.s32 v4, v59  }
0x16e: {  	[tilespmem:s7], [sflag:$0x1] =	stream.indirect_vreg.gather [hbm4b:s1+s2], $0x80, v57, vm7, $0xb8;
	[tilespmem:$0x1A280] =	vst v63  }
0x16f: {  	v62 =	vperm.xlane v21, v11;
	v61 =	vadd.s32 v4, v60;
	s6 =	simm.s32 $0x2D00  }
0x170: {  	[tilespmem:s6], [sflag:$0x1] =	stream.indirect_vreg.gather [hbm4b:s1+s2], $0x80, v22, vm7, $0xb8;
	[tilespmem:$0x1A280] =	vst v63  }
0x171: {  	v63 =	vperm.xlane v21, v12;
	s7 =	simm.s32 $0x2D80;
	v22 =	vadd.s32 v4, v62  }
0x172: {  	[tilespmem:s7], [sflag:$0x1] =	stream.indirect_vreg.gather [hbm4b:s1+s2], $0x80, v23, vm7, $0xb8;
	[tilespmem:$0x1A280] =	vst v63  }
0x173: {  	v28 =	vperm.xlane v21, v13;
	s6 =	simm.s32 $0x2E00;
	v23 =	vadd.s32 v4, v63  }
0x174: {  	[tilespmem:s6], [sflag:$0x1] =	stream.indirect_vreg.gather [hbm4b:s1+s2], $0x80, v61, vm7, $0xb8;
	[tilespmem:$0x1A280] =	vst v63  }
0x175: {  	v30 =	vperm.xlane v21, v14;
	v29 =	vadd.s32 v4, v28;
	s7 =	simm.s32 $0x2E80  }
0x176: {  	[tilespmem:s7], [sflag:$0x1] =	stream.indirect_vreg.gather [hbm4b:s1+s2], $0x80, v22, vm7, $0xb8;
	[tilespmem:$0x1A280] =	vst v63  }
0x177: {  	v31 =	vperm.xlane v21, v15;
	s6 =	simm.s32 $0x2F00;
	v22 =	vadd.s32 v4, v30  }
0x178: {  	[tilespmem:s6], [sflag:$0x1] =	stream.indirect_vreg.gather [hbm4b:s1+s2], $0x80, v23, vm7, $0xb8;
	[tilespmem:$0x1A280] =	vst v63  }
0x179: {  	v32 =	vperm.xlane v21, v16;
	s7 =	simm.s32 $0x2F80;
	v23 =	vadd.s32 v4, v31  }
0x17a: {  	[tilespmem:s7], [sflag:$0x1] =	stream.indirect_vreg.gather [hbm4b:s1+s2], $0x80, v29, vm7, $0xb8;
	[tilespmem:$0x1A280] =	vst v63  }
0x17b: {  	v21 =	vperm.xlane v21, v17;
	v33 =	vadd.s32 v4, v32;
	s6 =	simm.s32 $0x3000  }
0x17c: {  	[tilespmem:s6], [sflag:$0x1] =	stream.indirect_vreg.gather [hbm4b:s1+s2], $0x80, v22, vm7, $0xb8;
	[tilespmem:$0x1A280] =	vst v63  }
0x17d: {  	v21 =	vadd.s32 v4, v21;
	s7 =	simm.s32 $0x3080  }
0x17e: {  	[tilespmem:s7], [sflag:$0x1] =	stream.indirect_vreg.gather [hbm4b:s1+s2], $0x80, v23, vm7, $0xb8;
	[tilespmem:$0x1A280] =	vst v63  }
0x17f: {  	s6 =	simm.s32 $0x3100  }
0x180: {  	[tilespmem:s6], [sflag:$0x1] =	stream.indirect_vreg.gather [hbm4b:s1+s2], $0x80, v33, vm7, $0xb8;
	[tilespmem:$0x1A280] =	vst v63  }
0x181: {  	s7 =	simm.s32 $0x3180  }
0x182: {  	[tilespmem:s7], [sflag:$0x1] =	stream.indirect_vreg.gather [hbm4b:s1+s2], $0x80, v21, vm7, $0xb8;
	[tilespmem:$0x1A280] =	vst v63  }
0x183: {  	v21 =	vld [tilespmem:s30+$0x220];
	_ =	sdelay $0x4  }
0x184: {  	v22 =	vshll.u32 v21, $0x3  }
0x185: {  	v21 =	vand.u32 $0x7, v21;
	v22 =	vand.u32 $0xFFFFFFC0, v22  }
0x186: {  	v21 =	vor.u32 v21, v22  }
0x187: {  	v22 =	vperm.xlane v21, v1;
	_ =	sdelay $0x1  }
0x188: {  	v23 =	vperm.xlane v21, v5;
	v22 =	vadd.s32 v4, v22;
	_ =	sdelay $0x1  }
0x189: {  	v34 =	vperm.xlane v21, v6;
	v23 =	vadd.s32 v4, v23;
	_ =	sdelay $0x1  }
0x18a: {  	s6 =	simm.s32 $0x3200;
	v35 =	vperm.xlane v21, v3;
	v24 =	vadd.s32 v4, v34  }
0x18b: {  	[tilespmem:s6], [sflag:$0x1] =	stream.indirect_vreg.gather [hbm4b:s1+s2], $0x80, v22, vm7, $0xb8;
	[tilespmem:$0x1A280] =	vst v63  }
0x18c: {  	s7 =	simm.s32 $0x3280;
	v36 =	vperm.xlane v21, v7;
	v22 =	vadd.s32 v4, v35  }
0x18d: {  	[tilespmem:s7], [sflag:$0x1] =	stream.indirect_vreg.gather [hbm4b:s1+s2], $0x80, v23, vm7, $0xb8;
	[tilespmem:$0x1A280] =	vst v63  }
0x18e: {  	v37 =	vperm.xlane v21, v8;
	s6 =	simm.s32 $0x3300;
	v23 =	vadd.s32 v4, v36  }
0x18f: {  	[tilespmem:s6], [sflag:$0x1] =	stream.indirect_vreg.gather [hbm4b:s1+s2], $0x80, v24, vm7, $0xb8;
	[tilespmem:$0x1A280] =	vst v63  }
0x190: {  	v39 =	vperm.xlane v21, v9;
	v38 =	vadd.s32 v4, v37;
	s7 =	simm.s32 $0x3380  }
0x191: {  	[tilespmem:s7], [sflag:$0x1] =	stream.indirect_vreg.gather [hbm4b:s1+s2], $0x80, v22, vm7, $0xb8;
	[tilespmem:$0x1A280] =	vst v63  }
0x192: {  	v40 =	vperm.xlane v21, v2;
	s6 =	simm.s32 $0x3400;
	v22 =	vadd.s32 v4, v39  }
0x193: {  	[tilespmem:s6], [sflag:$0x1] =	stream.indirect_vreg.gather [hbm4b:s1+s2], $0x80, v23, vm7, $0xb8;
	[tilespmem:$0x1A280] =	vst v63  }
0x194: {  	v41 =	vperm.xlane v21, v10;
	s7 =	simm.s32 $0x3480;
	v23 =	vadd.s32 v4, v40  }
0x195: {  	[tilespmem:s7], [sflag:$0x1] =	stream.indirect_vreg.gather [hbm4b:s1+s2], $0x80, v38, vm7, $0xb8;
	[tilespmem:$0x1A280] =	vst v63  }
0x196: {  	v43 =	vperm.xlane v21, v11;
	v42 =	vadd.s32 v4, v41;
	s6 =	simm.s32 $0x3500  }
0x197: {  	[tilespmem:s6], [sflag:$0x1] =	stream.indirect_vreg.gather [hbm4b:s1+s2], $0x80, v22, vm7, $0xb8;
	[tilespmem:$0x1A280] =	vst v63  }
0x198: {  	v44 =	vperm.xlane v21, v12;
	s7 =	simm.s32 $0x3580;
	v22 =	vadd.s32 v4, v43  }
0x199: {  	[tilespmem:s7], [sflag:$0x1] =	stream.indirect_vreg.gather [hbm4b:s1+s2], $0x80, v23, vm7, $0xb8;
	[tilespmem:$0x1A280] =	vst v63  }
0x19a: {  	v45 =	vperm.xlane v21, v13;
	s6 =	simm.s32 $0x3600;
	v23 =	vadd.s32 v4, v44  }
0x19b: {  	[tilespmem:s6], [sflag:$0x1] =	stream.indirect_vreg.gather [hbm4b:s1+s2], $0x80, v42, vm7, $0xb8;
	[tilespmem:$0x1A280] =	vst v63  }
0x19c: {  	v47 =	vperm.xlane v21, v14;
	v46 =	vadd.s32 v4, v45;
	s7 =	simm.s32 $0x3680  }
0x19d: {  	[tilespmem:s7], [sflag:$0x1] =	stream.indirect_vreg.gather [hbm4b:s1+s2], $0x80, v22, vm7, $0xb8;
	[tilespmem:$0x1A280] =	vst v63  }
0x19e: {  	v48 =	vperm.xlane v21, v15;
	s6 =	simm.s32 $0x3700;
	v22 =	vadd.s32 v4, v47  }
0x19f: {  	[tilespmem:s6], [sflag:$0x1] =	stream.indirect_vreg.gather [hbm4b:s1+s2], $0x80, v23, vm7, $0xb8;
	[tilespmem:$0x1A280] =	vst v63  }
0x1a0: {  	v49 =	vperm.xlane v21, v16;
	s7 =	simm.s32 $0x3780;
	v23 =	vadd.s32 v4, v48  }
0x1a1: {  	[tilespmem:s7], [sflag:$0x1] =	stream.indirect_vreg.gather [hbm4b:s1+s2], $0x80, v46, vm7, $0xb8;
	[tilespmem:$0x1A280] =	vst v63  }
0x1a2: {  	v21 =	vperm.xlane v21, v17;
	v50 =	vadd.s32 v4, v49;
	s6 =	simm.s32 $0x3800  }
0x1a3: {  	[tilespmem:s6], [sflag:$0x1] =	stream.indirect_vreg.gather [hbm4b:s1+s2], $0x80, v22, vm7, $0xb8;
	[tilespmem:$0x1A280] =	vst v63  }
0x1a4: {  	v21 =	vadd.s32 v4, v21;
	s7 =	simm.s32 $0x3880  }
0x1a5: {  	[tilespmem:s7], [sflag:$0x1] =	stream.indirect_vreg.gather [hbm4b:s1+s2], $0x80, v23, vm7, $0xb8;
	[tilespmem:$0x1A280] =	vst v63  }
0x1a6: {  	s6 =	simm.s32 $0x3900  }
0x1a7: {  	[tilespmem:s6], [sflag:$0x1] =	stream.indirect_vreg.gather [hbm4b:s1+s2], $0x80, v50, vm7, $0xb8;
	[tilespmem:$0x1A280] =	vst v63  }
0x1a8: {  	s7 =	simm.s32 $0x3980  }
0x1a9: {  	[tilespmem:s7], [sflag:$0x1] =	stream.indirect_vreg.gather [hbm4b:s1+s2], $0x80, v21, vm7, $0xb8;
	[tilespmem:$0x1A280] =	vst v63  }
0x1aa: {  	v21 =	vld [tilespmem:s30+$0x230];
	_ =	sdelay $0x4  }
0x1ab: {  	v22 =	vshll.u32 v21, $0x3  }
0x1ac: {  	v21 =	vand.u32 $0x7, v21;
	v22 =	vand.u32 $0xFFFFFFC0, v22  }
0x1ad: {  	v21 =	vor.u32 v21, v22  }
0x1ae: {  	v22 =	vperm.xlane v21, v1;
	_ =	sdelay $0x1  }
0x1af: {  	v23 =	vperm.xlane v21, v5;
	v22 =	vadd.s32 v4, v22;
	_ =	sdelay $0x1  }
0x1b0: {  	v51 =	vperm.xlane v21, v6;
	v23 =	vadd.s32 v4, v23;
	_ =	sdelay $0x1  }
0x1b1: {  	s6 =	simm.s32 $0x3A00;
	v52 =	vperm.xlane v21, v3;
	v24 =	vadd.s32 v4, v51  }
0x1b2: {  	[tilespmem:s6], [sflag:$0x1] =	stream.indirect_vreg.gather [hbm4b:s1+s2], $0x80, v22, vm7, $0xb8;
	[tilespmem:$0x1A280] =	vst v63  }
0x1b3: {  	s7 =	simm.s32 $0x3A80;
	v53 =	vperm.xlane v21, v7;
	v22 =	vadd.s32 v4, v52  }
0x1b4: {  	[tilespmem:s7], [sflag:$0x1] =	stream.indirect_vreg.gather [hbm4b:s1+s2], $0x80, v23, vm7, $0xb8;
	[tilespmem:$0x1A280] =	vst v63  }
0x1b5: {  	v54 =	vperm.xlane v21, v8;
	s6 =	simm.s32 $0x3B00;
	v23 =	vadd.s32 v4, v53  }
0x1b6: {  	[tilespmem:s6], [sflag:$0x1] =	stream.indirect_vreg.gather [hbm4b:s1+s2], $0x80, v24, vm7, $0xb8;
	[tilespmem:$0x1A280] =	vst v63  }
0x1b7: {  	v56 =	vperm.xlane v21, v9;
	v55 =	vadd.s32 v4, v54;
	s7 =	simm.s32 $0x3B80  }
0x1b8: {  	[tilespmem:s7], [sflag:$0x1] =	stream.indirect_vreg.gather [hbm4b:s1+s2], $0x80, v22, vm7, $0xb8;
	[tilespmem:$0x1A280] =	vst v63  }
0x1b9: {  	v57 =	vperm.xlane v21, v2;
	s6 =	simm.s32 $0x3C00;
	v22 =	vadd.s32 v4, v56  }
0x1ba: {  	[tilespmem:s6], [sflag:$0x1] =	stream.indirect_vreg.gather [hbm4b:s1+s2], $0x80, v23, vm7, $0xb8;
	[tilespmem:$0x1A280] =	vst v63  }
0x1bb: {  	v58 =	vperm.xlane v21, v10;
	s7 =	simm.s32 $0x3C80;
	v23 =	vadd.s32 v4, v57  }
0x1bc: {  	[tilespmem:s7], [sflag:$0x1] =	stream.indirect_vreg.gather [hbm4b:s1+s2], $0x80, v55, vm7, $0xb8;
	[tilespmem:$0x1A280] =	vst v63  }
0x1bd: {  	v60 =	vperm.xlane v21, v11;
	v59 =	vadd.s32 v4, v58;
	s6 =	simm.s32 $0x3D00  }
0x1be: {  	[tilespmem:s6], [sflag:$0x1] =	stream.indirect_vreg.gather [hbm4b:s1+s2], $0x80, v22, vm7, $0xb8;
	[tilespmem:$0x1A280] =	vst v63  }
0x1bf: {  	v61 =	vperm.xlane v21, v12;
	s7 =	simm.s32 $0x3D80;
	v22 =	vadd.s32 v4, v60  }
0x1c0: {  	[tilespmem:s7], [sflag:$0x1] =	stream.indirect_vreg.gather [hbm4b:s1+s2], $0x80, v23, vm7, $0xb8;
	[tilespmem:$0x1A280] =	vst v63  }
0x1c1: {  	v62 =	vperm.xlane v21, v13;
	s6 =	simm.s32 $0x3E00;
	v23 =	vadd.s32 v4, v61  }
0x1c2: {  	[tilespmem:s6], [sflag:$0x1] =	stream.indirect_vreg.gather [hbm4b:s1+s2], $0x80, v59, vm7, $0xb8;
	[tilespmem:$0x1A280] =	vst v63  }
0x1c3: {  	v28 =	vperm.xlane v21, v14;
	v63 =	vadd.s32 v4, v62;
	s7 =	simm.s32 $0x3E80  }
0x1c4: {  	[tilespmem:s7], [sflag:$0x1] =	stream.indirect_vreg.gather [hbm4b:s1+s2], $0x80, v22, vm7, $0xb8;
	[tilespmem:$0x1A280] =	vst v63  }
0x1c5: {  	v29 =	vperm.xlane v21, v15;
	s6 =	simm.s32 $0x3F00;
	v22 =	vadd.s32 v4, v28  }
0x1c6: {  	[tilespmem:s6], [sflag:$0x1] =	stream.indirect_vreg.gather [hbm4b:s1+s2], $0x80, v23, vm7, $0xb8;
	[tilespmem:$0x1A280] =	vst v63  }
0x1c7: {  	v30 =	vperm.xlane v21, v16;
	s7 =	simm.s32 $0x3F80;
	v23 =	vadd.s32 v4, v29  }
0x1c8: {  	[tilespmem:s7], [sflag:$0x1] =	stream.indirect_vreg.gather [hbm4b:s1+s2], $0x80, v63, vm7, $0xb8;
	[tilespmem:$0x1A280] =	vst v63  }
0x1c9: {  	v21 =	vperm.xlane v21, v17;
	v31 =	vadd.s32 v4, v30;
	s6 =	simm.s32 $0x4000  }
0x1ca: {  	[tilespmem:s6], [sflag:$0x1] =	stream.indirect_vreg.gather [hbm4b:s1+s2], $0x80, v22, vm7, $0xb8;
	[tilespmem:$0x1A280] =	vst v63  }
0x1cb: {  	v21 =	vadd.s32 v4, v21;
	s7 =	simm.s32 $0x4080  }
0x1cc: {  	[tilespmem:s7], [sflag:$0x1] =	stream.indirect_vreg.gather [hbm4b:s1+s2], $0x80, v23, vm7, $0xb8;
	[tilespmem:$0x1A280] =	vst v63  }
0x1cd: {  	s6 =	simm.s32 $0x4100  }
0x1ce: {  	[tilespmem:s6], [sflag:$0x1] =	stream.indirect_vreg.gather [hbm4b:s1+s2], $0x80, v31, vm7, $0xb8;
	[tilespmem:$0x1A280] =	vst v63  }
0x1cf: {  	s7 =	simm.s32 $0x4180  }
0x1d0: {  	[tilespmem:s7], [sflag:$0x1] =	stream.indirect_vreg.gather [hbm4b:s1+s2], $0x80, v21, vm7, $0xb8;
	[tilespmem:$0x1A280] =	vst v63  }
0x1d1: {  	v21 =	vld [tilespmem:s30+$0x240];
	_ =	sdelay $0x4  }
0x1d2: {  	v22 =	vshll.u32 v21, $0x3  }
0x1d3: {  	v21 =	vand.u32 $0x7, v21;
	v22 =	vand.u32 $0xFFFFFFC0, v22  }
0x1d4: {  	v21 =	vor.u32 v21, v22  }
0x1d5: {  	v22 =	vperm.xlane v21, v1;
	_ =	sdelay $0x1  }
0x1d6: {  	v23 =	vperm.xlane v21, v5;
	v22 =	vadd.s32 v4, v22;
	_ =	sdelay $0x1  }
0x1d7: {  	v32 =	vperm.xlane v21, v6;
	v23 =	vadd.s32 v4, v23;
	_ =	sdelay $0x1  }
0x1d8: {  	s6 =	simm.s32 $0x4200;
	v33 =	vperm.xlane v21, v3;
	v24 =	vadd.s32 v4, v32  }
0x1d9: {  	[tilespmem:s6], [sflag:$0x1] =	stream.indirect_vreg.gather [hbm4b:s1+s2], $0x80, v22, vm7, $0xb8;
	[tilespmem:$0x1A280] =	vst v63  }
0x1da: {  	s7 =	simm.s32 $0x4280;
	v34 =	vperm.xlane v21, v7;
	v22 =	vadd.s32 v4, v33  }
0x1db: {  	[tilespmem:s7], [sflag:$0x1] =	stream.indirect_vreg.gather [hbm4b:s1+s2], $0x80, v23, vm7, $0xb8;
	[tilespmem:$0x1A280] =	vst v63  }
0x1dc: {  	v35 =	vperm.xlane v21, v8;
	s6 =	simm.s32 $0x4300;
	v23 =	vadd.s32 v4, v34  }
0x1dd: {  	[tilespmem:s6], [sflag:$0x1] =	stream.indirect_vreg.gather [hbm4b:s1+s2], $0x80, v24, vm7, $0xb8;
	[tilespmem:$0x1A280] =	vst v63  }
0x1de: {  	v37 =	vperm.xlane v21, v9;
	v36 =	vadd.s32 v4, v35;
	s7 =	simm.s32 $0x4380  }
0x1df: {  	[tilespmem:s7], [sflag:$0x1] =	stream.indirect_vreg.gather [hbm4b:s1+s2], $0x80, v22, vm7, $0xb8;
	[tilespmem:$0x1A280] =	vst v63  }
0x1e0: {  	v38 =	vperm.xlane v21, v2;
	s6 =	simm.s32 $0x4400;
	v22 =	vadd.s32 v4, v37  }
0x1e1: {  	[tilespmem:s6], [sflag:$0x1] =	stream.indirect_vreg.gather [hbm4b:s1+s2], $0x80, v23, vm7, $0xb8;
	[tilespmem:$0x1A280] =	vst v63  }
0x1e2: {  	v39 =	vperm.xlane v21, v10;
	s7 =	simm.s32 $0x4480;
	v23 =	vadd.s32 v4, v38  }
0x1e3: {  	[tilespmem:s7], [sflag:$0x1] =	stream.indirect_vreg.gather [hbm4b:s1+s2], $0x80, v36, vm7, $0xb8;
	[tilespmem:$0x1A280] =	vst v63  }
0x1e4: {  	v41 =	vperm.xlane v21, v11;
	v40 =	vadd.s32 v4, v39;
	s6 =	simm.s32 $0x4500  }
0x1e5: {  	[tilespmem:s6], [sflag:$0x1] =	stream.indirect_vreg.gather [hbm4b:s1+s2], $0x80, v22, vm7, $0xb8;
	[tilespmem:$0x1A280] =	vst v63  }
0x1e6: {  	v42 =	vperm.xlane v21, v12;
	s7 =	simm.s32 $0x4580;
	v22 =	vadd.s32 v4, v41  }
0x1e7: {  	[tilespmem:s7], [sflag:$0x1] =	stream.indirect_vreg.gather [hbm4b:s1+s2], $0x80, v23, vm7, $0xb8;
	[tilespmem:$0x1A280] =	vst v63  }
0x1e8: {  	v43 =	vperm.xlane v21, v13;
	s6 =	simm.s32 $0x4600;
	v23 =	vadd.s32 v4, v42  }
0x1e9: {  	[tilespmem:s6], [sflag:$0x1] =	stream.indirect_vreg.gather [hbm4b:s1+s2], $0x80, v40, vm7, $0xb8;
	[tilespmem:$0x1A280] =	vst v63  }
0x1ea: {  	v45 =	vperm.xlane v21, v14;
	v44 =	vadd.s32 v4, v43;
	s7 =	simm.s32 $0x4680  }
0x1eb: {  	[tilespmem:s7], [sflag:$0x1] =	stream.indirect_vreg.gather [hbm4b:s1+s2], $0x80, v22, vm7, $0xb8;
	[tilespmem:$0x1A280] =	vst v63  }
0x1ec: {  	v46 =	vperm.xlane v21, v15;
	s6 =	simm.s32 $0x4700;
	v22 =	vadd.s32 v4, v45  }
0x1ed: {  	[tilespmem:s6], [sflag:$0x1] =	stream.indirect_vreg.gather [hbm4b:s1+s2], $0x80, v23, vm7, $0xb8;
	[tilespmem:$0x1A280] =	vst v63  }
0x1ee: {  	v47 =	vperm.xlane v21, v16;
	s7 =	simm.s32 $0x4780;
	v23 =	vadd.s32 v4, v46  }
0x1ef: {  	[tilespmem:s7], [sflag:$0x1] =	stream.indirect_vreg.gather [hbm4b:s1+s2], $0x80, v44, vm7, $0xb8;
	[tilespmem:$0x1A280] =	vst v63  }
0x1f0: {  	v21 =	vperm.xlane v21, v17;
	v48 =	vadd.s32 v4, v47;
	s6 =	simm.s32 $0x4800  }
0x1f1: {  	[tilespmem:s6], [sflag:$0x1] =	stream.indirect_vreg.gather [hbm4b:s1+s2], $0x80, v22, vm7, $0xb8;
	[tilespmem:$0x1A280] =	vst v63  }
0x1f2: {  	v21 =	vadd.s32 v4, v21;
	s7 =	simm.s32 $0x4880  }
0x1f3: {  	[tilespmem:s7], [sflag:$0x1] =	stream.indirect_vreg.gather [hbm4b:s1+s2], $0x80, v23, vm7, $0xb8;
	[tilespmem:$0x1A280] =	vst v63  }
0x1f4: {  	s6 =	simm.s32 $0x4900  }
0x1f5: {  	[tilespmem:s6], [sflag:$0x1] =	stream.indirect_vreg.gather [hbm4b:s1+s2], $0x80, v48, vm7, $0xb8;
	[tilespmem:$0x1A280] =	vst v63  }
0x1f6: {  	s7 =	simm.s32 $0x4980  }
0x1f7: {  	[tilespmem:s7], [sflag:$0x1] =	stream.indirect_vreg.gather [hbm4b:s1+s2], $0x80, v21, vm7, $0xb8;
	[tilespmem:$0x1A280] =	vst v63  }
0x1f8: {  	v21 =	vld [tilespmem:s30+$0x250];
	_ =	sdelay $0x4  }
0x1f9: {  	v22 =	vshll.u32 v21, $0x3  }
0x1fa: {  	v21 =	vand.u32 $0x7, v21;
	v22 =	vand.u32 $0xFFFFFFC0, v22  }
0x1fb: {  	v21 =	vor.u32 v21, v22  }
0x1fc: {  	v22 =	vperm.xlane v21, v1;
	_ =	sdelay $0x1  }
0x1fd: {  	v23 =	vperm.xlane v21, v5;
	v22 =	vadd.s32 v4, v22;
	_ =	sdelay $0x1  }
0x1fe: {  	v49 =	vperm.xlane v21, v6;
	v23 =	vadd.s32 v4, v23;
	_ =	sdelay $0x1  }
0x1ff: {  	s6 =	simm.s32 $0x4A00;
	v50 =	vperm.xlane v21, v3;
	v24 =	vadd.s32 v4, v49  }
0x200: {  	[tilespmem:s6], [sflag:$0x1] =	stream.indirect_vreg.gather [hbm4b:s1+s2], $0x80, v22, vm7, $0xb8;
	[tilespmem:$0x1A280] =	vst v63  }
0x201: {  	s7 =	simm.s32 $0x4A80;
	v51 =	vperm.xlane v21, v7;
	v22 =	vadd.s32 v4, v50  }
0x202: {  	[tilespmem:s7], [sflag:$0x1] =	stream.indirect_vreg.gather [hbm4b:s1+s2], $0x80, v23, vm7, $0xb8;
	[tilespmem:$0x1A280] =	vst v63  }
0x203: {  	v52 =	vperm.xlane v21, v8;
	s6 =	simm.s32 $0x4B00;
	v23 =	vadd.s32 v4, v51  }
0x204: {  	[tilespmem:s6], [sflag:$0x1] =	stream.indirect_vreg.gather [hbm4b:s1+s2], $0x80, v24, vm7, $0xb8;
	[tilespmem:$0x1A280] =	vst v63  }
0x205: {  	v54 =	vperm.xlane v21, v9;
	v53 =	vadd.s32 v4, v52;
	s7 =	simm.s32 $0x4B80  }
0x206: {  	[tilespmem:s7], [sflag:$0x1] =	stream.indirect_vreg.gather [hbm4b:s1+s2], $0x80, v22, vm7, $0xb8;
	[tilespmem:$0x1A280] =	vst v63  }
0x207: {  	v55 =	vperm.xlane v21, v2;
	s6 =	simm.s32 $0x4C00;
	v22 =	vadd.s32 v4, v54  }
0x208: {  	[tilespmem:s6], [sflag:$0x1] =	stream.indirect_vreg.gather [hbm4b:s1+s2], $0x80, v23, vm7, $0xb8;
	[tilespmem:$0x1A280] =	vst v63  }
0x209: {  	v56 =	vperm.xlane v21, v10;
	s7 =	simm.s32 $0x4C80;
	v23 =	vadd.s32 v4, v55  }
0x20a: {  	[tilespmem:s7], [sflag:$0x1] =	stream.indirect_vreg.gather [hbm4b:s1+s2], $0x80, v53, vm7, $0xb8;
	[tilespmem:$0x1A280] =	vst v63  }
0x20b: {  	v58 =	vperm.xlane v21, v11;
	v57 =	vadd.s32 v4, v56;
	s6 =	simm.s32 $0x4D00  }
0x20c: {  	[tilespmem:s6], [sflag:$0x1] =	stream.indirect_vreg.gather [hbm4b:s1+s2], $0x80, v22, vm7, $0xb8;
	[tilespmem:$0x1A280] =	vst v63  }
0x20d: {  	v59 =	vperm.xlane v21, v12;
	s7 =	simm.s32 $0x4D80;
	v22 =	vadd.s32 v4, v58  }
0x20e: {  	[tilespmem:s7], [sflag:$0x1] =	stream.indirect_vreg.gather [hbm4b:s1+s2], $0x80, v23, vm7, $0xb8;
	[tilespmem:$0x1A280] =	vst v63  }
0x20f: {  	v60 =	vperm.xlane v21, v13;
	s6 =	simm.s32 $0x4E00;
	v23 =	vadd.s32 v4, v59  }
0x210: {  	[tilespmem:s6], [sflag:$0x1] =	stream.indirect_vreg.gather [hbm4b:s1+s2], $0x80, v57, vm7, $0xb8;
	[tilespmem:$0x1A280] =	vst v63  }
0x211: {  	v62 =	vperm.xlane v21, v14;
	v61 =	vadd.s32 v4, v60;
	s7 =	simm.s32 $0x4E80  }
0x212: {  	[tilespmem:s7], [sflag:$0x1] =	stream.indirect_vreg.gather [hbm4b:s1+s2], $0x80, v22, vm7, $0xb8;
	[tilespmem:$0x1A280] =	vst v63  }
0x213: {  	v63 =	vperm.xlane v21, v15;
	s6 =	simm.s32 $0x4F00;
	v22 =	vadd.s32 v4, v62  }
0x214: {  	[tilespmem:s6], [sflag:$0x1] =	stream.indirect_vreg.gather [hbm4b:s1+s2], $0x80, v23, vm7, $0xb8;
	[tilespmem:$0x1A280] =	vst v63  }
0x215: {  	v28 =	vperm.xlane v21, v16;
	s7 =	simm.s32 $0x4F80;
	v23 =	vadd.s32 v4, v63  }
0x216: {  	[tilespmem:s7], [sflag:$0x1] =	stream.indirect_vreg.gather [hbm4b:s1+s2], $0x80, v61, vm7, $0xb8;
	[tilespmem:$0x1A280] =	vst v63  }
0x217: {  	v21 =	vperm.xlane v21, v17;
	v29 =	vadd.s32 v4, v28;
	s6 =	simm.s32 $0x5000  }
0x218: {  	[tilespmem:s6], [sflag:$0x1] =	stream.indirect_vreg.gather [hbm4b:s1+s2], $0x80, v22, vm7, $0xb8;
	[tilespmem:$0x1A280] =	vst v63  }
0x219: {  	v21 =	vadd.s32 v4, v21;
	s7 =	simm.s32 $0x5080  }
0x21a: {  	[tilespmem:s7], [sflag:$0x1] =	stream.indirect_vreg.gather [hbm4b:s1+s2], $0x80, v23, vm7, $0xb8;
	[tilespmem:$0x1A280] =	vst v63  }
0x21b: {  	s6 =	simm.s32 $0x5100  }
0x21c: {  	[tilespmem:s6], [sflag:$0x1] =	stream.indirect_vreg.gather [hbm4b:s1+s2], $0x80, v29, vm7, $0xb8;
	[tilespmem:$0x1A280] =	vst v63  }
0x21d: {  	s7 =	simm.s32 $0x5180  }
0x21e: {  	[tilespmem:s7], [sflag:$0x1] =	stream.indirect_vreg.gather [hbm4b:s1+s2], $0x80, v21, vm7, $0xb8;
	[tilespmem:$0x1A280] =	vst v63  }
0x21f: {  	v21 =	vld [tilespmem:s30+$0x260];
	_ =	sdelay $0x4  }
0x220: {  	v22 =	vshll.u32 v21, $0x3  }
0x221: {  	v21 =	vand.u32 $0x7, v21;
	v22 =	vand.u32 $0xFFFFFFC0, v22  }
0x222: {  	v21 =	vor.u32 v21, v22  }
0x223: {  	v22 =	vperm.xlane v21, v1;
	_ =	sdelay $0x1  }
0x224: {  	v23 =	vperm.xlane v21, v5;
	v22 =	vadd.s32 v4, v22;
	_ =	sdelay $0x1  }
0x225: {  	v30 =	vperm.xlane v21, v6;
	v23 =	vadd.s32 v4, v23;
	_ =	sdelay $0x1  }
0x226: {  	s6 =	simm.s32 $0x5200;
	v31 =	vperm.xlane v21, v3;
	v24 =	vadd.s32 v4, v30  }
0x227: {  	[tilespmem:s6], [sflag:$0x1] =	stream.indirect_vreg.gather [hbm4b:s1+s2], $0x80, v22, vm7, $0xb8;
	[tilespmem:$0x1A280] =	vst v63  }
0x228: {  	s7 =	simm.s32 $0x5280;
	v32 =	vperm.xlane v21, v7;
	v22 =	vadd.s32 v4, v31  }
0x229: {  	[tilespmem:s7], [sflag:$0x1] =	stream.indirect_vreg.gather [hbm4b:s1+s2], $0x80, v23, vm7, $0xb8;
	[tilespmem:$0x1A280] =	vst v63  }
0x22a: {  	v33 =	vperm.xlane v21, v8;
	s6 =	simm.s32 $0x5300;
	v23 =	vadd.s32 v4, v32  }
0x22b: {  	[tilespmem:s6], [sflag:$0x1] =	stream.indirect_vreg.gather [hbm4b:s1+s2], $0x80, v24, vm7, $0xb8;
	[tilespmem:$0x1A280] =	vst v63  }
0x22c: {  	v35 =	vperm.xlane v21, v9;
	v34 =	vadd.s32 v4, v33;
	s7 =	simm.s32 $0x5380  }
0x22d: {  	[tilespmem:s7], [sflag:$0x1] =	stream.indirect_vreg.gather [hbm4b:s1+s2], $0x80, v22, vm7, $0xb8;
	[tilespmem:$0x1A280] =	vst v63  }
0x22e: {  	v36 =	vperm.xlane v21, v2;
	s6 =	simm.s32 $0x5400;
	v22 =	vadd.s32 v4, v35  }
0x22f: {  	[tilespmem:s6], [sflag:$0x1] =	stream.indirect_vreg.gather [hbm4b:s1+s2], $0x80, v23, vm7, $0xb8;
	[tilespmem:$0x1A280] =	vst v63  }
0x230: {  	v37 =	vperm.xlane v21, v10;
	s7 =	simm.s32 $0x5480;
	v23 =	vadd.s32 v4, v36  }
0x231: {  	[tilespmem:s7], [sflag:$0x1] =	stream.indirect_vreg.gather [hbm4b:s1+s2], $0x80, v34, vm7, $0xb8;
	[tilespmem:$0x1A280] =	vst v63  }
0x232: {  	v39 =	vperm.xlane v21, v11;
	v38 =	vadd.s32 v4, v37;
	s6 =	simm.s32 $0x5500  }
0x233: {  	[tilespmem:s6], [sflag:$0x1] =	stream.indirect_vreg.gather [hbm4b:s1+s2], $0x80, v22, vm7, $0xb8;
	[tilespmem:$0x1A280] =	vst v63  }
0x234: {  	v40 =	vperm.xlane v21, v12;
	s7 =	simm.s32 $0x5580;
	v22 =	vadd.s32 v4, v39  }
0x235: {  	[tilespmem:s7], [sflag:$0x1] =	stream.indirect_vreg.gather [hbm4b:s1+s2], $0x80, v23, vm7, $0xb8;
	[tilespmem:$0x1A280] =	vst v63  }
0x236: {  	v41 =	vperm.xlane v21, v13;
	s6 =	simm.s32 $0x5600;
	v23 =	vadd.s32 v4, v40  }
0x237: {  	[tilespmem:s6], [sflag:$0x1] =	stream.indirect_vreg.gather [hbm4b:s1+s2], $0x80, v38, vm7, $0xb8;
	[tilespmem:$0x1A280] =	vst v63  }
0x238: {  	v43 =	vperm.xlane v21, v14;
	v42 =	vadd.s32 v4, v41;
	s7 =	simm.s32 $0x5680  }
0x239: {  	[tilespmem:s7], [sflag:$0x1] =	stream.indirect_vreg.gather [hbm4b:s1+s2], $0x80, v22, vm7, $0xb8;
	[tilespmem:$0x1A280] =	vst v63  }
0x23a: {  	v44 =	vperm.xlane v21, v15;
	s6 =	simm.s32 $0x5700;
	v22 =	vadd.s32 v4, v43  }
0x23b: {  	[tilespmem:s6], [sflag:$0x1] =	stream.indirect_vreg.gather [hbm4b:s1+s2], $0x80, v23, vm7, $0xb8;
	[tilespmem:$0x1A280] =	vst v63  }
0x23c: {  	v45 =	vperm.xlane v21, v16;
	s7 =	simm.s32 $0x5780;
	v23 =	vadd.s32 v4, v44  }
0x23d: {  	[tilespmem:s7], [sflag:$0x1] =	stream.indirect_vreg.gather [hbm4b:s1+s2], $0x80, v42, vm7, $0xb8;
	[tilespmem:$0x1A280] =	vst v63  }
0x23e: {  	v21 =	vperm.xlane v21, v17;
	v46 =	vadd.s32 v4, v45;
	s6 =	simm.s32 $0x5800  }
0x23f: {  	[tilespmem:s6], [sflag:$0x1] =	stream.indirect_vreg.gather [hbm4b:s1+s2], $0x80, v22, vm7, $0xb8;
	[tilespmem:$0x1A280] =	vst v63  }
0x240: {  	v21 =	vadd.s32 v4, v21;
	s7 =	simm.s32 $0x5880  }
0x241: {  	[tilespmem:s7], [sflag:$0x1] =	stream.indirect_vreg.gather [hbm4b:s1+s2], $0x80, v23, vm7, $0xb8;
	[tilespmem:$0x1A280] =	vst v63  }
0x242: {  	s6 =	simm.s32 $0x5900  }
0x243: {  	[tilespmem:s6], [sflag:$0x1] =	stream.indirect_vreg.gather [hbm4b:s1+s2], $0x80, v46, vm7, $0xb8;
	[tilespmem:$0x1A280] =	vst v63  }
0x244: {  	s7 =	simm.s32 $0x5980  }
0x245: {  	[tilespmem:s7], [sflag:$0x1] =	stream.indirect_vreg.gather [hbm4b:s1+s2], $0x80, v21, vm7, $0xb8;
	[tilespmem:$0x1A280] =	vst v63  }
0x246: {  	v21 =	vld [tilespmem:s30+$0x270];
	_ =	sdelay $0x4  }
0x247: {  	v22 =	vshll.u32 v21, $0x3  }
0x248: {  	v21 =	vand.u32 $0x7, v21;
	v22 =	vand.u32 $0xFFFFFFC0, v22  }
0x249: {  	v21 =	vor.u32 v21, v22  }
0x24a: {  	v22 =	vperm.xlane v21, v1;
	_ =	sdelay $0x1  }
0x24b: {  	v23 =	vperm.xlane v21, v5;
	v22 =	vadd.s32 v4, v22;
	_ =	sdelay $0x1  }
0x24c: {  	v47 =	vperm.xlane v21, v6;
	v23 =	vadd.s32 v4, v23;
	_ =	sdelay $0x1  }
0x24d: {  	s30 =	simm.s32 $0x5A00;
	v48 =	vperm.xlane v21, v3;
	v24 =	vadd.s32 v4, v47  }
0x24e: {  	[tilespmem:s30], [sflag:$0x1] =	stream.indirect_vreg.gather [hbm4b:s1+s2], $0x80, v22, vm7, $0xb8;
	[tilespmem:$0x1A280] =	vst v63  }
0x24f: {  	s6 =	simm.s32 $0x5A80;
	v49 =	vperm.xlane v21, v7;
	v22 =	vadd.s32 v4, v48  }
0x250: {  	[tilespmem:s6], [sflag:$0x1] =	stream.indirect_vreg.gather [hbm4b:s1+s2], $0x80, v23, vm7, $0xb8;
	[tilespmem:$0x1A280] =	vst v63  }
0x251: {  	s7 =	simm.s32 $0x5B00;
	v50 =	vperm.xlane v21, v8;
	v23 =	vadd.s32 v4, v49  }
0x252: {  	[tilespmem:s7], [sflag:$0x1] =	stream.indirect_vreg.gather [hbm4b:s1+s2], $0x80, v24, vm7, $0xb8;
	[tilespmem:$0x1A280] =	vst v63  }
0x253: {  	v52 =	vperm.xlane v21, v9;
	v51 =	vadd.s32 v4, v50;
	s30 =	simm.s32 $0x5B80  }
0x254: {  	[tilespmem:s30], [sflag:$0x1] =	stream.indirect_vreg.gather [hbm4b:s1+s2], $0x80, v22, vm7, $0xb8;
	[tilespmem:$0x1A280] =	vst v63  }
0x255: {  	v53 =	vperm.xlane v21, v2;
	s6 =	simm.s32 $0x5C00;
	v22 =	vadd.s32 v4, v52  }
0x256: {  	[tilespmem:s6], [sflag:$0x1] =	stream.indirect_vreg.gather [hbm4b:s1+s2], $0x80, v23, vm7, $0xb8;
	[tilespmem:$0x1A280] =	vst v63  }
0x257: {  	v54 =	vperm.xlane v21, v10;
	s7 =	simm.s32 $0x5C80;
	v23 =	vadd.s32 v4, v53  }
0x258: {  	[tilespmem:s7], [sflag:$0x1] =	stream.indirect_vreg.gather [hbm4b:s1+s2], $0x80, v51, vm7, $0xb8;
	[tilespmem:$0x1A280] =	vst v63  }
0x259: {  	v56 =	vperm.xlane v21, v11;
	v55 =	vadd.s32 v4, v54;
	s30 =	simm.s32 $0x5D00  }
0x25a: {  	[tilespmem:s30], [sflag:$0x1] =	stream.indirect_vreg.gather [hbm4b:s1+s2], $0x80, v22, vm7, $0xb8;
	[tilespmem:$0x1A280] =	vst v63  }
0x25b: {  	v57 =	vperm.xlane v21, v12;
	s6 =	simm.s32 $0x5D80;
	v22 =	vadd.s32 v4, v56  }
0x25c: {  	[tilespmem:s6], [sflag:$0x1] =	stream.indirect_vreg.gather [hbm4b:s1+s2], $0x80, v23, vm7, $0xb8;
	[tilespmem:$0x1A280] =	vst v63  }
0x25d: {  	v58 =	vperm.xlane v21, v13;
	s7 =	simm.s32 $0x5E00;
	v23 =	vadd.s32 v4, v57  }
0x25e: {  	[tilespmem:s7], [sflag:$0x1] =	stream.indirect_vreg.gather [hbm4b:s1+s2], $0x80, v55, vm7, $0xb8;
	[tilespmem:$0x1A280] =	vst v63  }
0x25f: {  	v60 =	vperm.xlane v21, v14;
	v59 =	vadd.s32 v4, v58;
	s30 =	simm.s32 $0x5E80  }
0x260: {  	[tilespmem:s30], [sflag:$0x1] =	stream.indirect_vreg.gather [hbm4b:s1+s2], $0x80, v22, vm7, $0xb8;
	[tilespmem:$0x1A280] =	vst v63  }
0x261: {  	v61 =	vperm.xlane v21, v15;
	s6 =	simm.s32 $0x5F00;
	v22 =	vadd.s32 v4, v60  }
0x262: {  	[tilespmem:s6], [sflag:$0x1] =	stream.indirect_vreg.gather [hbm4b:s1+s2], $0x80, v23, vm7, $0xb8;
	[tilespmem:$0x1A280] =	vst v63  }
0x263: {  	v62 =	vperm.xlane v21, v16;
	s7 =	simm.s32 $0x5F80;
	v23 =	vadd.s32 v4, v61  }
0x264: {  	[tilespmem:s7], [sflag:$0x1] =	stream.indirect_vreg.gather [hbm4b:s1+s2], $0x80, v59, vm7, $0xb8;
	[tilespmem:$0x1A280] =	vst v63  }
0x265: {  	v21 =	vperm.xlane v21, v17;
	v63 =	vadd.s32 v4, v62;
	s30 =	simm.s32 $0x6000  }
0x266: {  	[tilespmem:s30], [sflag:$0x1] =	stream.indirect_vreg.gather [hbm4b:s1+s2], $0x80, v22, vm7, $0xb8;
	[tilespmem:$0x1A280] =	vst v63  }
0x267: {  	v21 =	vadd.s32 v4, v21;
	s6 =	simm.s32 $0x6080  }
0x268: {  	[tilespmem:s6], [sflag:$0x1] =	stream.indirect_vreg.gather [hbm4b:s1+s2], $0x80, v23, vm7, $0xb8;
	[tilespmem:$0x1A280] =	vst v63  }
0x269: {  	s7 =	simm.s32 $0x6100  }
0x26a: {  	[tilespmem:s7], [sflag:$0x1] =	stream.indirect_vreg.gather [hbm4b:s1+s2], $0x80, v63, vm7, $0xb8;
	[tilespmem:$0x1A280] =	vst v63  }
0x26b: {  	s30 =	simm.s32 $0x6180  }
0x26c: {  	[tilespmem:s30], [sflag:$0x1] =	stream.indirect_vreg.gather [hbm4b:s1+s2], $0x80, v21, vm7, $0xb8;
	[tilespmem:$0x1A280] =	vst v63  }
.LBB2_16:
0x26d: {  	s30 =	sor.u32 $0x80, s31  }
0x26e: {  	p1 =	sle.s32 s29, s30  }
.Ltmp11:
0x26f: {  	_ = 	snop;
	(pc) =	sbr.rel @p1 .LBB2_18-.Ltmp11, $1  }
0x270: {  	_ =	sdelay $0x3  }
0x271: {  	s4 =	sor.u32 s30, s4  }
0x272: {  	v21 =	vld [tilespmem:s4+$0x200];
	_ =	sdelay $0x4  }
0x273: {  	v22 =	vshll.u32 v21, $0x3  }
0x274: {  	v21 =	vand.u32 $0x7, v21;
	v22 =	vand.u32 $0xFFFFFFC0, v22  }
0x275: {  	v21 =	vor.u32 v21, v22  }
0x276: {  	v22 =	vperm.xlane v21, v1;
	_ =	sdelay $0x1  }
0x277: {  	v23 =	vperm.xlane v21, v5;
	v22 =	vadd.s32 v4, v22;
	_ =	sdelay $0x1  }
0x278: {  	v24 =	vperm.xlane v21, v6;
	v23 =	vadd.s32 v4, v23;
	_ =	sdelay $0x1  }
0x279: {  	vm7 =	vmmov $0x1;
	v25 =	vperm.xlane v21, v3;
	v24 =	vadd.s32 v4, v24  }
0x27a: {  	[tilespmem:s15], [sflag:$0x2] =	stream.indirect_vreg.gather [hbm4b:s1+s2], $0x80, v22, vm7, $0xb8;
	[tilespmem:$0x1A280] =	vst v63  }
0x27b: {  	s5 =	simm.s32 $0x6280;
	v38 =	vperm.xlane v21, v7;
	v22 =	vadd.s32 v4, v25  }
0x27c: {  	[tilespmem:s5], [sflag:$0x2] =	stream.indirect_vreg.gather [hbm4b:s1+s2], $0x80, v23, vm7, $0xb8;
	[tilespmem:$0x1A280] =	vst v63  }
0x27d: {  	s7 =	simm.s32 $0x6300;
	v39 =	vperm.xlane v21, v8;
	v23 =	vadd.s32 v4, v38  }
0x27e: {  	[tilespmem:s7], [sflag:$0x2] =	stream.indirect_vreg.gather [hbm4b:s1+s2], $0x80, v24, vm7, $0xb8;
	[tilespmem:$0x1A280] =	vst v63  }
0x27f: {  	s6 =	simm.s32 $0x6380;
	v41 =	vperm.xlane v21, v9;
	v40 =	vadd.s32 v4, v39  }
0x280: {  	[tilespmem:s6], [sflag:$0x2] =	stream.indirect_vreg.gather [hbm4b:s1+s2], $0x80, v22, vm7, $0xb8;
	[tilespmem:$0x1A280] =	vst v63  }
0x281: {  	v42 =	vperm.xlane v21, v2;
	s7 =	simm.s32 $0x6400;
	v22 =	vadd.s32 v4, v41  }
0x282: {  	[tilespmem:s7], [sflag:$0x2] =	stream.indirect_vreg.gather [hbm4b:s1+s2], $0x80, v23, vm7, $0xb8;
	[tilespmem:$0x1A280] =	vst v63  }
0x283: {  	v43 =	vperm.xlane v21, v10;
	s6 =	simm.s32 $0x6480;
	v23 =	vadd.s32 v4, v42  }
0x284: {  	[tilespmem:s6], [sflag:$0x2] =	stream.indirect_vreg.gather [hbm4b:s1+s2], $0x80, v40, vm7, $0xb8;
	[tilespmem:$0x1A280] =	vst v63  }
0x285: {  	v45 =	vperm.xlane v21, v11;
	v44 =	vadd.s32 v4, v43;
	s7 =	simm.s32 $0x6500  }
0x286: {  	[tilespmem:s7], [sflag:$0x2] =	stream.indirect_vreg.gather [hbm4b:s1+s2], $0x80, v22, vm7, $0xb8;
	[tilespmem:$0x1A280] =	vst v63  }
0x287: {  	v46 =	vperm.xlane v21, v12;
	s6 =	simm.s32 $0x6580;
	v22 =	vadd.s32 v4, v45  }
0x288: {  	[tilespmem:s6], [sflag:$0x2] =	stream.indirect_vreg.gather [hbm4b:s1+s2], $0x80, v23, vm7, $0xb8;
	[tilespmem:$0x1A280] =	vst v63  }
0x289: {  	v47 =	vperm.xlane v21, v13;
	s7 =	simm.s32 $0x6600;
	v23 =	vadd.s32 v4, v46  }
0x28a: {  	[tilespmem:s7], [sflag:$0x2] =	stream.indirect_vreg.gather [hbm4b:s1+s2], $0x80, v44, vm7, $0xb8;
	[tilespmem:$0x1A280] =	vst v63  }
0x28b: {  	v49 =	vperm.xlane v21, v14;
	v48 =	vadd.s32 v4, v47;
	s6 =	simm.s32 $0x6680  }
0x28c: {  	[tilespmem:s6], [sflag:$0x2] =	stream.indirect_vreg.gather [hbm4b:s1+s2], $0x80, v22, vm7, $0xb8;
	[tilespmem:$0x1A280] =	vst v63  }
0x28d: {  	v50 =	vperm.xlane v21, v15;
	s7 =	simm.s32 $0x6700;
	v22 =	vadd.s32 v4, v49  }
0x28e: {  	[tilespmem:s7], [sflag:$0x2] =	stream.indirect_vreg.gather [hbm4b:s1+s2], $0x80, v23, vm7, $0xb8;
	[tilespmem:$0x1A280] =	vst v63  }
0x28f: {  	v51 =	vperm.xlane v21, v16;
	s6 =	simm.s32 $0x6780;
	v23 =	vadd.s32 v4, v50  }
0x290: {  	[tilespmem:s6], [sflag:$0x2] =	stream.indirect_vreg.gather [hbm4b:s1+s2], $0x80, v48, vm7, $0xb8;
	[tilespmem:$0x1A280] =	vst v63  }
0x291: {  	v21 =	vperm.xlane v21, v17;
	v52 =	vadd.s32 v4, v51;
	s7 =	simm.s32 $0x6800  }
0x292: {  	[tilespmem:s7], [sflag:$0x2] =	stream.indirect_vreg.gather [hbm4b:s1+s2], $0x80, v22, vm7, $0xb8;
	[tilespmem:$0x1A280] =	vst v63  }
0x293: {  	v21 =	vadd.s32 v4, v21;
	s6 =	simm.s32 $0x6880  }
0x294: {  	[tilespmem:s6], [sflag:$0x2] =	stream.indirect_vreg.gather [hbm4b:s1+s2], $0x80, v23, vm7, $0xb8;
	[tilespmem:$0x1A280] =	vst v63  }
0x295: {  	s7 =	simm.s32 $0x6900  }
0x296: {  	[tilespmem:s7], [sflag:$0x2] =	stream.indirect_vreg.gather [hbm4b:s1+s2], $0x80, v52, vm7, $0xb8;
	[tilespmem:$0x1A280] =	vst v63  }
0x297: {  	s6 =	simm.s32 $0x6980  }
0x298: {  	[tilespmem:s6], [sflag:$0x2] =	stream.indirect_vreg.gather [hbm4b:s1+s2], $0x80, v21, vm7, $0xb8;
	[tilespmem:$0x1A280] =	vst v63  }
0x299: {  	v21 =	vld [tilespmem:s4+$0x210];
	_ =	sdelay $0x4  }
0x29a: {  	v22 =	vshll.u32 v21, $0x3  }
0x29b: {  	v21 =	vand.u32 $0x7, v21;
	v22 =	vand.u32 $0xFFFFFFC0, v22  }
0x29c: {  	v21 =	vor.u32 v21, v22  }
0x29d: {  	v22 =	vperm.xlane v21, v1;
	_ =	sdelay $0x1  }
0x29e: {  	v23 =	vperm.xlane v21, v5;
	v22 =	vadd.s32 v4, v22;
	_ =	sdelay $0x1  }
0x29f: {  	v53 =	vperm.xlane v21, v6;
	v23 =	vadd.s32 v4, v23;
	_ =	sdelay $0x1  }
0x2a0: {  	s7 =	simm.s32 $0x6A00;
	v54 =	vperm.xlane v21, v3;
	v24 =	vadd.s32 v4, v53  }
0x2a1: {  	[tilespmem:s7], [sflag:$0x2] =	stream.indirect_vreg.gather [hbm4b:s1+s2], $0x80, v22, vm7, $0xb8;
	[tilespmem:$0x1A280] =	vst v63  }
0x2a2: {  	s6 =	simm.s32 $0x6A80;
	v55 =	vperm.xlane v21, v7;
	v22 =	vadd.s32 v4, v54  }
0x2a3: {  	[tilespmem:s6], [sflag:$0x2] =	stream.indirect_vreg.gather [hbm4b:s1+s2], $0x80, v23, vm7, $0xb8;
	[tilespmem:$0x1A280] =	vst v63  }
0x2a4: {  	v56 =	vperm.xlane v21, v8;
	s7 =	simm.s32 $0x6B00;
	v23 =	vadd.s32 v4, v55  }
0x2a5: {  	[tilespmem:s7], [sflag:$0x2] =	stream.indirect_vreg.gather [hbm4b:s1+s2], $0x80, v24, vm7, $0xb8;
	[tilespmem:$0x1A280] =	vst v63  }
0x2a6: {  	v58 =	vperm.xlane v21, v9;
	v57 =	vadd.s32 v4, v56;
	s6 =	simm.s32 $0x6B80  }
0x2a7: {  	[tilespmem:s6], [sflag:$0x2] =	stream.indirect_vreg.gather [hbm4b:s1+s2], $0x80, v22, vm7, $0xb8;
	[tilespmem:$0x1A280] =	vst v63  }
0x2a8: {  	v59 =	vperm.xlane v21, v2;
	s7 =	simm.s32 $0x6C00;
	v22 =	vadd.s32 v4, v58  }
0x2a9: {  	[tilespmem:s7], [sflag:$0x2] =	stream.indirect_vreg.gather [hbm4b:s1+s2], $0x80, v23, vm7, $0xb8;
	[tilespmem:$0x1A280] =	vst v63  }
0x2aa: {  	v60 =	vperm.xlane v21, v10;
	s6 =	simm.s32 $0x6C80;
	v23 =	vadd.s32 v4, v59  }
0x2ab: {  	[tilespmem:s6], [sflag:$0x2] =	stream.indirect_vreg.gather [hbm4b:s1+s2], $0x80, v57, vm7, $0xb8;
	[tilespmem:$0x1A280] =	vst v63  }
0x2ac: {  	v62 =	vperm.xlane v21, v11;
	v61 =	vadd.s32 v4, v60;
	s7 =	simm.s32 $0x6D00  }
0x2ad: {  	[tilespmem:s7], [sflag:$0x2] =	stream.indirect_vreg.gather [hbm4b:s1+s2], $0x80, v22, vm7, $0xb8;
	[tilespmem:$0x1A280] =	vst v63  }
0x2ae: {  	v63 =	vperm.xlane v21, v12;
	s6 =	simm.s32 $0x6D80;
	v22 =	vadd.s32 v4, v62  }
0x2af: {  	[tilespmem:s6], [sflag:$0x2] =	stream.indirect_vreg.gather [hbm4b:s1+s2], $0x80, v23, vm7, $0xb8;
	[tilespmem:$0x1A280] =	vst v63  }
0x2b0: {  	v28 =	vperm.xlane v21, v13;
	s7 =	simm.s32 $0x6E00;
	v23 =	vadd.s32 v4, v63  }
0x2b1: {  	[tilespmem:s7], [sflag:$0x2] =	stream.indirect_vreg.gather [hbm4b:s1+s2], $0x80, v61, vm7, $0xb8;
	[tilespmem:$0x1A280] =	vst v63  }
0x2b2: {  	v30 =	vperm.xlane v21, v14;
	v29 =	vadd.s32 v4, v28;
	s6 =	simm.s32 $0x6E80  }
0x2b3: {  	[tilespmem:s6], [sflag:$0x2] =	stream.indirect_vreg.gather [hbm4b:s1+s2], $0x80, v22, vm7, $0xb8;
	[tilespmem:$0x1A280] =	vst v63  }
0x2b4: {  	v31 =	vperm.xlane v21, v15;
	s7 =	simm.s32 $0x6F00;
	v22 =	vadd.s32 v4, v30  }
0x2b5: {  	[tilespmem:s7], [sflag:$0x2] =	stream.indirect_vreg.gather [hbm4b:s1+s2], $0x80, v23, vm7, $0xb8;
	[tilespmem:$0x1A280] =	vst v63  }
0x2b6: {  	v32 =	vperm.xlane v21, v16;
	s6 =	simm.s32 $0x6F80;
	v23 =	vadd.s32 v4, v31  }
0x2b7: {  	[tilespmem:s6], [sflag:$0x2] =	stream.indirect_vreg.gather [hbm4b:s1+s2], $0x80, v29, vm7, $0xb8;
	[tilespmem:$0x1A280] =	vst v63  }
0x2b8: {  	v21 =	vperm.xlane v21, v17;
	v33 =	vadd.s32 v4, v32;
	s7 =	simm.s32 $0x7000  }
0x2b9: {  	[tilespmem:s7], [sflag:$0x2] =	stream.indirect_vreg.gather [hbm4b:s1+s2], $0x80, v22, vm7, $0xb8;
	[tilespmem:$0x1A280] =	vst v63  }
0x2ba: {  	v21 =	vadd.s32 v4, v21;
	s6 =	simm.s32 $0x7080  }
0x2bb: {  	[tilespmem:s6], [sflag:$0x2] =	stream.indirect_vreg.gather [hbm4b:s1+s2], $0x80, v23, vm7, $0xb8;
	[tilespmem:$0x1A280] =	vst v63  }
0x2bc: {  	s7 =	simm.s32 $0x7100  }
0x2bd: {  	[tilespmem:s7], [sflag:$0x2] =	stream.indirect_vreg.gather [hbm4b:s1+s2], $0x80, v33, vm7, $0xb8;
	[tilespmem:$0x1A280] =	vst v63  }
0x2be: {  	s6 =	simm.s32 $0x7180  }
0x2bf: {  	[tilespmem:s6], [sflag:$0x2] =	stream.indirect_vreg.gather [hbm4b:s1+s2], $0x80, v21, vm7, $0xb8;
	[tilespmem:$0x1A280] =	vst v63  }
0x2c0: {  	v21 =	vld [tilespmem:s4+$0x220];
	_ =	sdelay $0x4  }
0x2c1: {  	v22 =	vshll.u32 v21, $0x3  }
0x2c2: {  	v21 =	vand.u32 $0x7, v21;
	v22 =	vand.u32 $0xFFFFFFC0, v22  }
0x2c3: {  	v21 =	vor.u32 v21, v22  }
0x2c4: {  	v22 =	vperm.xlane v21, v1;
	_ =	sdelay $0x1  }
0x2c5: {  	v23 =	vperm.xlane v21, v5;
	v22 =	vadd.s32 v4, v22;
	_ =	sdelay $0x1  }
0x2c6: {  	v34 =	vperm.xlane v21, v6;
	v23 =	vadd.s32 v4, v23;
	_ =	sdelay $0x1  }
0x2c7: {  	s7 =	simm.s32 $0x7200;
	v35 =	vperm.xlane v21, v3;
	v24 =	vadd.s32 v4, v34  }
0x2c8: {  	[tilespmem:s7], [sflag:$0x2] =	stream.indirect_vreg.gather [hbm4b:s1+s2], $0x80, v22, vm7, $0xb8;
	[tilespmem:$0x1A280] =	vst v63  }
0x2c9: {  	s6 =	simm.s32 $0x7280;
	v36 =	vperm.xlane v21, v7;
	v22 =	vadd.s32 v4, v35  }
0x2ca: {  	[tilespmem:s6], [sflag:$0x2] =	stream.indirect_vreg.gather [hbm4b:s1+s2], $0x80, v23, vm7, $0xb8;
	[tilespmem:$0x1A280] =	vst v63  }
0x2cb: {  	v37 =	vperm.xlane v21, v8;
	s7 =	simm.s32 $0x7300;
	v23 =	vadd.s32 v4, v36  }
0x2cc: {  	[tilespmem:s7], [sflag:$0x2] =	stream.indirect_vreg.gather [hbm4b:s1+s2], $0x80, v24, vm7, $0xb8;
	[tilespmem:$0x1A280] =	vst v63  }
0x2cd: {  	v39 =	vperm.xlane v21, v9;
	v38 =	vadd.s32 v4, v37;
	s6 =	simm.s32 $0x7380  }
0x2ce: {  	[tilespmem:s6], [sflag:$0x2] =	stream.indirect_vreg.gather [hbm4b:s1+s2], $0x80, v22, vm7, $0xb8;
	[tilespmem:$0x1A280] =	vst v63  }
0x2cf: {  	v40 =	vperm.xlane v21, v2;
	s7 =	simm.s32 $0x7400;
	v22 =	vadd.s32 v4, v39  }
0x2d0: {  	[tilespmem:s7], [sflag:$0x2] =	stream.indirect_vreg.gather [hbm4b:s1+s2], $0x80, v23, vm7, $0xb8;
	[tilespmem:$0x1A280] =	vst v63  }
0x2d1: {  	v41 =	vperm.xlane v21, v10;
	s6 =	simm.s32 $0x7480;
	v23 =	vadd.s32 v4, v40  }
0x2d2: {  	[tilespmem:s6], [sflag:$0x2] =	stream.indirect_vreg.gather [hbm4b:s1+s2], $0x80, v38, vm7, $0xb8;
	[tilespmem:$0x1A280] =	vst v63  }
0x2d3: {  	v43 =	vperm.xlane v21, v11;
	v42 =	vadd.s32 v4, v41;
	s7 =	simm.s32 $0x7500  }
0x2d4: {  	[tilespmem:s7], [sflag:$0x2] =	stream.indirect_vreg.gather [hbm4b:s1+s2], $0x80, v22, vm7, $0xb8;
	[tilespmem:$0x1A280] =	vst v63  }
0x2d5: {  	v44 =	vperm.xlane v21, v12;
	s6 =	simm.s32 $0x7580;
	v22 =	vadd.s32 v4, v43  }
0x2d6: {  	[tilespmem:s6], [sflag:$0x2] =	stream.indirect_vreg.gather [hbm4b:s1+s2], $0x80, v23, vm7, $0xb8;
	[tilespmem:$0x1A280] =	vst v63  }
0x2d7: {  	v45 =	vperm.xlane v21, v13;
	s7 =	simm.s32 $0x7600;
	v23 =	vadd.s32 v4, v44  }
0x2d8: {  	[tilespmem:s7], [sflag:$0x2] =	stream.indirect_vreg.gather [hbm4b:s1+s2], $0x80, v42, vm7, $0xb8;
	[tilespmem:$0x1A280] =	vst v63  }
0x2d9: {  	v47 =	vperm.xlane v21, v14;
	v46 =	vadd.s32 v4, v45;
	s6 =	simm.s32 $0x7680  }
0x2da: {  	[tilespmem:s6], [sflag:$0x2] =	stream.indirect_vreg.gather [hbm4b:s1+s2], $0x80, v22, vm7, $0xb8;
	[tilespmem:$0x1A280] =	vst v63  }
0x2db: {  	v48 =	vperm.xlane v21, v15;
	s7 =	simm.s32 $0x7700;
	v22 =	vadd.s32 v4, v47  }
0x2dc: {  	[tilespmem:s7], [sflag:$0x2] =	stream.indirect_vreg.gather [hbm4b:s1+s2], $0x80, v23, vm7, $0xb8;
	[tilespmem:$0x1A280] =	vst v63  }
0x2dd: {  	v49 =	vperm.xlane v21, v16;
	s6 =	simm.s32 $0x7780;
	v23 =	vadd.s32 v4, v48  }
0x2de: {  	[tilespmem:s6], [sflag:$0x2] =	stream.indirect_vreg.gather [hbm4b:s1+s2], $0x80, v46, vm7, $0xb8;
	[tilespmem:$0x1A280] =	vst v63  }
0x2df: {  	v21 =	vperm.xlane v21, v17;
	v50 =	vadd.s32 v4, v49;
	s7 =	simm.s32 $0x7800  }
0x2e0: {  	[tilespmem:s7], [sflag:$0x2] =	stream.indirect_vreg.gather [hbm4b:s1+s2], $0x80, v22, vm7, $0xb8;
	[tilespmem:$0x1A280] =	vst v63  }
0x2e1: {  	v21 =	vadd.s32 v4, v21;
	s6 =	simm.s32 $0x7880  }
0x2e2: {  	[tilespmem:s6], [sflag:$0x2] =	stream.indirect_vreg.gather [hbm4b:s1+s2], $0x80, v23, vm7, $0xb8;
	[tilespmem:$0x1A280] =	vst v63  }
0x2e3: {  	s7 =	simm.s32 $0x7900  }
0x2e4: {  	[tilespmem:s7], [sflag:$0x2] =	stream.indirect_vreg.gather [hbm4b:s1+s2], $0x80, v50, vm7, $0xb8;
	[tilespmem:$0x1A280] =	vst v63  }
0x2e5: {  	s6 =	simm.s32 $0x7980  }
0x2e6: {  	[tilespmem:s6], [sflag:$0x2] =	stream.indirect_vreg.gather [hbm4b:s1+s2], $0x80, v21, vm7, $0xb8;
	[tilespmem:$0x1A280] =	vst v63  }
0x2e7: {  	v21 =	vld [tilespmem:s4+$0x230];
	_ =	sdelay $0x4  }
0x2e8: {  	v22 =	vshll.u32 v21, $0x3  }
0x2e9: {  	v21 =	vand.u32 $0x7, v21;
	v22 =	vand.u32 $0xFFFFFFC0, v22  }
0x2ea: {  	v21 =	vor.u32 v21, v22  }
0x2eb: {  	v22 =	vperm.xlane v21, v1;
	_ =	sdelay $0x1  }
0x2ec: {  	v23 =	vperm.xlane v21, v5;
	v22 =	vadd.s32 v4, v22;
	_ =	sdelay $0x1  }
0x2ed: {  	v51 =	vperm.xlane v21, v6;
	v23 =	vadd.s32 v4, v23;
	_ =	sdelay $0x1  }
0x2ee: {  	s7 =	simm.s32 $0x7A00;
	v52 =	vperm.xlane v21, v3;
	v24 =	vadd.s32 v4, v51  }
0x2ef: {  	[tilespmem:s7], [sflag:$0x2] =	stream.indirect_vreg.gather [hbm4b:s1+s2], $0x80, v22, vm7, $0xb8;
	[tilespmem:$0x1A280] =	vst v63  }
0x2f0: {  	s6 =	simm.s32 $0x7A80;
	v53 =	vperm.xlane v21, v7;
	v22 =	vadd.s32 v4, v52  }
0x2f1: {  	[tilespmem:s6], [sflag:$0x2] =	stream.indirect_vreg.gather [hbm4b:s1+s2], $0x80, v23, vm7, $0xb8;
	[tilespmem:$0x1A280] =	vst v63  }
0x2f2: {  	v54 =	vperm.xlane v21, v8;
	s7 =	simm.s32 $0x7B00;
	v23 =	vadd.s32 v4, v53  }
0x2f3: {  	[tilespmem:s7], [sflag:$0x2] =	stream.indirect_vreg.gather [hbm4b:s1+s2], $0x80, v24, vm7, $0xb8;
	[tilespmem:$0x1A280] =	vst v63  }
0x2f4: {  	v56 =	vperm.xlane v21, v9;
	v55 =	vadd.s32 v4, v54;
	s6 =	simm.s32 $0x7B80  }
0x2f5: {  	[tilespmem:s6], [sflag:$0x2] =	stream.indirect_vreg.gather [hbm4b:s1+s2], $0x80, v22, vm7, $0xb8;
	[tilespmem:$0x1A280] =	vst v63  }
0x2f6: {  	v57 =	vperm.xlane v21, v2;
	s7 =	simm.s32 $0x7C00;
	v22 =	vadd.s32 v4, v56  }
0x2f7: {  	[tilespmem:s7], [sflag:$0x2] =	stream.indirect_vreg.gather [hbm4b:s1+s2], $0x80, v23, vm7, $0xb8;
	[tilespmem:$0x1A280] =	vst v63  }
0x2f8: {  	v58 =	vperm.xlane v21, v10;
	s6 =	simm.s32 $0x7C80;
	v23 =	vadd.s32 v4, v57  }
0x2f9: {  	[tilespmem:s6], [sflag:$0x2] =	stream.indirect_vreg.gather [hbm4b:s1+s2], $0x80, v55, vm7, $0xb8;
	[tilespmem:$0x1A280] =	vst v63  }
0x2fa: {  	v60 =	vperm.xlane v21, v11;
	v59 =	vadd.s32 v4, v58;
	s7 =	simm.s32 $0x7D00  }
0x2fb: {  	[tilespmem:s7], [sflag:$0x2] =	stream.indirect_vreg.gather [hbm4b:s1+s2], $0x80, v22, vm7, $0xb8;
	[tilespmem:$0x1A280] =	vst v63  }
0x2fc: {  	v61 =	vperm.xlane v21, v12;
	s6 =	simm.s32 $0x7D80;
	v22 =	vadd.s32 v4, v60  }
0x2fd: {  	[tilespmem:s6], [sflag:$0x2] =	stream.indirect_vreg.gather [hbm4b:s1+s2], $0x80, v23, vm7, $0xb8;
	[tilespmem:$0x1A280] =	vst v63  }
0x2fe: {  	v62 =	vperm.xlane v21, v13;
	s7 =	simm.s32 $0x7E00;
	v23 =	vadd.s32 v4, v61  }
0x2ff: {  	[tilespmem:s7], [sflag:$0x2] =	stream.indirect_vreg.gather [hbm4b:s1+s2], $0x80, v59, vm7, $0xb8;
	[tilespmem:$0x1A280] =	vst v63  }
0x300: {  	v28 =	vperm.xlane v21, v14;
	v63 =	vadd.s32 v4, v62;
	s6 =	simm.s32 $0x7E80  }
0x301: {  	[tilespmem:s6], [sflag:$0x2] =	stream.indirect_vreg.gather [hbm4b:s1+s2], $0x80, v22, vm7, $0xb8;
	[tilespmem:$0x1A280] =	vst v63  }
0x302: {  	v29 =	vperm.xlane v21, v15;
	s7 =	simm.s32 $0x7F00;
	v22 =	vadd.s32 v4, v28  }
0x303: {  	[tilespmem:s7], [sflag:$0x2] =	stream.indirect_vreg.gather [hbm4b:s1+s2], $0x80, v23, vm7, $0xb8;
	[tilespmem:$0x1A280] =	vst v63  }
0x304: {  	v30 =	vperm.xlane v21, v16;
	s6 =	simm.s32 $0x7F80;
	v23 =	vadd.s32 v4, v29  }
0x305: {  	[tilespmem:s6], [sflag:$0x2] =	stream.indirect_vreg.gather [hbm4b:s1+s2], $0x80, v63, vm7, $0xb8;
	[tilespmem:$0x1A280] =	vst v63  }
0x306: {  	v21 =	vperm.xlane v21, v17;
	v31 =	vadd.s32 v4, v30;
	s7 =	simm.s32 $0x8000  }
0x307: {  	[tilespmem:s7], [sflag:$0x2] =	stream.indirect_vreg.gather [hbm4b:s1+s2], $0x80, v22, vm7, $0xb8;
	[tilespmem:$0x1A280] =	vst v63  }
0x308: {  	v21 =	vadd.s32 v4, v21;
	s6 =	simm.s32 $0x8080  }
0x309: {  	[tilespmem:s6], [sflag:$0x2] =	stream.indirect_vreg.gather [hbm4b:s1+s2], $0x80, v23, vm7, $0xb8;
	[tilespmem:$0x1A280] =	vst v63  }
0x30a: {  	s7 =	simm.s32 $0x8100  }
0x30b: {  	[tilespmem:s7], [sflag:$0x2] =	stream.indirect_vreg.gather [hbm4b:s1+s2], $0x80, v31, vm7, $0xb8;
	[tilespmem:$0x1A280] =	vst v63  }
0x30c: {  	s6 =	simm.s32 $0x8180  }
0x30d: {  	[tilespmem:s6], [sflag:$0x2] =	stream.indirect_vreg.gather [hbm4b:s1+s2], $0x80, v21, vm7, $0xb8;
	[tilespmem:$0x1A280] =	vst v63  }
0x30e: {  	v21 =	vld [tilespmem:s4+$0x240];
	_ =	sdelay $0x4  }
0x30f: {  	v22 =	vshll.u32 v21, $0x3  }
0x310: {  	v21 =	vand.u32 $0x7, v21;
	v22 =	vand.u32 $0xFFFFFFC0, v22  }
0x311: {  	v21 =	vor.u32 v21, v22  }
0x312: {  	v22 =	vperm.xlane v21, v1;
	_ =	sdelay $0x1  }
0x313: {  	v23 =	vperm.xlane v21, v5;
	v22 =	vadd.s32 v4, v22;
	_ =	sdelay $0x1  }
0x314: {  	v32 =	vperm.xlane v21, v6;
	v23 =	vadd.s32 v4, v23;
	_ =	sdelay $0x1  }
0x315: {  	s7 =	simm.s32 $0x8200;
	v33 =	vperm.xlane v21, v3;
	v24 =	vadd.s32 v4, v32  }
0x316: {  	[tilespmem:s7], [sflag:$0x2] =	stream.indirect_vreg.gather [hbm4b:s1+s2], $0x80, v22, vm7, $0xb8;
	[tilespmem:$0x1A280] =	vst v63  }
0x317: {  	s6 =	simm.s32 $0x8280;
	v34 =	vperm.xlane v21, v7;
	v22 =	vadd.s32 v4, v33  }
0x318: {  	[tilespmem:s6], [sflag:$0x2] =	stream.indirect_vreg.gather [hbm4b:s1+s2], $0x80, v23, vm7, $0xb8;
	[tilespmem:$0x1A280] =	vst v63  }
0x319: {  	v35 =	vperm.xlane v21, v8;
	s7 =	simm.s32 $0x8300;
	v23 =	vadd.s32 v4, v34  }
0x31a: {  	[tilespmem:s7], [sflag:$0x2] =	stream.indirect_vreg.gather [hbm4b:s1+s2], $0x80, v24, vm7, $0xb8;
	[tilespmem:$0x1A280] =	vst v63  }
0x31b: {  	v37 =	vperm.xlane v21, v9;
	v36 =	vadd.s32 v4, v35;
	s6 =	simm.s32 $0x8380  }
0x31c: {  	[tilespmem:s6], [sflag:$0x2] =	stream.indirect_vreg.gather [hbm4b:s1+s2], $0x80, v22, vm7, $0xb8;
	[tilespmem:$0x1A280] =	vst v63  }
0x31d: {  	v38 =	vperm.xlane v21, v2;
	s7 =	simm.s32 $0x8400;
	v22 =	vadd.s32 v4, v37  }
0x31e: {  	[tilespmem:s7], [sflag:$0x2] =	stream.indirect_vreg.gather [hbm4b:s1+s2], $0x80, v23, vm7, $0xb8;
	[tilespmem:$0x1A280] =	vst v63  }
0x31f: {  	v39 =	vperm.xlane v21, v10;
	s6 =	simm.s32 $0x8480;
	v23 =	vadd.s32 v4, v38  }
0x320: {  	[tilespmem:s6], [sflag:$0x2] =	stream.indirect_vreg.gather [hbm4b:s1+s2], $0x80, v36, vm7, $0xb8;
	[tilespmem:$0x1A280] =	vst v63  }
0x321: {  	v41 =	vperm.xlane v21, v11;
	v40 =	vadd.s32 v4, v39;
	s7 =	simm.s32 $0x8500  }
0x322: {  	[tilespmem:s7], [sflag:$0x2] =	stream.indirect_vreg.gather [hbm4b:s1+s2], $0x80, v22, vm7, $0xb8;
	[tilespmem:$0x1A280] =	vst v63  }
0x323: {  	v42 =	vperm.xlane v21, v12;
	s6 =	simm.s32 $0x8580;
	v22 =	vadd.s32 v4, v41  }
0x324: {  	[tilespmem:s6], [sflag:$0x2] =	stream.indirect_vreg.gather [hbm4b:s1+s2], $0x80, v23, vm7, $0xb8;
	[tilespmem:$0x1A280] =	vst v63  }
0x325: {  	v43 =	vperm.xlane v21, v13;
	s7 =	simm.s32 $0x8600;
	v23 =	vadd.s32 v4, v42  }
0x326: {  	[tilespmem:s7], [sflag:$0x2] =	stream.indirect_vreg.gather [hbm4b:s1+s2], $0x80, v40, vm7, $0xb8;
	[tilespmem:$0x1A280] =	vst v63  }
0x327: {  	v45 =	vperm.xlane v21, v14;
	v44 =	vadd.s32 v4, v43;
	s6 =	simm.s32 $0x8680  }
0x328: {  	[tilespmem:s6], [sflag:$0x2] =	stream.indirect_vreg.gather [hbm4b:s1+s2], $0x80, v22, vm7, $0xb8;
	[tilespmem:$0x1A280] =	vst v63  }
0x329: {  	v46 =	vperm.xlane v21, v15;
	s7 =	simm.s32 $0x8700;
	v22 =	vadd.s32 v4, v45  }
0x32a: {  	[tilespmem:s7], [sflag:$0x2] =	stream.indirect_vreg.gather [hbm4b:s1+s2], $0x80, v23, vm7, $0xb8;
	[tilespmem:$0x1A280] =	vst v63  }
0x32b: {  	v47 =	vperm.xlane v21, v16;
	s6 =	simm.s32 $0x8780;
	v23 =	vadd.s32 v4, v46  }
0x32c: {  	[tilespmem:s6], [sflag:$0x2] =	stream.indirect_vreg.gather [hbm4b:s1+s2], $0x80, v44, vm7, $0xb8;
	[tilespmem:$0x1A280] =	vst v63  }
0x32d: {  	v21 =	vperm.xlane v21, v17;
	v48 =	vadd.s32 v4, v47;
	s7 =	simm.s32 $0x8800  }
0x32e: {  	[tilespmem:s7], [sflag:$0x2] =	stream.indirect_vreg.gather [hbm4b:s1+s2], $0x80, v22, vm7, $0xb8;
	[tilespmem:$0x1A280] =	vst v63  }
0x32f: {  	v21 =	vadd.s32 v4, v21;
	s6 =	simm.s32 $0x8880  }
0x330: {  	[tilespmem:s6], [sflag:$0x2] =	stream.indirect_vreg.gather [hbm4b:s1+s2], $0x80, v23, vm7, $0xb8;
	[tilespmem:$0x1A280] =	vst v63  }
0x331: {  	s7 =	simm.s32 $0x8900  }
0x332: {  	[tilespmem:s7], [sflag:$0x2] =	stream.indirect_vreg.gather [hbm4b:s1+s2], $0x80, v48, vm7, $0xb8;
	[tilespmem:$0x1A280] =	vst v63  }
0x333: {  	s6 =	simm.s32 $0x8980  }
0x334: {  	[tilespmem:s6], [sflag:$0x2] =	stream.indirect_vreg.gather [hbm4b:s1+s2], $0x80, v21, vm7, $0xb8;
	[tilespmem:$0x1A280] =	vst v63  }
0x335: {  	v21 =	vld [tilespmem:s4+$0x250];
	_ =	sdelay $0x4  }
0x336: {  	v22 =	vshll.u32 v21, $0x3  }
0x337: {  	v21 =	vand.u32 $0x7, v21;
	v22 =	vand.u32 $0xFFFFFFC0, v22  }
0x338: {  	v21 =	vor.u32 v21, v22  }
0x339: {  	v22 =	vperm.xlane v21, v1;
	_ =	sdelay $0x1  }
0x33a: {  	v23 =	vperm.xlane v21, v5;
	v22 =	vadd.s32 v4, v22;
	_ =	sdelay $0x1  }
0x33b: {  	v49 =	vperm.xlane v21, v6;
	v23 =	vadd.s32 v4, v23;
	_ =	sdelay $0x1  }
0x33c: {  	s7 =	simm.s32 $0x8A00;
	v50 =	vperm.xlane v21, v3;
	v24 =	vadd.s32 v4, v49  }
0x33d: {  	[tilespmem:s7], [sflag:$0x2] =	stream.indirect_vreg.gather [hbm4b:s1+s2], $0x80, v22, vm7, $0xb8;
	[tilespmem:$0x1A280] =	vst v63  }
0x33e: {  	s6 =	simm.s32 $0x8A80;
	v51 =	vperm.xlane v21, v7;
	v22 =	vadd.s32 v4, v50  }
0x33f: {  	[tilespmem:s6], [sflag:$0x2] =	stream.indirect_vreg.gather [hbm4b:s1+s2], $0x80, v23, vm7, $0xb8;
	[tilespmem:$0x1A280] =	vst v63  }
0x340: {  	v52 =	vperm.xlane v21, v8;
	s7 =	simm.s32 $0x8B00;
	v23 =	vadd.s32 v4, v51  }
0x341: {  	[tilespmem:s7], [sflag:$0x2] =	stream.indirect_vreg.gather [hbm4b:s1+s2], $0x80, v24, vm7, $0xb8;
	[tilespmem:$0x1A280] =	vst v63  }
0x342: {  	v54 =	vperm.xlane v21, v9;
	v53 =	vadd.s32 v4, v52;
	s6 =	simm.s32 $0x8B80  }
0x343: {  	[tilespmem:s6], [sflag:$0x2] =	stream.indirect_vreg.gather [hbm4b:s1+s2], $0x80, v22, vm7, $0xb8;
	[tilespmem:$0x1A280] =	vst v63  }
0x344: {  	v55 =	vperm.xlane v21, v2;
	s7 =	simm.s32 $0x8C00;
	v22 =	vadd.s32 v4, v54  }
0x345: {  	[tilespmem:s7], [sflag:$0x2] =	stream.indirect_vreg.gather [hbm4b:s1+s2], $0x80, v23, vm7, $0xb8;
	[tilespmem:$0x1A280] =	vst v63  }
0x346: {  	v56 =	vperm.xlane v21, v10;
	s6 =	simm.s32 $0x8C80;
	v23 =	vadd.s32 v4, v55  }
0x347: {  	[tilespmem:s6], [sflag:$0x2] =	stream.indirect_vreg.gather [hbm4b:s1+s2], $0x80, v53, vm7, $0xb8;
	[tilespmem:$0x1A280] =	vst v63  }
0x348: {  	v58 =	vperm.xlane v21, v11;
	v57 =	vadd.s32 v4, v56;
	s7 =	simm.s32 $0x8D00  }
0x349: {  	[tilespmem:s7], [sflag:$0x2] =	stream.indirect_vreg.gather [hbm4b:s1+s2], $0x80, v22, vm7, $0xb8;
	[tilespmem:$0x1A280] =	vst v63  }
0x34a: {  	v59 =	vperm.xlane v21, v12;
	s6 =	simm.s32 $0x8D80;
	v22 =	vadd.s32 v4, v58  }
0x34b: {  	[tilespmem:s6], [sflag:$0x2] =	stream.indirect_vreg.gather [hbm4b:s1+s2], $0x80, v23, vm7, $0xb8;
	[tilespmem:$0x1A280] =	vst v63  }
0x34c: {  	v60 =	vperm.xlane v21, v13;
	s7 =	simm.s32 $0x8E00;
	v23 =	vadd.s32 v4, v59  }
0x34d: {  	[tilespmem:s7], [sflag:$0x2] =	stream.indirect_vreg.gather [hbm4b:s1+s2], $0x80, v57, vm7, $0xb8;
	[tilespmem:$0x1A280] =	vst v63  }
0x34e: {  	v62 =	vperm.xlane v21, v14;
	v61 =	vadd.s32 v4, v60;
	s6 =	simm.s32 $0x8E80  }
0x34f: {  	[tilespmem:s6], [sflag:$0x2] =	stream.indirect_vreg.gather [hbm4b:s1+s2], $0x80, v22, vm7, $0xb8;
	[tilespmem:$0x1A280] =	vst v63  }
0x350: {  	v63 =	vperm.xlane v21, v15;
	s7 =	simm.s32 $0x8F00;
	v22 =	vadd.s32 v4, v62  }
0x351: {  	[tilespmem:s7], [sflag:$0x2] =	stream.indirect_vreg.gather [hbm4b:s1+s2], $0x80, v23, vm7, $0xb8;
	[tilespmem:$0x1A280] =	vst v63  }
0x352: {  	v28 =	vperm.xlane v21, v16;
	s6 =	simm.s32 $0x8F80;
	v23 =	vadd.s32 v4, v63  }
0x353: {  	[tilespmem:s6], [sflag:$0x2] =	stream.indirect_vreg.gather [hbm4b:s1+s2], $0x80, v61, vm7, $0xb8;
	[tilespmem:$0x1A280] =	vst v63  }
0x354: {  	v21 =	vperm.xlane v21, v17;
	v29 =	vadd.s32 v4, v28;
	s7 =	simm.s32 $0x9000  }
0x355: {  	[tilespmem:s7], [sflag:$0x2] =	stream.indirect_vreg.gather [hbm4b:s1+s2], $0x80, v22, vm7, $0xb8;
	[tilespmem:$0x1A280] =	vst v63  }
0x356: {  	v21 =	vadd.s32 v4, v21;
	s6 =	simm.s32 $0x9080  }
0x357: {  	[tilespmem:s6], [sflag:$0x2] =	stream.indirect_vreg.gather [hbm4b:s1+s2], $0x80, v23, vm7, $0xb8;
	[tilespmem:$0x1A280] =	vst v63  }
0x358: {  	s7 =	simm.s32 $0x9100  }
0x359: {  	[tilespmem:s7], [sflag:$0x2] =	stream.indirect_vreg.gather [hbm4b:s1+s2], $0x80, v29, vm7, $0xb8;
	[tilespmem:$0x1A280] =	vst v63  }
0x35a: {  	s6 =	simm.s32 $0x9180  }
0x35b: {  	[tilespmem:s6], [sflag:$0x2] =	stream.indirect_vreg.gather [hbm4b:s1+s2], $0x80, v21, vm7, $0xb8;
	[tilespmem:$0x1A280] =	vst v63  }
0x35c: {  	v21 =	vld [tilespmem:s4+$0x260];
	_ =	sdelay $0x4  }
0x35d: {  	v22 =	vshll.u32 v21, $0x3  }
0x35e: {  	v21 =	vand.u32 $0x7, v21;
	v22 =	vand.u32 $0xFFFFFFC0, v22  }
0x35f: {  	v21 =	vor.u32 v21, v22  }
0x360: {  	v22 =	vperm.xlane v21, v1;
	_ =	sdelay $0x1  }
0x361: {  	v23 =	vperm.xlane v21, v5;
	v22 =	vadd.s32 v4, v22;
	_ =	sdelay $0x1  }
0x362: {  	v30 =	vperm.xlane v21, v6;
	v23 =	vadd.s32 v4, v23;
	_ =	sdelay $0x1  }
0x363: {  	s7 =	simm.s32 $0x9200;
	v31 =	vperm.xlane v21, v3;
	v24 =	vadd.s32 v4, v30  }
0x364: {  	[tilespmem:s7], [sflag:$0x2] =	stream.indirect_vreg.gather [hbm4b:s1+s2], $0x80, v22, vm7, $0xb8;
	[tilespmem:$0x1A280] =	vst v63  }
0x365: {  	s6 =	simm.s32 $0x9280;
	v32 =	vperm.xlane v21, v7;
	v22 =	vadd.s32 v4, v31  }
0x366: {  	[tilespmem:s6], [sflag:$0x2] =	stream.indirect_vreg.gather [hbm4b:s1+s2], $0x80, v23, vm7, $0xb8;
	[tilespmem:$0x1A280] =	vst v63  }
0x367: {  	v33 =	vperm.xlane v21, v8;
	s7 =	simm.s32 $0x9300;
	v23 =	vadd.s32 v4, v32  }
0x368: {  	[tilespmem:s7], [sflag:$0x2] =	stream.indirect_vreg.gather [hbm4b:s1+s2], $0x80, v24, vm7, $0xb8;
	[tilespmem:$0x1A280] =	vst v63  }
0x369: {  	v35 =	vperm.xlane v21, v9;
	v34 =	vadd.s32 v4, v33;
	s6 =	simm.s32 $0x9380  }
0x36a: {  	[tilespmem:s6], [sflag:$0x2] =	stream.indirect_vreg.gather [hbm4b:s1+s2], $0x80, v22, vm7, $0xb8;
	[tilespmem:$0x1A280] =	vst v63  }
0x36b: {  	v36 =	vperm.xlane v21, v2;
	s7 =	simm.s32 $0x9400;
	v22 =	vadd.s32 v4, v35  }
0x36c: {  	[tilespmem:s7], [sflag:$0x2] =	stream.indirect_vreg.gather [hbm4b:s1+s2], $0x80, v23, vm7, $0xb8;
	[tilespmem:$0x1A280] =	vst v63  }
0x36d: {  	v37 =	vperm.xlane v21, v10;
	s6 =	simm.s32 $0x9480;
	v23 =	vadd.s32 v4, v36  }
0x36e: {  	[tilespmem:s6], [sflag:$0x2] =	stream.indirect_vreg.gather [hbm4b:s1+s2], $0x80, v34, vm7, $0xb8;
	[tilespmem:$0x1A280] =	vst v63  }
0x36f: {  	v39 =	vperm.xlane v21, v11;
	v38 =	vadd.s32 v4, v37;
	s7 =	simm.s32 $0x9500  }
0x370: {  	[tilespmem:s7], [sflag:$0x2] =	stream.indirect_vreg.gather [hbm4b:s1+s2], $0x80, v22, vm7, $0xb8;
	[tilespmem:$0x1A280] =	vst v63  }
0x371: {  	v40 =	vperm.xlane v21, v12;
	s6 =	simm.s32 $0x9580;
	v22 =	vadd.s32 v4, v39  }
0x372: {  	[tilespmem:s6], [sflag:$0x2] =	stream.indirect_vreg.gather [hbm4b:s1+s2], $0x80, v23, vm7, $0xb8;
	[tilespmem:$0x1A280] =	vst v63  }
0x373: {  	v41 =	vperm.xlane v21, v13;
	s7 =	simm.s32 $0x9600;
	v23 =	vadd.s32 v4, v40  }
0x374: {  	[tilespmem:s7], [sflag:$0x2] =	stream.indirect_vreg.gather [hbm4b:s1+s2], $0x80, v38, vm7, $0xb8;
	[tilespmem:$0x1A280] =	vst v63  }
0x375: {  	v43 =	vperm.xlane v21, v14;
	v42 =	vadd.s32 v4, v41;
	s6 =	simm.s32 $0x9680  }
0x376: {  	[tilespmem:s6], [sflag:$0x2] =	stream.indirect_vreg.gather [hbm4b:s1+s2], $0x80, v22, vm7, $0xb8;
	[tilespmem:$0x1A280] =	vst v63  }
0x377: {  	v44 =	vperm.xlane v21, v15;
	s7 =	simm.s32 $0x9700;
	v22 =	vadd.s32 v4, v43  }
0x378: {  	[tilespmem:s7], [sflag:$0x2] =	stream.indirect_vreg.gather [hbm4b:s1+s2], $0x80, v23, vm7, $0xb8;
	[tilespmem:$0x1A280] =	vst v63  }
0x379: {  	v45 =	vperm.xlane v21, v16;
	s6 =	simm.s32 $0x9780;
	v23 =	vadd.s32 v4, v44  }
0x37a: {  	[tilespmem:s6], [sflag:$0x2] =	stream.indirect_vreg.gather [hbm4b:s1+s2], $0x80, v42, vm7, $0xb8;
	[tilespmem:$0x1A280] =	vst v63  }
0x37b: {  	v21 =	vperm.xlane v21, v17;
	v46 =	vadd.s32 v4, v45;
	s7 =	simm.s32 $0x9800  }
0x37c: {  	[tilespmem:s7], [sflag:$0x2] =	stream.indirect_vreg.gather [hbm4b:s1+s2], $0x80, v22, vm7, $0xb8;
	[tilespmem:$0x1A280] =	vst v63  }
0x37d: {  	v21 =	vadd.s32 v4, v21;
	s6 =	simm.s32 $0x9880  }
0x37e: {  	[tilespmem:s6], [sflag:$0x2] =	stream.indirect_vreg.gather [hbm4b:s1+s2], $0x80, v23, vm7, $0xb8;
	[tilespmem:$0x1A280] =	vst v63  }
0x37f: {  	s7 =	simm.s32 $0x9900  }
0x380: {  	[tilespmem:s7], [sflag:$0x2] =	stream.indirect_vreg.gather [hbm4b:s1+s2], $0x80, v46, vm7, $0xb8;
	[tilespmem:$0x1A280] =	vst v63  }
0x381: {  	_ = 	snop  }
0x382: {  	[tilespmem:s19], [sflag:$0x2] =	stream.indirect_vreg.gather [hbm4b:s1+s2], $0x80, v21, vm7, $0xb8;
	[tilespmem:$0x1A280] =	vst v63  }
0x383: {  	v21 =	vld [tilespmem:s4+$0x270];
	_ =	sdelay $0x4  }
0x384: {  	v22 =	vshll.u32 v21, $0x3  }
0x385: {  	v21 =	vand.u32 $0x7, v21;
	v22 =	vand.u32 $0xFFFFFFC0, v22  }
0x386: {  	v21 =	vor.u32 v21, v22  }
0x387: {  	v22 =	vperm.xlane v21, v1;
	_ =	sdelay $0x1  }
0x388: {  	v23 =	vperm.xlane v21, v5;
	v22 =	vadd.s32 v4, v22;
	_ =	sdelay $0x1  }
0x389: {  	v47 =	vperm.xlane v21, v6;
	v23 =	vadd.s32 v4, v23;
	_ =	sdelay $0x1  }
0x38a: {  	s5 =	simm.s32 $0x9A00;
	v48 =	vperm.xlane v21, v3;
	v24 =	vadd.s32 v4, v47  }
0x38b: {  	[tilespmem:s5], [sflag:$0x2] =	stream.indirect_vreg.gather [hbm4b:s1+s2], $0x80, v22, vm7, $0xb8;
	[tilespmem:$0x1A280] =	vst v63  }
0x38c: {  	s6 =	simm.s32 $0x9A80;
	v49 =	vperm.xlane v21, v7;
	v22 =	vadd.s32 v4, v48  }
0x38d: {  	[tilespmem:s6], [sflag:$0x2] =	stream.indirect_vreg.gather [hbm4b:s1+s2], $0x80, v23, vm7, $0xb8;
	[tilespmem:$0x1A280] =	vst v63  }
0x38e: {  	v50 =	vperm.xlane v21, v8;
	v23 =	vadd.s32 v4, v49  }
0x38f: {  	[tilespmem:s17], [sflag:$0x2] =	stream.indirect_vreg.gather [hbm4b:s1+s2], $0x80, v24, vm7, $0xb8;
	[tilespmem:$0x1A280] =	vst v63  }
0x390: {  	v52 =	vperm.xlane v21, v9;
	v51 =	vadd.s32 v4, v50  }
0x391: {  	[tilespmem:s18], [sflag:$0x2] =	stream.indirect_vreg.gather [hbm4b:s1+s2], $0x80, v22, vm7, $0xb8;
	[tilespmem:$0x1A280] =	vst v63  }
0x392: {  	v53 =	vperm.xlane v21, v2;
	v22 =	vadd.s32 v4, v52  }
0x393: {  	[tilespmem:s16], [sflag:$0x2] =	stream.indirect_vreg.gather [hbm4b:s1+s2], $0x80, v23, vm7, $0xb8;
	[tilespmem:$0x1A280] =	vst v63  }
0x394: {  	s7 =	simm.s32 $0x9C80;
	v54 =	vperm.xlane v21, v10;
	v23 =	vadd.s32 v4, v53  }
0x395: {  	[tilespmem:s7], [sflag:$0x2] =	stream.indirect_vreg.gather [hbm4b:s1+s2], $0x80, v51, vm7, $0xb8;
	[tilespmem:$0x1A280] =	vst v63  }
0x396: {  	v56 =	vperm.xlane v21, v11;
	v55 =	vadd.s32 v4, v54;
	s5 =	simm.s32 $0x9D00  }
0x397: {  	[tilespmem:s5], [sflag:$0x2] =	stream.indirect_vreg.gather [hbm4b:s1+s2], $0x80, v22, vm7, $0xb8;
	[tilespmem:$0x1A280] =	vst v63  }
0x398: {  	v57 =	vperm.xlane v21, v12;
	v22 =	vadd.s32 v4, v56  }
0x399: {  	[tilespmem:s14], [sflag:$0x2] =	stream.indirect_vreg.gather [hbm4b:s1+s2], $0x80, v23, vm7, $0xb8;
	[tilespmem:$0x1A280] =	vst v63  }
0x39a: {  	v58 =	vperm.xlane v21, v13;
	s6 =	simm.s32 $0x9E00;
	v23 =	vadd.s32 v4, v57  }
0x39b: {  	[tilespmem:s6], [sflag:$0x2] =	stream.indirect_vreg.gather [hbm4b:s1+s2], $0x80, v55, vm7, $0xb8;
	[tilespmem:$0x1A280] =	vst v63  }
0x39c: {  	v60 =	vperm.xlane v21, v14;
	v59 =	vadd.s32 v4, v58;
	s7 =	simm.s32 $0x9E80  }
0x39d: {  	[tilespmem:s7], [sflag:$0x2] =	stream.indirect_vreg.gather [hbm4b:s1+s2], $0x80, v22, vm7, $0xb8;
	[tilespmem:$0x1A280] =	vst v63  }
0x39e: {  	v61 =	vperm.xlane v21, v15;
	s5 =	simm.s32 $0x9F00;
	v22 =	vadd.s32 v4, v60  }
0x39f: {  	[tilespmem:s5], [sflag:$0x2] =	stream.indirect_vreg.gather [hbm4b:s1+s2], $0x80, v23, vm7, $0xb8;
	[tilespmem:$0x1A280] =	vst v63  }
0x3a0: {  	v62 =	vperm.xlane v21, v16;
	s6 =	simm.s32 $0x9F80;
	v23 =	vadd.s32 v4, v61  }
0x3a1: {  	[tilespmem:s6], [sflag:$0x2] =	stream.indirect_vreg.gather [hbm4b:s1+s2], $0x80, v59, vm7, $0xb8;
	[tilespmem:$0x1A280] =	vst v63  }
0x3a2: {  	v21 =	vperm.xlane v21, v17;
	v63 =	vadd.s32 v4, v62;
	s7 =	simm.s32 $0xA000  }
0x3a3: {  	[tilespmem:s7], [sflag:$0x2] =	stream.indirect_vreg.gather [hbm4b:s1+s2], $0x80, v22, vm7, $0xb8;
	[tilespmem:$0x1A280] =	vst v63  }
0x3a4: {  	v21 =	vadd.s32 v4, v21  }
0x3a5: {  	[tilespmem:s20], [sflag:$0x2] =	stream.indirect_vreg.gather [hbm4b:s1+s2], $0x80, v23, vm7, $0xb8;
	[tilespmem:$0x1A280] =	vst v63  }
0x3a6: {  	_ = 	snop  }
0x3a7: {  	[tilespmem:s21], [sflag:$0x2] =	stream.indirect_vreg.gather [hbm4b:s1+s2], $0x80, v63, vm7, $0xb8;
	[tilespmem:$0x1A280] =	vst v63  }
0x3a8: {  	_ = 	snop  }
0x3a9: {  	[tilespmem:s22], [sflag:$0x2] =	stream.indirect_vreg.gather [hbm4b:s1+s2], $0x80, v21, vm7, $0xb8;
	[tilespmem:$0x1A280] =	vst v63  }
.LBB2_18:
.Ltmp12:
0x3aa: {  	(pc) =	sbr.rel @p2 .LBB2_32-.Ltmp12, $4  }
0x3ab: {  	s1 =	simm.s32 $0x1  }
0x3ac: {  	s1 =	simm.s32 @!p0 $0x0  }
0x3ad: {  	s4 =	sshll.u32 s1, $0x8;
	s1 =	simm.s32 $0x100  }
0x3ae: {  	s0 =	sor.u32 s4, s0;
	s1 =	simm.s32 @!p0 $0x0  }
0x3af: {  	s5 =	ssub.s32 s29, s1  }
0x3b0: {  	p2 =	slt.s32 s5, $0x80  }
0x3b1: {  	s5 =	simm.s32 @!p2 $0x80  }
0x3b2: {  	s7 =	sadd.s32 $0xF, s5  }
0x3b3: {  	s7 =	sshrl.u32 s7, $0x4  }
0x3b4: {  	p6 =	sne.s32 s7, $0x1  }
.Ltmp13:
0x3b5: {  	_ =	swait.ge [sflag:s11], $0x4000;
	(pc) =	sbr.rel @!p6 .LBB2_20-.Ltmp13, $4  }
0x3b6: {  	s4 =	simm.s32 $0x0;
	s6 =	sadd.s32 $0x0, s0;
	p3 =	por $0x0, $0x0  }
0x3b7: {  	p4 =	por $0x0, $0x0;
	p5 =	por $0x0, $0x0;
	[sflag:s11] =	ssyncset.done $0x0  }
0x3b8: {  	[sflag:s11] =	ssyncadd.s32 $0xFFFFC000;
	s5 =	sand.u32 $0xFFFFFF80, s6;
	s6 =	sand.u32 $0x70, s4  }
0x3b9: {  	v22 =	vmov s31;
	v21 =	vbroadcast v20, $0xF;
	p2 =	por $0x0, $0x0;
	s5 =	sor.u32 s6, s5;
	s6 =	sadd.s32 $0xFFFFFFFF, s7  }
0x3ba: {  	v23 =	vld [tilespmem:s5+$0x1200];
	_ =	sdelay $0x1  }
0x3bb: {  	p6 =	sne.s32 s6, $0x1  }
.Ltmp14:
0x3bc: {  	_ = 	snop;
	(pc) =	sbr.rel @!p6 .LBB2_22-.Ltmp14, $4  }
0x3bd: {  	v24 =	vor.u32 s4, v0  }
0x3be: {  	s4 =	simm.s32 $0x10;
	s31 =	sadd.s32 $0x10, s0;
	v26 =	vshll.u32 v24, $0x7;
	v25 =	vand.u32 $0xFFFFFF80, v23  }
0x3bf: {  	s5 =	sand.u32 $0xFFFFFF80, s31;
	s7 =	sand.u32 $0x70, s4;
	v23 =	vand.u32 $0x7F, v23;
	v25 =	vadd.s32 v26, v25  }
0x3c0: {  	s6 =	sadd.s32 $0xFFFFFFFF, s6;
	p2 =	por $0x1, $0x1;
	s5 =	sor.u32 s7, s5;
	v35 =	vor.u32 v23, v25  }
0x3c1: {  	_ =	sdelay $0x3  }
0x3c2: {  	v23 =	vld.idx.msk [tilespmem:v35+s12+$0x0], $0xffff;
	_ =	sdelay $0x1  }
0x3c3: {  	v27 =	vld [tilespmem:s5+$0x1200];
	_ =	sdelay $0x1  }
0x3c4: {  	p6 =	sne.s32 s6, $0x1  }
.Ltmp15:
0x3c5: {  	v26 =	vadd.f32 $1.000000010e-07, v23;
	(pc) =	sbr.rel @!p6 .LBB2_24-.Ltmp15, $4  }
0x3c6: {  	v25 =	vor.u32 s4, v0  }
0x3c7: {  	s4 =	simm.s32 $0x20;
	s31 =	sadd.s32 $0x20, s0;
	v28 =	vshll.u32 v25, $0x7;
	v23 =	vand.u32 $0xFFFFFF80, v27;
	v29 =	vand.u32 $0x7FFFFF, v26  }
0x3c8: {  	s5 =	sand.u32 $0xFFFFFF80, s31;
	s7 =	sand.u32 $0x70, s4;
	v27 =	vand.u32 $0x7F, v27;
	v23 =	vadd.s32 v28, v23;
	v40 =	vor.u32 $0x3F800000, v29  }
0x3c9: {  	s6 =	sadd.s32 $0xFFFFFFFF, s6;
	p3 =	por $0x1, $0x1;
	s5 =	sor.u32 s7, s5;
	v35 =	vor.u32 v27, v23;
	v44 =	vmul.f32 $5.000000000e-01, v40;
	vm11 =	vgt.f32 v40, $1.414213540e+00  }
0x3ca: {  	_ =	sdelay $0x1  }
0x3cb: {  	v30 =	vsel vm11, v44, v40  }
0x3cc: {  	v23 =	vadd.f32 $1.000000000e+00, v30  }
0x3cd: {  	v27 =	vld.idx.msk [tilespmem:v35+s12+$0x0], $0xffff  }
0x3ce: {  	v28 =	vld [tilespmem:s5+$0x1200];
	(erf) = vrcp.f32 v23;
	_ =	sdelay $0x3  }
0x3cf: {  	p6 =	sne.s32 s6, $0x1;
	v23 =	vor.u32 s4, v0;
	v27 =	vadd.f32 $1.000000010e-07, v27  }
.Ltmp16:
0x3d0: {  	v29 =	vand.u32 $0xFFFFFF80, v28;
	v31 =	vshll.u32 v23, $0x7;
	(pc) =	sbr.rel @!p6 .LBB2_26-.Ltmp16, $4  }
0x3d1: {  	v29 =	vadd.s32 v31, v29;
	v31 =	vand.u32 $0x7FFFFF, v27  }
0x3d2: {  	s31 =	sadd.s32 $0x30, s0;
	s4 =	simm.s32 $0x30;
	v28 =	vand.u32 $0x7F, v28  }
0x3d3: {  	vm8 =	vmmov vm11;
	s5 =	sand.u32 $0xFFFFFF80, s31;
	s7 =	sand.u32 $0x70, s4;
	v35 =	vor.u32 v28, v29;
	v28 =	vor.u32 $0x3F800000, v31  }
0x3d4: {  	s6 =	sadd.s32 $0xFFFFFFFF, s6;
	p4 =	por $0x1, $0x1;
	v30 =	vadd.f32 $-1.000000000e+00, v30;
	s5 =	sor.u32 s7, s5;
	v29 =	vmul.f32 $5.000000000e-01, v28;
	vm7 =	vgt.f32 v28, $1.414213540e+00;
	v31 =	vpop (erf)  }
0x3d5: {  	_ = 	snop  }
0x3d6: {  	v37 =	vmul.f32 v31, v30;
	_ =	sdelay $0x1  }
0x3d7: {  	v34 =	vsel vm7, v29, v28;
	v38 =	vmul.f32 v37, v37  }
0x3d8: {  	v32 =	vadd.f32 $1.000000000e+00, v34  }
0x3d9: {  	v35 =	vld.idx.msk [tilespmem:v35+s12+$0x0], $0xffff;
	v62 =	vmul.f32 $1.111111120e-01, v38  }
0x3da: {  	v36 =	vld [tilespmem:s5+$0x1200];
	(erf) = vrcp.f32 v32  }
0x3db: {  	v39 =	vadd.f32 $1.428571490e-01, v62;
	_ =	sdelay $0x1  }
0x3dc: {  	v33 =	vor.u32 s4, v0;
	v39 =	vmul.f32 v39, v38  }
0x3dd: {  	p6 =	sne.s32 s6, $0x1;
	v40 =	vshll.u32 v33, $0x7;
	v32 =	vadd.f32 $1.000000010e-07, v35  }
.Ltmp17:
0x3de: {  	v63 =	vand.u32 $0xFFFFFF80, v36;
	v36 =	vand.u32 $0x7F, v36;
	v39 =	vadd.f32 $2.000000030e-01, v39;
	(pc) =	sbr.rel @!p6 .LBB2_28-.Ltmp17, $4  }
0x3df: {  	vm9 =	vmmov vm8;
	v35 =	vadd.s32 v40, v63;
	v41 =	vand.u32 $0x7FFFFF, v32  }
0x3e0: {  	s4 =	simm.s32 $0x40;
	s7 =	sadd.s32 $0x40, s0;
	vm10 =	vmmov vm7;
	v42 =	vmovc v24;
	v35 =	vor.u32 v36, v35;
	v40 =	vor.u32 $0x3F800000, v41  }
0x3e1: {  	s5 =	sand.u32 $0xFFFFFF80, s7;
	s7 =	sand.u32 $0x70, s4;
	v45 =	vadd.f32 $-1.000000000e+00, v34;
	v34 =	vmovc v27;
	v36 =	vmovc v25;
	v44 =	vmul.f32 $5.000000000e-01, v40;
	vm11 =	vgt.f32 v40, $1.414213540e+00  }
0x3e2: {  	s31 =	sadd.s32 $0xFFFFFFFF, s6;
	p5 =	por $0x1, $0x1;
	s5 =	sor.u32 s7, s5;
	v41 =	vmov v18;
	v46 =	vpop (erf);
	v47 =	vmul.f32 v39, v38;
	v39 =	vmov v26  }
.LBB2_29:
0x3e3: {  	v48 =	vor.u32 s4, v0;
	v49 =	vsel vm11, v44, v40;
	v40 =	vmul.f32 v46, v45  }
0x3e4: {  	p6 =	sne.s32 s31, $0x1;
	v43 =	vld [tilespmem:s5+$0x1200];
	vm12 =	vmmov vm9;
	vm9 =	vmmov vm10;
	vm10 =	vmmov vm11  }
0x3e5: {  	v45 =	vshrl.u32 v39, $0x17;
	v39 =	vmovc v34;
	v34 =	vmovc v32;
	v35 =	vld.idx.msk [tilespmem:v35+s12+$0x0], $0xffff;
	v44 =	vadd.f32 $1.000000000e+00, v49;
	v46 =	vadd.f32 $3.333333430e-01, v47  }
0x3e6: {  	v45 =	vand.u32 $0xFF, v45;
	v47 =	vsel vm12, $0x1, v1;
	v32 =	vmul.f32 v40, v40  }
0x3e7: {  	(erf) = vrcp.f32 v44;
	v44 =	vadd.s32 v47, v45;
	v52 =	vmul.f32 v46, v38  }
0x3e8: {  	v46 =	vadd.s32 v22, v42;
	v42 =	vmovc v36;
	v36 =	vmovc v23;
	v45 =	vmul.f32 $1.111111120e-01, v32;
	v44 =	vadd.s32 $0xFFFFFF81, v44  }
0x3e9: {  	v50 =	vadd.f32 v37, v37;
	v23 =	vmovc v33;
	v33 =	vmovc v48;
	v44 =	vcvt.s32.f32 v44;
	v47 =	vadd.f32 $1.000000000e+00, v52  }
0x3ea: {  	v37 =	vmovc v40;
	v51 =	vshll.u32 v33, $0x7;
	v38 =	vmovc v32;
	v48 =	vand.u32 $0xFFFFFF80, v43;
	v45 =	vadd.f32 $1.428571490e-01, v45  }
0x3eb: {  	v32 =	vadd.f32 $1.000000010e-07, v35;
	v40 =	vmul.f32 $6.931471820e-01, v44;
	v44 =	vmul.f32 v47, v50  }
.Ltmp18:
0x3ec: {  	v35 =	vand.u32 $0x7F, v43;
	v43 =	vadd.s32 v51, v48;
	v45 =	vmul.f32 v45, v38;
	(pc) =	sbr.rel @p6 .LBB2_29-.Ltmp18, $4  }
0x3ed: {  	s4 =	sadd.s32 $0x10, s4;
	v35 =	vor.u32 v35, v43;
	v43 =	vand.u32 $0x7FFFFF, v32;
	v47 =	vadd.f32 v44, v40  }
0x3ee: {  	s5 =	sadd.s32 s4, s0;
	vm11 =	vlt.s32 v46, v21;
	v40 =	vor.u32 $0x3F800000, v43;
	v43 =	vadd.f32 $2.000000030e-01, v45  }
0x3ef: {  	s6 =	sand.u32 $0x70, s4;
	s5 =	sand.u32 $0xFFFFFF80, s5;
	v44 =	vmul.f32 $5.000000000e-01, v40;
	v45 =	vadd.f32 $-1.000000000e+00, v49;
	v48 =	vnsel vm11, $0x0, v47  }
0x3f0: {  	s31 =	sadd.s32 $0xFFFFFFFF, s31;
	s5 =	sor.u32 s6, s5;
	vm11 =	vgt.f32 v40, $1.414213540e+00;
	v46 =	vpop (erf);
	v47 =	vmul.f32 v43, v38;
	v41 =	vadd.f32 v48, v41  }
0x3f1: {  	v43 =	vmov v23;
	v23 =	vmov v33  }
.LBB2_31:
0x3f2: {  	v33 =	vor.u32 s4, v0  }
0x3f3: {  	v40 =	vsel @p3 vm11, v44, v40;
	v44 =	vmul.f32 @p4 v46, v45;
	vm12 =	vmmov @p5 vm9  }
0x3f4: {  	vm9 =	vmmov @p4 vm10;
	v39 =	vshrl.u32 @p5 v39, $0x17;
	v47 =	vadd.f32 @p5 $3.333333430e-01, v47  }
0x3f5: {  	vm10 =	vmmov @p3 vm11;
	v42 =	vadd.s32 @p5 v22, v42;
	v37 =	vadd.f32 @p5 v37, v37  }
0x3f6: {  	v60 =	vld [tilespmem:s5+$0x1200];
	v34 =	vpsel p4, v34, v0;
	v26 =	vpsel p3, v32, v26;
	v36 =	vpsel p4, v36, v0  }
0x3f7: {  	v23 =	vpsel p2, v23, v25;
	v46 =	vadd.f32 @p3 $1.000000000e+00, v40;
	v39 =	vand.u32 @p5 $0xFF, v39  }
0x3f8: {  	v48 =	vsel @p5 vm12, $0x1, v1;
	v62 =	vshll.u32 v33, $0x7;
	vm11 =	vlt.s32 @p5 v42, v21  }
0x3f9: {  	v40 =	vadd.f32 @p3 $-1.000000000e+00, v40;
	vm9 =	vmmov @p4 vm9;
	v38 =	vmul.f32 @p5 v47, v38  }
0x3fa: {  	v35 =	vld.idx.msk @p2 [tilespmem:v35+s12+$0x0], $0xffff;
	v49 =	vmul.f32 @p4 v44, v44;
	v39 =	vadd.s32 @p5 v48, v39;
	(erf) = vrcp.f32 @p3 v46  }
0x3fb: {  	v39 =	vadd.s32 @p5 $0xFFFFFF81, v39;
	v38 =	vadd.f32 @p5 $1.000000000e+00, v38;
	v61 =	vand.u32 $0xFFFFFF80, v60  }
0x3fc: {  	v46 =	vmul.f32 @p4 $1.111111120e-01, v49;
	v63 =	vand.u32 $0x7F, v60;
	v50 =	vadd.s32 v62, v61  }
0x3fd: {  	v39 =	vcvt.s32.f32 @p5 v39;
	v37 =	vmul.f32 @p5 v38, v37;
	v38 =	vor.u32 v63, v50  }
0x3fe: {  	vm8 =	vmmov @p3 vm10;
	v36 =	vadd.s32 @p4 v22, v36;
	v46 =	vadd.f32 @p4 $1.428571490e-01, v46  }
0x3ff: {  	v32 =	vmovc @p4 v44;
	vm9 =	vmmov @p4 vm9;
	v35 =	vadd.f32 @p2 $1.000000010e-07, v35;
	v39 =	vmul.f32 @p5 $6.931471820e-01, v39  }
0x400: {  	v30 =	vpsel p3, v40, v30;
	v32 =	vpsel p4, v32, v0;
	v46 =	vmul.f32 @p4 v46, v49  }
0x401: {  	v40 =	vsel @p4 vm9, $0x1, v1;
	v47 =	vand.u32 @p2 $0x7FFFFF, v35;
	v37 =	vadd.f32 @p5 v37, v39  }
0x402: {  	v27 =	vpsel p2, v35, v27;
	v39 =	vor.u32 @p2 $0x3F800000, v47;
	v45 =	vadd.f32 @p4 $2.000000030e-01, v46;
	v38 =	vld.idx.msk [tilespmem:v38+s12+$0x0], $0xffff  }
0x403: {  	v42 =	vmul.f32 @p2 $5.000000000e-01, v39;
	v28 =	vpsel p2, v39, v28;
	v37 =	vnsel @p5 vm11, $0x0, v37  }
0x404: {  	vm11 =	vgt.f32 @p2 v39, $1.414213540e+00;
	v37 =	vadd.f32 @p5 v37, v41;
	v45 =	vmul.f32 @p4 v45, v49;
	v41 =	vpop @p3 (erf)  }
0x405: {  	vm7 =	vmmov @p2 vm11;
	v29 =	vpsel p2, v42, v29;
	v31 =	vpsel p3, v41, v31  }
0x406: {  	v28 =	vsel @p2 vm7, v29, v28;
	v39 =	vpsel p4, v45, v0;
	v29 =	vmul.f32 @p3 v31, v30  }
0x407: {  	v30 =	vadd.f32 @p2 $1.000000000e+00, v28;
	v31 =	vshrl.u32 @p4 v34, $0x17;
	v38 =	vadd.f32 $1.000000010e-07, v38  }
0x408: {  	v35 =	vpsel p4, v49, v0;
	v34 =	vadd.f32 @p4 $3.333333430e-01, v39;
	v31 =	vand.u32 @p4 $0xFF, v31  }
0x409: {  	v39 =	vmul.f32 @p3 v29, v29;
	(erf) = vrcp.f32 @p2 v30;
	v51 =	vand.u32 $0x7FFFFF, v38  }
0x40a: {  	v30 =	vadd.s32 @p4 v40, v31;
	v31 =	vmul.f32 @p4 v34, v35;
	v34 =	vor.u32 $0x3F800000, v51  }
0x40b: {  	v26 =	vpsel p3, v26, v0;
	v32 =	vadd.f32 @p4 v32, v32;
	v52 =	vmul.f32 $5.000000000e-01, v34  }
0x40c: {  	v30 =	vadd.s32 @p4 $0xFFFFFF81, v30;
	v35 =	vmul.f32 @p3 $1.111111120e-01, v39;
	vm15 =	vgt.f32 v34, $1.414213540e+00  }
0x40d: {  	v30 =	vcvt.s32.f32 @p4 v30;
	v31 =	vadd.f32 @p4 $1.000000000e+00, v31;
	v34 =	vsel vm15, v52, v34  }
0x40e: {  	v23 =	vpsel p2, v23, v0;
	v35 =	vadd.f32 @p3 $1.428571490e-01, v35;
	v53 =	vadd.f32 $1.000000000e+00, v34  }
0x40f: {  	vm8 =	vmmov @p3 vm8;
	v30 =	vmul.f32 @p4 $6.931471820e-01, v30;
	v31 =	vmul.f32 @p4 v31, v32  }
0x410: {  	v26 =	vshrl.u32 @p3 v26, $0x17;
	v32 =	vmul.f32 @p3 v35, v39;
	(erf) = vrcp.f32 v53  }
0x411: {  	vm10 =	vlt.s32 @p4 v36, v21;
	vm8 =	vmmov @p3 vm8;
	v26 =	vand.u32 @p3 $0xFF, v26  }
0x412: {  	vm8 =	vmmov @p3 vm8;
	v30 =	vadd.f32 @p4 v31, v30;
	v31 =	vadd.f32 @p3 $2.000000030e-01, v32  }
0x413: {  	v27 =	vpsel p2, v27, v0;
	vm7 =	vmmov @p2 vm7;
	v28 =	vadd.f32 @p2 $-1.000000000e+00, v28  }
0x414: {  	v25 =	vpsel p5, v37, v18;
	v30 =	vnsel @p4 vm10, $0x0, v30;
	v32 =	vpop @p2 (erf);
	v31 =	vmul.f32 @p3 v31, v39  }
0x415: {  	v28 =	vpsel p2, v28, v0;
	v25 =	vadd.f32 @p4 v30, v25;
	v30 =	vpsel p2, v32, v0  }
0x416: {  	v41 =	vmovc @p3 v43;
	vm7 =	vmmov @p2 vm7;
	v28 =	vmul.f32 @p2 v30, v28;
	v30 =	vpsel p3, v31, v0  }
0x417: {  	v24 =	vpsel p3, v41, v24;
	vm7 =	vmmov @p2 vm7;
	v30 =	vadd.f32 @p3 $3.333333430e-01, v30  }
0x418: {  	v34 =	vadd.f32 $-1.000000000e+00, v34;
	v31 =	vpsel p3, v39, v0;
	v32 =	vmul.f32 @p2 v28, v28  }
0x419: {  	v24 =	vpsel p3, v24, v0;
	v29 =	vpsel p3, v29, v0;
	v30 =	vmul.f32 @p3 v30, v31;
	v54 =	vpop (erf)  }
0x41a: {  	v35 =	vsel @p3 vm8, $0x1, v1;
	v36 =	vmul.f32 @p2 $1.111111120e-01, v32;
	v31 =	vmul.f32 v54, v34  }
0x41b: {  	v24 =	vadd.s32 @p3 v22, v24;
	v29 =	vadd.f32 @p3 v29, v29;
	v26 =	vadd.s32 @p3 v35, v26  }
0x41c: {  	v26 =	vadd.s32 @p3 $0xFFFFFF81, v26;
	v35 =	vadd.f32 @p2 $1.428571490e-01, v36;
	v55 =	vmul.f32 v31, v31  }
0x41d: {  	vm9 =	vlt.s32 @p3 v24, v21;
	v24 =	vpsel p2, v27, v0;
	v26 =	vcvt.s32.f32 @p3 v26  }
0x41e: {  	v30 =	vadd.f32 @p3 $1.000000000e+00, v30;
	v34 =	vmul.f32 @p2 v35, v32;
	v56 =	vmul.f32 $1.111111120e-01, v55  }
0x41f: {  	vm7 =	vmmov @p2 vm7;
	v24 =	vshrl.u32 @p2 v24, $0x17;
	v26 =	vmul.f32 @p3 $6.931471820e-01, v26  }
0x420: {  	v29 =	vmul.f32 @p3 v30, v29;
	v30 =	vadd.f32 @p2 $2.000000030e-01, v34;
	v57 =	vadd.f32 $1.428571490e-01, v56  }
0x421: {  	v23 =	vpsel p2, v23, v0;
	vm7 =	vmmov @p2 vm7;
	v24 =	vand.u32 @p2 $0xFF, v24  }
0x422: {  	v26 =	vadd.f32 @p3 v29, v26;
	v29 =	vmul.f32 @p2 v30, v32;
	v30 =	vmul.f32 v57, v55  }
0x423: {  	v59 =	vshrl.u32 v38, $0x17;
	vm8 =	vmmov vm15;
	v25 =	vpsel p4, v25, v18  }
0x424: {  	v28 =	vpsel p2, v28, v0;
	v27 =	vpsel p2, v29, v0;
	v30 =	vadd.f32 $2.000000030e-01, v30  }
0x425: {  	v28 =	vadd.f32 @p2 v28, v28;
	v29 =	vpsel p2, v32, v0;
	v27 =	vadd.f32 @p2 $3.333333430e-01, v27  }
0x426: {  	v32 =	vsel @p2 vm7, $0x1, v1;
	vm7 =	vmmov vm8;
	v58 =	vmul.f32 v30, v55  }
0x427: {  	v24 =	vadd.s32 @p2 v32, v24;
	vm7 =	vmmov vm7;
	v27 =	vmul.f32 @p2 v27, v29  }
0x428: {  	v24 =	vadd.s32 @p2 $0xFFFFFF81, v24;
	v60 =	vsel vm7, $0x1, v1;
	v29 =	vadd.f32 $3.333333430e-01, v58  }
0x429: {  	v24 =	vcvt.s32.f32 @p2 v24;
	v27 =	vadd.f32 @p2 $1.000000000e+00, v27;
	v30 =	vand.u32 $0xFF, v59  }
0x42a: {  	v62 =	vadd.f32 v31, v31;
	v30 =	vadd.s32 v60, v30;
	v29 =	vmul.f32 v29, v55  }
0x42b: {  	v24 =	vmul.f32 @p2 $6.931471820e-01, v24;
	v27 =	vmul.f32 @p2 v27, v28;
	v61 =	vadd.s32 $0xFFFFFF81, v30  }
0x42c: {  	v26 =	vnsel @p3 vm9, $0x0, v26;
	v28 =	vcvt.s32.f32 v61;
	v29 =	vadd.f32 $1.000000000e+00, v29  }
0x42d: {  	v23 =	vadd.s32 @p2 v22, v23;
	v25 =	vadd.f32 @p3 v26, v25;
	v24 =	vadd.f32 @p2 v27, v24  }
0x42e: {  	vm7 =	vlt.s32 @p2 v23, v21;
	v23 =	vmul.f32 $6.931471820e-01, v28;
	v63 =	vmul.f32 v29, v62  }
0x42f: {  	v25 =	vpsel p3, v25, v18;
	v24 =	vnsel @p2 vm7, $0x0, v24  }
0x430: {  	v22 =	vadd.s32 v22, v33;
	v24 =	vadd.f32 @p2 v24, v25;
	v23 =	vadd.f32 v63, v23  }
0x431: {  	vm7 =	vlt.s32 v22, v21  }
0x432: {  	v18 =	vpsel p2, v24, v18;
	v21 =	vnsel vm7, $0x0, v23  }
0x433: {  	v18 =	vadd.f32 v21, v18  }
.LBB2_32:
.Ltmp19:
0x434: {  	(pc) =	sbr.rel @p1 .LBB2_46-.Ltmp19, $1  }
0x435: {  	_ =	sdelay $0x3  }
0x436: {  	s1 =	ssub.s32 s29, s1  }
0x437: {  	s4 =	sadd.s32 $0xFFFFFF80, s1  }
0x438: {  	p1 =	slt.s32 s4, $0x80  }
0x439: {  	s4 =	simm.s32 @!p1 $0x80  }
0x43a: {  	s6 =	sadd.s32 $0xF, s4  }
0x43b: {  	s31 =	sshrl.u32 s6, $0x4  }
0x43c: {  	p5 =	sne.s32 s31, $0x1  }
.Ltmp20:
0x43d: {  	_ =	swait.ge [sflag:s23], $0x4000;
	p2 =	por $0x0, $0x0;
	(pc) =	sbr.rel @!p5 .LBB2_34-.Ltmp20, $4  }
0x43e: {  	p3 =	por $0x0, $0x0;
	p4 =	por $0x0, $0x0;
	s1 =	sor.u32 $0x80, s0  }
0x43f: {  	[sflag:s23] =	ssyncset.done $0x0;
	s0 =	simm.s32 $0x0;
	s5 =	sadd.s32 $0x0, s1  }
0x440: {  	s29 =	sand.u32 $0x70, s0;
	[sflag:s23] =	ssyncadd.s32 $0xFFFFC000;
	s7 =	sand.u32 $0xFFFFFF80, s5  }
0x441: {  	v21 =	vmov s30;
	v20 =	vbroadcast v20, $0xF;
	p1 =	por $0x0, $0x0;
	s4 =	sor.u32 s29, s7;
	s5 =	sadd.s32 $0xFFFFFFFF, s31  }
0x442: {  	v22 =	vld [tilespmem:s4+$0x1200];
	_ =	sdelay $0x1  }
0x443: {  	p5 =	sne.s32 s5, $0x1  }
.Ltmp21:
0x444: {  	_ = 	snop;
	(pc) =	sbr.rel @!p5 .LBB2_36-.Ltmp21, $4  }
0x445: {  	v23 =	vor.u32 s0, v0  }
0x446: {  	s0 =	simm.s32 $0x10;
	s31 =	sadd.s32 $0x10, s1;
	v25 =	vshll.u32 v23, $0x7;
	v24 =	vand.u32 $0xFFFFFF80, v22  }
0x447: {  	s4 =	sand.u32 $0xFFFFFF80, s31;
	s6 =	sand.u32 $0x70, s0;
	v22 =	vand.u32 $0x7F, v22;
	v24 =	vadd.s32 v25, v24  }
0x448: {  	s5 =	sadd.s32 $0xFFFFFFFF, s5;
	p1 =	por $0x1, $0x1;
	s4 =	sor.u32 s6, s4;
	v34 =	vor.u32 v22, v24  }
0x449: {  	_ =	sdelay $0x3  }
0x44a: {  	v22 =	vld.idx.msk [tilespmem:v34+s15+$0x0], $0xffff;
	_ =	sdelay $0x1  }
0x44b: {  	v26 =	vld [tilespmem:s4+$0x1200];
	_ =	sdelay $0x1  }
0x44c: {  	p5 =	sne.s32 s5, $0x1  }
.Ltmp22:
0x44d: {  	v25 =	vadd.f32 $1.000000010e-07, v22;
	(pc) =	sbr.rel @!p5 .LBB2_38-.Ltmp22, $4  }
0x44e: {  	v24 =	vor.u32 s0, v0  }
0x44f: {  	s0 =	simm.s32 $0x20;
	s31 =	sadd.s32 $0x20, s1;
	v27 =	vshll.u32 v24, $0x7;
	v22 =	vand.u32 $0xFFFFFF80, v26;
	v28 =	vand.u32 $0x7FFFFF, v25  }
0x450: {  	s4 =	sand.u32 $0xFFFFFF80, s31;
	s6 =	sand.u32 $0x70, s0;
	v26 =	vand.u32 $0x7F, v26;
	v22 =	vadd.s32 v27, v22;
	v39 =	vor.u32 $0x3F800000, v28  }
0x451: {  	s5 =	sadd.s32 $0xFFFFFFFF, s5;
	p2 =	por $0x1, $0x1;
	s4 =	sor.u32 s6, s4;
	v34 =	vor.u32 v26, v22;
	v43 =	vmul.f32 $5.000000000e-01, v39;
	vm11 =	vgt.f32 v39, $1.414213540e+00  }
0x452: {  	_ =	sdelay $0x1  }
0x453: {  	v29 =	vsel vm11, v43, v39  }
0x454: {  	v22 =	vadd.f32 $1.000000000e+00, v29  }
0x455: {  	v26 =	vld.idx.msk [tilespmem:v34+s15+$0x0], $0xffff  }
0x456: {  	v27 =	vld [tilespmem:s4+$0x1200];
	(erf) = vrcp.f32 v22;
	_ =	sdelay $0x3  }
0x457: {  	p5 =	sne.s32 s5, $0x1;
	v22 =	vor.u32 s0, v0;
	v26 =	vadd.f32 $1.000000010e-07, v26  }
.Ltmp23:
0x458: {  	v28 =	vand.u32 $0xFFFFFF80, v27;
	v30 =	vshll.u32 v22, $0x7;
	(pc) =	sbr.rel @!p5 .LBB2_40-.Ltmp23, $4  }
0x459: {  	v28 =	vadd.s32 v30, v28;
	v30 =	vand.u32 $0x7FFFFF, v26  }
0x45a: {  	s31 =	sadd.s32 $0x30, s1;
	s0 =	simm.s32 $0x30;
	v27 =	vand.u32 $0x7F, v27  }
0x45b: {  	vm8 =	vmmov vm11;
	s4 =	sand.u32 $0xFFFFFF80, s31;
	s6 =	sand.u32 $0x70, s0;
	v34 =	vor.u32 v27, v28;
	v27 =	vor.u32 $0x3F800000, v30  }
0x45c: {  	s5 =	sadd.s32 $0xFFFFFFFF, s5;
	p3 =	por $0x1, $0x1;
	v29 =	vadd.f32 $-1.000000000e+00, v29;
	s4 =	sor.u32 s6, s4;
	v28 =	vmul.f32 $5.000000000e-01, v27;
	vm7 =	vgt.f32 v27, $1.414213540e+00;
	v30 =	vpop (erf)  }
0x45d: {  	_ = 	snop  }
0x45e: {  	v36 =	vmul.f32 v30, v29  }
0x45f: {  	v33 =	vsel vm7, v28, v27  }
0x460: {  	v31 =	vadd.f32 $1.000000000e+00, v33;
	v37 =	vmul.f32 v36, v36;
	_ =	sdelay $0x1  }
0x461: {  	v34 =	vld.idx.msk [tilespmem:v34+s15+$0x0], $0xffff;
	(erf) = vrcp.f32 v31;
	v31 =	vmul.f32 $1.111111120e-01, v37  }
0x462: {  	v35 =	vld [tilespmem:s4+$0x1200]  }
0x463: {  	v38 =	vadd.f32 $1.428571490e-01, v31;
	_ =	sdelay $0x1  }
0x464: {  	v32 =	vor.u32 s0, v0;
	v38 =	vmul.f32 v38, v37  }
0x465: {  	p5 =	sne.s32 s5, $0x1;
	v39 =	vshll.u32 v32, $0x7;
	v31 =	vadd.f32 $1.000000010e-07, v34  }
.Ltmp24:
0x466: {  	v63 =	vand.u32 $0xFFFFFF80, v35;
	v35 =	vand.u32 $0x7F, v35;
	v38 =	vadd.f32 $2.000000030e-01, v38;
	(pc) =	sbr.rel @!p5 .LBB2_42-.Ltmp24, $4  }
0x467: {  	vm9 =	vmmov vm8;
	v34 =	vadd.s32 v39, v63;
	v40 =	vand.u32 $0x7FFFFF, v31  }
0x468: {  	s0 =	simm.s32 $0x40;
	s31 =	sadd.s32 $0x40, s1;
	vm10 =	vmmov vm7;
	v41 =	vmovc v23;
	v34 =	vor.u32 v35, v34;
	v39 =	vor.u32 $0x3F800000, v40  }
0x469: {  	s4 =	sand.u32 $0xFFFFFF80, s31;
	s6 =	sand.u32 $0x70, s0;
	v44 =	vadd.f32 $-1.000000000e+00, v33;
	v33 =	vmovc v26;
	v35 =	vmovc v24;
	v43 =	vmul.f32 $5.000000000e-01, v39;
	vm11 =	vgt.f32 v39, $1.414213540e+00  }
0x46a: {  	s5 =	sadd.s32 $0xFFFFFFFF, s5;
	p4 =	por $0x1, $0x1;
	s4 =	sor.u32 s6, s4;
	v40 =	vmov v18;
	v45 =	vpop (erf);
	v46 =	vmul.f32 v38, v37;
	v38 =	vmov v25  }
.LBB2_43:
0x46b: {  	v47 =	vor.u32 s0, v0;
	v48 =	vsel vm11, v43, v39;
	v39 =	vmul.f32 v45, v44  }
0x46c: {  	p5 =	sne.s32 s5, $0x1;
	v42 =	vld [tilespmem:s4+$0x1200];
	vm12 =	vmmov vm9;
	vm9 =	vmmov vm10;
	vm10 =	vmmov vm11  }
0x46d: {  	v44 =	vshrl.u32 v38, $0x17;
	v38 =	vmovc v33;
	v33 =	vmovc v31;
	v34 =	vld.idx.msk [tilespmem:v34+s15+$0x0], $0xffff;
	v43 =	vadd.f32 $1.000000000e+00, v48;
	v45 =	vadd.f32 $3.333333430e-01, v46  }
0x46e: {  	v44 =	vand.u32 $0xFF, v44;
	v46 =	vsel vm12, $0x1, v1;
	v31 =	vmul.f32 v39, v39  }
0x46f: {  	(erf) = vrcp.f32 v43;
	v43 =	vadd.s32 v46, v44;
	v51 =	vmul.f32 v45, v37  }
0x470: {  	v45 =	vadd.s32 v21, v41;
	v41 =	vmovc v35;
	v35 =	vmovc v22;
	v44 =	vmul.f32 $1.111111120e-01, v31;
	v43 =	vadd.s32 $0xFFFFFF81, v43  }
0x471: {  	v49 =	vadd.f32 v36, v36;
	v22 =	vmovc v32;
	v32 =	vmovc v47;
	v43 =	vcvt.s32.f32 v43;
	v46 =	vadd.f32 $1.000000000e+00, v51  }
0x472: {  	v36 =	vmovc v39;
	v50 =	vshll.u32 v32, $0x7;
	v37 =	vmovc v31;
	v47 =	vand.u32 $0xFFFFFF80, v42;
	v44 =	vadd.f32 $1.428571490e-01, v44  }
0x473: {  	v31 =	vadd.f32 $1.000000010e-07, v34;
	v39 =	vmul.f32 $6.931471820e-01, v43;
	v43 =	vmul.f32 v46, v49  }
.Ltmp25:
0x474: {  	v34 =	vand.u32 $0x7F, v42;
	v42 =	vadd.s32 v50, v47;
	v44 =	vmul.f32 v44, v37;
	(pc) =	sbr.rel @p5 .LBB2_43-.Ltmp25, $4  }
0x475: {  	s0 =	sadd.s32 $0x10, s0;
	v34 =	vor.u32 v34, v42;
	v42 =	vand.u32 $0x7FFFFF, v31;
	v46 =	vadd.f32 v43, v39  }
0x476: {  	s4 =	sadd.s32 s0, s1;
	vm11 =	vlt.s32 v45, v20;
	v39 =	vor.u32 $0x3F800000, v42;
	v42 =	vadd.f32 $2.000000030e-01, v44  }
0x477: {  	s6 =	sand.u32 $0x70, s0;
	s4 =	sand.u32 $0xFFFFFF80, s4;
	v43 =	vmul.f32 $5.000000000e-01, v39;
	v44 =	vadd.f32 $-1.000000000e+00, v48;
	v47 =	vnsel vm11, $0x0, v46  }
0x478: {  	s5 =	sadd.s32 $0xFFFFFFFF, s5;
	s4 =	sor.u32 s6, s4;
	vm11 =	vgt.f32 v39, $1.414213540e+00;
	v45 =	vpop (erf);
	v46 =	vmul.f32 v42, v37;
	v40 =	vadd.f32 v47, v40  }
.Ltmp26:
0x479: {  	(pc) =	sbr.rel .LBB2_45-.Ltmp26, $2  }
0x47a: {  	_ =	sdelay $0x2  }
0x47b: {  	v42 =	vmov v22;
	v22 =	vmov v32  }
.LBB2_20:
.Ltmp27:
0x47c: {  	(pc) =	sbr.rel .LBB2_31-.Ltmp27, $2  }
0x47d: {  	_ =	sdelay $0x2  }
0x47e: {  	v41 =	vmov v18  }
.LBB2_22:
.Ltmp28:
0x47f: {  	(pc) =	sbr.rel .LBB2_31-.Ltmp28, $2  }
0x480: {  	_ =	sdelay $0x2  }
0x481: {  	v23 =	vmov v24;
	v41 =	vmov v18  }
.LBB2_36:
.Ltmp29:
0x482: {  	(pc) =	sbr.rel .LBB2_45-.Ltmp29, $2  }
0x483: {  	_ =	sdelay $0x2  }
0x484: {  	v22 =	vmov v23;
	v40 =	vmov v18  }
.LBB2_24:
.Ltmp30:
0x485: {  	(pc) =	sbr.rel .LBB2_31-.Ltmp30, $2  }
0x486: {  	_ =	sdelay $0x2  }
0x487: {  	v32 =	vmovc v26;
	v43 =	vmov v24;
	v23 =	vmov v25;
	v41 =	vmov v18  }
.LBB2_38:
.Ltmp31:
0x488: {  	(pc) =	sbr.rel .LBB2_45-.Ltmp31, $2  }
0x489: {  	_ =	sdelay $0x2  }
0x48a: {  	v31 =	vmovc v25;
	v42 =	vmov v23;
	v22 =	vmov v24;
	v40 =	vmov v18  }
.LBB2_26:
.Ltmp32:
0x48b: {  	(pc) =	sbr.rel .LBB2_31-.Ltmp32, $4  }
0x48c: {  	_ = 	snop  }
0x48d: {  	vm11 =	vmmov vm7  }
0x48e: {  	v40 =	vmovc v28;
	v46 =	vmovc v31;
	vm10 =	vmmov vm8;
	v34 =	vmov v26;
	v32 =	vmov v27  }
0x48f: {  	v36 =	vmovc v24;
	v43 =	vmovc v25;
	v41 =	vmov v18;
	v44 =	vmov v29;
	v45 =	vmov v30  }
.LBB2_40:
.Ltmp33:
0x490: {  	(pc) =	sbr.rel .LBB2_45-.Ltmp33, $4  }
0x491: {  	_ = 	snop  }
0x492: {  	vm11 =	vmmov vm7  }
0x493: {  	v39 =	vmovc v27;
	v45 =	vmovc v30;
	vm10 =	vmmov vm8;
	v33 =	vmov v25;
	v31 =	vmov v26  }
0x494: {  	v35 =	vmovc v23;
	v42 =	vmovc v24;
	v40 =	vmov v18;
	v43 =	vmov v28;
	v44 =	vmov v29  }
.LBB2_28:
.Ltmp34:
0x495: {  	(pc) =	sbr.rel .LBB2_31-.Ltmp34, $3  }
0x496: {  	_ =	sdelay $0x1  }
0x497: {  	v43 =	vmov v23;
	v39 =	vmov v26  }
0x498: {  	v34 =	vmovc v27;
	v42 =	vmovc v24;
	v36 =	vmov v25;
	v23 =	vmov v33;
	v41 =	vmov v18  }
.LBB2_42:
.Ltmp35:
0x499: {  	(pc) =	sbr.rel .LBB2_45-.Ltmp35, $3  }
0x49a: {  	_ =	sdelay $0x1  }
0x49b: {  	v42 =	vmov v22;
	v38 =	vmov v25  }
0x49c: {  	v33 =	vmovc v26;
	v41 =	vmovc v23;
	v35 =	vmov v24;
	v22 =	vmov v32;
	v40 =	vmov v18  }
.LBB2_47:
0x49d: {  	p0 =	sgt.s32 s26, $0x0  }
.Ltmp36:
0x49e: {  	_ = 	snop;
	(pc) =	sbr.rel @!p0 .LBB2_51-.Ltmp36, $1  }
0x49f: {  	_ =	sdelay $0x3  }
0x4a0: {  	p0 =	sne.s32 s26, $0x1  }
.Ltmp37:
0x4a1: {  	_ = 	snop;
	(pc) =	sbr.rel @!p0 .LBB2_50-.Ltmp37, $3  }
0x4a2: {  	_ =	sdelay $0x1  }
0x4a3: {  	_ =	swait.ge [sflag:s24], $0x80  }
0x4a4: {  	s0 =	sadd.s32 $0xFFFFFFFF, s26;
	[sflag:s24] =	ssyncset.done $0x0  }
.LBB2_49:
0x4a5: {  	p0 =	sne.s32 s0, $0x1;
	s0 =	sadd.s32 $0xFFFFFFFF, s0;
	[sflag:s24] =	ssyncadd.s32 $0xFFFFFF80  }
.Ltmp38:
0x4a6: {  	(pc) =	sbr.rel @p0 .LBB2_49-.Ltmp38, $3  }
0x4a7: {  	_ =	sdelay $0x1  }
0x4a8: {  	_ =	swait.ge [sflag:s24], $0x80  }
0x4a9: {  	[sflag:s24] =	ssyncset.done $0x0  }
.LBB2_50:
0x4aa: {  	[sflag:s24] =	ssyncadd.s32 $0xFFFFFF80  }
.LBB2_51:
0x4ab: {  	s0 =	rddreg [dreg:$0x8]  }
0x4ac: {  	s0 =	sadd.s32 $0x7FFFF20F, s0  }
0x4ad: {  	s1 =	sshra.s32 s0, $0x4  }
0x4ae: {  	p0 =	slt.s32 s1, $0x1  }
.Ltmp39:
0x4af: {  	_ = 	snop;
	(pc) =	sbr.rel @p0 .LBB2_52-.Ltmp39, $1  }
0x4b0: {  	_ =	sdelay $0x3  }
0x4b1: {  	p4 =	sne.s32 s1, $0x1  }
.Ltmp40:
0x4b2: {  	_ = 	snop;
	(pc) =	sbr.rel @!p4 .LBB2_54-.Ltmp40, $4  }
0x4b3: {  	_ = 	snop  }
0x4b4: {  	s0 =	simm.s32 $0x0  }
0x4b5: {  	s1 =	sadd.s32 $0xFFFFFFFF, s1;
	p0 =	por $0x0, $0x0;
	s4 =	sand.u32 $0xFFFFFFF0, s0  }
0x4b6: {  	v19 =	vmov s26;
	p1 =	por $0x0, $0x0;
	p2 =	por $0x0, $0x0;
	p3 =	por $0x0, $0x0;
	v27 =	vld [tilespmem:s4+$0x2000]  }
0x4b7: {  	_ =	sdelay $0x2  }
0x4b8: {  	v20 =	vor.u32 s0, v0  }
0x4b9: {  	v22 =	vshll.u32 v20, $0x7;
	v21 =	vand.u32 $0xFFFFFF80, v27  }
0x4ba: {  	v23 =	vand.u32 $0x7F, v27;
	v21 =	vadd.s32 v22, v21  }
0x4bb: {  	p4 =	sne.s32 s1, $0x1;
	v21 =	vor.u32 v23, v21  }
.Ltmp41:
0x4bc: {  	_ = 	snop;
	(pc) =	sbr.rel @!p4 .LBB2_56-.Ltmp41, $4  }
0x4bd: {  	s0 =	simm.s32 $0x10  }
0x4be: {  	s4 =	sand.u32 $0xFFFFFFF0, s0  }
0x4bf: {  	v27 =	vld [tilespmem:s4+$0x2000]  }
0x4c0: {  	s1 =	sadd.s32 $0xFFFFFFFF, s1;
	p0 =	por $0x1, $0x1;
	v32 =	vld.idx.msk [tilespmem:v21+s25+$0x0], $0xffff  }
0x4c1: {  	_ =	sdelay $0x2  }
0x4c2: {  	v22 =	vor.u32 s0, v0  }
0x4c3: {  	v24 =	vshll.u32 v22, $0x7;
	v21 =	vand.u32 $0xFFFFFF80, v27;
	v23 =	vadd.f32 $1.000000010e-07, v32  }
0x4c4: {  	v25 =	vand.u32 $0x7F, v27;
	v21 =	vadd.s32 v24, v21  }
0x4c5: {  	p4 =	sne.s32 s1, $0x1;
	v21 =	vor.u32 v25, v21;
	v24 =	vand.u32 $0x7FFFFF, v23  }
.Ltmp42:
0x4c6: {  	v24 =	vor.u32 $0x3F800000, v24;
	(pc) =	sbr.rel @!p4 .LBB2_58-.Ltmp42, $4  }
0x4c7: {  	s0 =	simm.s32 $0x20;
	v25 =	vmul.f32 $5.000000000e-01, v24  }
0x4c8: {  	s4 =	sand.u32 $0xFFFFFFF0, s0;
	vm9 =	vgt.f32 v24, $1.414213540e+00  }
0x4c9: {  	v27 =	vld [tilespmem:s4+$0x2000];
	v33 =	vsel vm9, v25, v24  }
0x4ca: {  	s1 =	sadd.s32 $0xFFFFFFFF, s1;
	p1 =	por $0x1, $0x1;
	s5 =	rddreg [dreg:$0x7];
	v32 =	vld.idx.msk [tilespmem:v21+s25+$0x0], $0xffff;
	v40 =	vadd.f32 $1.000000000e+00, v33  }
0x4cb: {  	_ = 	snop  }
0x4cc: {  	(erf) = vrcp.f32 v40;
	_ =	sdelay $0x1  }
0x4cd: {  	v21 =	vor.u32 s0, v0  }
0x4ce: {  	v26 =	vshll.u32 v21, $0x7;
	v25 =	vand.u32 $0xFFFFFF80, v27;
	v24 =	vadd.f32 $1.000000010e-07, v32  }
0x4cf: {  	v27 =	vand.u32 $0x7F, v27;
	v25 =	vadd.s32 v26, v25  }
0x4d0: {  	p4 =	sne.s32 s1, $0x1;
	v26 =	vor.u32 v27, v25;
	v25 =	vand.u32 $0x7FFFFF, v24  }
.Ltmp43:
0x4d1: {  	v25 =	vor.u32 $0x3F800000, v25;
	(pc) =	sbr.rel @!p4 .LBB2_60-.Ltmp43, $4  }
0x4d2: {  	s0 =	simm.s32 $0x30;
	v28 =	vmul.f32 $5.000000000e-01, v25  }
0x4d3: {  	v29 =	vadd.f32 $-1.000000000e+00, v33;
	s4 =	sand.u32 $0xFFFFFFF0, s0;
	vm7 =	vgt.f32 v25, $1.414213540e+00  }
0x4d4: {  	v27 =	vld [tilespmem:s4+$0x2000];
	v30 =	vpop (erf);
	v25 =	vsel vm7, v28, v25  }
0x4d5: {  	vm8 =	vmmov vm9;
	s1 =	sadd.s32 $0xFFFFFFFF, s1;
	p2 =	por $0x1, $0x1;
	v32 =	vld.idx.msk [tilespmem:v26+s25+$0x0], $0xffff;
	v28 =	vmul.f32 v30, v29;
	v29 =	vadd.f32 $1.000000000e+00, v25  }
0x4d6: {  	_ = 	snop  }
0x4d7: {  	v34 =	vmul.f32 v28, v28;
	_ =	sdelay $0x1  }
0x4d8: {  	v26 =	vmul.f32 $1.111111120e-01, v34  }
0x4d9: {  	(erf) = vrcp.f32 v29  }
0x4da: {  	v42 =	vor.u32 s0, v0;
	v30 =	vadd.f32 $1.428571490e-01, v26  }
0x4db: {  	v33 =	vshll.u32 v42, $0x7;
	v31 =	vand.u32 $0xFFFFFF80, v27;
	v26 =	vadd.f32 $1.000000010e-07, v32  }
0x4dc: {  	v27 =	vand.u32 $0x7F, v27;
	v31 =	vadd.s32 v33, v31;
	v30 =	vmul.f32 v30, v34  }
0x4dd: {  	v63 =	vor.u32 v27, v31;
	v27 =	vand.u32 $0x7FFFFF, v26  }
0x4de: {  	v31 =	vor.u32 $0x3F800000, v27;
	v27 =	vadd.f32 $2.000000030e-01, v30  }
0x4df: {  	v35 =	vadd.f32 $-1.000000000e+00, v25;
	p4 =	sne.s32 s1, $0x1  }
.Ltmp44:
0x4e0: {  	v30 =	vmul.f32 $5.000000000e-01, v31;
	v37 =	vmul.f32 v27, v34;
	(pc) =	sbr.rel @!p4 .LBB2_62-.Ltmp44, $4  }
0x4e1: {  	vm11 =	vmmov vm8  }
0x4e2: {  	s0 =	simm.s32 $0x40;
	vm10 =	vmmov vm7;
	v41 =	vshrl.u32 v23, $0x17;
	vm9 =	vgt.f32 v31, $1.414213540e+00;
	v36 =	vpop (erf)  }
0x4e3: {  	v38 =	vmovc v24;
	s4 =	sand.u32 $0xFFFFFFF0, s0;
	v32 =	vld.idx.msk [tilespmem:v63+s25+$0x0], $0xffff;
	v33 =	vsel vm9, v30, v31;
	v31 =	vmul.f32 v36, v35;
	v35 =	vmov v20  }
0x4e4: {  	s1 =	sadd.s32 $0xFFFFFFFF, s1;
	p3 =	por $0x1, $0x1;
	v27 =	vld [tilespmem:s4+$0x2000];
	v36 =	vmovc v18;
	v40 =	vadd.f32 $1.000000000e+00, v33;
	v43 =	vadd.f32 $3.333333430e-01, v37;
	v30 =	vmovc v22;
	v37 =	vmov v28  }
.LBB2_63:
0x4e5: {  	v39 =	vmul.f32 v31, v31;
	v41 =	vand.u32 $0xFF, v41  }
0x4e6: {  	p4 =	sne.s32 s1, $0x1;
	v44 =	vsel vm11, $0x1, v1;
	vm11 =	vmmov vm10;
	vm10 =	vmmov vm9  }
0x4e7: {  	(erf) = vrcp.f32 v40;
	v40 =	vadd.s32 v44, v41;
	v41 =	vmul.f32 v43, v34  }
0x4e8: {  	v43 =	vor.u32 s0, v0;
	v44 =	vmul.f32 $1.111111120e-01, v39;
	v40 =	vadd.s32 $0xFFFFFF81, v40;
	v34 =	vmovc v39  }
0x4e9: {  	v39 =	vcvt.s32.f32 v40;
	v40 =	vadd.f32 $1.000000000e+00, v41;
	v41 =	vadd.f32 v37, v37;
	v37 =	vmovc v31  }
0x4ea: {  	v45 =	vshll.u32 v43, $0x7;
	v31 =	vand.u32 $0xFFFFFF80, v27;
	v44 =	vadd.f32 $1.428571490e-01, v44  }
0x4eb: {  	v46 =	vadd.f32 $1.000000010e-07, v32;
	v32 =	vmul.f32 $6.931471820e-01, v39;
	v39 =	vmul.f32 v40, v41  }
0x4ec: {  	v27 =	vand.u32 $0x7F, v27;
	v31 =	vadd.s32 v45, v31;
	v40 =	vmul.f32 v44, v34  }
0x4ed: {  	v41 =	vor.u32 v27, v31;
	v27 =	vand.u32 $0x7FFFFF, v46;
	v31 =	vadd.f32 v39, v32  }
.Ltmp45:
0x4ee: {  	vm9 =	vlt.s32 v35, v19;
	v35 =	vmovc v30;
	v30 =	vmovc v21;
	v32 =	vor.u32 $0x3F800000, v27;
	v27 =	vadd.f32 $2.000000030e-01, v40;
	(pc) =	sbr.rel @p4 .LBB2_63-.Ltmp45, $4  }
0x4ef: {  	v21 =	vmovc v42;
	s0 =	sadd.s32 $0x10, s0;
	v42 =	vmovc v43;
	v39 =	vmul.f32 $5.000000000e-01, v32;
	v40 =	vadd.f32 $-1.000000000e+00, v33;
	v31 =	vnsel vm9, $0x0, v31  }
0x4f0: {  	s4 =	sand.u32 $0xFFFFFFF0, s0;
	vm9 =	vgt.f32 v32, $1.414213540e+00;
	v43 =	vpop (erf);
	v44 =	vmul.f32 v27, v34;
	v36 =	vadd.f32 v31, v36  }
0x4f1: {  	v33 =	vsel vm9, v39, v32;
	v27 =	vld [tilespmem:s4+$0x2000];
	v31 =	vmul.f32 v43, v40  }
0x4f2: {  	s1 =	sadd.s32 $0xFFFFFFFF, s1;
	v40 =	vadd.f32 $1.000000000e+00, v33;
	v32 =	vld.idx.msk [tilespmem:v41+s25+$0x0], $0xffff;
	v41 =	vshrl.u32 v38, $0x17;
	v43 =	vadd.f32 $3.333333430e-01, v44;
	v38 =	vmovc v26;
	v26 =	vmovc v46  }
0x4f3: {  	v39 =	vmov v21;
	v21 =	vmov v42  }
.LBB2_65:
0x4f4: {  	v41 =	vand.u32 @p3 $0xFF, v41;
	v42 =	vsel @p3 vm11, $0x1, v1;
	v44 =	vmul.f32 @p2 v31, v31  }
0x4f5: {  	(erf) = vrcp.f32 @p1 v40;
	v37 =	vadd.f32 @p3 v37, v37;
	vm10 =	vmmov @p2 vm10  }
0x4f6: {  	v41 =	vadd.s32 @p3 v42, v41;
	v42 =	vmul.f32 @p3 v43, v34;
	v34 =	vor.u32 s0, v0  }
0x4f7: {  	vm11 =	vlt.s32 @p3 v35, v19;
	v63 =	vand.u32 $0xFFFFFF80, v27;
	v45 =	vshll.u32 v34, $0x7  }
0x4f8: {  	v33 =	vadd.f32 @p1 $-1.000000000e+00, v33;
	v48 =	vand.u32 $0x7F, v27;
	v43 =	vadd.s32 v45, v63  }
0x4f9: {  	vm9 =	vmmov @p1 vm9;
	v38 =	vshrl.u32 @p2 v38, $0x17;
	v27 =	vor.u32 v48, v43  }
0x4fa: {  	v31 =	vpsel p2, v31, v0;
	v40 =	vadd.s32 @p3 $0xFFFFFF81, v41;
	v41 =	vmul.f32 @p2 $1.111111120e-01, v44  }
0x4fb: {  	v30 =	vpsel p2, v30, v0;
	v21 =	vpsel p0, v21, v22;
	v40 =	vcvt.s32.f32 @p3 v40  }
0x4fc: {  	v23 =	vpsel p1, v26, v23;
	v42 =	vadd.f32 @p3 $1.000000000e+00, v42;
	v41 =	vadd.f32 @p2 $1.428571490e-01, v41  }
0x4fd: {  	vm10 =	vmmov @p2 vm10;
	v32 =	vadd.f32 @p0 $1.000000010e-07, v32;
	v40 =	vmul.f32 @p3 $6.931471820e-01, v40  }
0x4fe: {  	vm8 =	vmmov @p1 vm9;
	v37 =	vmul.f32 @p3 v42, v37;
	v41 =	vmul.f32 @p2 v41, v44;
	v27 =	vld.idx.msk [tilespmem:v27+s25+$0x0], $0xffff  }
0x4ff: {  	v31 =	vadd.f32 @p2 v31, v31;
	v23 =	vshrl.u32 @p1 v23, $0x17;
	v42 =	vand.u32 @p0 $0x7FFFFF, v32  }
0x500: {  	v37 =	vadd.f32 @p3 v37, v40;
	v40 =	vor.u32 @p0 $0x3F800000, v42;
	v41 =	vadd.f32 @p2 $2.000000030e-01, v41  }
0x501: {  	v21 =	vpsel p0, v21, v0;
	vm8 =	vmmov @p1 vm8;
	v35 =	vmul.f32 @p0 $5.000000000e-01, v40  }
0x502: {  	v37 =	vnsel @p3 vm11, $0x0, v37;
	vm11 =	vgt.f32 @p0 v40, $1.414213540e+00;
	v42 =	vpop @p1 (erf);
	v41 =	vmul.f32 @p2 v41, v44  }
0x503: {  	v35 =	vsel @p0 vm11, v35, v40;
	v33 =	vmul.f32 @p1 v42, v33;
	v27 =	vadd.f32 $1.000000010e-07, v27  }
0x504: {  	v23 =	vpsel p1, v23, v0;
	v36 =	vadd.f32 @p3 v37, v36;
	v37 =	vadd.f32 @p0 $1.000000000e+00, v35  }
0x505: {  	v40 =	vadd.f32 @p2 $3.333333430e-01, v41;
	v28 =	vpsel p1, v33, v28;
	v49 =	vand.u32 $0x7FFFFF, v27  }
0x506: {  	v33 =	vpsel p2, v38, v0;
	v29 =	vpsel p0, v37, v29;
	v50 =	vor.u32 $0x3F800000, v49  }
0x507: {  	v41 =	vsel @p2 vm10, $0x1, v1;
	(erf) = vrcp.f32 @p0 v29;
	v51 =	vmul.f32 $5.000000000e-01, v50  }
0x508: {  	v33 =	vand.u32 @p2 $0xFF, v33;
	v38 =	vpsel p2, v40, v0;
	vm15 =	vgt.f32 v50, $1.414213540e+00  }
0x509: {  	v40 =	vmul.f32 @p1 v28, v28;
	v29 =	vadd.s32 @p2 v41, v33;
	v33 =	vsel vm15, v51, v50  }
0x50a: {  	vm8 =	vmmov @p1 vm8;
	v37 =	vpsel p2, v44, v0;
	v52 =	vadd.f32 $1.000000000e+00, v33  }
0x50b: {  	v37 =	vmul.f32 @p2 v38, v37;
	v29 =	vadd.s32 @p2 $0xFFFFFF81, v29;
	v41 =	vmul.f32 @p1 $1.111111120e-01, v40;
	v38 =	vmovc @p1 v39  }
0x50c: {  	vm7 =	vmmov @p0 vm11;
	v29 =	vcvt.s32.f32 @p2 v29;
	(erf) = vrcp.f32 v52  }
0x50d: {  	v25 =	vpsel p0, v35, v25;
	v37 =	vadd.f32 @p2 $1.000000000e+00, v37;
	v39 =	vadd.f32 @p1 $1.428571490e-01, v41  }
0x50e: {  	vm7 =	vmmov @p0 vm7;
	v20 =	vpsel p1, v38, v20;
	v29 =	vmul.f32 @p2 $6.931471820e-01, v29;
	v38 =	vmovc @p1 v40  }
0x50f: {  	v25 =	vadd.f32 @p0 $-1.000000000e+00, v25;
	v31 =	vmul.f32 @p2 v37, v31;
	v22 =	vmul.f32 @p1 v39, v38  }
0x510: {  	v23 =	vand.u32 @p1 $0xFF, v23;
	v35 =	vpsel p3, v36, v18;
	vm7 =	vmmov @p0 vm7;
	v26 =	vpop @p0 (erf)  }
0x511: {  	v29 =	vadd.f32 @p2 v31, v29;
	v22 =	vadd.f32 @p1 $2.000000030e-01, v22;
	v25 =	vmul.f32 @p0 v26, v25  }
0x512: {  	vm10 =	vlt.s32 @p2 v30, v19;
	vm7 =	vmmov @p0 vm7;
	v28 =	vpsel p1, v28, v0  }
0x513: {  	v29 =	vnsel @p2 vm10, $0x0, v29;
	v22 =	vmul.f32 @p1 v22, v38;
	v25 =	vpsel p0, v25, v0  }
0x514: {  	v53 =	vadd.f32 $-1.000000000e+00, v33;
	v31 =	vmovc @p0 v32;
	v26 =	vadd.f32 @p2 v29, v35;
	v29 =	vmul.f32 @p0 v25, v25  }
0x515: {  	v32 =	vsel @p1 vm8, $0x1, v1;
	v24 =	vpsel p0, v31, v24;
	v22 =	vadd.f32 @p1 $3.333333430e-01, v22;
	v54 =	vpop (erf)  }
0x516: {  	v23 =	vadd.s32 @p1 v32, v23;
	v33 =	vmul.f32 @p0 $1.111111120e-01, v29;
	v31 =	vmul.f32 v54, v53  }
0x517: {  	v30 =	vpsel p1, v38, v0;
	v23 =	vadd.s32 @p1 $0xFFFFFF81, v23;
	v22 =	vpsel p1, v22, v0  }
0x518: {  	v22 =	vmul.f32 @p1 v22, v30;
	v30 =	vadd.f32 @p0 $1.428571490e-01, v33;
	v55 =	vmul.f32 v31, v31  }
0x519: {  	vm7 =	vmmov @p0 vm7;
	v28 =	vadd.f32 @p1 v28, v28;
	v23 =	vcvt.s32.f32 @p1 v23  }
0x51a: {  	v22 =	vadd.f32 @p1 $1.000000000e+00, v22;
	v30 =	vmul.f32 @p0 v30, v29;
	v56 =	vmul.f32 $1.111111120e-01, v55  }
0x51b: {  	v27 =	vshrl.u32 v27, $0x17;
	v20 =	vpsel p1, v20, v0;
	v23 =	vmul.f32 @p1 $6.931471820e-01, v23  }
0x51c: {  	v22 =	vmul.f32 @p1 v22, v28;
	v28 =	vadd.f32 @p0 $2.000000030e-01, v30;
	v57 =	vadd.f32 $1.428571490e-01, v56  }
0x51d: {  	v27 =	vand.u32 $0xFF, v27;
	vm9 =	vlt.s32 @p1 v20, v19;
	v24 =	vpsel p0, v24, v0  }
0x51e: {  	v22 =	vadd.f32 @p1 v22, v23;
	v23 =	vmul.f32 @p0 v28, v29;
	v58 =	vmul.f32 v57, v55  }
0x51f: {  	vm8 =	vmmov vm15;
	v26 =	vpsel p2, v26, v18;
	v20 =	vshrl.u32 @p0 v24, $0x17  }
0x520: {  	v20 =	vpsel p0, v20, v0;
	v23 =	vadd.f32 @p0 $3.333333430e-01, v23;
	v24 =	vadd.f32 $2.000000030e-01, v58  }
0x521: {  	v25 =	vpsel p0, v25, v0;
	v20 =	vand.u32 @p0 $0xFF, v20;
	v28 =	vsel @p0 vm7, $0x1, v1  }
0x522: {  	v29 =	vpsel p0, v29, v0;
	v23 =	vpsel p0, v23, v0;
	v24 =	vmul.f32 v24, v55  }
0x523: {  	v25 =	vadd.f32 @p0 v25, v25;
	v20 =	vadd.s32 @p0 v28, v20;
	v23 =	vmul.f32 @p0 v23, v29  }
0x524: {  	vm7 =	vmmov vm8;
	v20 =	vadd.s32 @p0 $0xFFFFFF81, v20;
	v24 =	vadd.f32 $3.333333430e-01, v24  }
0x525: {  	v59 =	vsel vm7, $0x1, v1;
	v20 =	vcvt.s32.f32 @p0 v20;
	v23 =	vadd.f32 @p0 $1.000000000e+00, v23  }
0x526: {  	v61 =	vadd.f32 v31, v31;
	v27 =	vadd.s32 v59, v27;
	v24 =	vmul.f32 v24, v55  }
0x527: {  	v60 =	vadd.s32 $0xFFFFFF81, v27;
	v20 =	vmul.f32 @p0 $6.931471820e-01, v20;
	v23 =	vmul.f32 @p0 v23, v25  }
0x528: {  	v22 =	vnsel @p1 vm9, $0x0, v22;
	v25 =	vcvt.s32.f32 v60;
	v24 =	vadd.f32 $1.000000000e+00, v24  }
0x529: {  	v21 =	vpsel p0, v21, v0;
	v22 =	vadd.f32 @p1 v22, v26;
	v20 =	vadd.f32 @p0 v23, v20  }
0x52a: {  	vm7 =	vlt.s32 @p0 v21, v19;
	v62 =	vmul.f32 $6.931471820e-01, v25;
	v63 =	vmul.f32 v24, v61  }
0x52b: {  	v22 =	vpsel p1, v22, v18;
	v20 =	vnsel @p0 vm7, $0x0, v20  }
.Ltmp46:
0x52c: {  	v20 =	vadd.f32 @p0 v20, v22;
	v21 =	vadd.f32 v63, v62;
	(pc) =	sbr.rel .LBB2_66-.Ltmp46, $3  }
0x52d: {  	vm7 =	vlt.s32 v34, v19  }
0x52e: {  	v18 =	vpsel p0, v20, v18;
	v19 =	vnsel vm7, $0x0, v21  }
0x52f: {  	v18 =	vadd.f32 v19, v18;
	_ =	sdelay $0x1  }
.LBB2_7:
.Ltmp47:
0x530: {  	(pc) =	sbr.rel .LBB2_12-.Ltmp47, $2  }
0x531: {  	_ =	sdelay $0x2  }
0x532: {  	s6 =	simm.s32 $0xA200  }
.LBB2_54:
.Ltmp48:
0x533: {  	(pc) =	sbr.rel .LBB2_65-.Ltmp48, $2  }
0x534: {  	_ =	sdelay $0x2  }
0x535: {  	v36 =	vmov v18;
	s5 =	rddreg [dreg:$0x7]  }
.LBB2_9:
.Ltmp49:
0x536: {  	(pc) =	sbr.rel .LBB2_12-.Ltmp49, $2  }
0x537: {  	_ =	sdelay $0x2  }
0x538: {  	s6 =	simm.s32 $0xA200;
	s13 =	simm.s32 $0x4  }
.LBB2_56:
.Ltmp50:
0x539: {  	(pc) =	sbr.rel .LBB2_65-.Ltmp50, $2  }
0x53a: {  	_ =	sdelay $0x2  }
0x53b: {  	v21 =	vmov v20;
	v36 =	vmov v18;
	s5 =	rddreg [dreg:$0x7]  }
.LBB2_58:
.Ltmp51:
0x53c: {  	(pc) =	sbr.rel .LBB2_65-.Ltmp51, $2  }
0x53d: {  	_ =	sdelay $0x2  }
0x53e: {  	v39 =	vmovc v20;
	v21 =	vmov v22;
	v26 =	vmov v23;
	v36 =	vmov v18  }
.LBB2_60:
.Ltmp52:
0x53f: {  	(pc) =	sbr.rel .LBB2_65-.Ltmp52, $3  }
0x540: {  	_ =	sdelay $0x1  }
0x541: {  	vm10 =	vmmov vm8;
	vm9 =	vmmov vm7;
	v30 =	vmovc v20;
	v39 =	vmovc v22;
	v33 =	vmov v25  }
0x542: {  	v36 =	vmovc v18;
	v38 =	vmovc v23;
	v26 =	vmov v24;
	v31 =	vmov v28;
	v40 =	vmov v29  }
.LBB2_62:
.Ltmp53:
0x543: {  	(pc) =	sbr.rel .LBB2_65-.Ltmp53, $3  }
0x544: {  	_ =	sdelay $0x1  }
0x545: {  	v39 =	vmov v21;
	v37 =	vmov v28  }
0x546: {  	v35 =	vmovc v20;
	v30 =	vmovc v22;
	v21 =	vmov v42;
	v36 =	vmov v18;
	v38 =	vmov v24  }
.LBB2_67:
0x547: {  	_ =	sfence.sel $0x180000  }
0x548: {  	[bflag:$0x0] =	sbarrier.arrive $0xFFFF  }
0x549: {  	_ =	strace $0x90000047  }
0x54a: {  	s0 =	stileid.u32;
	[bflag:$0x2] =	sbarrier.arrive $0xFFFF  }
0x54b: {  	p0 =	sne.s32 s0, $0x0;
	s0 =	rddreg [dreg:$0x2]  }
0x54c: {  	s0 =	sadd.s32 @!p0 $0x100000, s0  }
0x54d: {  	[sflag:s0] =	ssyncadd.tile.s32 @!p0 $0x1;
	_ =	shalt  }
.Lfunc_end2:
_tile_overlayer_lowered:
.L_overlay_start_2:
0x54e: {  	(tag) =	ssettag $0x2  }
0x54f: {  	s0 =	rddreg [dreg:$0x0];
	s2 =	stileid.u32  }
0x550: {  	s1 =	rddreg [dreg:$0x1];
	p0 =	sne.s32 s2, $0x0  }
0x551: {  	s3 =	rddreg [dreg:$0x2];
	[bflag:$0x3] =	sbarrier.arrive $0xFFFF;
	s2 =	simm.s32 @!p0 $0x1C04  }
0x552: {  	[timem:s3], [sflag:s2] =	dma.local @!p0 [hbm:s0], s1  }
0x553: {  	s0 =	simm.s32 @!p0 $0x4  }
0x554: {  	_ =	swait.ge @!p0 [sflag:s0], s1  }
0x555: {  	s1 =	ssub.s32 @!p0 $0x0, s1;
	[sflag:s0] =	ssyncset.done @!p0 $0x0  }
0x556: {  	[sflag:s0] =	ssyncadd.s32 @!p0 s1  }
0x557: {  	[bflag:$0x3] =	sbarrier.arrive $0xFFFF  }
0x558: {  	_ =	shalt  }

</sc_bundles>
